<compile_context>
chip_gen: v7x
topology: tpu7x:2x2x1
jax: 0.10.2.dev20260603
libtpu: 0.0.44.dev20260713+nightly
codegen_flags: <defaults>
</compile_context>

<pallas_src>
import functools

import jax
import jax.numpy as jnp
import numpy as np
from jax import lax
from jax.experimental import pallas as pl
from jax.experimental.pallas import tpu as pltpu
from jax.experimental.pallas import tpu_sc as plsc

_FEAT_STRIDE = 16
_H = 50
_W = 50
_A = 9
_N = _H * _W * _A
_R, _C = 176, 128
_PAD = _R * _C - _N
_PRE_TOPN = 6000
_POST_TOPN = 300
_THRESH = 0.7
_IMIN = -2147483648

_NT = 16
_CH = (_R * _C) // _NT
_CH2 = (_R * _C) // 32
_VC2 = _CH2 // 16
_VC = _CH // 16
_KR, _KC = 56, 128
_DUMP = -3e38


def _anchor_consts():
    scales = np.array([8.0, 16.0, 32.0])
    ratios = np.array([0.5, 1.0, 2.0])
    base = np.array([1.0, 1.0, 16.0, 16.0]) - 1
    w = base[2] - base[0] + 1
    h = base[3] - base[1] + 1
    x_ctr = base[0] + 0.5 * (w - 1)
    y_ctr = base[1] + 0.5 * (h - 1)
    size_ratios = w * h / ratios
    ws = np.round(np.sqrt(size_ratios))
    hs = np.round(ws * ratios)

    def _mk(ws_, hs_, xc, yc):
        ws_ = ws_[:, None]
        hs_ = hs_[:, None]
        return np.hstack([xc - 0.5 * (ws_ - 1), yc - 0.5 * (hs_ - 1),
                          xc + 0.5 * (ws_ - 1), yc + 0.5 * (hs_ - 1)])

    ratio_anchors = _mk(ws, hs, x_ctr, y_ctr)
    out = []
    for i in range(ratio_anchors.shape[0]):
        a = ratio_anchors[i]
        aw = a[2] - a[0] + 1
        ah = a[3] - a[1] + 1
        axc = a[0] + 0.5 * (aw - 1)
        ayc = a[1] + 0.5 * (ah - 1)
        out.append(_mk(aw * scales, ah * scales, axc, ayc))
    base9 = np.vstack(out).astype(np.float32)

    shift = np.arange(_W, dtype=np.float32) * np.float32(_FEAT_STRIDE)
    sx, sy = np.meshgrid(shift, shift)
    shifts = np.stack([sx.ravel(), sy.ravel(), sx.ravel(), sy.ravel()], axis=1)
    anchors = (shifts[:, None, :].astype(np.float32)
               + base9[None, :, :]).reshape(-1, 4).astype(np.float32)
    x1, y1, x2, y2 = anchors[:, 0], anchors[:, 1], anchors[:, 2], anchors[:, 3]
    wa = x2 - x1 + np.float32(1.0)
    ha = y2 - y1 + np.float32(1.0)
    cxa = x1 + np.float32(0.5) * wa
    cya = y1 + np.float32(0.5) * ha

    def _pad(v):
        return np.pad(v, (0, _PAD)).reshape(_R, _C)

    return _pad(wa), _pad(ha), _pad(cxa), _pad(cya)


_WA, _HA, _CXA, _CYA = _anchor_consts()


def _tree(v, op, rows):
    chunks = [v[8 * i:8 * (i + 1)] for i in range(rows // 8)]
    while len(chunks) > 1:
        nxt = [op(chunks[2 * j], chunks[2 * j + 1])
               for j in range(len(chunks) // 2)]
        if len(chunks) % 2:
            nxt.append(chunks[-1])
        chunks = nxt
    r = chunks[0]
    if op is jnp.minimum:
        return jnp.min(jnp.min(r, axis=0, keepdims=True), axis=1, keepdims=True)
    if op is jnp.add:
        return jnp.sum(jnp.sum(r, axis=0, keepdims=True), axis=1, keepdims=True)
    return jnp.max(jnp.max(r, axis=0, keepdims=True), axis=1, keepdims=True)


def _decode_body(fg_ref, bg_ref, dx_ref, dy_ref, dw_ref, dh_ref,
                 wa_ref, ha_ref, cx_ref, cy_ref,
                 sc_ref, x1_ref, y1_ref, x2_ref, y2_ref, thr_ref):
    fg = fg_ref[...]
    bg = bg_ref[...]
    wa = wa_ref[...]
    ha = ha_ref[...]

    m = jnp.maximum(fg, bg)
    ef = jnp.exp(fg - m)
    eb = jnp.exp(bg - m)
    sc = ef / (eb + ef)

    pcx = dx_ref[...] * wa + cx_ref[...]
    pcy = dy_ref[...] * ha + cy_ref[...]
    pw = jnp.exp(dw_ref[...]) * wa
    ph = jnp.exp(dh_ref[...]) * ha
    x1 = jnp.clip(pcx - 0.5 * pw, 0.0, 799.0)
    y1 = jnp.clip(pcy - 0.5 * ph, 0.0, 799.0)
    x2 = jnp.clip(pcx + 0.5 * pw, 0.0, 799.0)
    y2 = jnp.clip(pcy + 0.5 * ph, 0.0, 799.0)

    ws = x2 - x1 + 1.0
    hs = y2 - y1 + 1.0
    ok = (ws >= 16.0) & (hs >= 16.0)
    sc = jnp.where(ok, sc, jnp.float32(-1e9))

    ri = lax.broadcasted_iota(jnp.int32, (_R, _C), 0)
    ci = lax.broadcasted_iota(jnp.int32, (_R, _C), 1)
    flat = ri * _C + ci
    sc = jnp.where(flat < _N, sc, jnp.float32(-2e9))

    key = lax.bitcast_convert_type(sc, jnp.int32)
    key = key ^ ((key >> 31) & jnp.int32(0x7FFFFFFF))

    def bs(_, lh):
        lo, hi = lh
        mid = (lo >> 1) + (hi >> 1) + ((lo | hi) & 1)
        cnt = _tree((key >= mid).astype(jnp.int32), jnp.add, _R)
        p = cnt >= _PRE_TOPN
        return (jnp.where(p, mid, lo), jnp.where(p, hi, mid - 1))

    thr, _ = lax.fori_loop(
        0, 32, bs,
        (jnp.full((1, 1), _IMIN, jnp.int32),
         jnp.full((1, 1), 2147483647, jnp.int32)))
    ty = jnp.where(thr >= 0, thr, thr ^ jnp.int32(0x7FFFFFFF))
    thrf = lax.bitcast_convert_type(ty, jnp.float32)

    sc_ref[...] = sc
    x1_ref[...] = x1
    y1_ref[...] = y1
    x2_ref[...] = x2
    y2_ref[...] = y2
    thr_ref[...] = jnp.broadcast_to(thrf, (8, 128))


def _compact_body(sc_h, x1_h, y1_h, x2_h, y2_h, thr_h,
                  osc_h, ox1_h, oy1_h, ox2_h, oy2_h, ofl_h, cnt_h,
                  s_sc, s_x1, s_y1, s_x2, s_y2, s_thr,
                  o_sc, o_x1, o_y1, o_x2, o_y2, o_fl,
                  c_stage, c_table, cf_stage, c_sh,
                  p_sc, p_x1, p_y1, p_x2, p_y2, p_fl,
                  r_ps, r_off, r_trun):
    cid = lax.axis_index("c")
    sid = lax.axis_index("s")

    w = 2 * sid + cid
    wsib = 2 * sid + (1 - cid)
    g = sid // 8
    s7 = sid % 8
    base = pl.multiple_of(w * _CH2, 8)
    bsib = pl.multiple_of(wsib * _CH2, 8)

    pltpu.sync_copy(sc_h.at[pl.ds(base, _CH2)], s_sc.at[pl.ds(0, _CH2)])
    pltpu.sync_copy(sc_h.at[pl.ds(bsib, _CH2)], s_sc.at[pl.ds(_CH2, _CH2)])
    pltpu.sync_copy(x1_h.at[pl.ds(base, _CH2)], s_x1)
    pltpu.sync_copy(y1_h.at[pl.ds(base, _CH2)], s_y1)
    pltpu.sync_copy(x2_h.at[pl.ds(base, _CH2)], s_x2)
    pltpu.sync_copy(y2_h.at[pl.ds(base, _CH2)], s_y2)
    pltpu.sync_copy(thr_h.at[pl.ds(0, 16)], s_thr)
    thrv = s_thr[...]

    lane = lax.iota(jnp.int32, 16)
    zero16 = jnp.zeros((16,), jnp.int32)
    one16 = jnp.full((16,), 1, jnp.int32)

    def lgat(v, idx):
        return v.at[idx].get(mode="promise_in_bounds")

    def rsum(v):
        for k in (1, 2, 4, 8):
            v = v + lgat(v, (lane + k) & 15)
        return v

    def csum(v):
        for k in (1, 2, 4, 8):
            sh = lgat(v, jnp.maximum(lane - k, 0))
            v = v + jnp.where(lane >= k, sh, zero16)
        return v

    cnt1a = zero16
    cnt2a = zero16
    cnt1b = zero16
    cnt2b = zero16
    for i in range(_VC2):
        v = s_sc[pl.ds(16 * i, 16)]
        cnt1a = cnt1a + jnp.where(v > thrv, one16, zero16)
        cnt2a = cnt2a + jnp.where(v == thrv, one16, zero16)
    for i in range(_VC2, 2 * _VC2):
        v = s_sc[pl.ds(16 * i, 16)]
        cnt1b = cnt1b + jnp.where(v > thrv, one16, zero16)
        cnt2b = cnt2b + jnp.where(v == thrv, one16, zero16)
    c1self = rsum(cnt1a)
    c2self = rsum(cnt2a)
    c1sib = rsum(cnt1b)
    c2sib = rsum(cnt2b)

    lself = zero16 + (2 * s7 + cid)
    lsib = zero16 + (2 * s7 + (1 - cid))
    r1 = g * 8 + s7
    c_stage[...] = jnp.where(lane == lself, c1self,
                             jnp.where(lane == lsib, c1sib, zero16))
    pltpu.sync_copy(c_stage, c_sh.at[r1])
    c_stage[...] = jnp.where(lane == lself, c2self,
                             jnp.where(lane == lsib, c2sib, zero16))
    pltpu.sync_copy(c_stage, c_sh.at[16 + r1])
    plsc.subcore_barrier()
    pltpu.sync_copy(c_sh, c_table)

    c1A = zero16
    c1B = zero16
    c2A = zero16
    c2B = zero16
    for j in range(8):
        c1A = c1A + c_table[j]
        c1B = c1B + c_table[8 + j]
        c2A = c2A + c_table[16 + j]
        c2B = c2B + c_table[24 + j]

    c1_tot = rsum(c1A) + rsum(c1B)
    need2 = _PRE_TOPN - c1_tot
    tbA = csum(c2A) - c2A
    tbB = csum(c2B) - c2B + rsum(c2A)
    kA = c1A + jnp.clip(need2 - tbA, 0, c2A)
    kB = c1B + jnp.clip(need2 - tbB, 0, c2B)
    pdA = (kA + 7) & (-8)
    pdB = (kB + 7) & (-8)
    pgA = csum(pdA) - pdA
    pgB = csum(pdB) - pdB + rsum(pdA)
    total_padded = rsum(pdA) + rsum(pdB)
    gv = zero16 + g
    wl = zero16 + (w - 16 * g)
    pick_g = tbA * (1 - gv) + tbB * gv
    my_tb = rsum(jnp.where(lane == wl, pick_g, zero16))
    pick_p = pgA * (1 - gv) + pgB * gv
    my_pg = rsum(jnp.where(lane == wl, pick_p, zero16))

    r_ps[...] = zero16
    r_off[...] = zero16
    r_trun[...] = zero16

    def step(i, carry):
        off_in = pl.multiple_of(16 * i, 8)
        sl = pl.ds(off_in, 16)
        xs = [s_sc[sl], s_x1[sl], s_y1[sl], s_x2[sl], s_y2[sl],
              (base + 16 * i + lane).astype(jnp.float32)]
        v = xs[0]
        trun = r_trun[...]
        m1 = v > thrv
        m2 = v == thrv
        m2i = jnp.where(m2, one16, zero16)
        tex = trun + csum(m2i) - m2i
        keepm = m1 | (m2 & ((tex + my_tb) < need2))
        ki = jnp.where(keepm, one16, zero16)
        ks = rsum(ki)
        pcs = csum(ki)
        d = lane - (pcs - ki)
        kcur = ki
        srci = lane
        for b in (1, 2, 4, 8):
            idxb = (lane + b) & 15
            d_in = lgat(d, idxb)
            k_in = lgat(kcur, idxb)
            take = (k_in == 1) & ((d_in & b) != 0)
            moved = (kcur == 1) & ((d & b) != 0)
            srci = jnp.where(take, lgat(srci, idxb), srci)
            d = jnp.where(take, d_in - b, d)
            kcur = jnp.where(take, one16, jnp.where(moved, zero16, kcur))
        ps = r_ps[...]
        offv = r_off[...]
        idx1 = lgat(srci, (lane - ps) & 15)
        idx2 = lgat(srci, (lane + (16 - ps)) & 15)
        comb = [jnp.where(lane < ps, p, lgat(x, idx1))
                for p, x in ((p_sc[...], xs[0]), (p_x1[...], xs[1]),
                             (p_y1[...], xs[2]), (p_x2[...], xs[3]),
                             (p_y2[...], xs[4]), (p_fl[...], xs[5]))]
        t = ps + ks
        te = t[0]

        @pl.when(te >= 16)
        def _emit():
            dst = pl.ds(pl.multiple_of(offv[0], 8), 16)
            o_sc[dst] = comb[0]
            o_x1[dst] = comb[1]
            o_y1[dst] = comb[2]
            o_x2[dst] = comb[3]
            o_y2[dst] = comb[4]
            o_fl[dst] = comb[5]

        full = t >= 16
        newp = [jnp.where(full, lgat(x, idx2), c)
                for x, c in zip(xs, comb)]
        p_sc[...] = newp[0]
        p_x1[...] = newp[1]
        p_y1[...] = newp[2]
        p_x2[...] = newp[3]
        p_y2[...] = newp[4]
        p_fl[...] = newp[5]
        r_ps[...] = jnp.where(full, t - 16, t)
        r_off[...] = offv + jnp.where(full, jnp.full((16,), 16, jnp.int32), zero16)
        r_trun[...] = trun + rsum(m2i)
        return carry

    lax.fori_loop(0, _VC2, step, jnp.int32(0))

    ps = r_ps[...]
    offv = r_off[...]
    dst = pl.ds(pl.multiple_of(offv[0], 8), 16)
    o_sc[dst] = jnp.where(lane < ps, p_sc[...], jnp.full((16,), _DUMP, jnp.float32))
    o_x1[dst] = p_x1[...]
    o_y1[dst] = p_y1[...]
    o_x2[dst] = p_x2[...]
    o_y2[dst] = p_y2[...]
    o_fl[dst] = p_fl[...]

    cntkv = offv + ps
    cntpadv = (cntkv + 7) & (-8)
    cntpad = cntpadv[0]
    my_pg_s = my_pg[0]

    srcoff = jnp.int32(0)
    for sz in (512, 256, 128, 64, 32, 16, 8):
        bit = (cntpad & sz) != 0
        so = srcoff

        @pl.when(bit)
        def _copy(sz=sz, so=so):
            so = pl.multiple_of(so, 8)
            dsto = pl.multiple_of(my_pg_s + so, 8)
            pltpu.sync_copy(o_sc.at[pl.ds(so, sz)], osc_h.at[pl.ds(dsto, sz)])
            pltpu.sync_copy(o_x1.at[pl.ds(so, sz)], ox1_h.at[pl.ds(dsto, sz)])
            pltpu.sync_copy(o_y1.at[pl.ds(so, sz)], oy1_h.at[pl.ds(dsto, sz)])
            pltpu.sync_copy(o_x2.at[pl.ds(so, sz)], ox2_h.at[pl.ds(dsto, sz)])
            pltpu.sync_copy(o_y2.at[pl.ds(so, sz)], oy2_h.at[pl.ds(dsto, sz)])
            pltpu.sync_copy(o_fl.at[pl.ds(so, sz)], ofl_h.at[pl.ds(dsto, sz)])

        srcoff = srcoff + (cntpad & sz)

    @pl.when((cid == 0) & (sid == 0))
    def _cnt():
        cf_stage[...] = total_padded.astype(jnp.float32)
        pltpu.sync_copy(cf_stage, cnt_h.at[pl.ds(0, 16)])


_SC_MESH = plsc.VectorSubcoreMesh(core_axis_name="c", subcore_axis_name="s")

_compact = functools.partial(
    pl.kernel,
    mesh=_SC_MESH,
    out_type=[jax.ShapeDtypeStruct((_KR * _KC,), jnp.float32)] * 6
    + [jax.ShapeDtypeStruct((1024,), jnp.float32)],
    scratch_types=[pltpu.VMEM((2 * _CH2,), jnp.float32)]
    + [pltpu.VMEM((_CH2,), jnp.float32)] * 4
    + [pltpu.VMEM((16,), jnp.float32)]
    + [pltpu.VMEM((_CH2 + 64,), jnp.float32)] * 6
    + [pltpu.VMEM((16,), jnp.int32),
       pltpu.VMEM((32, 16), jnp.int32),
       pltpu.VMEM((16,), jnp.float32),
       pltpu.VMEM_SHARED((32, 16), jnp.int32)]
    + [pltpu.VMEM((16,), jnp.float32)] * 6
    + [pltpu.VMEM((16,), jnp.int32)] * 3,
)(_compact_body)


def _nms_body(sc_ref, x1_ref, y1_ref, x2_ref, y2_ref, fl_ref, cnt_ref, out_ref):
    scv = sc_ref[...]
    x1 = x1_ref[...]
    y1 = y1_ref[...]
    x2 = x2_ref[...]
    y2 = y2_ref[...]
    flatf = fl_ref[...]
    areas = (x2 - x1 + 1.0) * (y2 - y1 + 1.0)

    cnt = cnt_ref[0:1, 0:1].astype(jnp.int32)
    ri = lax.broadcasted_iota(jnp.int32, (_KR, _KC), 0)
    ci = lax.broadcasted_iota(jnp.int32, (_KR, _KC), 1)
    slot = ri * _KC + ci
    guard = (slot < cnt) & (scv >= jnp.float32(-1e9))
    alive0 = jnp.where(guard, scv, jnp.float32(_DUMP))

    def rmax(v):
        return _tree(v, jnp.maximum, _KR)

    def rmin(v):
        return _tree(v, jnp.minimum, _KR)

    lane8 = lax.broadcasted_iota(jnp.int32, (1, 8), 1)

    def nms_body(i, alive):
        best = rmax(alive)
        validb = best > jnp.float32(-2e9)
        eq = alive == best
        fmin = rmin(jnp.where(eq, flatf, jnp.float32(3e38)))
        onehot = eq & (flatf == fmin)

        def pick(v):
            return rmax(jnp.where(onehot, v, jnp.float32(-3.4e38)))

        bx1 = pick(x1)
        by1 = pick(y1)
        bx2 = pick(x2)
        by2 = pick(y2)
        bar = pick(areas)

        xx1 = jnp.maximum(bx1, x1)
        yy1 = jnp.maximum(by1, y1)
        xx2 = jnp.minimum(bx2, x2)
        yy2 = jnp.minimum(by2, y2)
        iw = jnp.maximum(0.0, xx2 - xx1 + 1.0)
        ih = jnp.maximum(0.0, yy2 - yy1 + 1.0)
        inter = iw * ih
        iou = inter / (bar + areas - inter)
        alive = jnp.where(validb & (iou > _THRESH), jnp.float32(_DUMP), alive)

        vf = jnp.where(validb, jnp.float32(1.0), jnp.float32(0.0))
        vals = jnp.where(lane8 == 1, bx1,
               jnp.where(lane8 == 2, by1,
               jnp.where(lane8 == 3, bx2,
               jnp.where(lane8 == 4, by2, jnp.float32(0.0))))) * vf
        out_ref[pl.ds(i, 1), :] = vals
        return alive

    lax.fori_loop(0, _POST_TOPN, nms_body, alive0)


@functools.partial(jax.jit, static_argnames=())
def kernel(rpn_cls_score, rpn_bbox_pred):
    cls = rpn_cls_score.reshape(-1, 2)
    box = rpn_bbox_pred.reshape(-1, 4)

    def prep(v):
        return jnp.pad(v, (0, _PAD)).reshape(_R, _C)

    args = (prep(cls[:, 1]), prep(cls[:, 0]),
            prep(box[:, 0]), prep(box[:, 1]), prep(box[:, 2]), prep(box[:, 3]),
            jnp.asarray(_WA), jnp.asarray(_HA), jnp.asarray(_CXA), jnp.asarray(_CYA))

    sc, x1, y1, x2, y2, thr = pl.pallas_call(
        _decode_body,
        out_shape=[jax.ShapeDtypeStruct((_R, _C), jnp.float32)] * 5
        + [jax.ShapeDtypeStruct((8, 128), jnp.float32)],
    )(*args)

    csc, cx1, cy1, cx2, cy2, cfl, ccnt = _compact(
        sc.reshape(-1), x1.reshape(-1), y1.reshape(-1),
        x2.reshape(-1), y2.reshape(-1), thr.reshape(-1))

    out8 = pl.pallas_call(
        _nms_body,
        out_shape=jax.ShapeDtypeStruct((304, 8), jnp.float32),
    )(csc.reshape(_KR, _KC), cx1.reshape(_KR, _KC), cy1.reshape(_KR, _KC),
      cx2.reshape(_KR, _KC), cy2.reshape(_KR, _KC), cfl.reshape(_KR, _KC),
      ccnt.reshape(8, 128))
    return out8[:_POST_TOPN, :5]

# --- scband reference (transcript-rebuilt; emitter-appended) ---
"""Pipeline reference for scband-roi-proposal-5394478923802 (READ-ONLY COPY).

The authoritative reference and input builder live on the scoring server;
editing this copy changes nothing except your own understanding.
"""

import jax, jax.numpy as jnp
import numpy as np
from jax import lax

FEAT_STRIDE = 16
IM_DIMS = (800.0, 800.0)  # (H, W)
ANCHOR_SCALES = np.array([8.0, 16.0, 32.0])
ANCHOR_RATIOS = np.array([0.5, 1.0, 2.0])
PRE_NMS_TOPN = 6000
POST_NMS_TOPN = 300
NMS_THRESH = 0.7
MIN_SIZE = 16.0
A = 9
H, W = 50, 50


def _mkanchors(ws, hs, x_ctr, y_ctr):
    ws = ws[:, None]
    hs = hs[:, None]
    return np.hstack([x_ctr - 0.5 * (ws - 1), y_ctr - 0.5 * (hs - 1),
                      x_ctr + 0.5 * (ws - 1), y_ctr + 0.5 * (hs - 1)])


def generate_anchors(base_size=16):
    base_anchor = np.array([1.0, 1.0, base_size, base_size]) - 1
    w = base_anchor[2] - base_anchor[0] + 1
    h = base_anchor[3] - base_anchor[1] + 1
    x_ctr = base_anchor[0] + 0.5 * (w - 1)
    y_ctr = base_anchor[1] + 0.5 * (h - 1)
    size = w * h
    size_ratios = size / ANCHOR_RATIOS
    ws = np.round(np.sqrt(size_ratios))
    hs = np.round(ws * ANCHOR_RATIOS)
    ratio_anchors = _mkanchors(ws, hs, x_ctr, y_ctr)
    out = []
    for i in range(ratio_anchors.shape[0]):
        a = ratio_anchors[i]
        aw = a[2] - a[0] + 1
        ah = a[3] - a[1] + 1
        axc = a[0] + 0.5 * (aw - 1)
        ayc = a[1] + 0.5 * (ah - 1)
        out.append(_mkanchors(aw * ANCHOR_SCALES, ah * ANCHOR_SCALES, axc, ayc))
    return np.vstack(out).astype(np.float32)


def bbox_transform_inv(boxes, deltas):
    widths = boxes[:, 2] - boxes[:, 0] + 1.0
    heights = boxes[:, 3] - boxes[:, 1] + 1.0
    ctr_x = boxes[:, 0] + 0.5 * widths
    ctr_y = boxes[:, 1] + 0.5 * heights
    dx, dy, dw, dh = deltas[:, 0], deltas[:, 1], deltas[:, 2], deltas[:, 3]
    pred_ctr_x = dx * widths + ctr_x
    pred_ctr_y = dy * heights + ctr_y
    pred_w = jnp.exp(dw) * widths
    pred_h = jnp.exp(dh) * heights
    return jnp.stack([pred_ctr_x - 0.5 * pred_w,
                      pred_ctr_y - 0.5 * pred_h,
                      pred_ctr_x + 0.5 * pred_w,
                      pred_ctr_y + 0.5 * pred_h], axis=1)


def clip_boxes(boxes, im_dims):
    im_h, im_w = im_dims
    x1 = jnp.clip(boxes[:, 0], 0.0, im_w - 1.0)
    y1 = jnp.clip(boxes[:, 1], 0.0, im_h - 1.0)
    x2 = jnp.clip(boxes[:, 2], 0.0, im_w - 1.0)
    y2 = jnp.clip(boxes[:, 3], 0.0, im_h - 1.0)
    return jnp.stack([x1, y1, x2, y2], axis=1)


def _nms(boxes, scores, thresh, max_out):
    boxes = lax.stop_gradient(boxes)
    scores = lax.stop_gradient(scores)
    n = boxes.shape[0]
    order = jnp.argsort(-scores)
    b = boxes[order]
    x1, y1, x2, y2 = b[:, 0], b[:, 1], b[:, 2], b[:, 3]
    areas = (x2 - x1 + 1.0) * (y2 - y1 + 1.0)

    def body(i, state):
        suppressed, keep, count = state
        idx = jnp.argmin(suppressed)
        valid = suppressed[idx] == 0
        keep = jnp.where(valid, keep.at[count].set(idx), keep)
        xx1 = jnp.maximum(x1[idx], x1)
        yy1 = jnp.maximum(y1[idx], y1)
        xx2 = jnp.minimum(x2[idx], x2)
        yy2 = jnp.minimum(y2[idx], y2)
        w = jnp.maximum(0.0, xx2 - xx1 + 1.0)
        h = jnp.maximum(0.0, yy2 - yy1 + 1.0)
        inter = w * h
        iou = inter / (areas[idx] + areas - inter)
        supp_new = jnp.where(iou > thresh, jnp.int32(1), suppressed)
        suppressed = jnp.where(valid, supp_new, suppressed)
        count = count + valid.astype(jnp.int32)
        return suppressed, keep, count

    suppressed0 = jnp.zeros(n, jnp.int32)
    keep0 = jnp.full(max_out, -1, jnp.int32)
    _, keep, _ = lax.fori_loop(0, max_out, body, (suppressed0, keep0, jnp.int32(0)))
    valid_mask = keep >= 0
    return order[jnp.maximum(keep, 0)], valid_mask


def setup_inputs(seed: int = 0) -> dict:
    key = jax.random.key(seed)
    k1, k2 = jax.random.split(key)
    rpn_cls_score = jax.random.normal(k1, (1, H, W, 2 * A), dtype=jnp.float32)
    rpn_bbox_pred = jax.random.normal(k2, (1, H, W, 4 * A), dtype=jnp.float32)
    return {"rpn_cls_score": rpn_cls_score, "rpn_bbox_pred": rpn_bbox_pred}


def reference(rpn_cls_score, rpn_bbox_pred):
    # rpn_softmax: softmax over the 2 (bg, fg) logits per anchor
    cls = rpn_cls_score.reshape(1, H, W, A, 2)
    prob = jax.nn.softmax(cls, axis=-1)
    scores = prob[..., 1].reshape(-1)

    anchors_base = jnp.asarray(generate_anchors())
    shift_x = jnp.arange(W, dtype=jnp.float32) * FEAT_STRIDE
    shift_y = jnp.arange(H, dtype=jnp.float32) * FEAT_STRIDE
    sx, sy = jnp.meshgrid(shift_x, shift_y)
    shifts = jnp.stack([sx.ravel(), sy.ravel(), sx.ravel(), sy.ravel()], axis=1)
    anchors = (shifts[:, None, :] + anchors_base[None, :, :]).reshape(-1, 4)

    deltas = rpn_bbox_pred.reshape(-1, 4)
    proposals = bbox_transform_inv(anchors, deltas)
    proposals = clip_boxes(proposals, IM_DIMS)

    ws = proposals[:, 2] - proposals[:, 0] + 1.0
    hs = proposals[:, 3] - proposals[:, 1] + 1.0
    size_ok = (ws >= MIN_SIZE) & (hs >= MIN_SIZE)
    scores = jnp.where(size_ok, scores, -1e9)

    topk_scores, topk_idx = lax.top_k(scores, PRE_NMS_TOPN)
    top_boxes = proposals[topk_idx]

    keep_idx, keep_valid = _nms(top_boxes, topk_scores, NMS_THRESH, POST_NMS_TOPN)
    rois_boxes = top_boxes[keep_idx]
    batch_inds = jnp.zeros((POST_NMS_TOPN, 1), dtype=jnp.float32)
    rois = jnp.concatenate([batch_inds, rois_boxes], axis=1)
    rois = rois * keep_valid[:, None].astype(jnp.float32)
    return rois

if __name__ == "__main__":
    import jax
    _d = setup_inputs()
    print(jax.jit(kernel)(*tuple(_d.values())))

</pallas_src>

<mosaic_0001>
#map = affine_map<(d0, d1) -> (0)>
module attributes {stable_mosaic.version = 14 : i64} {
  func.func @_compact_body(%arg0: i32, %arg1: i32, %arg2: memref<22528xf32, #tpu.memory_space<hbm>>, %arg3: memref<22528xf32, #tpu.memory_space<hbm>>, %arg4: memref<22528xf32, #tpu.memory_space<hbm>>, %arg5: memref<22528xf32, #tpu.memory_space<hbm>>, %arg6: memref<22528xf32, #tpu.memory_space<hbm>>, %arg7: memref<1024xf32, #tpu.memory_space<hbm>>, %arg8: memref<7168xf32, #tpu.memory_space<hbm>>, %arg9: memref<7168xf32, #tpu.memory_space<hbm>>, %arg10: memref<7168xf32, #tpu.memory_space<hbm>>, %arg11: memref<7168xf32, #tpu.memory_space<hbm>>, %arg12: memref<7168xf32, #tpu.memory_space<hbm>>, %arg13: memref<7168xf32, #tpu.memory_space<hbm>>, %arg14: memref<1024xf32, #tpu.memory_space<hbm>>, %arg15: memref<1408xf32, #tpu.memory_space<vmem>>, %arg16: memref<704xf32, #tpu.memory_space<vmem>>, %arg17: memref<704xf32, #tpu.memory_space<vmem>>, %arg18: memref<704xf32, #tpu.memory_space<vmem>>, %arg19: memref<704xf32, #tpu.memory_space<vmem>>, %arg20: memref<16xf32, #tpu.memory_space<vmem>>, %arg21: memref<768xf32, #tpu.memory_space<vmem>>, %arg22: memref<768xf32, #tpu.memory_space<vmem>>, %arg23: memref<768xf32, #tpu.memory_space<vmem>>, %arg24: memref<768xf32, #tpu.memory_space<vmem>>, %arg25: memref<768xf32, #tpu.memory_space<vmem>>, %arg26: memref<768xf32, #tpu.memory_space<vmem>>, %arg27: memref<16xi32, #tpu.memory_space<vmem>>, %arg28: memref<32x16xi32, #tpu.memory_space<vmem>>, %arg29: memref<16xf32, #tpu.memory_space<vmem>>, %arg30: memref<32x16xi32, #tpu.memory_space<vmem_shared>>, %arg31: memref<16xf32, #tpu.memory_space<vmem>>, %arg32: memref<16xf32, #tpu.memory_space<vmem>>, %arg33: memref<16xf32, #tpu.memory_space<vmem>>, %arg34: memref<16xf32, #tpu.memory_space<vmem>>, %arg35: memref<16xf32, #tpu.memory_space<vmem>>, %arg36: memref<16xf32, #tpu.memory_space<vmem>>, %arg37: memref<16xi32, #tpu.memory_space<vmem>>, %arg38: memref<16xi32, #tpu.memory_space<vmem>>, %arg39: memref<16xi32, #tpu.memory_space<vmem>>) attributes {dimension_semantics = [#tpu.dimension_semantics<core_parallel>, #tpu.dimension_semantics<subcore_parallel>], iteration_bounds = array<i64: 2, 16>, scalar_prefetch = 0 : i64, scratch_operands = 25 : i64, tpu.core_type = #tpu.core_type<sc_vector_subcore>, window_params = [{transform_indices = #map}, {transform_indices = #map}, {transform_indices = #map}, {transform_indices = #map}, {transform_indices = #map}, {transform_indices = #map}, {transform_indices = #map}, {transform_indices = #map}, {transform_indices = #map}, {transform_indices = #map}, {transform_indices = #map}, {transform_indices = #map}, {transform_indices = #map}]} {
    %mul3A = arith.constant 2 : i32
    %mul3A_0 = arith.muli %mul3A, %arg1 : i32
    %add3A = arith.addi %mul3A_0, %arg0 : i32
    %mul3A_1 = arith.constant 2 : i32
    %mul3A_2 = arith.muli %mul3A_1, %arg1 : i32
    %sub3A = arith.constant 1 : i32
    %sub3A_3 = arith.subi %sub3A, %arg0 : i32
    %add3A_4 = arith.addi %mul3A_2, %sub3A_3 : i32
    %jit3A = arith.constant 8 : i32
    %div3A = arith.divsi %arg1, %jit3A : i32
    %sign3A = arith.constant 0 : i32
    %sign3A_5 = arith.cmpi sgt, %arg1, %sign3A : i32
    %sign3A_6 = arith.extui %sign3A_5 : i1 to i32
    %sign3A_7 = arith.constant 0 : i32
    %sign3A_8 = arith.cmpi slt, %arg1, %sign3A_7 : i32
    %sign3A_9 = arith.extui %sign3A_8 : i1 to i32
    %sign3A_10 = arith.subi %sign3A_6, %sign3A_9 : i32
    %sign3A_11 = arith.constant 0 : i32
    %sign3A_12 = arith.cmpi sgt, %jit3A, %sign3A_11 : i32
    %sign3A_13 = arith.extui %sign3A_12 : i1 to i32
    %sign3A_14 = arith.constant 0 : i32
    %sign3A_15 = arith.cmpi slt, %jit3A, %sign3A_14 : i32
    %sign3A_16 = arith.extui %sign3A_15 : i1 to i32
    %sign3A_17 = arith.subi %sign3A_13, %sign3A_16 : i32
    %ne3A = arith.cmpi ne, %sign3A_10, %sign3A_17 : i32
    %rem3A = arith.remsi %arg1, %jit3A : i32
    %ne3A_18 = arith.constant 0 : i32
    %ne3A_19 = arith.cmpi ne, %rem3A, %ne3A_18 : i32
    %and3A = arith.andi %ne3A, %ne3A_19 : i1
    %sub3A_20 = arith.constant 1 : i32
    %sub3A_21 = arith.subi %div3A, %sub3A_20 : i32
    %select_n3A = arith.select %and3A, %sub3A_21, %div3A : i32
    %jit3A_22 = arith.constant 8 : i32
    %eq3A = arith.constant 0 : i32
    %eq3A_23 = arith.cmpi eq, %jit3A_22, %eq3A : i32
    %jit3A_24 = arith.constant 1 : i32
    %select_n3A_25 = arith.select %eq3A_23, %jit3A_24, %jit3A_22 : i32
    %rem3A_26 = arith.remsi %arg1, %select_n3A_25 : i32
    %ne3A_27 = arith.constant 0 : i32
    %ne3A_28 = arith.cmpi ne, %rem3A_26, %ne3A_27 : i32
    %lt3A = arith.constant 0 : i32
    %lt3A_29 = arith.cmpi slt, %rem3A_26, %lt3A : i32
    %lt3A_30 = arith.constant 0 : i32
    %lt3A_31 = arith.cmpi slt, %select_n3A_25, %lt3A_30 : i32
    %ne3A_32 = arith.xori %lt3A_29, %lt3A_31 : i1
    %and3A_33 = arith.andi %ne3A_32, %ne3A_28 : i1
    %add3A_34 = arith.addi %rem3A_26, %select_n3A_25 : i32
    %select_n3A_35 = arith.select %and3A_33, %add3A_34, %rem3A_26 : i32
    %mul3A_36 = arith.constant 704 : i32
    %mul3A_37 = arith.muli %add3A, %mul3A_36 : i32
    %multiple_of3A = tpu.assume_multiple %mul3A_37, 8 : i32
    %mul3A_38 = arith.constant 704 : i32
    %mul3A_39 = arith.muli %add3A_4, %mul3A_38 : i32
    %multiple_of3A_40 = tpu.assume_multiple %mul3A_39, 8 : i32
    "tpu.region"() ({
      %run_scoped3A = tpu.sem_alloc : memref<!tpu.dma_semaphore, #tpu.memory_space<semaphore_mem>>
      %dma_start3A = arith.constant 0 : i32
      %dma_start3A_2426 = tpu.memref_slice %arg15[%dma_start3A] : memref<1408xf32, #tpu.memory_space<vmem>> -> memref<704xf32, #tpu.memory_space<vmem>>
      %dma_start3A_2427 = tpu.memref_slice %arg2[%multiple_of3A] : memref<22528xf32, #tpu.memory_space<hbm>> -> memref<704xf32, #tpu.memory_space<hbm>>
      %dma_start3A_2428 = arith.constant 0 : i32
      %dma_start3A_2429 = tpu.memref_slice %arg15[%dma_start3A_2428] : memref<1408xf32, #tpu.memory_space<vmem>> -> memref<704xf32, #tpu.memory_space<vmem>>
      %dma_start3A_2430 = tpu.memref_slice %arg2[%multiple_of3A] : memref<22528xf32, #tpu.memory_space<hbm>> -> memref<704xf32, #tpu.memory_space<hbm>>
      tpu.enqueue_dma source(%dma_start3A_2430 : memref<704xf32, #tpu.memory_space<hbm>>) target(%dma_start3A_2429 : memref<704xf32, #tpu.memory_space<vmem>>) target_semaphore(%run_scoped3A : memref<!tpu.dma_semaphore, #tpu.memory_space<semaphore_mem>>)
      %dma_wait3A = arith.constant 0 : i32
      %dma_wait3A_2431 = tpu.memref_slice %arg15[%dma_wait3A] : memref<1408xf32, #tpu.memory_space<vmem>> -> memref<704xf32, #tpu.memory_space<vmem>>
      %dma_wait3A_2432 = tpu.memref_slice %arg2[%multiple_of3A] : memref<22528xf32, #tpu.memory_space<hbm>> -> memref<704xf32, #tpu.memory_space<hbm>>
      %dma_wait3A_2433 = arith.constant 0 : i32
      %dma_wait3A_2434 = tpu.memref_slice %arg15[%dma_wait3A_2433] : memref<1408xf32, #tpu.memory_space<vmem>> -> memref<704xf32, #tpu.memory_space<vmem>>
      %dma_wait3A_2435 = tpu.memref_slice %arg2[%multiple_of3A] : memref<22528xf32, #tpu.memory_space<hbm>> -> memref<704xf32, #tpu.memory_space<hbm>>
      tpu.wait_dma2 semaphore(%run_scoped3A : memref<!tpu.dma_semaphore, #tpu.memory_space<semaphore_mem>>) src(%dma_wait3A_2435 : memref<704xf32, #tpu.memory_space<hbm>>) dst(%dma_wait3A_2434 : memref<704xf32, #tpu.memory_space<vmem>>)
      tpu.yield
    }) : () -> ()
    "tpu.region"() ({
      %run_scoped3A = tpu.sem_alloc : memref<!tpu.dma_semaphore, #tpu.memory_space<semaphore_mem>>
      %dma_start3A = arith.constant 704 : i32
      %dma_start3A_2426 = tpu.memref_slice %arg15[%dma_start3A] : memref<1408xf32, #tpu.memory_space<vmem>> -> memref<704xf32, #tpu.memory_space<vmem>>
      %dma_start3A_2427 = tpu.memref_slice %arg2[%multiple_of3A_40] : memref<22528xf32, #tpu.memory_space<hbm>> -> memref<704xf32, #tpu.memory_space<hbm>>
      %dma_start3A_2428 = arith.constant 704 : i32
      %dma_start3A_2429 = tpu.memref_slice %arg15[%dma_start3A_2428] : memref<1408xf32, #tpu.memory_space<vmem>> -> memref<704xf32, #tpu.memory_space<vmem>>
      %dma_start3A_2430 = tpu.memref_slice %arg2[%multiple_of3A_40] : memref<22528xf32, #tpu.memory_space<hbm>> -> memref<704xf32, #tpu.memory_space<hbm>>
      tpu.enqueue_dma source(%dma_start3A_2430 : memref<704xf32, #tpu.memory_space<hbm>>) target(%dma_start3A_2429 : memref<704xf32, #tpu.memory_space<vmem>>) target_semaphore(%run_scoped3A : memref<!tpu.dma_semaphore, #tpu.memory_space<semaphore_mem>>)
      %dma_wait3A = arith.constant 704 : i32
      %dma_wait3A_2431 = tpu.memref_slice %arg15[%dma_wait3A] : memref<1408xf32, #tpu.memory_space<vmem>> -> memref<704xf32, #tpu.memory_space<vmem>>
      %dma_wait3A_2432 = tpu.memref_slice %arg2[%multiple_of3A_40] : memref<22528xf32, #tpu.memory_space<hbm>> -> memref<704xf32, #tpu.memory_space<hbm>>
      %dma_wait3A_2433 = arith.constant 704 : i32
      %dma_wait3A_2434 = tpu.memref_slice %arg15[%dma_wait3A_2433] : memref<1408xf32, #tpu.memory_space<vmem>> -> memref<704xf32, #tpu.memory_space<vmem>>
      %dma_wait3A_2435 = tpu.memref_slice %arg2[%multiple_of3A_40] : memref<22528xf32, #tpu.memory_space<hbm>> -> memref<704xf32, #tpu.memory_space<hbm>>
      tpu.wait_dma2 semaphore(%run_scoped3A : memref<!tpu.dma_semaphore, #tpu.memory_space<semaphore_mem>>) src(%dma_wait3A_2435 : memref<704xf32, #tpu.memory_space<hbm>>) dst(%dma_wait3A_2434 : memref<704xf32, #tpu.memory_space<vmem>>)
      tpu.yield
    }) : () -> ()
    "tpu.region"() ({
      %run_scoped3A = tpu.sem_alloc : memref<!tpu.dma_semaphore, #tpu.memory_space<semaphore_mem>>
      %dma_start3A = tpu.memref_slice %arg3[%multiple_of3A] : memref<22528xf32, #tpu.memory_space<hbm>> -> memref<704xf32, #tpu.memory_space<hbm>>
      %dma_start3A_2426 = tpu.memref_slice %arg3[%multiple_of3A] : memref<22528xf32, #tpu.memory_space<hbm>> -> memref<704xf32, #tpu.memory_space<hbm>>
      tpu.enqueue_dma source(%dma_start3A_2426 : memref<704xf32, #tpu.memory_space<hbm>>) target(%arg16 : memref<704xf32, #tpu.memory_space<vmem>>) target_semaphore(%run_scoped3A : memref<!tpu.dma_semaphore, #tpu.memory_space<semaphore_mem>>)
      %dma_wait3A = tpu.memref_slice %arg3[%multiple_of3A] : memref<22528xf32, #tpu.memory_space<hbm>> -> memref<704xf32, #tpu.memory_space<hbm>>
      %dma_wait3A_2427 = tpu.memref_slice %arg3[%multiple_of3A] : memref<22528xf32, #tpu.memory_space<hbm>> -> memref<704xf32, #tpu.memory_space<hbm>>
      tpu.wait_dma2 semaphore(%run_scoped3A : memref<!tpu.dma_semaphore, #tpu.memory_space<semaphore_mem>>) src(%dma_wait3A_2427 : memref<704xf32, #tpu.memory_space<hbm>>) dst(%arg16 : memref<704xf32, #tpu.memory_space<vmem>>)
      tpu.yield
    }) : () -> ()
    "tpu.region"() ({
      %run_scoped3A = tpu.sem_alloc : memref<!tpu.dma_semaphore, #tpu.memory_space<semaphore_mem>>
      %dma_start3A = tpu.memref_slice %arg4[%multiple_of3A] : memref<22528xf32, #tpu.memory_space<hbm>> -> memref<704xf32, #tpu.memory_space<hbm>>
      %dma_start3A_2426 = tpu.memref_slice %arg4[%multiple_of3A] : memref<22528xf32, #tpu.memory_space<hbm>> -> memref<704xf32, #tpu.memory_space<hbm>>
      tpu.enqueue_dma source(%dma_start3A_2426 : memref<704xf32, #tpu.memory_space<hbm>>) target(%arg17 : memref<704xf32, #tpu.memory_space<vmem>>) target_semaphore(%run_scoped3A : memref<!tpu.dma_semaphore, #tpu.memory_space<semaphore_mem>>)
      %dma_wait3A = tpu.memref_slice %arg4[%multiple_of3A] : memref<22528xf32, #tpu.memory_space<hbm>> -> memref<704xf32, #tpu.memory_space<hbm>>
      %dma_wait3A_2427 = tpu.memref_slice %arg4[%multiple_of3A] : memref<22528xf32, #tpu.memory_space<hbm>> -> memref<704xf32, #tpu.memory_space<hbm>>
      tpu.wait_dma2 semaphore(%run_scoped3A : memref<!tpu.dma_semaphore, #tpu.memory_space<semaphore_mem>>) src(%dma_wait3A_2427 : memref<704xf32, #tpu.memory_space<hbm>>) dst(%arg17 : memref<704xf32, #tpu.memory_space<vmem>>)
      tpu.yield
    }) : () -> ()
    "tpu.region"() ({
      %run_scoped3A = tpu.sem_alloc : memref<!tpu.dma_semaphore, #tpu.memory_space<semaphore_mem>>
      %dma_start3A = tpu.memref_slice %arg5[%multiple_of3A] : memref<22528xf32, #tpu.memory_space<hbm>> -> memref<704xf32, #tpu.memory_space<hbm>>
      %dma_start3A_2426 = tpu.memref_slice %arg5[%multiple_of3A] : memref<22528xf32, #tpu.memory_space<hbm>> -> memref<704xf32, #tpu.memory_space<hbm>>
      tpu.enqueue_dma source(%dma_start3A_2426 : memref<704xf32, #tpu.memory_space<hbm>>) target(%arg18 : memref<704xf32, #tpu.memory_space<vmem>>) target_semaphore(%run_scoped3A : memref<!tpu.dma_semaphore, #tpu.memory_space<semaphore_mem>>)
      %dma_wait3A = tpu.memref_slice %arg5[%multiple_of3A] : memref<22528xf32, #tpu.memory_space<hbm>> -> memref<704xf32, #tpu.memory_space<hbm>>
      %dma_wait3A_2427 = tpu.memref_slice %arg5[%multiple_of3A] : memref<22528xf32, #tpu.memory_space<hbm>> -> memref<704xf32, #tpu.memory_space<hbm>>
      tpu.wait_dma2 semaphore(%run_scoped3A : memref<!tpu.dma_semaphore, #tpu.memory_space<semaphore_mem>>) src(%dma_wait3A_2427 : memref<704xf32, #tpu.memory_space<hbm>>) dst(%arg18 : memref<704xf32, #tpu.memory_space<vmem>>)
      tpu.yield
    }) : () -> ()
    "tpu.region"() ({
      %run_scoped3A = tpu.sem_alloc : memref<!tpu.dma_semaphore, #tpu.memory_space<semaphore_mem>>
      %dma_start3A = tpu.memref_slice %arg6[%multiple_of3A] : memref<22528xf32, #tpu.memory_space<hbm>> -> memref<704xf32, #tpu.memory_space<hbm>>
      %dma_start3A_2426 = tpu.memref_slice %arg6[%multiple_of3A] : memref<22528xf32, #tpu.memory_space<hbm>> -> memref<704xf32, #tpu.memory_space<hbm>>
      tpu.enqueue_dma source(%dma_start3A_2426 : memref<704xf32, #tpu.memory_space<hbm>>) target(%arg19 : memref<704xf32, #tpu.memory_space<vmem>>) target_semaphore(%run_scoped3A : memref<!tpu.dma_semaphore, #tpu.memory_space<semaphore_mem>>)
      %dma_wait3A = tpu.memref_slice %arg6[%multiple_of3A] : memref<22528xf32, #tpu.memory_space<hbm>> -> memref<704xf32, #tpu.memory_space<hbm>>
      %dma_wait3A_2427 = tpu.memref_slice %arg6[%multiple_of3A] : memref<22528xf32, #tpu.memory_space<hbm>> -> memref<704xf32, #tpu.memory_space<hbm>>
      tpu.wait_dma2 semaphore(%run_scoped3A : memref<!tpu.dma_semaphore, #tpu.memory_space<semaphore_mem>>) src(%dma_wait3A_2427 : memref<704xf32, #tpu.memory_space<hbm>>) dst(%arg19 : memref<704xf32, #tpu.memory_space<vmem>>)
      tpu.yield
    }) : () -> ()
    "tpu.region"() ({
      %run_scoped3A = tpu.sem_alloc : memref<!tpu.dma_semaphore, #tpu.memory_space<semaphore_mem>>
      %dma_start3A = arith.constant 0 : i32
      %dma_start3A_2426 = tpu.memref_slice %arg7[%dma_start3A] : memref<1024xf32, #tpu.memory_space<hbm>> -> memref<16xf32, #tpu.memory_space<hbm>>
      %dma_start3A_2427 = arith.constant 0 : i32
      %dma_start3A_2428 = tpu.memref_slice %arg7[%dma_start3A_2427] : memref<1024xf32, #tpu.memory_space<hbm>> -> memref<16xf32, #tpu.memory_space<hbm>>
      tpu.enqueue_dma source(%dma_start3A_2428 : memref<16xf32, #tpu.memory_space<hbm>>) target(%arg20 : memref<16xf32, #tpu.memory_space<vmem>>) target_semaphore(%run_scoped3A : memref<!tpu.dma_semaphore, #tpu.memory_space<semaphore_mem>>)
      %dma_wait3A = arith.constant 0 : i32
      %dma_wait3A_2429 = tpu.memref_slice %arg7[%dma_wait3A] : memref<1024xf32, #tpu.memory_space<hbm>> -> memref<16xf32, #tpu.memory_space<hbm>>
      %dma_wait3A_2430 = arith.constant 0 : i32
      %dma_wait3A_2431 = tpu.memref_slice %arg7[%dma_wait3A_2430] : memref<1024xf32, #tpu.memory_space<hbm>> -> memref<16xf32, #tpu.memory_space<hbm>>
      tpu.wait_dma2 semaphore(%run_scoped3A : memref<!tpu.dma_semaphore, #tpu.memory_space<semaphore_mem>>) src(%dma_wait3A_2431 : memref<16xf32, #tpu.memory_space<hbm>>) dst(%arg20 : memref<16xf32, #tpu.memory_space<vmem>>)
      tpu.yield
    }) : () -> ()
    %get3A = arith.constant 0 : index
    %get3A_41 = tpu.vector_load %arg20[%get3A] {strides = array<i32>} : memref<16xf32, #tpu.memory_space<vmem>>, vector<16xf32>,
    %get3A_42 = vector.shape_cast %get3A_41 : vector<16xf32> to vector<16xf32>
    %iota3A = tpu.iota {dimensions = array<i32: 0>} : vector<16xi32>
    %broadcast_in_dim3A = arith.constant 0 : i32
    %broadcast_in_dim3A_43 = vector.broadcast %broadcast_in_dim3A : i32 to vector<16xi32>
    %broadcast_in_dim3A_44 = arith.constant 1 : i32
    %broadcast_in_dim3A_45 = vector.broadcast %broadcast_in_dim3A_44 : i32 to vector<16xi32>
    %get3A_46 = arith.constant 0 : index
    %get3A_47 = tpu.vector_load %arg15[%get3A_46] {strides = array<i32>} : memref<1408xf32, #tpu.memory_space<vmem>>, vector<16xf32>,
    %get3A_48 = vector.shape_cast %get3A_47 : vector<16xf32> to vector<16xf32>
    %gt3A = arith.cmpf ogt, %get3A_48, %get3A_42 : vector<16xf32>
    %select_n3A_49 = arith.select %gt3A, %broadcast_in_dim3A_45, %broadcast_in_dim3A_43 : vector<16xi1>, vector<16xi32>
    %add3A_50 = arith.addi %broadcast_in_dim3A_43, %select_n3A_49 : vector<16xi32>
    %eq3A_51 = arith.cmpf oeq, %get3A_48, %get3A_42 : vector<16xf32>
    %select_n3A_52 = arith.select %eq3A_51, %broadcast_in_dim3A_45, %broadcast_in_dim3A_43 : vector<16xi1>, vector<16xi32>
    %add3A_53 = arith.addi %broadcast_in_dim3A_43, %select_n3A_52 : vector<16xi32>
    %get3A_54 = arith.constant 16 : index
    %get3A_55 = tpu.vector_load %arg15[%get3A_54] {strides = array<i32>} : memref<1408xf32, #tpu.memory_space<vmem>>, vector<16xf32>,
    %get3A_56 = vector.shape_cast %get3A_55 : vector<16xf32> to vector<16xf32>
    %gt3A_57 = arith.cmpf ogt, %get3A_56, %get3A_42 : vector<16xf32>
    %select_n3A_58 = arith.select %gt3A_57, %broadcast_in_dim3A_45, %broadcast_in_dim3A_43 : vector<16xi1>, vector<16xi32>
    %add3A_59 = arith.addi %add3A_50, %select_n3A_58 : vector<16xi32>
    %eq3A_60 = arith.cmpf oeq, %get3A_56, %get3A_42 : vector<16xf32>
    %select_n3A_61 = arith.select %eq3A_60, %broadcast_in_dim3A_45, %broadcast_in_dim3A_43 : vector<16xi1>, vector<16xi32>
    %add3A_62 = arith.addi %add3A_53, %select_n3A_61 : vector<16xi32>
    %get3A_63 = arith.constant 32 : index
    %get3A_64 = tpu.vector_load %arg15[%get3A_63] {strides = array<i32>} : memref<1408xf32, #tpu.memory_space<vmem>>, vector<16xf32>,
    %get3A_65 = vector.shape_cast %get3A_64 : vector<16xf32> to vector<16xf32>
    %gt3A_66 = arith.cmpf ogt, %get3A_65, %get3A_42 : vector<16xf32>
    %select_n3A_67 = arith.select %gt3A_66, %broadcast_in_dim3A_45, %broadcast_in_dim3A_43 : vector<16xi1>, vector<16xi32>
    %add3A_68 = arith.addi %add3A_59, %select_n3A_67 : vector<16xi32>
    %eq3A_69 = arith.cmpf oeq, %get3A_65, %get3A_42 : vector<16xf32>
    %select_n3A_70 = arith.select %eq3A_69, %broadcast_in_dim3A_45, %broadcast_in_dim3A_43 : vector<16xi1>, vector<16xi32>
    %add3A_71 = arith.addi %add3A_62, %select_n3A_70 : vector<16xi32>
    %get3A_72 = arith.constant 48 : index
    %get3A_73 = tpu.vector_load %arg15[%get3A_72] {strides = array<i32>} : memref<1408xf32, #tpu.memory_space<vmem>>, vector<16xf32>,
    %get3A_74 = vector.shape_cast %get3A_73 : vector<16xf32> to vector<16xf32>
    %gt3A_75 = arith.cmpf ogt, %get3A_74, %get3A_42 : vector<16xf32>
    %select_n3A_76 = arith.select %gt3A_75, %broadcast_in_dim3A_45, %broadcast_in_dim3A_43 : vector<16xi1>, vector<16xi32>
    %add3A_77 = arith.addi %add3A_68, %select_n3A_76 : vector<16xi32>
    %eq3A_78 = arith.cmpf oeq, %get3A_74, %get3A_42 : vector<16xf32>
    %select_n3A_79 = arith.select %eq3A_78, %broadcast_in_dim3A_45, %broadcast_in_dim3A_43 : vector<16xi1>, vector<16xi32>
    %add3A_80 = arith.addi %add3A_71, %select_n3A_79 : vector<16xi32>
    %get3A_81 = arith.constant 64 : index
    %get3A_82 = tpu.vector_load %arg15[%get3A_81] {strides = array<i32>} : memref<1408xf32, #tpu.memory_space<vmem>>, vector<16xf32>,
    %get3A_83 = vector.shape_cast %get3A_82 : vector<16xf32> to vector<16xf32>
    %gt3A_84 = arith.cmpf ogt, %get3A_83, %get3A_42 : vector<16xf32>
    %select_n3A_85 = arith.select %gt3A_84, %broadcast_in_dim3A_45, %broadcast_in_dim3A_43 : vector<16xi1>, vector<16xi32>
    %add3A_86 = arith.addi %add3A_77, %select_n3A_85 : vector<16xi32>
    %eq3A_87 = arith.cmpf oeq, %get3A_83, %get3A_42 : vector<16xf32>
    %select_n3A_88 = arith.select %eq3A_87, %broadcast_in_dim3A_45, %broadcast_in_dim3A_43 : vector<16xi1>, vector<16xi32>
    %add3A_89 = arith.addi %add3A_80, %select_n3A_88 : vector<16xi32>
    %get3A_90 = arith.constant 80 : index
    %get3A_91 = tpu.vector_load %arg15[%get3A_90] {strides = array<i32>} : memref<1408xf32, #tpu.memory_space<vmem>>, vector<16xf32>,
    %get3A_92 = vector.shape_cast %get3A_91 : vector<16xf32> to vector<16xf32>
    %gt3A_93 = arith.cmpf ogt, %get3A_92, %get3A_42 : vector<16xf32>
    %select_n3A_94 = arith.select %gt3A_93, %broadcast_in_dim3A_45, %broadcast_in_dim3A_43 : vector<16xi1>, vector<16xi32>
    %add3A_95 = arith.addi %add3A_86, %select_n3A_94 : vector<16xi32>
    %eq3A_96 = arith.cmpf oeq, %get3A_92, %get3A_42 : vector<16xf32>
    %select_n3A_97 = arith.select %eq3A_96, %broadcast_in_dim3A_45, %broadcast_in_dim3A_43 : vector<16xi1>, vector<16xi32>
    %add3A_98 = arith.addi %add3A_89, %select_n3A_97 : vector<16xi32>
    %get3A_99 = arith.constant 96 : index
    %get3A_100 = tpu.vector_load %arg15[%get3A_99] {strides = array<i32>} : memref<1408xf32, #tpu.memory_space<vmem>>, vector<16xf32>,
    %get3A_101 = vector.shape_cast %get3A_100 : vector<16xf32> to vector<16xf32>
    %gt3A_102 = arith.cmpf ogt, %get3A_101, %get3A_42 : vector<16xf32>
    %select_n3A_103 = arith.select %gt3A_102, %broadcast_in_dim3A_45, %broadcast_in_dim3A_43 : vector<16xi1>, vector<16xi32>
    %add3A_104 = arith.addi %add3A_95, %select_n3A_103 : vector<16xi32>
    %eq3A_105 = arith.cmpf oeq, %get3A_101, %get3A_42 : vector<16xf32>
    %select_n3A_106 = arith.select %eq3A_105, %broadcast_in_dim3A_45, %broadcast_in_dim3A_43 : vector<16xi1>, vector<16xi32>
    %add3A_107 = arith.addi %add3A_98, %select_n3A_106 : vector<16xi32>
    %get3A_108 = arith.constant 112 : index
    %get3A_109 = tpu.vector_load %arg15[%get3A_108] {strides = array<i32>} : memref<1408xf32, #tpu.memory_space<vmem>>, vector<16xf32>,
    %get3A_110 = vector.shape_cast %get3A_109 : vector<16xf32> to vector<16xf32>
    %gt3A_111 = arith.cmpf ogt, %get3A_110, %get3A_42 : vector<16xf32>
    %select_n3A_112 = arith.select %gt3A_111, %broadcast_in_dim3A_45, %broadcast_in_dim3A_43 : vector<16xi1>, vector<16xi32>
    %add3A_113 = arith.addi %add3A_104, %select_n3A_112 : vector<16xi32>
    %eq3A_114 = arith.cmpf oeq, %get3A_110, %get3A_42 : vector<16xf32>
    %select_n3A_115 = arith.select %eq3A_114, %broadcast_in_dim3A_45, %broadcast_in_dim3A_43 : vector<16xi1>, vector<16xi32>
    %add3A_116 = arith.addi %add3A_107, %select_n3A_115 : vector<16xi32>
    %get3A_117 = arith.constant 128 : index
    %get3A_118 = tpu.vector_load %arg15[%get3A_117] {strides = array<i32>} : memref<1408xf32, #tpu.memory_space<vmem>>, vector<16xf32>,
    %get3A_119 = vector.shape_cast %get3A_118 : vector<16xf32> to vector<16xf32>
    %gt3A_120 = arith.cmpf ogt, %get3A_119, %get3A_42 : vector<16xf32>
    %select_n3A_121 = arith.select %gt3A_120, %broadcast_in_dim3A_45, %broadcast_in_dim3A_43 : vector<16xi1>, vector<16xi32>
    %add3A_122 = arith.addi %add3A_113, %select_n3A_121 : vector<16xi32>
    %eq3A_123 = arith.cmpf oeq, %get3A_119, %get3A_42 : vector<16xf32>
    %select_n3A_124 = arith.select %eq3A_123, %broadcast_in_dim3A_45, %broadcast_in_dim3A_43 : vector<16xi1>, vector<16xi32>
    %add3A_125 = arith.addi %add3A_116, %select_n3A_124 : vector<16xi32>
    %get3A_126 = arith.constant 144 : index
    %get3A_127 = tpu.vector_load %arg15[%get3A_126] {strides = array<i32>} : memref<1408xf32, #tpu.memory_space<vmem>>, vector<16xf32>,
    %get3A_128 = vector.shape_cast %get3A_127 : vector<16xf32> to vector<16xf32>
    %gt3A_129 = arith.cmpf ogt, %get3A_128, %get3A_42 : vector<16xf32>
    %select_n3A_130 = arith.select %gt3A_129, %broadcast_in_dim3A_45, %broadcast_in_dim3A_43 : vector<16xi1>, vector<16xi32>
    %add3A_131 = arith.addi %add3A_122, %select_n3A_130 : vector<16xi32>
    %eq3A_132 = arith.cmpf oeq, %get3A_128, %get3A_42 : vector<16xf32>
    %select_n3A_133 = arith.select %eq3A_132, %broadcast_in_dim3A_45, %broadcast_in_dim3A_43 : vector<16xi1>, vector<16xi32>
    %add3A_134 = arith.addi %add3A_125, %select_n3A_133 : vector<16xi32>
    %get3A_135 = arith.constant 160 : index
    %get3A_136 = tpu.vector_load %arg15[%get3A_135] {strides = array<i32>} : memref<1408xf32, #tpu.memory_space<vmem>>, vector<16xf32>,
    %get3A_137 = vector.shape_cast %get3A_136 : vector<16xf32> to vector<16xf32>
    %gt3A_138 = arith.cmpf ogt, %get3A_137, %get3A_42 : vector<16xf32>
    %select_n3A_139 = arith.select %gt3A_138, %broadcast_in_dim3A_45, %broadcast_in_dim3A_43 : vector<16xi1>, vector<16xi32>
    %add3A_140 = arith.addi %add3A_131, %select_n3A_139 : vector<16xi32>
    %eq3A_141 = arith.cmpf oeq, %get3A_137, %get3A_42 : vector<16xf32>
    %select_n3A_142 = arith.select %eq3A_141, %broadcast_in_dim3A_45, %broadcast_in_dim3A_43 : vector<16xi1>, vector<16xi32>
    %add3A_143 = arith.addi %add3A_134, %select_n3A_142 : vector<16xi32>
    %get3A_144 = arith.constant 176 : index
    %get3A_145 = tpu.vector_load %arg15[%get3A_144] {strides = array<i32>} : memref<1408xf32, #tpu.memory_space<vmem>>, vector<16xf32>,
    %get3A_146 = vector.shape_cast %get3A_145 : vector<16xf32> to vector<16xf32>
    %gt3A_147 = arith.cmpf ogt, %get3A_146, %get3A_42 : vector<16xf32>
    %select_n3A_148 = arith.select %gt3A_147, %broadcast_in_dim3A_45, %broadcast_in_dim3A_43 : vector<16xi1>, vector<16xi32>
    %add3A_149 = arith.addi %add3A_140, %select_n3A_148 : vector<16xi32>
    %eq3A_150 = arith.cmpf oeq, %get3A_146, %get3A_42 : vector<16xf32>
    %select_n3A_151 = arith.select %eq3A_150, %broadcast_in_dim3A_45, %broadcast_in_dim3A_43 : vector<16xi1>, vector<16xi32>
    %add3A_152 = arith.addi %add3A_143, %select_n3A_151 : vector<16xi32>
    %get3A_153 = arith.constant 192 : index
    %get3A_154 = tpu.vector_load %arg15[%get3A_153] {strides = array<i32>} : memref<1408xf32, #tpu.memory_space<vmem>>, vector<16xf32>,
    %get3A_155 = vector.shape_cast %get3A_154 : vector<16xf32> to vector<16xf32>
    %gt3A_156 = arith.cmpf ogt, %get3A_155, %get3A_42 : vector<16xf32>
    %select_n3A_157 = arith.select %gt3A_156, %broadcast_in_dim3A_45, %broadcast_in_dim3A_43 : vector<16xi1>, vector<16xi32>
    %add3A_158 = arith.addi %add3A_149, %select_n3A_157 : vector<16xi32>
    %eq3A_159 = arith.cmpf oeq, %get3A_155, %get3A_42 : vector<16xf32>
    %select_n3A_160 = arith.select %eq3A_159, %broadcast_in_dim3A_45, %broadcast_in_dim3A_43 : vector<16xi1>, vector<16xi32>
    %add3A_161 = arith.addi %add3A_152, %select_n3A_160 : vector<16xi32>
    %get3A_162 = arith.constant 208 : index
    %get3A_163 = tpu.vector_load %arg15[%get3A_162] {strides = array<i32>} : memref<1408xf32, #tpu.memory_space<vmem>>, vector<16xf32>,
    %get3A_164 = vector.shape_cast %get3A_163 : vector<16xf32> to vector<16xf32>
    %gt3A_165 = arith.cmpf ogt, %get3A_164, %get3A_42 : vector<16xf32>
    %select_n3A_166 = arith.select %gt3A_165, %broadcast_in_dim3A_45, %broadcast_in_dim3A_43 : vector<16xi1>, vector<16xi32>
    %add3A_167 = arith.addi %add3A_158, %select_n3A_166 : vector<16xi32>
    %eq3A_168 = arith.cmpf oeq, %get3A_164, %get3A_42 : vector<16xf32>
    %select_n3A_169 = arith.select %eq3A_168, %broadcast_in_dim3A_45, %broadcast_in_dim3A_43 : vector<16xi1>, vector<16xi32>
    %add3A_170 = arith.addi %add3A_161, %select_n3A_169 : vector<16xi32>
    %get3A_171 = arith.constant 224 : index
    %get3A_172 = tpu.vector_load %arg15[%get3A_171] {strides = array<i32>} : memref<1408xf32, #tpu.memory_space<vmem>>, vector<16xf32>,
    %get3A_173 = vector.shape_cast %get3A_172 : vector<16xf32> to vector<16xf32>
    %gt3A_174 = arith.cmpf ogt, %get3A_173, %get3A_42 : vector<16xf32>
    %select_n3A_175 = arith.select %gt3A_174, %broadcast_in_dim3A_45, %broadcast_in_dim3A_43 : vector<16xi1>, vector<16xi32>
    %add3A_176 = arith.addi %add3A_167, %select_n3A_175 : vector<16xi32>
    %eq3A_177 = arith.cmpf oeq, %get3A_173, %get3A_42 : vector<16xf32>
    %select_n3A_178 = arith.select %eq3A_177, %broadcast_in_dim3A_45, %broadcast_in_dim3A_43 : vector<16xi1>, vector<16xi32>
    %add3A_179 = arith.addi %add3A_170, %select_n3A_178 : vector<16xi32>
    %get3A_180 = arith.constant 240 : index
    %get3A_181 = tpu.vector_load %arg15[%get3A_180] {strides = array<i32>} : memref<1408xf32, #tpu.memory_space<vmem>>, vector<16xf32>,
    %get3A_182 = vector.shape_cast %get3A_181 : vector<16xf32> to vector<16xf32>
    %gt3A_183 = arith.cmpf ogt, %get3A_182, %get3A_42 : vector<16xf32>
    %select_n3A_184 = arith.select %gt3A_183, %broadcast_in_dim3A_45, %broadcast_in_dim3A_43 : vector<16xi1>, vector<16xi32>
    %add3A_185 = arith.addi %add3A_176, %select_n3A_184 : vector<16xi32>
    %eq3A_186 = arith.cmpf oeq, %get3A_182, %get3A_42 : vector<16xf32>
    %select_n3A_187 = arith.select %eq3A_186, %broadcast_in_dim3A_45, %broadcast_in_dim3A_43 : vector<16xi1>, vector<16xi32>
    %add3A_188 = arith.addi %add3A_179, %select_n3A_187 : vector<16xi32>
    %get3A_189 = arith.constant 256 : index
    %get3A_190 = tpu.vector_load %arg15[%get3A_189] {strides = array<i32>} : memref<1408xf32, #tpu.memory_space<vmem>>, vector<16xf32>,
    %get3A_191 = vector.shape_cast %get3A_190 : vector<16xf32> to vector<16xf32>
    %gt3A_192 = arith.cmpf ogt, %get3A_191, %get3A_42 : vector<16xf32>
    %select_n3A_193 = arith.select %gt3A_192, %broadcast_in_dim3A_45, %broadcast_in_dim3A_43 : vector<16xi1>, vector<16xi32>
    %add3A_194 = arith.addi %add3A_185, %select_n3A_193 : vector<16xi32>
    %eq3A_195 = arith.cmpf oeq, %get3A_191, %get3A_42 : vector<16xf32>
    %select_n3A_196 = arith.select %eq3A_195, %broadcast_in_dim3A_45, %broadcast_in_dim3A_43 : vector<16xi1>, vector<16xi32>
    %add3A_197 = arith.addi %add3A_188, %select_n3A_196 : vector<16xi32>
    %get3A_198 = arith.constant 272 : index
    %get3A_199 = tpu.vector_load %arg15[%get3A_198] {strides = array<i32>} : memref<1408xf32, #tpu.memory_space<vmem>>, vector<16xf32>,
    %get3A_200 = vector.shape_cast %get3A_199 : vector<16xf32> to vector<16xf32>
    %gt3A_201 = arith.cmpf ogt, %get3A_200, %get3A_42 : vector<16xf32>
    %select_n3A_202 = arith.select %gt3A_201, %broadcast_in_dim3A_45, %broadcast_in_dim3A_43 : vector<16xi1>, vector<16xi32>
    %add3A_203 = arith.addi %add3A_194, %select_n3A_202 : vector<16xi32>
    %eq3A_204 = arith.cmpf oeq, %get3A_200, %get3A_42 : vector<16xf32>
    %select_n3A_205 = arith.select %eq3A_204, %broadcast_in_dim3A_45, %broadcast_in_dim3A_43 : vector<16xi1>, vector<16xi32>
    %add3A_206 = arith.addi %add3A_197, %select_n3A_205 : vector<16xi32>
    %get3A_207 = arith.constant 288 : index
    %get3A_208 = tpu.vector_load %arg15[%get3A_207] {strides = array<i32>} : memref<1408xf32, #tpu.memory_space<vmem>>, vector<16xf32>,
    %get3A_209 = vector.shape_cast %get3A_208 : vector<16xf32> to vector<16xf32>
    %gt3A_210 = arith.cmpf ogt, %get3A_209, %get3A_42 : vector<16xf32>
    %select_n3A_211 = arith.select %gt3A_210, %broadcast_in_dim3A_45, %broadcast_in_dim3A_43 : vector<16xi1>, vector<16xi32>
    %add3A_212 = arith.addi %add3A_203, %select_n3A_211 : vector<16xi32>
    %eq3A_213 = arith.cmpf oeq, %get3A_209, %get3A_42 : vector<16xf32>
    %select_n3A_214 = arith.select %eq3A_213, %broadcast_in_dim3A_45, %broadcast_in_dim3A_43 : vector<16xi1>, vector<16xi32>
    %add3A_215 = arith.addi %add3A_206, %select_n3A_214 : vector<16xi32>
    %get3A_216 = arith.constant 304 : index
    %get3A_217 = tpu.vector_load %arg15[%get3A_216] {strides = array<i32>} : memref<1408xf32, #tpu.memory_space<vmem>>, vector<16xf32>,
    %get3A_218 = vector.shape_cast %get3A_217 : vector<16xf32> to vector<16xf32>
    %gt3A_219 = arith.cmpf ogt, %get3A_218, %get3A_42 : vector<16xf32>
    %select_n3A_220 = arith.select %gt3A_219, %broadcast_in_dim3A_45, %broadcast_in_dim3A_43 : vector<16xi1>, vector<16xi32>
    %add3A_221 = arith.addi %add3A_212, %select_n3A_220 : vector<16xi32>
    %eq3A_222 = arith.cmpf oeq, %get3A_218, %get3A_42 : vector<16xf32>
    %select_n3A_223 = arith.select %eq3A_222, %broadcast_in_dim3A_45, %broadcast_in_dim3A_43 : vector<16xi1>, vector<16xi32>
    %add3A_224 = arith.addi %add3A_215, %select_n3A_223 : vector<16xi32>
    %get3A_225 = arith.constant 320 : index
    %get3A_226 = tpu.vector_load %arg15[%get3A_225] {strides = array<i32>} : memref<1408xf32, #tpu.memory_space<vmem>>, vector<16xf32>,
    %get3A_227 = vector.shape_cast %get3A_226 : vector<16xf32> to vector<16xf32>
    %gt3A_228 = arith.cmpf ogt, %get3A_227, %get3A_42 : vector<16xf32>
    %select_n3A_229 = arith.select %gt3A_228, %broadcast_in_dim3A_45, %broadcast_in_dim3A_43 : vector<16xi1>, vector<16xi32>
    %add3A_230 = arith.addi %add3A_221, %select_n3A_229 : vector<16xi32>
    %eq3A_231 = arith.cmpf oeq, %get3A_227, %get3A_42 : vector<16xf32>
    %select_n3A_232 = arith.select %eq3A_231, %broadcast_in_dim3A_45, %broadcast_in_dim3A_43 : vector<16xi1>, vector<16xi32>
    %add3A_233 = arith.addi %add3A_224, %select_n3A_232 : vector<16xi32>
    %get3A_234 = arith.constant 336 : index
    %get3A_235 = tpu.vector_load %arg15[%get3A_234] {strides = array<i32>} : memref<1408xf32, #tpu.memory_space<vmem>>, vector<16xf32>,
    %get3A_236 = vector.shape_cast %get3A_235 : vector<16xf32> to vector<16xf32>
    %gt3A_237 = arith.cmpf ogt, %get3A_236, %get3A_42 : vector<16xf32>
    %select_n3A_238 = arith.select %gt3A_237, %broadcast_in_dim3A_45, %broadcast_in_dim3A_43 : vector<16xi1>, vector<16xi32>
    %add3A_239 = arith.addi %add3A_230, %select_n3A_238 : vector<16xi32>
    %eq3A_240 = arith.cmpf oeq, %get3A_236, %get3A_42 : vector<16xf32>
    %select_n3A_241 = arith.select %eq3A_240, %broadcast_in_dim3A_45, %broadcast_in_dim3A_43 : vector<16xi1>, vector<16xi32>
    %add3A_242 = arith.addi %add3A_233, %select_n3A_241 : vector<16xi32>
    %get3A_243 = arith.constant 352 : index
    %get3A_244 = tpu.vector_load %arg15[%get3A_243] {strides = array<i32>} : memref<1408xf32, #tpu.memory_space<vmem>>, vector<16xf32>,
    %get3A_245 = vector.shape_cast %get3A_244 : vector<16xf32> to vector<16xf32>
    %gt3A_246 = arith.cmpf ogt, %get3A_245, %get3A_42 : vector<16xf32>
    %select_n3A_247 = arith.select %gt3A_246, %broadcast_in_dim3A_45, %broadcast_in_dim3A_43 : vector<16xi1>, vector<16xi32>
    %add3A_248 = arith.addi %add3A_239, %select_n3A_247 : vector<16xi32>
    %eq3A_249 = arith.cmpf oeq, %get3A_245, %get3A_42 : vector<16xf32>
    %select_n3A_250 = arith.select %eq3A_249, %broadcast_in_dim3A_45, %broadcast_in_dim3A_43 : vector<16xi1>, vector<16xi32>
    %add3A_251 = arith.addi %add3A_242, %select_n3A_250 : vector<16xi32>
    %get3A_252 = arith.constant 368 : index
    %get3A_253 = tpu.vector_load %arg15[%get3A_252] {strides = array<i32>} : memref<1408xf32, #tpu.memory_space<vmem>>, vector<16xf32>,
    %get3A_254 = vector.shape_cast %get3A_253 : vector<16xf32> to vector<16xf32>
    %gt3A_255 = arith.cmpf ogt, %get3A_254, %get3A_42 : vector<16xf32>
    %select_n3A_256 = arith.select %gt3A_255, %broadcast_in_dim3A_45, %broadcast_in_dim3A_43 : vector<16xi1>, vector<16xi32>
    %add3A_257 = arith.addi %add3A_248, %select_n3A_256 : vector<16xi32>
    %eq3A_258 = arith.cmpf oeq, %get3A_254, %get3A_42 : vector<16xf32>
    %select_n3A_259 = arith.select %eq3A_258, %broadcast_in_dim3A_45, %broadcast_in_dim3A_43 : vector<16xi1>, vector<16xi32>
    %add3A_260 = arith.addi %add3A_251, %select_n3A_259 : vector<16xi32>
    %get3A_261 = arith.constant 384 : index
    %get3A_262 = tpu.vector_load %arg15[%get3A_261] {strides = array<i32>} : memref<1408xf32, #tpu.memory_space<vmem>>, vector<16xf32>,
    %get3A_263 = vector.shape_cast %get3A_262 : vector<16xf32> to vector<16xf32>
    %gt3A_264 = arith.cmpf ogt, %get3A_263, %get3A_42 : vector<16xf32>
    %select_n3A_265 = arith.select %gt3A_264, %broadcast_in_dim3A_45, %broadcast_in_dim3A_43 : vector<16xi1>, vector<16xi32>
    %add3A_266 = arith.addi %add3A_257, %select_n3A_265 : vector<16xi32>
    %eq3A_267 = arith.cmpf oeq, %get3A_263, %get3A_42 : vector<16xf32>
    %select_n3A_268 = arith.select %eq3A_267, %broadcast_in_dim3A_45, %broadcast_in_dim3A_43 : vector<16xi1>, vector<16xi32>
    %add3A_269 = arith.addi %add3A_260, %select_n3A_268 : vector<16xi32>
    %get3A_270 = arith.constant 400 : index
    %get3A_271 = tpu.vector_load %arg15[%get3A_270] {strides = array<i32>} : memref<1408xf32, #tpu.memory_space<vmem>>, vector<16xf32>,
    %get3A_272 = vector.shape_cast %get3A_271 : vector<16xf32> to vector<16xf32>
    %gt3A_273 = arith.cmpf ogt, %get3A_272, %get3A_42 : vector<16xf32>
    %select_n3A_274 = arith.select %gt3A_273, %broadcast_in_dim3A_45, %broadcast_in_dim3A_43 : vector<16xi1>, vector<16xi32>
    %add3A_275 = arith.addi %add3A_266, %select_n3A_274 : vector<16xi32>
    %eq3A_276 = arith.cmpf oeq, %get3A_272, %get3A_42 : vector<16xf32>
    %select_n3A_277 = arith.select %eq3A_276, %broadcast_in_dim3A_45, %broadcast_in_dim3A_43 : vector<16xi1>, vector<16xi32>
    %add3A_278 = arith.addi %add3A_269, %select_n3A_277 : vector<16xi32>
    %get3A_279 = arith.constant 416 : index
    %get3A_280 = tpu.vector_load %arg15[%get3A_279] {strides = array<i32>} : memref<1408xf32, #tpu.memory_space<vmem>>, vector<16xf32>,
    %get3A_281 = vector.shape_cast %get3A_280 : vector<16xf32> to vector<16xf32>
    %gt3A_282 = arith.cmpf ogt, %get3A_281, %get3A_42 : vector<16xf32>
    %select_n3A_283 = arith.select %gt3A_282, %broadcast_in_dim3A_45, %broadcast_in_dim3A_43 : vector<16xi1>, vector<16xi32>
    %add3A_284 = arith.addi %add3A_275, %select_n3A_283 : vector<16xi32>
    %eq3A_285 = arith.cmpf oeq, %get3A_281, %get3A_42 : vector<16xf32>
    %select_n3A_286 = arith.select %eq3A_285, %broadcast_in_dim3A_45, %broadcast_in_dim3A_43 : vector<16xi1>, vector<16xi32>
    %add3A_287 = arith.addi %add3A_278, %select_n3A_286 : vector<16xi32>
    %get3A_288 = arith.constant 432 : index
    %get3A_289 = tpu.vector_load %arg15[%get3A_288] {strides = array<i32>} : memref<1408xf32, #tpu.memory_space<vmem>>, vector<16xf32>,
    %get3A_290 = vector.shape_cast %get3A_289 : vector<16xf32> to vector<16xf32>
    %gt3A_291 = arith.cmpf ogt, %get3A_290, %get3A_42 : vector<16xf32>
    %select_n3A_292 = arith.select %gt3A_291, %broadcast_in_dim3A_45, %broadcast_in_dim3A_43 : vector<16xi1>, vector<16xi32>
    %add3A_293 = arith.addi %add3A_284, %select_n3A_292 : vector<16xi32>
    %eq3A_294 = arith.cmpf oeq, %get3A_290, %get3A_42 : vector<16xf32>
    %select_n3A_295 = arith.select %eq3A_294, %broadcast_in_dim3A_45, %broadcast_in_dim3A_43 : vector<16xi1>, vector<16xi32>
    %add3A_296 = arith.addi %add3A_287, %select_n3A_295 : vector<16xi32>
    %get3A_297 = arith.constant 448 : index
    %get3A_298 = tpu.vector_load %arg15[%get3A_297] {strides = array<i32>} : memref<1408xf32, #tpu.memory_space<vmem>>, vector<16xf32>,
    %get3A_299 = vector.shape_cast %get3A_298 : vector<16xf32> to vector<16xf32>
    %gt3A_300 = arith.cmpf ogt, %get3A_299, %get3A_42 : vector<16xf32>
    %select_n3A_301 = arith.select %gt3A_300, %broadcast_in_dim3A_45, %broadcast_in_dim3A_43 : vector<16xi1>, vector<16xi32>
    %add3A_302 = arith.addi %add3A_293, %select_n3A_301 : vector<16xi32>
    %eq3A_303 = arith.cmpf oeq, %get3A_299, %get3A_42 : vector<16xf32>
    %select_n3A_304 = arith.select %eq3A_303, %broadcast_in_dim3A_45, %broadcast_in_dim3A_43 : vector<16xi1>, vector<16xi32>
    %add3A_305 = arith.addi %add3A_296, %select_n3A_304 : vector<16xi32>
    %get3A_306 = arith.constant 464 : index
    %get3A_307 = tpu.vector_load %arg15[%get3A_306] {strides = array<i32>} : memref<1408xf32, #tpu.memory_space<vmem>>, vector<16xf32>,
    %get3A_308 = vector.shape_cast %get3A_307 : vector<16xf32> to vector<16xf32>
    %gt3A_309 = arith.cmpf ogt, %get3A_308, %get3A_42 : vector<16xf32>
    %select_n3A_310 = arith.select %gt3A_309, %broadcast_in_dim3A_45, %broadcast_in_dim3A_43 : vector<16xi1>, vector<16xi32>
    %add3A_311 = arith.addi %add3A_302, %select_n3A_310 : vector<16xi32>
    %eq3A_312 = arith.cmpf oeq, %get3A_308, %get3A_42 : vector<16xf32>
    %select_n3A_313 = arith.select %eq3A_312, %broadcast_in_dim3A_45, %broadcast_in_dim3A_43 : vector<16xi1>, vector<16xi32>
    %add3A_314 = arith.addi %add3A_305, %select_n3A_313 : vector<16xi32>
    %get3A_315 = arith.constant 480 : index
    %get3A_316 = tpu.vector_load %arg15[%get3A_315] {strides = array<i32>} : memref<1408xf32, #tpu.memory_space<vmem>>, vector<16xf32>,
    %get3A_317 = vector.shape_cast %get3A_316 : vector<16xf32> to vector<16xf32>
    %gt3A_318 = arith.cmpf ogt, %get3A_317, %get3A_42 : vector<16xf32>
    %select_n3A_319 = arith.select %gt3A_318, %broadcast_in_dim3A_45, %broadcast_in_dim3A_43 : vector<16xi1>, vector<16xi32>
    %add3A_320 = arith.addi %add3A_311, %select_n3A_319 : vector<16xi32>
    %eq3A_321 = arith.cmpf oeq, %get3A_317, %get3A_42 : vector<16xf32>
    %select_n3A_322 = arith.select %eq3A_321, %broadcast_in_dim3A_45, %broadcast_in_dim3A_43 : vector<16xi1>, vector<16xi32>
    %add3A_323 = arith.addi %add3A_314, %select_n3A_322 : vector<16xi32>
    %get3A_324 = arith.constant 496 : index
    %get3A_325 = tpu.vector_load %arg15[%get3A_324] {strides = array<i32>} : memref<1408xf32, #tpu.memory_space<vmem>>, vector<16xf32>,
    %get3A_326 = vector.shape_cast %get3A_325 : vector<16xf32> to vector<16xf32>
    %gt3A_327 = arith.cmpf ogt, %get3A_326, %get3A_42 : vector<16xf32>
    %select_n3A_328 = arith.select %gt3A_327, %broadcast_in_dim3A_45, %broadcast_in_dim3A_43 : vector<16xi1>, vector<16xi32>
    %add3A_329 = arith.addi %add3A_320, %select_n3A_328 : vector<16xi32>
    %eq3A_330 = arith.cmpf oeq, %get3A_326, %get3A_42 : vector<16xf32>
    %select_n3A_331 = arith.select %eq3A_330, %broadcast_in_dim3A_45, %broadcast_in_dim3A_43 : vector<16xi1>, vector<16xi32>
    %add3A_332 = arith.addi %add3A_323, %select_n3A_331 : vector<16xi32>
    %get3A_333 = arith.constant 512 : index
    %get3A_334 = tpu.vector_load %arg15[%get3A_333] {strides = array<i32>} : memref<1408xf32, #tpu.memory_space<vmem>>, vector<16xf32>,
    %get3A_335 = vector.shape_cast %get3A_334 : vector<16xf32> to vector<16xf32>
    %gt3A_336 = arith.cmpf ogt, %get3A_335, %get3A_42 : vector<16xf32>
    %select_n3A_337 = arith.select %gt3A_336, %broadcast_in_dim3A_45, %broadcast_in_dim3A_43 : vector<16xi1>, vector<16xi32>
    %add3A_338 = arith.addi %add3A_329, %select_n3A_337 : vector<16xi32>
    %eq3A_339 = arith.cmpf oeq, %get3A_335, %get3A_42 : vector<16xf32>
    %select_n3A_340 = arith.select %eq3A_339, %broadcast_in_dim3A_45, %broadcast_in_dim3A_43 : vector<16xi1>, vector<16xi32>
    %add3A_341 = arith.addi %add3A_332, %select_n3A_340 : vector<16xi32>
    %get3A_342 = arith.constant 528 : index
    %get3A_343 = tpu.vector_load %arg15[%get3A_342] {strides = array<i32>} : memref<1408xf32, #tpu.memory_space<vmem>>, vector<16xf32>,
    %get3A_344 = vector.shape_cast %get3A_343 : vector<16xf32> to vector<16xf32>
    %gt3A_345 = arith.cmpf ogt, %get3A_344, %get3A_42 : vector<16xf32>
    %select_n3A_346 = arith.select %gt3A_345, %broadcast_in_dim3A_45, %broadcast_in_dim3A_43 : vector<16xi1>, vector<16xi32>
    %add3A_347 = arith.addi %add3A_338, %select_n3A_346 : vector<16xi32>
    %eq3A_348 = arith.cmpf oeq, %get3A_344, %get3A_42 : vector<16xf32>
    %select_n3A_349 = arith.select %eq3A_348, %broadcast_in_dim3A_45, %broadcast_in_dim3A_43 : vector<16xi1>, vector<16xi32>
    %add3A_350 = arith.addi %add3A_341, %select_n3A_349 : vector<16xi32>
    %get3A_351 = arith.constant 544 : index
    %get3A_352 = tpu.vector_load %arg15[%get3A_351] {strides = array<i32>} : memref<1408xf32, #tpu.memory_space<vmem>>, vector<16xf32>,
    %get3A_353 = vector.shape_cast %get3A_352 : vector<16xf32> to vector<16xf32>
    %gt3A_354 = arith.cmpf ogt, %get3A_353, %get3A_42 : vector<16xf32>
    %select_n3A_355 = arith.select %gt3A_354, %broadcast_in_dim3A_45, %broadcast_in_dim3A_43 : vector<16xi1>, vector<16xi32>
    %add3A_356 = arith.addi %add3A_347, %select_n3A_355 : vector<16xi32>
    %eq3A_357 = arith.cmpf oeq, %get3A_353, %get3A_42 : vector<16xf32>
    %select_n3A_358 = arith.select %eq3A_357, %broadcast_in_dim3A_45, %broadcast_in_dim3A_43 : vector<16xi1>, vector<16xi32>
    %add3A_359 = arith.addi %add3A_350, %select_n3A_358 : vector<16xi32>
    %get3A_360 = arith.constant 560 : index
    %get3A_361 = tpu.vector_load %arg15[%get3A_360] {strides = array<i32>} : memref<1408xf32, #tpu.memory_space<vmem>>, vector<16xf32>,
    %get3A_362 = vector.shape_cast %get3A_361 : vector<16xf32> to vector<16xf32>
    %gt3A_363 = arith.cmpf ogt, %get3A_362, %get3A_42 : vector<16xf32>
    %select_n3A_364 = arith.select %gt3A_363, %broadcast_in_dim3A_45, %broadcast_in_dim3A_43 : vector<16xi1>, vector<16xi32>
    %add3A_365 = arith.addi %add3A_356, %select_n3A_364 : vector<16xi32>
    %eq3A_366 = arith.cmpf oeq, %get3A_362, %get3A_42 : vector<16xf32>
    %select_n3A_367 = arith.select %eq3A_366, %broadcast_in_dim3A_45, %broadcast_in_dim3A_43 : vector<16xi1>, vector<16xi32>
    %add3A_368 = arith.addi %add3A_359, %select_n3A_367 : vector<16xi32>
    %get3A_369 = arith.constant 576 : index
    %get3A_370 = tpu.vector_load %arg15[%get3A_369] {strides = array<i32>} : memref<1408xf32, #tpu.memory_space<vmem>>, vector<16xf32>,
    %get3A_371 = vector.shape_cast %get3A_370 : vector<16xf32> to vector<16xf32>
    %gt3A_372 = arith.cmpf ogt, %get3A_371, %get3A_42 : vector<16xf32>
    %select_n3A_373 = arith.select %gt3A_372, %broadcast_in_dim3A_45, %broadcast_in_dim3A_43 : vector<16xi1>, vector<16xi32>
    %add3A_374 = arith.addi %add3A_365, %select_n3A_373 : vector<16xi32>
    %eq3A_375 = arith.cmpf oeq, %get3A_371, %get3A_42 : vector<16xf32>
    %select_n3A_376 = arith.select %eq3A_375, %broadcast_in_dim3A_45, %broadcast_in_dim3A_43 : vector<16xi1>, vector<16xi32>
    %add3A_377 = arith.addi %add3A_368, %select_n3A_376 : vector<16xi32>
    %get3A_378 = arith.constant 592 : index
    %get3A_379 = tpu.vector_load %arg15[%get3A_378] {strides = array<i32>} : memref<1408xf32, #tpu.memory_space<vmem>>, vector<16xf32>,
    %get3A_380 = vector.shape_cast %get3A_379 : vector<16xf32> to vector<16xf32>
    %gt3A_381 = arith.cmpf ogt, %get3A_380, %get3A_42 : vector<16xf32>
    %select_n3A_382 = arith.select %gt3A_381, %broadcast_in_dim3A_45, %broadcast_in_dim3A_43 : vector<16xi1>, vector<16xi32>
    %add3A_383 = arith.addi %add3A_374, %select_n3A_382 : vector<16xi32>
    %eq3A_384 = arith.cmpf oeq, %get3A_380, %get3A_42 : vector<16xf32>
    %select_n3A_385 = arith.select %eq3A_384, %broadcast_in_dim3A_45, %broadcast_in_dim3A_43 : vector<16xi1>, vector<16xi32>
    %add3A_386 = arith.addi %add3A_377, %select_n3A_385 : vector<16xi32>
    %get3A_387 = arith.constant 608 : index
    %get3A_388 = tpu.vector_load %arg15[%get3A_387] {strides = array<i32>} : memref<1408xf32, #tpu.memory_space<vmem>>, vector<16xf32>,
    %get3A_389 = vector.shape_cast %get3A_388 : vector<16xf32> to vector<16xf32>
    %gt3A_390 = arith.cmpf ogt, %get3A_389, %get3A_42 : vector<16xf32>
    %select_n3A_391 = arith.select %gt3A_390, %broadcast_in_dim3A_45, %broadcast_in_dim3A_43 : vector<16xi1>, vector<16xi32>
    %add3A_392 = arith.addi %add3A_383, %select_n3A_391 : vector<16xi32>
    %eq3A_393 = arith.cmpf oeq, %get3A_389, %get3A_42 : vector<16xf32>
    %select_n3A_394 = arith.select %eq3A_393, %broadcast_in_dim3A_45, %broadcast_in_dim3A_43 : vector<16xi1>, vector<16xi32>
    %add3A_395 = arith.addi %add3A_386, %select_n3A_394 : vector<16xi32>
    %get3A_396 = arith.constant 624 : index
    %get3A_397 = tpu.vector_load %arg15[%get3A_396] {strides = array<i32>} : memref<1408xf32, #tpu.memory_space<vmem>>, vector<16xf32>,
    %get3A_398 = vector.shape_cast %get3A_397 : vector<16xf32> to vector<16xf32>
    %gt3A_399 = arith.cmpf ogt, %get3A_398, %get3A_42 : vector<16xf32>
    %select_n3A_400 = arith.select %gt3A_399, %broadcast_in_dim3A_45, %broadcast_in_dim3A_43 : vector<16xi1>, vector<16xi32>
    %add3A_401 = arith.addi %add3A_392, %select_n3A_400 : vector<16xi32>
    %eq3A_402 = arith.cmpf oeq, %get3A_398, %get3A_42 : vector<16xf32>
    %select_n3A_403 = arith.select %eq3A_402, %broadcast_in_dim3A_45, %broadcast_in_dim3A_43 : vector<16xi1>, vector<16xi32>
    %add3A_404 = arith.addi %add3A_395, %select_n3A_403 : vector<16xi32>
    %get3A_405 = arith.constant 640 : index
    %get3A_406 = tpu.vector_load %arg15[%get3A_405] {strides = array<i32>} : memref<1408xf32, #tpu.memory_space<vmem>>, vector<16xf32>,
    %get3A_407 = vector.shape_cast %get3A_406 : vector<16xf32> to vector<16xf32>
    %gt3A_408 = arith.cmpf ogt, %get3A_407, %get3A_42 : vector<16xf32>
    %select_n3A_409 = arith.select %gt3A_408, %broadcast_in_dim3A_45, %broadcast_in_dim3A_43 : vector<16xi1>, vector<16xi32>
    %add3A_410 = arith.addi %add3A_401, %select_n3A_409 : vector<16xi32>
    %eq3A_411 = arith.cmpf oeq, %get3A_407, %get3A_42 : vector<16xf32>
    %select_n3A_412 = arith.select %eq3A_411, %broadcast_in_dim3A_45, %broadcast_in_dim3A_43 : vector<16xi1>, vector<16xi32>
    %add3A_413 = arith.addi %add3A_404, %select_n3A_412 : vector<16xi32>
    %get3A_414 = arith.constant 656 : index
    %get3A_415 = tpu.vector_load %arg15[%get3A_414] {strides = array<i32>} : memref<1408xf32, #tpu.memory_space<vmem>>, vector<16xf32>,
    %get3A_416 = vector.shape_cast %get3A_415 : vector<16xf32> to vector<16xf32>
    %gt3A_417 = arith.cmpf ogt, %get3A_416, %get3A_42 : vector<16xf32>
    %select_n3A_418 = arith.select %gt3A_417, %broadcast_in_dim3A_45, %broadcast_in_dim3A_43 : vector<16xi1>, vector<16xi32>
    %add3A_419 = arith.addi %add3A_410, %select_n3A_418 : vector<16xi32>
    %eq3A_420 = arith.cmpf oeq, %get3A_416, %get3A_42 : vector<16xf32>
    %select_n3A_421 = arith.select %eq3A_420, %broadcast_in_dim3A_45, %broadcast_in_dim3A_43 : vector<16xi1>, vector<16xi32>
    %add3A_422 = arith.addi %add3A_413, %select_n3A_421 : vector<16xi32>
    %get3A_423 = arith.constant 672 : index
    %get3A_424 = tpu.vector_load %arg15[%get3A_423] {strides = array<i32>} : memref<1408xf32, #tpu.memory_space<vmem>>, vector<16xf32>,
    %get3A_425 = vector.shape_cast %get3A_424 : vector<16xf32> to vector<16xf32>
    %gt3A_426 = arith.cmpf ogt, %get3A_425, %get3A_42 : vector<16xf32>
    %select_n3A_427 = arith.select %gt3A_426, %broadcast_in_dim3A_45, %broadcast_in_dim3A_43 : vector<16xi1>, vector<16xi32>
    %add3A_428 = arith.addi %add3A_419, %select_n3A_427 : vector<16xi32>
    %eq3A_429 = arith.cmpf oeq, %get3A_425, %get3A_42 : vector<16xf32>
    %select_n3A_430 = arith.select %eq3A_429, %broadcast_in_dim3A_45, %broadcast_in_dim3A_43 : vector<16xi1>, vector<16xi32>
    %add3A_431 = arith.addi %add3A_422, %select_n3A_430 : vector<16xi32>
    %get3A_432 = arith.constant 688 : index
    %get3A_433 = tpu.vector_load %arg15[%get3A_432] {strides = array<i32>} : memref<1408xf32, #tpu.memory_space<vmem>>, vector<16xf32>,
    %get3A_434 = vector.shape_cast %get3A_433 : vector<16xf32> to vector<16xf32>
    %gt3A_435 = arith.cmpf ogt, %get3A_434, %get3A_42 : vector<16xf32>
    %select_n3A_436 = arith.select %gt3A_435, %broadcast_in_dim3A_45, %broadcast_in_dim3A_43 : vector<16xi1>, vector<16xi32>
    %add3A_437 = arith.addi %add3A_428, %select_n3A_436 : vector<16xi32>
    %eq3A_438 = arith.cmpf oeq, %get3A_434, %get3A_42 : vector<16xf32>
    %select_n3A_439 = arith.select %eq3A_438, %broadcast_in_dim3A_45, %broadcast_in_dim3A_43 : vector<16xi1>, vector<16xi32>
    %add3A_440 = arith.addi %add3A_431, %select_n3A_439 : vector<16xi32>
    %get3A_441 = arith.constant 704 : index
    %get3A_442 = tpu.vector_load %arg15[%get3A_441] {strides = array<i32>} : memref<1408xf32, #tpu.memory_space<vmem>>, vector<16xf32>,
    %get3A_443 = vector.shape_cast %get3A_442 : vector<16xf32> to vector<16xf32>
    %gt3A_444 = arith.cmpf ogt, %get3A_443, %get3A_42 : vector<16xf32>
    %select_n3A_445 = arith.select %gt3A_444, %broadcast_in_dim3A_45, %broadcast_in_dim3A_43 : vector<16xi1>, vector<16xi32>
    %add3A_446 = arith.addi %broadcast_in_dim3A_43, %select_n3A_445 : vector<16xi32>
    %eq3A_447 = arith.cmpf oeq, %get3A_443, %get3A_42 : vector<16xf32>
    %select_n3A_448 = arith.select %eq3A_447, %broadcast_in_dim3A_45, %broadcast_in_dim3A_43 : vector<16xi1>, vector<16xi32>
    %add3A_449 = arith.addi %broadcast_in_dim3A_43, %select_n3A_448 : vector<16xi32>
    %get3A_450 = arith.constant 720 : index
    %get3A_451 = tpu.vector_load %arg15[%get3A_450] {strides = array<i32>} : memref<1408xf32, #tpu.memory_space<vmem>>, vector<16xf32>,
    %get3A_452 = vector.shape_cast %get3A_451 : vector<16xf32> to vector<16xf32>
    %gt3A_453 = arith.cmpf ogt, %get3A_452, %get3A_42 : vector<16xf32>
    %select_n3A_454 = arith.select %gt3A_453, %broadcast_in_dim3A_45, %broadcast_in_dim3A_43 : vector<16xi1>, vector<16xi32>
    %add3A_455 = arith.addi %add3A_446, %select_n3A_454 : vector<16xi32>
    %eq3A_456 = arith.cmpf oeq, %get3A_452, %get3A_42 : vector<16xf32>
    %select_n3A_457 = arith.select %eq3A_456, %broadcast_in_dim3A_45, %broadcast_in_dim3A_43 : vector<16xi1>, vector<16xi32>
    %add3A_458 = arith.addi %add3A_449, %select_n3A_457 : vector<16xi32>
    %get3A_459 = arith.constant 736 : index
    %get3A_460 = tpu.vector_load %arg15[%get3A_459] {strides = array<i32>} : memref<1408xf32, #tpu.memory_space<vmem>>, vector<16xf32>,
    %get3A_461 = vector.shape_cast %get3A_460 : vector<16xf32> to vector<16xf32>
    %gt3A_462 = arith.cmpf ogt, %get3A_461, %get3A_42 : vector<16xf32>
    %select_n3A_463 = arith.select %gt3A_462, %broadcast_in_dim3A_45, %broadcast_in_dim3A_43 : vector<16xi1>, vector<16xi32>
    %add3A_464 = arith.addi %add3A_455, %select_n3A_463 : vector<16xi32>
    %eq3A_465 = arith.cmpf oeq, %get3A_461, %get3A_42 : vector<16xf32>
    %select_n3A_466 = arith.select %eq3A_465, %broadcast_in_dim3A_45, %broadcast_in_dim3A_43 : vector<16xi1>, vector<16xi32>
    %add3A_467 = arith.addi %add3A_458, %select_n3A_466 : vector<16xi32>
    %get3A_468 = arith.constant 752 : index
    %get3A_469 = tpu.vector_load %arg15[%get3A_468] {strides = array<i32>} : memref<1408xf32, #tpu.memory_space<vmem>>, vector<16xf32>,
    %get3A_470 = vector.shape_cast %get3A_469 : vector<16xf32> to vector<16xf32>
    %gt3A_471 = arith.cmpf ogt, %get3A_470, %get3A_42 : vector<16xf32>
    %select_n3A_472 = arith.select %gt3A_471, %broadcast_in_dim3A_45, %broadcast_in_dim3A_43 : vector<16xi1>, vector<16xi32>
    %add3A_473 = arith.addi %add3A_464, %select_n3A_472 : vector<16xi32>
    %eq3A_474 = arith.cmpf oeq, %get3A_470, %get3A_42 : vector<16xf32>
    %select_n3A_475 = arith.select %eq3A_474, %broadcast_in_dim3A_45, %broadcast_in_dim3A_43 : vector<16xi1>, vector<16xi32>
    %add3A_476 = arith.addi %add3A_467, %select_n3A_475 : vector<16xi32>
    %get3A_477 = arith.constant 768 : index
    %get3A_478 = tpu.vector_load %arg15[%get3A_477] {strides = array<i32>} : memref<1408xf32, #tpu.memory_space<vmem>>, vector<16xf32>,
    %get3A_479 = vector.shape_cast %get3A_478 : vector<16xf32> to vector<16xf32>
    %gt3A_480 = arith.cmpf ogt, %get3A_479, %get3A_42 : vector<16xf32>
    %select_n3A_481 = arith.select %gt3A_480, %broadcast_in_dim3A_45, %broadcast_in_dim3A_43 : vector<16xi1>, vector<16xi32>
    %add3A_482 = arith.addi %add3A_473, %select_n3A_481 : vector<16xi32>
    %eq3A_483 = arith.cmpf oeq, %get3A_479, %get3A_42 : vector<16xf32>
    %select_n3A_484 = arith.select %eq3A_483, %broadcast_in_dim3A_45, %broadcast_in_dim3A_43 : vector<16xi1>, vector<16xi32>
    %add3A_485 = arith.addi %add3A_476, %select_n3A_484 : vector<16xi32>
    %get3A_486 = arith.constant 784 : index
    %get3A_487 = tpu.vector_load %arg15[%get3A_486] {strides = array<i32>} : memref<1408xf32, #tpu.memory_space<vmem>>, vector<16xf32>,
    %get3A_488 = vector.shape_cast %get3A_487 : vector<16xf32> to vector<16xf32>
    %gt3A_489 = arith.cmpf ogt, %get3A_488, %get3A_42 : vector<16xf32>
    %select_n3A_490 = arith.select %gt3A_489, %broadcast_in_dim3A_45, %broadcast_in_dim3A_43 : vector<16xi1>, vector<16xi32>
    %add3A_491 = arith.addi %add3A_482, %select_n3A_490 : vector<16xi32>
    %eq3A_492 = arith.cmpf oeq, %get3A_488, %get3A_42 : vector<16xf32>
    %select_n3A_493 = arith.select %eq3A_492, %broadcast_in_dim3A_45, %broadcast_in_dim3A_43 : vector<16xi1>, vector<16xi32>
    %add3A_494 = arith.addi %add3A_485, %select_n3A_493 : vector<16xi32>
    %get3A_495 = arith.constant 800 : index
    %get3A_496 = tpu.vector_load %arg15[%get3A_495] {strides = array<i32>} : memref<1408xf32, #tpu.memory_space<vmem>>, vector<16xf32>,
    %get3A_497 = vector.shape_cast %get3A_496 : vector<16xf32> to vector<16xf32>
    %gt3A_498 = arith.cmpf ogt, %get3A_497, %get3A_42 : vector<16xf32>
    %select_n3A_499 = arith.select %gt3A_498, %broadcast_in_dim3A_45, %broadcast_in_dim3A_43 : vector<16xi1>, vector<16xi32>
    %add3A_500 = arith.addi %add3A_491, %select_n3A_499 : vector<16xi32>
    %eq3A_501 = arith.cmpf oeq, %get3A_497, %get3A_42 : vector<16xf32>
    %select_n3A_502 = arith.select %eq3A_501, %broadcast_in_dim3A_45, %broadcast_in_dim3A_43 : vector<16xi1>, vector<16xi32>
    %add3A_503 = arith.addi %add3A_494, %select_n3A_502 : vector<16xi32>
    %get3A_504 = arith.constant 816 : index
    %get3A_505 = tpu.vector_load %arg15[%get3A_504] {strides = array<i32>} : memref<1408xf32, #tpu.memory_space<vmem>>, vector<16xf32>,
    %get3A_506 = vector.shape_cast %get3A_505 : vector<16xf32> to vector<16xf32>
    %gt3A_507 = arith.cmpf ogt, %get3A_506, %get3A_42 : vector<16xf32>
    %select_n3A_508 = arith.select %gt3A_507, %broadcast_in_dim3A_45, %broadcast_in_dim3A_43 : vector<16xi1>, vector<16xi32>
    %add3A_509 = arith.addi %add3A_500, %select_n3A_508 : vector<16xi32>
    %eq3A_510 = arith.cmpf oeq, %get3A_506, %get3A_42 : vector<16xf32>
    %select_n3A_511 = arith.select %eq3A_510, %broadcast_in_dim3A_45, %broadcast_in_dim3A_43 : vector<16xi1>, vector<16xi32>
    %add3A_512 = arith.addi %add3A_503, %select_n3A_511 : vector<16xi32>
    %get3A_513 = arith.constant 832 : index
    %get3A_514 = tpu.vector_load %arg15[%get3A_513] {strides = array<i32>} : memref<1408xf32, #tpu.memory_space<vmem>>, vector<16xf32>,
    %get3A_515 = vector.shape_cast %get3A_514 : vector<16xf32> to vector<16xf32>
    %gt3A_516 = arith.cmpf ogt, %get3A_515, %get3A_42 : vector<16xf32>
    %select_n3A_517 = arith.select %gt3A_516, %broadcast_in_dim3A_45, %broadcast_in_dim3A_43 : vector<16xi1>, vector<16xi32>
    %add3A_518 = arith.addi %add3A_509, %select_n3A_517 : vector<16xi32>
    %eq3A_519 = arith.cmpf oeq, %get3A_515, %get3A_42 : vector<16xf32>
    %select_n3A_520 = arith.select %eq3A_519, %broadcast_in_dim3A_45, %broadcast_in_dim3A_43 : vector<16xi1>, vector<16xi32>
    %add3A_521 = arith.addi %add3A_512, %select_n3A_520 : vector<16xi32>
    %get3A_522 = arith.constant 848 : index
    %get3A_523 = tpu.vector_load %arg15[%get3A_522] {strides = array<i32>} : memref<1408xf32, #tpu.memory_space<vmem>>, vector<16xf32>,
    %get3A_524 = vector.shape_cast %get3A_523 : vector<16xf32> to vector<16xf32>
    %gt3A_525 = arith.cmpf ogt, %get3A_524, %get3A_42 : vector<16xf32>
    %select_n3A_526 = arith.select %gt3A_525, %broadcast_in_dim3A_45, %broadcast_in_dim3A_43 : vector<16xi1>, vector<16xi32>
    %add3A_527 = arith.addi %add3A_518, %select_n3A_526 : vector<16xi32>
    %eq3A_528 = arith.cmpf oeq, %get3A_524, %get3A_42 : vector<16xf32>
    %select_n3A_529 = arith.select %eq3A_528, %broadcast_in_dim3A_45, %broadcast_in_dim3A_43 : vector<16xi1>, vector<16xi32>
    %add3A_530 = arith.addi %add3A_521, %select_n3A_529 : vector<16xi32>
    %get3A_531 = arith.constant 864 : index
    %get3A_532 = tpu.vector_load %arg15[%get3A_531] {strides = array<i32>} : memref<1408xf32, #tpu.memory_space<vmem>>, vector<16xf32>,
    %get3A_533 = vector.shape_cast %get3A_532 : vector<16xf32> to vector<16xf32>
    %gt3A_534 = arith.cmpf ogt, %get3A_533, %get3A_42 : vector<16xf32>
    %select_n3A_535 = arith.select %gt3A_534, %broadcast_in_dim3A_45, %broadcast_in_dim3A_43 : vector<16xi1>, vector<16xi32>
    %add3A_536 = arith.addi %add3A_527, %select_n3A_535 : vector<16xi32>
    %eq3A_537 = arith.cmpf oeq, %get3A_533, %get3A_42 : vector<16xf32>
    %select_n3A_538 = arith.select %eq3A_537, %broadcast_in_dim3A_45, %broadcast_in_dim3A_43 : vector<16xi1>, vector<16xi32>
    %add3A_539 = arith.addi %add3A_530, %select_n3A_538 : vector<16xi32>
    %get3A_540 = arith.constant 880 : index
    %get3A_541 = tpu.vector_load %arg15[%get3A_540] {strides = array<i32>} : memref<1408xf32, #tpu.memory_space<vmem>>, vector<16xf32>,
    %get3A_542 = vector.shape_cast %get3A_541 : vector<16xf32> to vector<16xf32>
    %gt3A_543 = arith.cmpf ogt, %get3A_542, %get3A_42 : vector<16xf32>
    %select_n3A_544 = arith.select %gt3A_543, %broadcast_in_dim3A_45, %broadcast_in_dim3A_43 : vector<16xi1>, vector<16xi32>
    %add3A_545 = arith.addi %add3A_536, %select_n3A_544 : vector<16xi32>
    %eq3A_546 = arith.cmpf oeq, %get3A_542, %get3A_42 : vector<16xf32>
    %select_n3A_547 = arith.select %eq3A_546, %broadcast_in_dim3A_45, %broadcast_in_dim3A_43 : vector<16xi1>, vector<16xi32>
    %add3A_548 = arith.addi %add3A_539, %select_n3A_547 : vector<16xi32>
    %get3A_549 = arith.constant 896 : index
    %get3A_550 = tpu.vector_load %arg15[%get3A_549] {strides = array<i32>} : memref<1408xf32, #tpu.memory_space<vmem>>, vector<16xf32>,
    %get3A_551 = vector.shape_cast %get3A_550 : vector<16xf32> to vector<16xf32>
    %gt3A_552 = arith.cmpf ogt, %get3A_551, %get3A_42 : vector<16xf32>
    %select_n3A_553 = arith.select %gt3A_552, %broadcast_in_dim3A_45, %broadcast_in_dim3A_43 : vector<16xi1>, vector<16xi32>
    %add3A_554 = arith.addi %add3A_545, %select_n3A_553 : vector<16xi32>
    %eq3A_555 = arith.cmpf oeq, %get3A_551, %get3A_42 : vector<16xf32>
    %select_n3A_556 = arith.select %eq3A_555, %broadcast_in_dim3A_45, %broadcast_in_dim3A_43 : vector<16xi1>, vector<16xi32>
    %add3A_557 = arith.addi %add3A_548, %select_n3A_556 : vector<16xi32>
    %get3A_558 = arith.constant 912 : index
    %get3A_559 = tpu.vector_load %arg15[%get3A_558] {strides = array<i32>} : memref<1408xf32, #tpu.memory_space<vmem>>, vector<16xf32>,
    %get3A_560 = vector.shape_cast %get3A_559 : vector<16xf32> to vector<16xf32>
    %gt3A_561 = arith.cmpf ogt, %get3A_560, %get3A_42 : vector<16xf32>
    %select_n3A_562 = arith.select %gt3A_561, %broadcast_in_dim3A_45, %broadcast_in_dim3A_43 : vector<16xi1>, vector<16xi32>
    %add3A_563 = arith.addi %add3A_554, %select_n3A_562 : vector<16xi32>
    %eq3A_564 = arith.cmpf oeq, %get3A_560, %get3A_42 : vector<16xf32>
    %select_n3A_565 = arith.select %eq3A_564, %broadcast_in_dim3A_45, %broadcast_in_dim3A_43 : vector<16xi1>, vector<16xi32>
    %add3A_566 = arith.addi %add3A_557, %select_n3A_565 : vector<16xi32>
    %get3A_567 = arith.constant 928 : index
    %get3A_568 = tpu.vector_load %arg15[%get3A_567] {strides = array<i32>} : memref<1408xf32, #tpu.memory_space<vmem>>, vector<16xf32>,
    %get3A_569 = vector.shape_cast %get3A_568 : vector<16xf32> to vector<16xf32>
    %gt3A_570 = arith.cmpf ogt, %get3A_569, %get3A_42 : vector<16xf32>
    %select_n3A_571 = arith.select %gt3A_570, %broadcast_in_dim3A_45, %broadcast_in_dim3A_43 : vector<16xi1>, vector<16xi32>
    %add3A_572 = arith.addi %add3A_563, %select_n3A_571 : vector<16xi32>
    %eq3A_573 = arith.cmpf oeq, %get3A_569, %get3A_42 : vector<16xf32>
    %select_n3A_574 = arith.select %eq3A_573, %broadcast_in_dim3A_45, %broadcast_in_dim3A_43 : vector<16xi1>, vector<16xi32>
    %add3A_575 = arith.addi %add3A_566, %select_n3A_574 : vector<16xi32>
    %get3A_576 = arith.constant 944 : index
    %get3A_577 = tpu.vector_load %arg15[%get3A_576] {strides = array<i32>} : memref<1408xf32, #tpu.memory_space<vmem>>, vector<16xf32>,
    %get3A_578 = vector.shape_cast %get3A_577 : vector<16xf32> to vector<16xf32>
    %gt3A_579 = arith.cmpf ogt, %get3A_578, %get3A_42 : vector<16xf32>
    %select_n3A_580 = arith.select %gt3A_579, %broadcast_in_dim3A_45, %broadcast_in_dim3A_43 : vector<16xi1>, vector<16xi32>
    %add3A_581 = arith.addi %add3A_572, %select_n3A_580 : vector<16xi32>
    %eq3A_582 = arith.cmpf oeq, %get3A_578, %get3A_42 : vector<16xf32>
    %select_n3A_583 = arith.select %eq3A_582, %broadcast_in_dim3A_45, %broadcast_in_dim3A_43 : vector<16xi1>, vector<16xi32>
    %add3A_584 = arith.addi %add3A_575, %select_n3A_583 : vector<16xi32>
    %get3A_585 = arith.constant 960 : index
    %get3A_586 = tpu.vector_load %arg15[%get3A_585] {strides = array<i32>} : memref<1408xf32, #tpu.memory_space<vmem>>, vector<16xf32>,
    %get3A_587 = vector.shape_cast %get3A_586 : vector<16xf32> to vector<16xf32>
    %gt3A_588 = arith.cmpf ogt, %get3A_587, %get3A_42 : vector<16xf32>
    %select_n3A_589 = arith.select %gt3A_588, %broadcast_in_dim3A_45, %broadcast_in_dim3A_43 : vector<16xi1>, vector<16xi32>
    %add3A_590 = arith.addi %add3A_581, %select_n3A_589 : vector<16xi32>
    %eq3A_591 = arith.cmpf oeq, %get3A_587, %get3A_42 : vector<16xf32>
    %select_n3A_592 = arith.select %eq3A_591, %broadcast_in_dim3A_45, %broadcast_in_dim3A_43 : vector<16xi1>, vector<16xi32>
    %add3A_593 = arith.addi %add3A_584, %select_n3A_592 : vector<16xi32>
    %get3A_594 = arith.constant 976 : index
    %get3A_595 = tpu.vector_load %arg15[%get3A_594] {strides = array<i32>} : memref<1408xf32, #tpu.memory_space<vmem>>, vector<16xf32>,
    %get3A_596 = vector.shape_cast %get3A_595 : vector<16xf32> to vector<16xf32>
    %gt3A_597 = arith.cmpf ogt, %get3A_596, %get3A_42 : vector<16xf32>
    %select_n3A_598 = arith.select %gt3A_597, %broadcast_in_dim3A_45, %broadcast_in_dim3A_43 : vector<16xi1>, vector<16xi32>
    %add3A_599 = arith.addi %add3A_590, %select_n3A_598 : vector<16xi32>
    %eq3A_600 = arith.cmpf oeq, %get3A_596, %get3A_42 : vector<16xf32>
    %select_n3A_601 = arith.select %eq3A_600, %broadcast_in_dim3A_45, %broadcast_in_dim3A_43 : vector<16xi1>, vector<16xi32>
    %add3A_602 = arith.addi %add3A_593, %select_n3A_601 : vector<16xi32>
    %get3A_603 = arith.constant 992 : index
    %get3A_604 = tpu.vector_load %arg15[%get3A_603] {strides = array<i32>} : memref<1408xf32, #tpu.memory_space<vmem>>, vector<16xf32>,
    %get3A_605 = vector.shape_cast %get3A_604 : vector<16xf32> to vector<16xf32>
    %gt3A_606 = arith.cmpf ogt, %get3A_605, %get3A_42 : vector<16xf32>
    %select_n3A_607 = arith.select %gt3A_606, %broadcast_in_dim3A_45, %broadcast_in_dim3A_43 : vector<16xi1>, vector<16xi32>
    %add3A_608 = arith.addi %add3A_599, %select_n3A_607 : vector<16xi32>
    %eq3A_609 = arith.cmpf oeq, %get3A_605, %get3A_42 : vector<16xf32>
    %select_n3A_610 = arith.select %eq3A_609, %broadcast_in_dim3A_45, %broadcast_in_dim3A_43 : vector<16xi1>, vector<16xi32>
    %add3A_611 = arith.addi %add3A_602, %select_n3A_610 : vector<16xi32>
    %get3A_612 = arith.constant 1008 : index
    %get3A_613 = tpu.vector_load %arg15[%get3A_612] {strides = array<i32>} : memref<1408xf32, #tpu.memory_space<vmem>>, vector<16xf32>,
    %get3A_614 = vector.shape_cast %get3A_613 : vector<16xf32> to vector<16xf32>
    %gt3A_615 = arith.cmpf ogt, %get3A_614, %get3A_42 : vector<16xf32>
    %select_n3A_616 = arith.select %gt3A_615, %broadcast_in_dim3A_45, %broadcast_in_dim3A_43 : vector<16xi1>, vector<16xi32>
    %add3A_617 = arith.addi %add3A_608, %select_n3A_616 : vector<16xi32>
    %eq3A_618 = arith.cmpf oeq, %get3A_614, %get3A_42 : vector<16xf32>
    %select_n3A_619 = arith.select %eq3A_618, %broadcast_in_dim3A_45, %broadcast_in_dim3A_43 : vector<16xi1>, vector<16xi32>
    %add3A_620 = arith.addi %add3A_611, %select_n3A_619 : vector<16xi32>
    %get3A_621 = arith.constant 1024 : index
    %get3A_622 = tpu.vector_load %arg15[%get3A_621] {strides = array<i32>} : memref<1408xf32, #tpu.memory_space<vmem>>, vector<16xf32>,
    %get3A_623 = vector.shape_cast %get3A_622 : vector<16xf32> to vector<16xf32>
    %gt3A_624 = arith.cmpf ogt, %get3A_623, %get3A_42 : vector<16xf32>
    %select_n3A_625 = arith.select %gt3A_624, %broadcast_in_dim3A_45, %broadcast_in_dim3A_43 : vector<16xi1>, vector<16xi32>
    %add3A_626 = arith.addi %add3A_617, %select_n3A_625 : vector<16xi32>
    %eq3A_627 = arith.cmpf oeq, %get3A_623, %get3A_42 : vector<16xf32>
    %select_n3A_628 = arith.select %eq3A_627, %broadcast_in_dim3A_45, %broadcast_in_dim3A_43 : vector<16xi1>, vector<16xi32>
    %add3A_629 = arith.addi %add3A_620, %select_n3A_628 : vector<16xi32>
    %get3A_630 = arith.constant 1040 : index
    %get3A_631 = tpu.vector_load %arg15[%get3A_630] {strides = array<i32>} : memref<1408xf32, #tpu.memory_space<vmem>>, vector<16xf32>,
    %get3A_632 = vector.shape_cast %get3A_631 : vector<16xf32> to vector<16xf32>
    %gt3A_633 = arith.cmpf ogt, %get3A_632, %get3A_42 : vector<16xf32>
    %select_n3A_634 = arith.select %gt3A_633, %broadcast_in_dim3A_45, %broadcast_in_dim3A_43 : vector<16xi1>, vector<16xi32>
    %add3A_635 = arith.addi %add3A_626, %select_n3A_634 : vector<16xi32>
    %eq3A_636 = arith.cmpf oeq, %get3A_632, %get3A_42 : vector<16xf32>
    %select_n3A_637 = arith.select %eq3A_636, %broadcast_in_dim3A_45, %broadcast_in_dim3A_43 : vector<16xi1>, vector<16xi32>
    %add3A_638 = arith.addi %add3A_629, %select_n3A_637 : vector<16xi32>
    %get3A_639 = arith.constant 1056 : index
    %get3A_640 = tpu.vector_load %arg15[%get3A_639] {strides = array<i32>} : memref<1408xf32, #tpu.memory_space<vmem>>, vector<16xf32>,
    %get3A_641 = vector.shape_cast %get3A_640 : vector<16xf32> to vector<16xf32>
    %gt3A_642 = arith.cmpf ogt, %get3A_641, %get3A_42 : vector<16xf32>
    %select_n3A_643 = arith.select %gt3A_642, %broadcast_in_dim3A_45, %broadcast_in_dim3A_43 : vector<16xi1>, vector<16xi32>
    %add3A_644 = arith.addi %add3A_635, %select_n3A_643 : vector<16xi32>
    %eq3A_645 = arith.cmpf oeq, %get3A_641, %get3A_42 : vector<16xf32>
    %select_n3A_646 = arith.select %eq3A_645, %broadcast_in_dim3A_45, %broadcast_in_dim3A_43 : vector<16xi1>, vector<16xi32>
    %add3A_647 = arith.addi %add3A_638, %select_n3A_646 : vector<16xi32>
    %get3A_648 = arith.constant 1072 : index
    %get3A_649 = tpu.vector_load %arg15[%get3A_648] {strides = array<i32>} : memref<1408xf32, #tpu.memory_space<vmem>>, vector<16xf32>,
    %get3A_650 = vector.shape_cast %get3A_649 : vector<16xf32> to vector<16xf32>
    %gt3A_651 = arith.cmpf ogt, %get3A_650, %get3A_42 : vector<16xf32>
    %select_n3A_652 = arith.select %gt3A_651, %broadcast_in_dim3A_45, %broadcast_in_dim3A_43 : vector<16xi1>, vector<16xi32>
    %add3A_653 = arith.addi %add3A_644, %select_n3A_652 : vector<16xi32>
    %eq3A_654 = arith.cmpf oeq, %get3A_650, %get3A_42 : vector<16xf32>
    %select_n3A_655 = arith.select %eq3A_654, %broadcast_in_dim3A_45, %broadcast_in_dim3A_43 : vector<16xi1>, vector<16xi32>
    %add3A_656 = arith.addi %add3A_647, %select_n3A_655 : vector<16xi32>
    %get3A_657 = arith.constant 1088 : index
    %get3A_658 = tpu.vector_load %arg15[%get3A_657] {strides = array<i32>} : memref<1408xf32, #tpu.memory_space<vmem>>, vector<16xf32>,
    %get3A_659 = vector.shape_cast %get3A_658 : vector<16xf32> to vector<16xf32>
    %gt3A_660 = arith.cmpf ogt, %get3A_659, %get3A_42 : vector<16xf32>
    %select_n3A_661 = arith.select %gt3A_660, %broadcast_in_dim3A_45, %broadcast_in_dim3A_43 : vector<16xi1>, vector<16xi32>
    %add3A_662 = arith.addi %add3A_653, %select_n3A_661 : vector<16xi32>
    %eq3A_663 = arith.cmpf oeq, %get3A_659, %get3A_42 : vector<16xf32>
    %select_n3A_664 = arith.select %eq3A_663, %broadcast_in_dim3A_45, %broadcast_in_dim3A_43 : vector<16xi1>, vector<16xi32>
    %add3A_665 = arith.addi %add3A_656, %select_n3A_664 : vector<16xi32>
    %get3A_666 = arith.constant 1104 : index
    %get3A_667 = tpu.vector_load %arg15[%get3A_666] {strides = array<i32>} : memref<1408xf32, #tpu.memory_space<vmem>>, vector<16xf32>,
    %get3A_668 = vector.shape_cast %get3A_667 : vector<16xf32> to vector<16xf32>
    %gt3A_669 = arith.cmpf ogt, %get3A_668, %get3A_42 : vector<16xf32>
    %select_n3A_670 = arith.select %gt3A_669, %broadcast_in_dim3A_45, %broadcast_in_dim3A_43 : vector<16xi1>, vector<16xi32>
    %add3A_671 = arith.addi %add3A_662, %select_n3A_670 : vector<16xi32>
    %eq3A_672 = arith.cmpf oeq, %get3A_668, %get3A_42 : vector<16xf32>
    %select_n3A_673 = arith.select %eq3A_672, %broadcast_in_dim3A_45, %broadcast_in_dim3A_43 : vector<16xi1>, vector<16xi32>
    %add3A_674 = arith.addi %add3A_665, %select_n3A_673 : vector<16xi32>
    %get3A_675 = arith.constant 1120 : index
    %get3A_676 = tpu.vector_load %arg15[%get3A_675] {strides = array<i32>} : memref<1408xf32, #tpu.memory_space<vmem>>, vector<16xf32>,
    %get3A_677 = vector.shape_cast %get3A_676 : vector<16xf32> to vector<16xf32>
    %gt3A_678 = arith.cmpf ogt, %get3A_677, %get3A_42 : vector<16xf32>
    %select_n3A_679 = arith.select %gt3A_678, %broadcast_in_dim3A_45, %broadcast_in_dim3A_43 : vector<16xi1>, vector<16xi32>
    %add3A_680 = arith.addi %add3A_671, %select_n3A_679 : vector<16xi32>
    %eq3A_681 = arith.cmpf oeq, %get3A_677, %get3A_42 : vector<16xf32>
    %select_n3A_682 = arith.select %eq3A_681, %broadcast_in_dim3A_45, %broadcast_in_dim3A_43 : vector<16xi1>, vector<16xi32>
    %add3A_683 = arith.addi %add3A_674, %select_n3A_682 : vector<16xi32>
    %get3A_684 = arith.constant 1136 : index
    %get3A_685 = tpu.vector_load %arg15[%get3A_684] {strides = array<i32>} : memref<1408xf32, #tpu.memory_space<vmem>>, vector<16xf32>,
    %get3A_686 = vector.shape_cast %get3A_685 : vector<16xf32> to vector<16xf32>
    %gt3A_687 = arith.cmpf ogt, %get3A_686, %get3A_42 : vector<16xf32>
    %select_n3A_688 = arith.select %gt3A_687, %broadcast_in_dim3A_45, %broadcast_in_dim3A_43 : vector<16xi1>, vector<16xi32>
    %add3A_689 = arith.addi %add3A_680, %select_n3A_688 : vector<16xi32>
    %eq3A_690 = arith.cmpf oeq, %get3A_686, %get3A_42 : vector<16xf32>
    %select_n3A_691 = arith.select %eq3A_690, %broadcast_in_dim3A_45, %broadcast_in_dim3A_43 : vector<16xi1>, vector<16xi32>
    %add3A_692 = arith.addi %add3A_683, %select_n3A_691 : vector<16xi32>
    %get3A_693 = arith.constant 1152 : index
    %get3A_694 = tpu.vector_load %arg15[%get3A_693] {strides = array<i32>} : memref<1408xf32, #tpu.memory_space<vmem>>, vector<16xf32>,
    %get3A_695 = vector.shape_cast %get3A_694 : vector<16xf32> to vector<16xf32>
    %gt3A_696 = arith.cmpf ogt, %get3A_695, %get3A_42 : vector<16xf32>
    %select_n3A_697 = arith.select %gt3A_696, %broadcast_in_dim3A_45, %broadcast_in_dim3A_43 : vector<16xi1>, vector<16xi32>
    %add3A_698 = arith.addi %add3A_689, %select_n3A_697 : vector<16xi32>
    %eq3A_699 = arith.cmpf oeq, %get3A_695, %get3A_42 : vector<16xf32>
    %select_n3A_700 = arith.select %eq3A_699, %broadcast_in_dim3A_45, %broadcast_in_dim3A_43 : vector<16xi1>, vector<16xi32>
    %add3A_701 = arith.addi %add3A_692, %select_n3A_700 : vector<16xi32>
    %get3A_702 = arith.constant 1168 : index
    %get3A_703 = tpu.vector_load %arg15[%get3A_702] {strides = array<i32>} : memref<1408xf32, #tpu.memory_space<vmem>>, vector<16xf32>,
    %get3A_704 = vector.shape_cast %get3A_703 : vector<16xf32> to vector<16xf32>
    %gt3A_705 = arith.cmpf ogt, %get3A_704, %get3A_42 : vector<16xf32>
    %select_n3A_706 = arith.select %gt3A_705, %broadcast_in_dim3A_45, %broadcast_in_dim3A_43 : vector<16xi1>, vector<16xi32>
    %add3A_707 = arith.addi %add3A_698, %select_n3A_706 : vector<16xi32>
    %eq3A_708 = arith.cmpf oeq, %get3A_704, %get3A_42 : vector<16xf32>
    %select_n3A_709 = arith.select %eq3A_708, %broadcast_in_dim3A_45, %broadcast_in_dim3A_43 : vector<16xi1>, vector<16xi32>
    %add3A_710 = arith.addi %add3A_701, %select_n3A_709 : vector<16xi32>
    %get3A_711 = arith.constant 1184 : index
    %get3A_712 = tpu.vector_load %arg15[%get3A_711] {strides = array<i32>} : memref<1408xf32, #tpu.memory_space<vmem>>, vector<16xf32>,
    %get3A_713 = vector.shape_cast %get3A_712 : vector<16xf32> to vector<16xf32>
    %gt3A_714 = arith.cmpf ogt, %get3A_713, %get3A_42 : vector<16xf32>
    %select_n3A_715 = arith.select %gt3A_714, %broadcast_in_dim3A_45, %broadcast_in_dim3A_43 : vector<16xi1>, vector<16xi32>
    %add3A_716 = arith.addi %add3A_707, %select_n3A_715 : vector<16xi32>
    %eq3A_717 = arith.cmpf oeq, %get3A_713, %get3A_42 : vector<16xf32>
    %select_n3A_718 = arith.select %eq3A_717, %broadcast_in_dim3A_45, %broadcast_in_dim3A_43 : vector<16xi1>, vector<16xi32>
    %add3A_719 = arith.addi %add3A_710, %select_n3A_718 : vector<16xi32>
    %get3A_720 = arith.constant 1200 : index
    %get3A_721 = tpu.vector_load %arg15[%get3A_720] {strides = array<i32>} : memref<1408xf32, #tpu.memory_space<vmem>>, vector<16xf32>,
    %get3A_722 = vector.shape_cast %get3A_721 : vector<16xf32> to vector<16xf32>
    %gt3A_723 = arith.cmpf ogt, %get3A_722, %get3A_42 : vector<16xf32>
    %select_n3A_724 = arith.select %gt3A_723, %broadcast_in_dim3A_45, %broadcast_in_dim3A_43 : vector<16xi1>, vector<16xi32>
    %add3A_725 = arith.addi %add3A_716, %select_n3A_724 : vector<16xi32>
    %eq3A_726 = arith.cmpf oeq, %get3A_722, %get3A_42 : vector<16xf32>
    %select_n3A_727 = arith.select %eq3A_726, %broadcast_in_dim3A_45, %broadcast_in_dim3A_43 : vector<16xi1>, vector<16xi32>
    %add3A_728 = arith.addi %add3A_719, %select_n3A_727 : vector<16xi32>
    %get3A_729 = arith.constant 1216 : index
    %get3A_730 = tpu.vector_load %arg15[%get3A_729] {strides = array<i32>} : memref<1408xf32, #tpu.memory_space<vmem>>, vector<16xf32>,
    %get3A_731 = vector.shape_cast %get3A_730 : vector<16xf32> to vector<16xf32>
    %gt3A_732 = arith.cmpf ogt, %get3A_731, %get3A_42 : vector<16xf32>
    %select_n3A_733 = arith.select %gt3A_732, %broadcast_in_dim3A_45, %broadcast_in_dim3A_43 : vector<16xi1>, vector<16xi32>
    %add3A_734 = arith.addi %add3A_725, %select_n3A_733 : vector<16xi32>
    %eq3A_735 = arith.cmpf oeq, %get3A_731, %get3A_42 : vector<16xf32>
    %select_n3A_736 = arith.select %eq3A_735, %broadcast_in_dim3A_45, %broadcast_in_dim3A_43 : vector<16xi1>, vector<16xi32>
    %add3A_737 = arith.addi %add3A_728, %select_n3A_736 : vector<16xi32>
    %get3A_738 = arith.constant 1232 : index
    %get3A_739 = tpu.vector_load %arg15[%get3A_738] {strides = array<i32>} : memref<1408xf32, #tpu.memory_space<vmem>>, vector<16xf32>,
    %get3A_740 = vector.shape_cast %get3A_739 : vector<16xf32> to vector<16xf32>
    %gt3A_741 = arith.cmpf ogt, %get3A_740, %get3A_42 : vector<16xf32>
    %select_n3A_742 = arith.select %gt3A_741, %broadcast_in_dim3A_45, %broadcast_in_dim3A_43 : vector<16xi1>, vector<16xi32>
    %add3A_743 = arith.addi %add3A_734, %select_n3A_742 : vector<16xi32>
    %eq3A_744 = arith.cmpf oeq, %get3A_740, %get3A_42 : vector<16xf32>
    %select_n3A_745 = arith.select %eq3A_744, %broadcast_in_dim3A_45, %broadcast_in_dim3A_43 : vector<16xi1>, vector<16xi32>
    %add3A_746 = arith.addi %add3A_737, %select_n3A_745 : vector<16xi32>
    %get3A_747 = arith.constant 1248 : index
    %get3A_748 = tpu.vector_load %arg15[%get3A_747] {strides = array<i32>} : memref<1408xf32, #tpu.memory_space<vmem>>, vector<16xf32>,
    %get3A_749 = vector.shape_cast %get3A_748 : vector<16xf32> to vector<16xf32>
    %gt3A_750 = arith.cmpf ogt, %get3A_749, %get3A_42 : vector<16xf32>
    %select_n3A_751 = arith.select %gt3A_750, %broadcast_in_dim3A_45, %broadcast_in_dim3A_43 : vector<16xi1>, vector<16xi32>
    %add3A_752 = arith.addi %add3A_743, %select_n3A_751 : vector<16xi32>
    %eq3A_753 = arith.cmpf oeq, %get3A_749, %get3A_42 : vector<16xf32>
    %select_n3A_754 = arith.select %eq3A_753, %broadcast_in_dim3A_45, %broadcast_in_dim3A_43 : vector<16xi1>, vector<16xi32>
    %add3A_755 = arith.addi %add3A_746, %select_n3A_754 : vector<16xi32>
    %get3A_756 = arith.constant 1264 : index
    %get3A_757 = tpu.vector_load %arg15[%get3A_756] {strides = array<i32>} : memref<1408xf32, #tpu.memory_space<vmem>>, vector<16xf32>,
    %get3A_758 = vector.shape_cast %get3A_757 : vector<16xf32> to vector<16xf32>
    %gt3A_759 = arith.cmpf ogt, %get3A_758, %get3A_42 : vector<16xf32>
    %select_n3A_760 = arith.select %gt3A_759, %broadcast_in_dim3A_45, %broadcast_in_dim3A_43 : vector<16xi1>, vector<16xi32>
    %add3A_761 = arith.addi %add3A_752, %select_n3A_760 : vector<16xi32>
    %eq3A_762 = arith.cmpf oeq, %get3A_758, %get3A_42 : vector<16xf32>
    %select_n3A_763 = arith.select %eq3A_762, %broadcast_in_dim3A_45, %broadcast_in_dim3A_43 : vector<16xi1>, vector<16xi32>
    %add3A_764 = arith.addi %add3A_755, %select_n3A_763 : vector<16xi32>
    %get3A_765 = arith.constant 1280 : index
    %get3A_766 = tpu.vector_load %arg15[%get3A_765] {strides = array<i32>} : memref<1408xf32, #tpu.memory_space<vmem>>, vector<16xf32>,
    %get3A_767 = vector.shape_cast %get3A_766 : vector<16xf32> to vector<16xf32>
    %gt3A_768 = arith.cmpf ogt, %get3A_767, %get3A_42 : vector<16xf32>
    %select_n3A_769 = arith.select %gt3A_768, %broadcast_in_dim3A_45, %broadcast_in_dim3A_43 : vector<16xi1>, vector<16xi32>
    %add3A_770 = arith.addi %add3A_761, %select_n3A_769 : vector<16xi32>
    %eq3A_771 = arith.cmpf oeq, %get3A_767, %get3A_42 : vector<16xf32>
    %select_n3A_772 = arith.select %eq3A_771, %broadcast_in_dim3A_45, %broadcast_in_dim3A_43 : vector<16xi1>, vector<16xi32>
    %add3A_773 = arith.addi %add3A_764, %select_n3A_772 : vector<16xi32>
    %get3A_774 = arith.constant 1296 : index
    %get3A_775 = tpu.vector_load %arg15[%get3A_774] {strides = array<i32>} : memref<1408xf32, #tpu.memory_space<vmem>>, vector<16xf32>,
    %get3A_776 = vector.shape_cast %get3A_775 : vector<16xf32> to vector<16xf32>
    %gt3A_777 = arith.cmpf ogt, %get3A_776, %get3A_42 : vector<16xf32>
    %select_n3A_778 = arith.select %gt3A_777, %broadcast_in_dim3A_45, %broadcast_in_dim3A_43 : vector<16xi1>, vector<16xi32>
    %add3A_779 = arith.addi %add3A_770, %select_n3A_778 : vector<16xi32>
    %eq3A_780 = arith.cmpf oeq, %get3A_776, %get3A_42 : vector<16xf32>
    %select_n3A_781 = arith.select %eq3A_780, %broadcast_in_dim3A_45, %broadcast_in_dim3A_43 : vector<16xi1>, vector<16xi32>
    %add3A_782 = arith.addi %add3A_773, %select_n3A_781 : vector<16xi32>
    %get3A_783 = arith.constant 1312 : index
    %get3A_784 = tpu.vector_load %arg15[%get3A_783] {strides = array<i32>} : memref<1408xf32, #tpu.memory_space<vmem>>, vector<16xf32>,
    %get3A_785 = vector.shape_cast %get3A_784 : vector<16xf32> to vector<16xf32>
    %gt3A_786 = arith.cmpf ogt, %get3A_785, %get3A_42 : vector<16xf32>
    %select_n3A_787 = arith.select %gt3A_786, %broadcast_in_dim3A_45, %broadcast_in_dim3A_43 : vector<16xi1>, vector<16xi32>
    %add3A_788 = arith.addi %add3A_779, %select_n3A_787 : vector<16xi32>
    %eq3A_789 = arith.cmpf oeq, %get3A_785, %get3A_42 : vector<16xf32>
    %select_n3A_790 = arith.select %eq3A_789, %broadcast_in_dim3A_45, %broadcast_in_dim3A_43 : vector<16xi1>, vector<16xi32>
    %add3A_791 = arith.addi %add3A_782, %select_n3A_790 : vector<16xi32>
    %get3A_792 = arith.constant 1328 : index
    %get3A_793 = tpu.vector_load %arg15[%get3A_792] {strides = array<i32>} : memref<1408xf32, #tpu.memory_space<vmem>>, vector<16xf32>,
    %get3A_794 = vector.shape_cast %get3A_793 : vector<16xf32> to vector<16xf32>
    %gt3A_795 = arith.cmpf ogt, %get3A_794, %get3A_42 : vector<16xf32>
    %select_n3A_796 = arith.select %gt3A_795, %broadcast_in_dim3A_45, %broadcast_in_dim3A_43 : vector<16xi1>, vector<16xi32>
    %add3A_797 = arith.addi %add3A_788, %select_n3A_796 : vector<16xi32>
    %eq3A_798 = arith.cmpf oeq, %get3A_794, %get3A_42 : vector<16xf32>
    %select_n3A_799 = arith.select %eq3A_798, %broadcast_in_dim3A_45, %broadcast_in_dim3A_43 : vector<16xi1>, vector<16xi32>
    %add3A_800 = arith.addi %add3A_791, %select_n3A_799 : vector<16xi32>
    %get3A_801 = arith.constant 1344 : index
    %get3A_802 = tpu.vector_load %arg15[%get3A_801] {strides = array<i32>} : memref<1408xf32, #tpu.memory_space<vmem>>, vector<16xf32>,
    %get3A_803 = vector.shape_cast %get3A_802 : vector<16xf32> to vector<16xf32>
    %gt3A_804 = arith.cmpf ogt, %get3A_803, %get3A_42 : vector<16xf32>
    %select_n3A_805 = arith.select %gt3A_804, %broadcast_in_dim3A_45, %broadcast_in_dim3A_43 : vector<16xi1>, vector<16xi32>
    %add3A_806 = arith.addi %add3A_797, %select_n3A_805 : vector<16xi32>
    %eq3A_807 = arith.cmpf oeq, %get3A_803, %get3A_42 : vector<16xf32>
    %select_n3A_808 = arith.select %eq3A_807, %broadcast_in_dim3A_45, %broadcast_in_dim3A_43 : vector<16xi1>, vector<16xi32>
    %add3A_809 = arith.addi %add3A_800, %select_n3A_808 : vector<16xi32>
    %get3A_810 = arith.constant 1360 : index
    %get3A_811 = tpu.vector_load %arg15[%get3A_810] {strides = array<i32>} : memref<1408xf32, #tpu.memory_space<vmem>>, vector<16xf32>,
    %get3A_812 = vector.shape_cast %get3A_811 : vector<16xf32> to vector<16xf32>
    %gt3A_813 = arith.cmpf ogt, %get3A_812, %get3A_42 : vector<16xf32>
    %select_n3A_814 = arith.select %gt3A_813, %broadcast_in_dim3A_45, %broadcast_in_dim3A_43 : vector<16xi1>, vector<16xi32>
    %add3A_815 = arith.addi %add3A_806, %select_n3A_814 : vector<16xi32>
    %eq3A_816 = arith.cmpf oeq, %get3A_812, %get3A_42 : vector<16xf32>
    %select_n3A_817 = arith.select %eq3A_816, %broadcast_in_dim3A_45, %broadcast_in_dim3A_43 : vector<16xi1>, vector<16xi32>
    %add3A_818 = arith.addi %add3A_809, %select_n3A_817 : vector<16xi32>
    %get3A_819 = arith.constant 1376 : index
    %get3A_820 = tpu.vector_load %arg15[%get3A_819] {strides = array<i32>} : memref<1408xf32, #tpu.memory_space<vmem>>, vector<16xf32>,
    %get3A_821 = vector.shape_cast %get3A_820 : vector<16xf32> to vector<16xf32>
    %gt3A_822 = arith.cmpf ogt, %get3A_821, %get3A_42 : vector<16xf32>
    %select_n3A_823 = arith.select %gt3A_822, %broadcast_in_dim3A_45, %broadcast_in_dim3A_43 : vector<16xi1>, vector<16xi32>
    %add3A_824 = arith.addi %add3A_815, %select_n3A_823 : vector<16xi32>
    %eq3A_825 = arith.cmpf oeq, %get3A_821, %get3A_42 : vector<16xf32>
    %select_n3A_826 = arith.select %eq3A_825, %broadcast_in_dim3A_45, %broadcast_in_dim3A_43 : vector<16xi1>, vector<16xi32>
    %add3A_827 = arith.addi %add3A_818, %select_n3A_826 : vector<16xi32>
    %get3A_828 = arith.constant 1392 : index
    %get3A_829 = tpu.vector_load %arg15[%get3A_828] {strides = array<i32>} : memref<1408xf32, #tpu.memory_space<vmem>>, vector<16xf32>,
    %get3A_830 = vector.shape_cast %get3A_829 : vector<16xf32> to vector<16xf32>
    %gt3A_831 = arith.cmpf ogt, %get3A_830, %get3A_42 : vector<16xf32>
    %select_n3A_832 = arith.select %gt3A_831, %broadcast_in_dim3A_45, %broadcast_in_dim3A_43 : vector<16xi1>, vector<16xi32>
    %add3A_833 = arith.addi %add3A_824, %select_n3A_832 : vector<16xi32>
    %eq3A_834 = arith.cmpf oeq, %get3A_830, %get3A_42 : vector<16xf32>
    %select_n3A_835 = arith.select %eq3A_834, %broadcast_in_dim3A_45, %broadcast_in_dim3A_43 : vector<16xi1>, vector<16xi32>
    %add3A_836 = arith.addi %add3A_827, %select_n3A_835 : vector<16xi32>
    %add3A_837 = arith.constant 1 : i32
    %add3A_838 = vector.broadcast %add3A_837 : i32 to vector<16xi32>
    %add3A_839 = arith.addi %iota3A, %add3A_838 : vector<16xi32>
    %and3A_840 = arith.constant 15 : i32
    %and3A_841 = vector.broadcast %and3A_840 : i32 to vector<16xi32>
    %and3A_842 = arith.andi %add3A_839, %and3A_841 : vector<16xi32>
    %lt3A_843 = arith.constant 0 : i32
    %lt3A_844 = vector.broadcast %lt3A_843 : i32 to vector<16xi32>
    %lt3A_845 = arith.cmpi slt, %and3A_842, %lt3A_844 : vector<16xi32>
    %add3A_846 = arith.constant 16 : i32
    %add3A_847 = vector.broadcast %add3A_846 : i32 to vector<16xi32>
    %add3A_848 = arith.addi %and3A_842, %add3A_847 : vector<16xi32>
    %select_n3A_849 = arith.select %lt3A_845, %add3A_848, %and3A_842 : vector<16xi1>, vector<16xi32>
    %broadcast_in_dim3A_850 = vector.shape_cast %select_n3A_849 : vector<16xi32> to vector<16x1xi32>
    %gather3A = vector.shape_cast %broadcast_in_dim3A_850 : vector<16x1xi32> to vector<16xi32>
    %gather3A_851 = tpu.dynamic_gather %add3A_437[%gather3A] in [0] : vector<16xi32>, vector<16xi32> -> vector<16xi32>
    %add3A_852 = arith.addi %add3A_437, %gather3A_851 : vector<16xi32>
    %add3A_853 = arith.constant 2 : i32
    %add3A_854 = vector.broadcast %add3A_853 : i32 to vector<16xi32>
    %add3A_855 = arith.addi %iota3A, %add3A_854 : vector<16xi32>
    %and3A_856 = arith.constant 15 : i32
    %and3A_857 = vector.broadcast %and3A_856 : i32 to vector<16xi32>
    %and3A_858 = arith.andi %add3A_855, %and3A_857 : vector<16xi32>
    %lt3A_859 = arith.constant 0 : i32
    %lt3A_860 = vector.broadcast %lt3A_859 : i32 to vector<16xi32>
    %lt3A_861 = arith.cmpi slt, %and3A_858, %lt3A_860 : vector<16xi32>
    %add3A_862 = arith.constant 16 : i32
    %add3A_863 = vector.broadcast %add3A_862 : i32 to vector<16xi32>
    %add3A_864 = arith.addi %and3A_858, %add3A_863 : vector<16xi32>
    %select_n3A_865 = arith.select %lt3A_861, %add3A_864, %and3A_858 : vector<16xi1>, vector<16xi32>
    %broadcast_in_dim3A_866 = vector.shape_cast %select_n3A_865 : vector<16xi32> to vector<16x1xi32>
    %gather3A_867 = vector.shape_cast %broadcast_in_dim3A_866 : vector<16x1xi32> to vector<16xi32>
    %gather3A_868 = tpu.dynamic_gather %add3A_852[%gather3A_867] in [0] : vector<16xi32>, vector<16xi32> -> vector<16xi32>
    %add3A_869 = arith.addi %add3A_852, %gather3A_868 : vector<16xi32>
    %add3A_870 = arith.constant 4 : i32
    %add3A_871 = vector.broadcast %add3A_870 : i32 to vector<16xi32>
    %add3A_872 = arith.addi %iota3A, %add3A_871 : vector<16xi32>
    %and3A_873 = arith.constant 15 : i32
    %and3A_874 = vector.broadcast %and3A_873 : i32 to vector<16xi32>
    %and3A_875 = arith.andi %add3A_872, %and3A_874 : vector<16xi32>
    %lt3A_876 = arith.constant 0 : i32
    %lt3A_877 = vector.broadcast %lt3A_876 : i32 to vector<16xi32>
    %lt3A_878 = arith.cmpi slt, %and3A_875, %lt3A_877 : vector<16xi32>
    %add3A_879 = arith.constant 16 : i32
    %add3A_880 = vector.broadcast %add3A_879 : i32 to vector<16xi32>
    %add3A_881 = arith.addi %and3A_875, %add3A_880 : vector<16xi32>
    %select_n3A_882 = arith.select %lt3A_878, %add3A_881, %and3A_875 : vector<16xi1>, vector<16xi32>
    %broadcast_in_dim3A_883 = vector.shape_cast %select_n3A_882 : vector<16xi32> to vector<16x1xi32>
    %gather3A_884 = vector.shape_cast %broadcast_in_dim3A_883 : vector<16x1xi32> to vector<16xi32>
    %gather3A_885 = tpu.dynamic_gather %add3A_869[%gather3A_884] in [0] : vector<16xi32>, vector<16xi32> -> vector<16xi32>
    %add3A_886 = arith.addi %add3A_869, %gather3A_885 : vector<16xi32>
    %add3A_887 = arith.constant 8 : i32
    %add3A_888 = vector.broadcast %add3A_887 : i32 to vector<16xi32>
    %add3A_889 = arith.addi %iota3A, %add3A_888 : vector<16xi32>
    %and3A_890 = arith.constant 15 : i32
    %and3A_891 = vector.broadcast %and3A_890 : i32 to vector<16xi32>
    %and3A_892 = arith.andi %add3A_889, %and3A_891 : vector<16xi32>
    %lt3A_893 = arith.constant 0 : i32
    %lt3A_894 = vector.broadcast %lt3A_893 : i32 to vector<16xi32>
    %lt3A_895 = arith.cmpi slt, %and3A_892, %lt3A_894 : vector<16xi32>
    %add3A_896 = arith.constant 16 : i32
    %add3A_897 = vector.broadcast %add3A_896 : i32 to vector<16xi32>
    %add3A_898 = arith.addi %and3A_892, %add3A_897 : vector<16xi32>
    %select_n3A_899 = arith.select %lt3A_895, %add3A_898, %and3A_892 : vector<16xi1>, vector<16xi32>
    %broadcast_in_dim3A_900 = vector.shape_cast %select_n3A_899 : vector<16xi32> to vector<16x1xi32>
    %gather3A_901 = vector.shape_cast %broadcast_in_dim3A_900 : vector<16x1xi32> to vector<16xi32>
    %gather3A_902 = tpu.dynamic_gather %add3A_886[%gather3A_901] in [0] : vector<16xi32>, vector<16xi32> -> vector<16xi32>
    %add3A_903 = arith.addi %add3A_886, %gather3A_902 : vector<16xi32>
    %add3A_904 = arith.constant 1 : i32
    %add3A_905 = vector.broadcast %add3A_904 : i32 to vector<16xi32>
    %add3A_906 = arith.addi %iota3A, %add3A_905 : vector<16xi32>
    %and3A_907 = arith.constant 15 : i32
    %and3A_908 = vector.broadcast %and3A_907 : i32 to vector<16xi32>
    %and3A_909 = arith.andi %add3A_906, %and3A_908 : vector<16xi32>
    %lt3A_910 = arith.constant 0 : i32
    %lt3A_911 = vector.broadcast %lt3A_910 : i32 to vector<16xi32>
    %lt3A_912 = arith.cmpi slt, %and3A_909, %lt3A_911 : vector<16xi32>
    %add3A_913 = arith.constant 16 : i32
    %add3A_914 = vector.broadcast %add3A_913 : i32 to vector<16xi32>
    %add3A_915 = arith.addi %and3A_909, %add3A_914 : vector<16xi32>
    %select_n3A_916 = arith.select %lt3A_912, %add3A_915, %and3A_909 : vector<16xi1>, vector<16xi32>
    %broadcast_in_dim3A_917 = vector.shape_cast %select_n3A_916 : vector<16xi32> to vector<16x1xi32>
    %gather3A_918 = vector.shape_cast %broadcast_in_dim3A_917 : vector<16x1xi32> to vector<16xi32>
    %gather3A_919 = tpu.dynamic_gather %add3A_440[%gather3A_918] in [0] : vector<16xi32>, vector<16xi32> -> vector<16xi32>
    %add3A_920 = arith.addi %add3A_440, %gather3A_919 : vector<16xi32>
    %add3A_921 = arith.constant 2 : i32
    %add3A_922 = vector.broadcast %add3A_921 : i32 to vector<16xi32>
    %add3A_923 = arith.addi %iota3A, %add3A_922 : vector<16xi32>
    %and3A_924 = arith.constant 15 : i32
    %and3A_925 = vector.broadcast %and3A_924 : i32 to vector<16xi32>
    %and3A_926 = arith.andi %add3A_923, %and3A_925 : vector<16xi32>
    %lt3A_927 = arith.constant 0 : i32
    %lt3A_928 = vector.broadcast %lt3A_927 : i32 to vector<16xi32>
    %lt3A_929 = arith.cmpi slt, %and3A_926, %lt3A_928 : vector<16xi32>
    %add3A_930 = arith.constant 16 : i32
    %add3A_931 = vector.broadcast %add3A_930 : i32 to vector<16xi32>
    %add3A_932 = arith.addi %and3A_926, %add3A_931 : vector<16xi32>
    %select_n3A_933 = arith.select %lt3A_929, %add3A_932, %and3A_926 : vector<16xi1>, vector<16xi32>
    %broadcast_in_dim3A_934 = vector.shape_cast %select_n3A_933 : vector<16xi32> to vector<16x1xi32>
    %gather3A_935 = vector.shape_cast %broadcast_in_dim3A_934 : vector<16x1xi32> to vector<16xi32>
    %gather3A_936 = tpu.dynamic_gather %add3A_920[%gather3A_935] in [0] : vector<16xi32>, vector<16xi32> -> vector<16xi32>
    %add3A_937 = arith.addi %add3A_920, %gather3A_936 : vector<16xi32>
    %add3A_938 = arith.constant 4 : i32
    %add3A_939 = vector.broadcast %add3A_938 : i32 to vector<16xi32>
    %add3A_940 = arith.addi %iota3A, %add3A_939 : vector<16xi32>
    %and3A_941 = arith.constant 15 : i32
    %and3A_942 = vector.broadcast %and3A_941 : i32 to vector<16xi32>
    %and3A_943 = arith.andi %add3A_940, %and3A_942 : vector<16xi32>
    %lt3A_944 = arith.constant 0 : i32
    %lt3A_945 = vector.broadcast %lt3A_944 : i32 to vector<16xi32>
    %lt3A_946 = arith.cmpi slt, %and3A_943, %lt3A_945 : vector<16xi32>
    %add3A_947 = arith.constant 16 : i32
    %add3A_948 = vector.broadcast %add3A_947 : i32 to vector<16xi32>
    %add3A_949 = arith.addi %and3A_943, %add3A_948 : vector<16xi32>
    %select_n3A_950 = arith.select %lt3A_946, %add3A_949, %and3A_943 : vector<16xi1>, vector<16xi32>
    %broadcast_in_dim3A_951 = vector.shape_cast %select_n3A_950 : vector<16xi32> to vector<16x1xi32>
    %gather3A_952 = vector.shape_cast %broadcast_in_dim3A_951 : vector<16x1xi32> to vector<16xi32>
    %gather3A_953 = tpu.dynamic_gather %add3A_937[%gather3A_952] in [0] : vector<16xi32>, vector<16xi32> -> vector<16xi32>
    %add3A_954 = arith.addi %add3A_937, %gather3A_953 : vector<16xi32>
    %add3A_955 = arith.constant 8 : i32
    %add3A_956 = vector.broadcast %add3A_955 : i32 to vector<16xi32>
    %add3A_957 = arith.addi %iota3A, %add3A_956 : vector<16xi32>
    %and3A_958 = arith.constant 15 : i32
    %and3A_959 = vector.broadcast %and3A_958 : i32 to vector<16xi32>
    %and3A_960 = arith.andi %add3A_957, %and3A_959 : vector<16xi32>
    %lt3A_961 = arith.constant 0 : i32
    %lt3A_962 = vector.broadcast %lt3A_961 : i32 to vector<16xi32>
    %lt3A_963 = arith.cmpi slt, %and3A_960, %lt3A_962 : vector<16xi32>
    %add3A_964 = arith.constant 16 : i32
    %add3A_965 = vector.broadcast %add3A_964 : i32 to vector<16xi32>
    %add3A_966 = arith.addi %and3A_960, %add3A_965 : vector<16xi32>
    %select_n3A_967 = arith.select %lt3A_963, %add3A_966, %and3A_960 : vector<16xi1>, vector<16xi32>
    %broadcast_in_dim3A_968 = vector.shape_cast %select_n3A_967 : vector<16xi32> to vector<16x1xi32>
    %gather3A_969 = vector.shape_cast %broadcast_in_dim3A_968 : vector<16x1xi32> to vector<16xi32>
    %gather3A_970 = tpu.dynamic_gather %add3A_954[%gather3A_969] in [0] : vector<16xi32>, vector<16xi32> -> vector<16xi32>
    %add3A_971 = arith.addi %add3A_954, %gather3A_970 : vector<16xi32>
    %add3A_972 = arith.constant 1 : i32
    %add3A_973 = vector.broadcast %add3A_972 : i32 to vector<16xi32>
    %add3A_974 = arith.addi %iota3A, %add3A_973 : vector<16xi32>
    %and3A_975 = arith.constant 15 : i32
    %and3A_976 = vector.broadcast %and3A_975 : i32 to vector<16xi32>
    %and3A_977 = arith.andi %add3A_974, %and3A_976 : vector<16xi32>
    %lt3A_978 = arith.constant 0 : i32
    %lt3A_979 = vector.broadcast %lt3A_978 : i32 to vector<16xi32>
    %lt3A_980 = arith.cmpi slt, %and3A_977, %lt3A_979 : vector<16xi32>
    %add3A_981 = arith.constant 16 : i32
    %add3A_982 = vector.broadcast %add3A_981 : i32 to vector<16xi32>
    %add3A_983 = arith.addi %and3A_977, %add3A_982 : vector<16xi32>
    %select_n3A_984 = arith.select %lt3A_980, %add3A_983, %and3A_977 : vector<16xi1>, vector<16xi32>
    %broadcast_in_dim3A_985 = vector.shape_cast %select_n3A_984 : vector<16xi32> to vector<16x1xi32>
    %gather3A_986 = vector.shape_cast %broadcast_in_dim3A_985 : vector<16x1xi32> to vector<16xi32>
    %gather3A_987 = tpu.dynamic_gather %add3A_833[%gather3A_986] in [0] : vector<16xi32>, vector<16xi32> -> vector<16xi32>
    %add3A_988 = arith.addi %add3A_833, %gather3A_987 : vector<16xi32>
    %add3A_989 = arith.constant 2 : i32
    %add3A_990 = vector.broadcast %add3A_989 : i32 to vector<16xi32>
    %add3A_991 = arith.addi %iota3A, %add3A_990 : vector<16xi32>
    %and3A_992 = arith.constant 15 : i32
    %and3A_993 = vector.broadcast %and3A_992 : i32 to vector<16xi32>
    %and3A_994 = arith.andi %add3A_991, %and3A_993 : vector<16xi32>
    %lt3A_995 = arith.constant 0 : i32
    %lt3A_996 = vector.broadcast %lt3A_995 : i32 to vector<16xi32>
    %lt3A_997 = arith.cmpi slt, %and3A_994, %lt3A_996 : vector<16xi32>
    %add3A_998 = arith.constant 16 : i32
    %add3A_999 = vector.broadcast %add3A_998 : i32 to vector<16xi32>
    %add3A_1000 = arith.addi %and3A_994, %add3A_999 : vector<16xi32>
    %select_n3A_1001 = arith.select %lt3A_997, %add3A_1000, %and3A_994 : vector<16xi1>, vector<16xi32>
    %broadcast_in_dim3A_1002 = vector.shape_cast %select_n3A_1001 : vector<16xi32> to vector<16x1xi32>
    %gather3A_1003 = vector.shape_cast %broadcast_in_dim3A_1002 : vector<16x1xi32> to vector<16xi32>
    %gather3A_1004 = tpu.dynamic_gather %add3A_988[%gather3A_1003] in [0] : vector<16xi32>, vector<16xi32> -> vector<16xi32>
    %add3A_1005 = arith.addi %add3A_988, %gather3A_1004 : vector<16xi32>
    %add3A_1006 = arith.constant 4 : i32
    %add3A_1007 = vector.broadcast %add3A_1006 : i32 to vector<16xi32>
    %add3A_1008 = arith.addi %iota3A, %add3A_1007 : vector<16xi32>
    %and3A_1009 = arith.constant 15 : i32
    %and3A_1010 = vector.broadcast %and3A_1009 : i32 to vector<16xi32>
    %and3A_1011 = arith.andi %add3A_1008, %and3A_1010 : vector<16xi32>
    %lt3A_1012 = arith.constant 0 : i32
    %lt3A_1013 = vector.broadcast %lt3A_1012 : i32 to vector<16xi32>
    %lt3A_1014 = arith.cmpi slt, %and3A_1011, %lt3A_1013 : vector<16xi32>
    %add3A_1015 = arith.constant 16 : i32
    %add3A_1016 = vector.broadcast %add3A_1015 : i32 to vector<16xi32>
    %add3A_1017 = arith.addi %and3A_1011, %add3A_1016 : vector<16xi32>
    %select_n3A_1018 = arith.select %lt3A_1014, %add3A_1017, %and3A_1011 : vector<16xi1>, vector<16xi32>
    %broadcast_in_dim3A_1019 = vector.shape_cast %select_n3A_1018 : vector<16xi32> to vector<16x1xi32>
    %gather3A_1020 = vector.shape_cast %broadcast_in_dim3A_1019 : vector<16x1xi32> to vector<16xi32>
    %gather3A_1021 = tpu.dynamic_gather %add3A_1005[%gather3A_1020] in [0] : vector<16xi32>, vector<16xi32> -> vector<16xi32>
    %add3A_1022 = arith.addi %add3A_1005, %gather3A_1021 : vector<16xi32>
    %add3A_1023 = arith.constant 8 : i32
    %add3A_1024 = vector.broadcast %add3A_1023 : i32 to vector<16xi32>
    %add3A_1025 = arith.addi %iota3A, %add3A_1024 : vector<16xi32>
    %and3A_1026 = arith.constant 15 : i32
    %and3A_1027 = vector.broadcast %and3A_1026 : i32 to vector<16xi32>
    %and3A_1028 = arith.andi %add3A_1025, %and3A_1027 : vector<16xi32>
    %lt3A_1029 = arith.constant 0 : i32
    %lt3A_1030 = vector.broadcast %lt3A_1029 : i32 to vector<16xi32>
    %lt3A_1031 = arith.cmpi slt, %and3A_1028, %lt3A_1030 : vector<16xi32>
    %add3A_1032 = arith.constant 16 : i32
    %add3A_1033 = vector.broadcast %add3A_1032 : i32 to vector<16xi32>
    %add3A_1034 = arith.addi %and3A_1028, %add3A_1033 : vector<16xi32>
    %select_n3A_1035 = arith.select %lt3A_1031, %add3A_1034, %and3A_1028 : vector<16xi1>, vector<16xi32>
    %broadcast_in_dim3A_1036 = vector.shape_cast %select_n3A_1035 : vector<16xi32> to vector<16x1xi32>
    %gather3A_1037 = vector.shape_cast %broadcast_in_dim3A_1036 : vector<16x1xi32> to vector<16xi32>
    %gather3A_1038 = tpu.dynamic_gather %add3A_1022[%gather3A_1037] in [0] : vector<16xi32>, vector<16xi32> -> vector<16xi32>
    %add3A_1039 = arith.addi %add3A_1022, %gather3A_1038 : vector<16xi32>
    %add3A_1040 = arith.constant 1 : i32
    %add3A_1041 = vector.broadcast %add3A_1040 : i32 to vector<16xi32>
    %add3A_1042 = arith.addi %iota3A, %add3A_1041 : vector<16xi32>
    %and3A_1043 = arith.constant 15 : i32
    %and3A_1044 = vector.broadcast %and3A_1043 : i32 to vector<16xi32>
    %and3A_1045 = arith.andi %add3A_1042, %and3A_1044 : vector<16xi32>
    %lt3A_1046 = arith.constant 0 : i32
    %lt3A_1047 = vector.broadcast %lt3A_1046 : i32 to vector<16xi32>
    %lt3A_1048 = arith.cmpi slt, %and3A_1045, %lt3A_1047 : vector<16xi32>
    %add3A_1049 = arith.constant 16 : i32
    %add3A_1050 = vector.broadcast %add3A_1049 : i32 to vector<16xi32>
    %add3A_1051 = arith.addi %and3A_1045, %add3A_1050 : vector<16xi32>
    %select_n3A_1052 = arith.select %lt3A_1048, %add3A_1051, %and3A_1045 : vector<16xi1>, vector<16xi32>
    %broadcast_in_dim3A_1053 = vector.shape_cast %select_n3A_1052 : vector<16xi32> to vector<16x1xi32>
    %gather3A_1054 = vector.shape_cast %broadcast_in_dim3A_1053 : vector<16x1xi32> to vector<16xi32>
    %gather3A_1055 = tpu.dynamic_gather %add3A_836[%gather3A_1054] in [0] : vector<16xi32>, vector<16xi32> -> vector<16xi32>
    %add3A_1056 = arith.addi %add3A_836, %gather3A_1055 : vector<16xi32>
    %add3A_1057 = arith.constant 2 : i32
    %add3A_1058 = vector.broadcast %add3A_1057 : i32 to vector<16xi32>
    %add3A_1059 = arith.addi %iota3A, %add3A_1058 : vector<16xi32>
    %and3A_1060 = arith.constant 15 : i32
    %and3A_1061 = vector.broadcast %and3A_1060 : i32 to vector<16xi32>
    %and3A_1062 = arith.andi %add3A_1059, %and3A_1061 : vector<16xi32>
    %lt3A_1063 = arith.constant 0 : i32
    %lt3A_1064 = vector.broadcast %lt3A_1063 : i32 to vector<16xi32>
    %lt3A_1065 = arith.cmpi slt, %and3A_1062, %lt3A_1064 : vector<16xi32>
    %add3A_1066 = arith.constant 16 : i32
    %add3A_1067 = vector.broadcast %add3A_1066 : i32 to vector<16xi32>
    %add3A_1068 = arith.addi %and3A_1062, %add3A_1067 : vector<16xi32>
    %select_n3A_1069 = arith.select %lt3A_1065, %add3A_1068, %and3A_1062 : vector<16xi1>, vector<16xi32>
    %broadcast_in_dim3A_1070 = vector.shape_cast %select_n3A_1069 : vector<16xi32> to vector<16x1xi32>
    %gather3A_1071 = vector.shape_cast %broadcast_in_dim3A_1070 : vector<16x1xi32> to vector<16xi32>
    %gather3A_1072 = tpu.dynamic_gather %add3A_1056[%gather3A_1071] in [0] : vector<16xi32>, vector<16xi32> -> vector<16xi32>
    %add3A_1073 = arith.addi %add3A_1056, %gather3A_1072 : vector<16xi32>
    %add3A_1074 = arith.constant 4 : i32
    %add3A_1075 = vector.broadcast %add3A_1074 : i32 to vector<16xi32>
    %add3A_1076 = arith.addi %iota3A, %add3A_1075 : vector<16xi32>
    %and3A_1077 = arith.constant 15 : i32
    %and3A_1078 = vector.broadcast %and3A_1077 : i32 to vector<16xi32>
    %and3A_1079 = arith.andi %add3A_1076, %and3A_1078 : vector<16xi32>
    %lt3A_1080 = arith.constant 0 : i32
    %lt3A_1081 = vector.broadcast %lt3A_1080 : i32 to vector<16xi32>
    %lt3A_1082 = arith.cmpi slt, %and3A_1079, %lt3A_1081 : vector<16xi32>
    %add3A_1083 = arith.constant 16 : i32
    %add3A_1084 = vector.broadcast %add3A_1083 : i32 to vector<16xi32>
    %add3A_1085 = arith.addi %and3A_1079, %add3A_1084 : vector<16xi32>
    %select_n3A_1086 = arith.select %lt3A_1082, %add3A_1085, %and3A_1079 : vector<16xi1>, vector<16xi32>
    %broadcast_in_dim3A_1087 = vector.shape_cast %select_n3A_1086 : vector<16xi32> to vector<16x1xi32>
    %gather3A_1088 = vector.shape_cast %broadcast_in_dim3A_1087 : vector<16x1xi32> to vector<16xi32>
    %gather3A_1089 = tpu.dynamic_gather %add3A_1073[%gather3A_1088] in [0] : vector<16xi32>, vector<16xi32> -> vector<16xi32>
    %add3A_1090 = arith.addi %add3A_1073, %gather3A_1089 : vector<16xi32>
    %add3A_1091 = arith.constant 8 : i32
    %add3A_1092 = vector.broadcast %add3A_1091 : i32 to vector<16xi32>
    %add3A_1093 = arith.addi %iota3A, %add3A_1092 : vector<16xi32>
    %and3A_1094 = arith.constant 15 : i32
    %and3A_1095 = vector.broadcast %and3A_1094 : i32 to vector<16xi32>
    %and3A_1096 = arith.andi %add3A_1093, %and3A_1095 : vector<16xi32>
    %lt3A_1097 = arith.constant 0 : i32
    %lt3A_1098 = vector.broadcast %lt3A_1097 : i32 to vector<16xi32>
    %lt3A_1099 = arith.cmpi slt, %and3A_1096, %lt3A_1098 : vector<16xi32>
    %add3A_1100 = arith.constant 16 : i32
    %add3A_1101 = vector.broadcast %add3A_1100 : i32 to vector<16xi32>
    %add3A_1102 = arith.addi %and3A_1096, %add3A_1101 : vector<16xi32>
    %select_n3A_1103 = arith.select %lt3A_1099, %add3A_1102, %and3A_1096 : vector<16xi1>, vector<16xi32>
    %broadcast_in_dim3A_1104 = vector.shape_cast %select_n3A_1103 : vector<16xi32> to vector<16x1xi32>
    %gather3A_1105 = vector.shape_cast %broadcast_in_dim3A_1104 : vector<16x1xi32> to vector<16xi32>
    %gather3A_1106 = tpu.dynamic_gather %add3A_1090[%gather3A_1105] in [0] : vector<16xi32>, vector<16xi32> -> vector<16xi32>
    %add3A_1107 = arith.addi %add3A_1090, %gather3A_1106 : vector<16xi32>
    %mul3A_1108 = arith.constant 2 : i32
    %mul3A_1109 = arith.muli %mul3A_1108, %select_n3A_35 : i32
    %add3A_1110 = arith.addi %mul3A_1109, %arg0 : i32
    %add3A_1111 = vector.broadcast %add3A_1110 : i32 to vector<16xi32>
    %add3A_1112 = arith.addi %broadcast_in_dim3A_43, %add3A_1111 : vector<16xi32>
    %mul3A_1113 = arith.constant 2 : i32
    %mul3A_1114 = arith.muli %mul3A_1113, %select_n3A_35 : i32
    %sub3A_1115 = arith.constant 1 : i32
    %sub3A_1116 = arith.subi %sub3A_1115, %arg0 : i32
    %add3A_1117 = arith.addi %mul3A_1114, %sub3A_1116 : i32
    %add3A_1118 = vector.broadcast %add3A_1117 : i32 to vector<16xi32>
    %add3A_1119 = arith.addi %broadcast_in_dim3A_43, %add3A_1118 : vector<16xi32>
    %mul3A_1120 = arith.constant 8 : i32
    %mul3A_1121 = arith.muli %select_n3A, %mul3A_1120 : i32
    %add3A_1122 = arith.addi %mul3A_1121, %select_n3A_35 : i32
    %eq3A_1123 = arith.cmpi eq, %iota3A, %add3A_1112 : vector<16xi32>
    %eq3A_1124 = arith.cmpi eq, %iota3A, %add3A_1119 : vector<16xi32>
    %select_n3A_1125 = arith.select %eq3A_1124, %add3A_1039, %broadcast_in_dim3A_43 : vector<16xi1>, vector<16xi32>
    %select_n3A_1126 = arith.select %eq3A_1123, %add3A_903, %select_n3A_1125 : vector<16xi1>, vector<16xi32>
    %swap3A = arith.constant 0 : index
    %swap3A_1127 = tpu.vector_load %arg27[%swap3A] {strides = array<i32>} : memref<16xi32, #tpu.memory_space<vmem>>, vector<16xi32>,
    %swap3A_1128 = vector.shape_cast %swap3A_1127 : vector<16xi32> to vector<16xi32>
    %swap3A_1129 = vector.shape_cast %select_n3A_1126 : vector<16xi32> to vector<16xi32>
    tpu.vector_store %arg27[%swap3A], %swap3A_1129 {strides = array<i32>} : memref<16xi32, #tpu.memory_space<vmem>>, vector<16xi32>,
    "tpu.region"() ({
      %run_scoped3A = tpu.sem_alloc : memref<!tpu.dma_semaphore, #tpu.memory_space<semaphore_mem>>
      %dma_start3A = arith.constant 0 : i32
      %dma_start3A_2426 = tpu.memref_slice %arg30[%add3A_1122, %dma_start3A] : memref<32x16xi32, #tpu.memory_space<vmem_shared>> -> memref<1x16xi32, #tpu.memory_space<vmem_shared>>
      %dma_start3A_2427 = tpu.memref_squeeze %dma_start3A_2426 : memref<1x16xi32, #tpu.memory_space<vmem_shared>> -> memref<16xi32, #tpu.memory_space<vmem_shared>>
      %dma_start3A_2428 = arith.constant 0 : i32
      %dma_start3A_2429 = tpu.memref_slice %arg30[%add3A_1122, %dma_start3A_2428] : memref<32x16xi32, #tpu.memory_space<vmem_shared>> -> memref<1x16xi32, #tpu.memory_space<vmem_shared>>
      %dma_start3A_2430 = tpu.memref_squeeze %dma_start3A_2429 : memref<1x16xi32, #tpu.memory_space<vmem_shared>> -> memref<16xi32, #tpu.memory_space<vmem_shared>>
      tpu.enqueue_dma source(%arg27 : memref<16xi32, #tpu.memory_space<vmem>>) target(%dma_start3A_2430 : memref<16xi32, #tpu.memory_space<vmem_shared>>) target_semaphore(%run_scoped3A : memref<!tpu.dma_semaphore, #tpu.memory_space<semaphore_mem>>)
      %dma_wait3A = arith.constant 0 : i32
      %dma_wait3A_2431 = tpu.memref_slice %arg30[%add3A_1122, %dma_wait3A] : memref<32x16xi32, #tpu.memory_space<vmem_shared>> -> memref<1x16xi32, #tpu.memory_space<vmem_shared>>
      %dma_wait3A_2432 = tpu.memref_squeeze %dma_wait3A_2431 : memref<1x16xi32, #tpu.memory_space<vmem_shared>> -> memref<16xi32, #tpu.memory_space<vmem_shared>>
      %dma_wait3A_2433 = arith.constant 0 : i32
      %dma_wait3A_2434 = tpu.memref_slice %arg30[%add3A_1122, %dma_wait3A_2433] : memref<32x16xi32, #tpu.memory_space<vmem_shared>> -> memref<1x16xi32, #tpu.memory_space<vmem_shared>>
      %dma_wait3A_2435 = tpu.memref_squeeze %dma_wait3A_2434 : memref<1x16xi32, #tpu.memory_space<vmem_shared>> -> memref<16xi32, #tpu.memory_space<vmem_shared>>
      tpu.wait_dma2 semaphore(%run_scoped3A : memref<!tpu.dma_semaphore, #tpu.memory_space<semaphore_mem>>) src(%arg27 : memref<16xi32, #tpu.memory_space<vmem>>) dst(%dma_wait3A_2435 : memref<16xi32, #tpu.memory_space<vmem_shared>>)
      tpu.yield
    }) : () -> ()
    %eq3A_1130 = arith.cmpi eq, %iota3A, %add3A_1112 : vector<16xi32>
    %eq3A_1131 = arith.cmpi eq, %iota3A, %add3A_1119 : vector<16xi32>
    %select_n3A_1132 = arith.select %eq3A_1131, %add3A_1107, %broadcast_in_dim3A_43 : vector<16xi1>, vector<16xi32>
    %select_n3A_1133 = arith.select %eq3A_1130, %add3A_971, %select_n3A_1132 : vector<16xi1>, vector<16xi32>
    %swap3A_1134 = arith.constant 0 : index
    %swap3A_1135 = tpu.vector_load %arg27[%swap3A_1134] {strides = array<i32>} : memref<16xi32, #tpu.memory_space<vmem>>, vector<16xi32>,
    %swap3A_1136 = vector.shape_cast %swap3A_1135 : vector<16xi32> to vector<16xi32>
    %swap3A_1137 = vector.shape_cast %select_n3A_1133 : vector<16xi32> to vector<16xi32>
    tpu.vector_store %arg27[%swap3A_1134], %swap3A_1137 {strides = array<i32>} : memref<16xi32, #tpu.memory_space<vmem>>, vector<16xi32>,
    %add3A_1138 = arith.constant 16 : i32
    %add3A_1139 = arith.addi %add3A_1138, %add3A_1122 : i32
    "tpu.region"() ({
      %run_scoped3A = tpu.sem_alloc : memref<!tpu.dma_semaphore, #tpu.memory_space<semaphore_mem>>
      %dma_start3A = arith.constant 0 : i32
      %dma_start3A_2426 = tpu.memref_slice %arg30[%add3A_1139, %dma_start3A] : memref<32x16xi32, #tpu.memory_space<vmem_shared>> -> memref<1x16xi32, #tpu.memory_space<vmem_shared>>
      %dma_start3A_2427 = tpu.memref_squeeze %dma_start3A_2426 : memref<1x16xi32, #tpu.memory_space<vmem_shared>> -> memref<16xi32, #tpu.memory_space<vmem_shared>>
      %dma_start3A_2428 = arith.constant 0 : i32
      %dma_start3A_2429 = tpu.memref_slice %arg30[%add3A_1139, %dma_start3A_2428] : memref<32x16xi32, #tpu.memory_space<vmem_shared>> -> memref<1x16xi32, #tpu.memory_space<vmem_shared>>
      %dma_start3A_2430 = tpu.memref_squeeze %dma_start3A_2429 : memref<1x16xi32, #tpu.memory_space<vmem_shared>> -> memref<16xi32, #tpu.memory_space<vmem_shared>>
      tpu.enqueue_dma source(%arg27 : memref<16xi32, #tpu.memory_space<vmem>>) target(%dma_start3A_2430 : memref<16xi32, #tpu.memory_space<vmem_shared>>) target_semaphore(%run_scoped3A : memref<!tpu.dma_semaphore, #tpu.memory_space<semaphore_mem>>)
      %dma_wait3A = arith.constant 0 : i32
      %dma_wait3A_2431 = tpu.memref_slice %arg30[%add3A_1139, %dma_wait3A] : memref<32x16xi32, #tpu.memory_space<vmem_shared>> -> memref<1x16xi32, #tpu.memory_space<vmem_shared>>
      %dma_wait3A_2432 = tpu.memref_squeeze %dma_wait3A_2431 : memref<1x16xi32, #tpu.memory_space<vmem_shared>> -> memref<16xi32, #tpu.memory_space<vmem_shared>>
      %dma_wait3A_2433 = arith.constant 0 : i32
      %dma_wait3A_2434 = tpu.memref_slice %arg30[%add3A_1139, %dma_wait3A_2433] : memref<32x16xi32, #tpu.memory_space<vmem_shared>> -> memref<1x16xi32, #tpu.memory_space<vmem_shared>>
      %dma_wait3A_2435 = tpu.memref_squeeze %dma_wait3A_2434 : memref<1x16xi32, #tpu.memory_space<vmem_shared>> -> memref<16xi32, #tpu.memory_space<vmem_shared>>
      tpu.wait_dma2 semaphore(%run_scoped3A : memref<!tpu.dma_semaphore, #tpu.memory_space<semaphore_mem>>) src(%arg27 : memref<16xi32, #tpu.memory_space<vmem>>) dst(%dma_wait3A_2435 : memref<16xi32, #tpu.memory_space<vmem_shared>>)
      tpu.yield
    }) : () -> ()
    %barrier3A = arith.constant 0 : index
    tpu.barrier barrier_id(%barrier3A)
    "tpu.region"() ({
      %run_scoped3A = tpu.sem_alloc : memref<!tpu.dma_semaphore, #tpu.memory_space<semaphore_mem>>
      tpu.enqueue_dma source(%arg30 : memref<32x16xi32, #tpu.memory_space<vmem_shared>>) target(%arg28 : memref<32x16xi32, #tpu.memory_space<vmem>>) target_semaphore(%run_scoped3A : memref<!tpu.dma_semaphore, #tpu.memory_space<semaphore_mem>>)
      tpu.wait_dma2 semaphore(%run_scoped3A : memref<!tpu.dma_semaphore, #tpu.memory_space<semaphore_mem>>) src(%arg30 : memref<32x16xi32, #tpu.memory_space<vmem_shared>>) dst(%arg28 : memref<32x16xi32, #tpu.memory_space<vmem>>)
      tpu.yield
    }) : () -> ()
    %get3A_1140 = arith.constant 0 : i32
    %get3A_1141 = arith.index_cast %get3A_1140 : i32 to index
    %get3A_1142 = arith.constant 0 : index
    %get3A_1143 = tpu.vector_load %arg28[%get3A_1141, %get3A_1142] {strides = array<i32>} : memref<32x16xi32, #tpu.memory_space<vmem>>, vector<1x16xi32>,
    %get3A_1144 = vector.shape_cast %get3A_1143 : vector<1x16xi32> to vector<16xi32>
    %add3A_1145 = arith.addi %broadcast_in_dim3A_43, %get3A_1144 : vector<16xi32>
    %get3A_1146 = arith.constant 8 : i32
    %get3A_1147 = arith.index_cast %get3A_1146 : i32 to index
    %get3A_1148 = arith.constant 0 : index
    %get3A_1149 = tpu.vector_load %arg28[%get3A_1147, %get3A_1148] {strides = array<i32>} : memref<32x16xi32, #tpu.memory_space<vmem>>, vector<1x16xi32>,
    %get3A_1150 = vector.shape_cast %get3A_1149 : vector<1x16xi32> to vector<16xi32>
    %add3A_1151 = arith.addi %broadcast_in_dim3A_43, %get3A_1150 : vector<16xi32>
    %get3A_1152 = arith.constant 16 : i32
    %get3A_1153 = arith.index_cast %get3A_1152 : i32 to index
    %get3A_1154 = arith.constant 0 : index
    %get3A_1155 = tpu.vector_load %arg28[%get3A_1153, %get3A_1154] {strides = array<i32>} : memref<32x16xi32, #tpu.memory_space<vmem>>, vector<1x16xi32>,
    %get3A_1156 = vector.shape_cast %get3A_1155 : vector<1x16xi32> to vector<16xi32>
    %add3A_1157 = arith.addi %broadcast_in_dim3A_43, %get3A_1156 : vector<16xi32>
    %get3A_1158 = arith.constant 24 : i32
    %get3A_1159 = arith.index_cast %get3A_1158 : i32 to index
    %get3A_1160 = arith.constant 0 : index
    %get3A_1161 = tpu.vector_load %arg28[%get3A_1159, %get3A_1160] {strides = array<i32>} : memref<32x16xi32, #tpu.memory_space<vmem>>, vector<1x16xi32>,
    %get3A_1162 = vector.shape_cast %get3A_1161 : vector<1x16xi32> to vector<16xi32>
    %add3A_1163 = arith.addi %broadcast_in_dim3A_43, %get3A_1162 : vector<16xi32>
    %get3A_1164 = arith.constant 1 : i32
    %get3A_1165 = arith.index_cast %get3A_1164 : i32 to index
    %get3A_1166 = arith.constant 0 : index
    %get3A_1167 = tpu.vector_load %arg28[%get3A_1165, %get3A_1166] {strides = array<i32>} : memref<32x16xi32, #tpu.memory_space<vmem>>, vector<1x16xi32>,
    %get3A_1168 = vector.shape_cast %get3A_1167 : vector<1x16xi32> to vector<16xi32>
    %add3A_1169 = arith.addi %add3A_1145, %get3A_1168 : vector<16xi32>
    %get3A_1170 = arith.constant 9 : i32
    %get3A_1171 = arith.index_cast %get3A_1170 : i32 to index
    %get3A_1172 = arith.constant 0 : index
    %get3A_1173 = tpu.vector_load %arg28[%get3A_1171, %get3A_1172] {strides = array<i32>} : memref<32x16xi32, #tpu.memory_space<vmem>>, vector<1x16xi32>,
    %get3A_1174 = vector.shape_cast %get3A_1173 : vector<1x16xi32> to vector<16xi32>
    %add3A_1175 = arith.addi %add3A_1151, %get3A_1174 : vector<16xi32>
    %get3A_1176 = arith.constant 17 : i32
    %get3A_1177 = arith.index_cast %get3A_1176 : i32 to index
    %get3A_1178 = arith.constant 0 : index
    %get3A_1179 = tpu.vector_load %arg28[%get3A_1177, %get3A_1178] {strides = array<i32>} : memref<32x16xi32, #tpu.memory_space<vmem>>, vector<1x16xi32>,
    %get3A_1180 = vector.shape_cast %get3A_1179 : vector<1x16xi32> to vector<16xi32>
    %add3A_1181 = arith.addi %add3A_1157, %get3A_1180 : vector<16xi32>
    %get3A_1182 = arith.constant 25 : i32
    %get3A_1183 = arith.index_cast %get3A_1182 : i32 to index
    %get3A_1184 = arith.constant 0 : index
    %get3A_1185 = tpu.vector_load %arg28[%get3A_1183, %get3A_1184] {strides = array<i32>} : memref<32x16xi32, #tpu.memory_space<vmem>>, vector<1x16xi32>,
    %get3A_1186 = vector.shape_cast %get3A_1185 : vector<1x16xi32> to vector<16xi32>
    %add3A_1187 = arith.addi %add3A_1163, %get3A_1186 : vector<16xi32>
    %get3A_1188 = arith.constant 2 : i32
    %get3A_1189 = arith.index_cast %get3A_1188 : i32 to index
    %get3A_1190 = arith.constant 0 : index
    %get3A_1191 = tpu.vector_load %arg28[%get3A_1189, %get3A_1190] {strides = array<i32>} : memref<32x16xi32, #tpu.memory_space<vmem>>, vector<1x16xi32>,
    %get3A_1192 = vector.shape_cast %get3A_1191 : vector<1x16xi32> to vector<16xi32>
    %add3A_1193 = arith.addi %add3A_1169, %get3A_1192 : vector<16xi32>
    %get3A_1194 = arith.constant 10 : i32
    %get3A_1195 = arith.index_cast %get3A_1194 : i32 to index
    %get3A_1196 = arith.constant 0 : index
    %get3A_1197 = tpu.vector_load %arg28[%get3A_1195, %get3A_1196] {strides = array<i32>} : memref<32x16xi32, #tpu.memory_space<vmem>>, vector<1x16xi32>,
    %get3A_1198 = vector.shape_cast %get3A_1197 : vector<1x16xi32> to vector<16xi32>
    %add3A_1199 = arith.addi %add3A_1175, %get3A_1198 : vector<16xi32>
    %get3A_1200 = arith.constant 18 : i32
    %get3A_1201 = arith.index_cast %get3A_1200 : i32 to index
    %get3A_1202 = arith.constant 0 : index
    %get3A_1203 = tpu.vector_load %arg28[%get3A_1201, %get3A_1202] {strides = array<i32>} : memref<32x16xi32, #tpu.memory_space<vmem>>, vector<1x16xi32>,
    %get3A_1204 = vector.shape_cast %get3A_1203 : vector<1x16xi32> to vector<16xi32>
    %add3A_1205 = arith.addi %add3A_1181, %get3A_1204 : vector<16xi32>
    %get3A_1206 = arith.constant 26 : i32
    %get3A_1207 = arith.index_cast %get3A_1206 : i32 to index
    %get3A_1208 = arith.constant 0 : index
    %get3A_1209 = tpu.vector_load %arg28[%get3A_1207, %get3A_1208] {strides = array<i32>} : memref<32x16xi32, #tpu.memory_space<vmem>>, vector<1x16xi32>,
    %get3A_1210 = vector.shape_cast %get3A_1209 : vector<1x16xi32> to vector<16xi32>
    %add3A_1211 = arith.addi %add3A_1187, %get3A_1210 : vector<16xi32>
    %get3A_1212 = arith.constant 3 : i32
    %get3A_1213 = arith.index_cast %get3A_1212 : i32 to index
    %get3A_1214 = arith.constant 0 : index
    %get3A_1215 = tpu.vector_load %arg28[%get3A_1213, %get3A_1214] {strides = array<i32>} : memref<32x16xi32, #tpu.memory_space<vmem>>, vector<1x16xi32>,
    %get3A_1216 = vector.shape_cast %get3A_1215 : vector<1x16xi32> to vector<16xi32>
    %add3A_1217 = arith.addi %add3A_1193, %get3A_1216 : vector<16xi32>
    %get3A_1218 = arith.constant 11 : i32
    %get3A_1219 = arith.index_cast %get3A_1218 : i32 to index
    %get3A_1220 = arith.constant 0 : index
    %get3A_1221 = tpu.vector_load %arg28[%get3A_1219, %get3A_1220] {strides = array<i32>} : memref<32x16xi32, #tpu.memory_space<vmem>>, vector<1x16xi32>,
    %get3A_1222 = vector.shape_cast %get3A_1221 : vector<1x16xi32> to vector<16xi32>
    %add3A_1223 = arith.addi %add3A_1199, %get3A_1222 : vector<16xi32>
    %get3A_1224 = arith.constant 19 : i32
    %get3A_1225 = arith.index_cast %get3A_1224 : i32 to index
    %get3A_1226 = arith.constant 0 : index
    %get3A_1227 = tpu.vector_load %arg28[%get3A_1225, %get3A_1226] {strides = array<i32>} : memref<32x16xi32, #tpu.memory_space<vmem>>, vector<1x16xi32>,
    %get3A_1228 = vector.shape_cast %get3A_1227 : vector<1x16xi32> to vector<16xi32>
    %add3A_1229 = arith.addi %add3A_1205, %get3A_1228 : vector<16xi32>
    %get3A_1230 = arith.constant 27 : i32
    %get3A_1231 = arith.index_cast %get3A_1230 : i32 to index
    %get3A_1232 = arith.constant 0 : index
    %get3A_1233 = tpu.vector_load %arg28[%get3A_1231, %get3A_1232] {strides = array<i32>} : memref<32x16xi32, #tpu.memory_space<vmem>>, vector<1x16xi32>,
    %get3A_1234 = vector.shape_cast %get3A_1233 : vector<1x16xi32> to vector<16xi32>
    %add3A_1235 = arith.addi %add3A_1211, %get3A_1234 : vector<16xi32>
    %get3A_1236 = arith.constant 4 : i32
    %get3A_1237 = arith.index_cast %get3A_1236 : i32 to index
    %get3A_1238 = arith.constant 0 : index
    %get3A_1239 = tpu.vector_load %arg28[%get3A_1237, %get3A_1238] {strides = array<i32>} : memref<32x16xi32, #tpu.memory_space<vmem>>, vector<1x16xi32>,
    %get3A_1240 = vector.shape_cast %get3A_1239 : vector<1x16xi32> to vector<16xi32>
    %add3A_1241 = arith.addi %add3A_1217, %get3A_1240 : vector<16xi32>
    %get3A_1242 = arith.constant 12 : i32
    %get3A_1243 = arith.index_cast %get3A_1242 : i32 to index
    %get3A_1244 = arith.constant 0 : index
    %get3A_1245 = tpu.vector_load %arg28[%get3A_1243, %get3A_1244] {strides = array<i32>} : memref<32x16xi32, #tpu.memory_space<vmem>>, vector<1x16xi32>,
    %get3A_1246 = vector.shape_cast %get3A_1245 : vector<1x16xi32> to vector<16xi32>
    %add3A_1247 = arith.addi %add3A_1223, %get3A_1246 : vector<16xi32>
    %get3A_1248 = arith.constant 20 : i32
    %get3A_1249 = arith.index_cast %get3A_1248 : i32 to index
    %get3A_1250 = arith.constant 0 : index
    %get3A_1251 = tpu.vector_load %arg28[%get3A_1249, %get3A_1250] {strides = array<i32>} : memref<32x16xi32, #tpu.memory_space<vmem>>, vector<1x16xi32>,
    %get3A_1252 = vector.shape_cast %get3A_1251 : vector<1x16xi32> to vector<16xi32>
    %add3A_1253 = arith.addi %add3A_1229, %get3A_1252 : vector<16xi32>
    %get3A_1254 = arith.constant 28 : i32
    %get3A_1255 = arith.index_cast %get3A_1254 : i32 to index
    %get3A_1256 = arith.constant 0 : index
    %get3A_1257 = tpu.vector_load %arg28[%get3A_1255, %get3A_1256] {strides = array<i32>} : memref<32x16xi32, #tpu.memory_space<vmem>>, vector<1x16xi32>,
    %get3A_1258 = vector.shape_cast %get3A_1257 : vector<1x16xi32> to vector<16xi32>
    %add3A_1259 = arith.addi %add3A_1235, %get3A_1258 : vector<16xi32>
    %get3A_1260 = arith.constant 5 : i32
    %get3A_1261 = arith.index_cast %get3A_1260 : i32 to index
    %get3A_1262 = arith.constant 0 : index
    %get3A_1263 = tpu.vector_load %arg28[%get3A_1261, %get3A_1262] {strides = array<i32>} : memref<32x16xi32, #tpu.memory_space<vmem>>, vector<1x16xi32>,
    %get3A_1264 = vector.shape_cast %get3A_1263 : vector<1x16xi32> to vector<16xi32>
    %add3A_1265 = arith.addi %add3A_1241, %get3A_1264 : vector<16xi32>
    %get3A_1266 = arith.constant 13 : i32
    %get3A_1267 = arith.index_cast %get3A_1266 : i32 to index
    %get3A_1268 = arith.constant 0 : index
    %get3A_1269 = tpu.vector_load %arg28[%get3A_1267, %get3A_1268] {strides = array<i32>} : memref<32x16xi32, #tpu.memory_space<vmem>>, vector<1x16xi32>,
    %get3A_1270 = vector.shape_cast %get3A_1269 : vector<1x16xi32> to vector<16xi32>
    %add3A_1271 = arith.addi %add3A_1247, %get3A_1270 : vector<16xi32>
    %get3A_1272 = arith.constant 21 : i32
    %get3A_1273 = arith.index_cast %get3A_1272 : i32 to index
    %get3A_1274 = arith.constant 0 : index
    %get3A_1275 = tpu.vector_load %arg28[%get3A_1273, %get3A_1274] {strides = array<i32>} : memref<32x16xi32, #tpu.memory_space<vmem>>, vector<1x16xi32>,
    %get3A_1276 = vector.shape_cast %get3A_1275 : vector<1x16xi32> to vector<16xi32>
    %add3A_1277 = arith.addi %add3A_1253, %get3A_1276 : vector<16xi32>
    %get3A_1278 = arith.constant 29 : i32
    %get3A_1279 = arith.index_cast %get3A_1278 : i32 to index
    %get3A_1280 = arith.constant 0 : index
    %get3A_1281 = tpu.vector_load %arg28[%get3A_1279, %get3A_1280] {strides = array<i32>} : memref<32x16xi32, #tpu.memory_space<vmem>>, vector<1x16xi32>,
    %get3A_1282 = vector.shape_cast %get3A_1281 : vector<1x16xi32> to vector<16xi32>
    %add3A_1283 = arith.addi %add3A_1259, %get3A_1282 : vector<16xi32>
    %get3A_1284 = arith.constant 6 : i32
    %get3A_1285 = arith.index_cast %get3A_1284 : i32 to index
    %get3A_1286 = arith.constant 0 : index
    %get3A_1287 = tpu.vector_load %arg28[%get3A_1285, %get3A_1286] {strides = array<i32>} : memref<32x16xi32, #tpu.memory_space<vmem>>, vector<1x16xi32>,
    %get3A_1288 = vector.shape_cast %get3A_1287 : vector<1x16xi32> to vector<16xi32>
    %add3A_1289 = arith.addi %add3A_1265, %get3A_1288 : vector<16xi32>
    %get3A_1290 = arith.constant 14 : i32
    %get3A_1291 = arith.index_cast %get3A_1290 : i32 to index
    %get3A_1292 = arith.constant 0 : index
    %get3A_1293 = tpu.vector_load %arg28[%get3A_1291, %get3A_1292] {strides = array<i32>} : memref<32x16xi32, #tpu.memory_space<vmem>>, vector<1x16xi32>,
    %get3A_1294 = vector.shape_cast %get3A_1293 : vector<1x16xi32> to vector<16xi32>
    %add3A_1295 = arith.addi %add3A_1271, %get3A_1294 : vector<16xi32>
    %get3A_1296 = arith.constant 22 : i32
    %get3A_1297 = arith.index_cast %get3A_1296 : i32 to index
    %get3A_1298 = arith.constant 0 : index
    %get3A_1299 = tpu.vector_load %arg28[%get3A_1297, %get3A_1298] {strides = array<i32>} : memref<32x16xi32, #tpu.memory_space<vmem>>, vector<1x16xi32>,
    %get3A_1300 = vector.shape_cast %get3A_1299 : vector<1x16xi32> to vector<16xi32>
    %add3A_1301 = arith.addi %add3A_1277, %get3A_1300 : vector<16xi32>
    %get3A_1302 = arith.constant 30 : i32
    %get3A_1303 = arith.index_cast %get3A_1302 : i32 to index
    %get3A_1304 = arith.constant 0 : index
    %get3A_1305 = tpu.vector_load %arg28[%get3A_1303, %get3A_1304] {strides = array<i32>} : memref<32x16xi32, #tpu.memory_space<vmem>>, vector<1x16xi32>,
    %get3A_1306 = vector.shape_cast %get3A_1305 : vector<1x16xi32> to vector<16xi32>
    %add3A_1307 = arith.addi %add3A_1283, %get3A_1306 : vector<16xi32>
    %get3A_1308 = arith.constant 7 : i32
    %get3A_1309 = arith.index_cast %get3A_1308 : i32 to index
    %get3A_1310 = arith.constant 0 : index
    %get3A_1311 = tpu.vector_load %arg28[%get3A_1309, %get3A_1310] {strides = array<i32>} : memref<32x16xi32, #tpu.memory_space<vmem>>, vector<1x16xi32>,
    %get3A_1312 = vector.shape_cast %get3A_1311 : vector<1x16xi32> to vector<16xi32>
    %add3A_1313 = arith.addi %add3A_1289, %get3A_1312 : vector<16xi32>
    %get3A_1314 = arith.constant 15 : i32
    %get3A_1315 = arith.index_cast %get3A_1314 : i32 to index
    %get3A_1316 = arith.constant 0 : index
    %get3A_1317 = tpu.vector_load %arg28[%get3A_1315, %get3A_1316] {strides = array<i32>} : memref<32x16xi32, #tpu.memory_space<vmem>>, vector<1x16xi32>,
    %get3A_1318 = vector.shape_cast %get3A_1317 : vector<1x16xi32> to vector<16xi32>
    %add3A_1319 = arith.addi %add3A_1295, %get3A_1318 : vector<16xi32>
    %get3A_1320 = arith.constant 23 : i32
    %get3A_1321 = arith.index_cast %get3A_1320 : i32 to index
    %get3A_1322 = arith.constant 0 : index
    %get3A_1323 = tpu.vector_load %arg28[%get3A_1321, %get3A_1322] {strides = array<i32>} : memref<32x16xi32, #tpu.memory_space<vmem>>, vector<1x16xi32>,
    %get3A_1324 = vector.shape_cast %get3A_1323 : vector<1x16xi32> to vector<16xi32>
    %add3A_1325 = arith.addi %add3A_1301, %get3A_1324 : vector<16xi32>
    %get3A_1326 = arith.constant 31 : i32
    %get3A_1327 = arith.index_cast %get3A_1326 : i32 to index
    %get3A_1328 = arith.constant 0 : index
    %get3A_1329 = tpu.vector_load %arg28[%get3A_1327, %get3A_1328] {strides = array<i32>} : memref<32x16xi32, #tpu.memory_space<vmem>>, vector<1x16xi32>,
    %get3A_1330 = vector.shape_cast %get3A_1329 : vector<1x16xi32> to vector<16xi32>
    %add3A_1331 = arith.addi %add3A_1307, %get3A_1330 : vector<16xi32>
    %add3A_1332 = arith.constant 1 : i32
    %add3A_1333 = vector.broadcast %add3A_1332 : i32 to vector<16xi32>
    %add3A_1334 = arith.addi %iota3A, %add3A_1333 : vector<16xi32>
    %and3A_1335 = arith.constant 15 : i32
    %and3A_1336 = vector.broadcast %and3A_1335 : i32 to vector<16xi32>
    %and3A_1337 = arith.andi %add3A_1334, %and3A_1336 : vector<16xi32>
    %lt3A_1338 = arith.constant 0 : i32
    %lt3A_1339 = vector.broadcast %lt3A_1338 : i32 to vector<16xi32>
    %lt3A_1340 = arith.cmpi slt, %and3A_1337, %lt3A_1339 : vector<16xi32>
    %add3A_1341 = arith.constant 16 : i32
    %add3A_1342 = vector.broadcast %add3A_1341 : i32 to vector<16xi32>
    %add3A_1343 = arith.addi %and3A_1337, %add3A_1342 : vector<16xi32>
    %select_n3A_1344 = arith.select %lt3A_1340, %add3A_1343, %and3A_1337 : vector<16xi1>, vector<16xi32>
    %broadcast_in_dim3A_1345 = vector.shape_cast %select_n3A_1344 : vector<16xi32> to vector<16x1xi32>
    %gather3A_1346 = vector.shape_cast %broadcast_in_dim3A_1345 : vector<16x1xi32> to vector<16xi32>
    %gather3A_1347 = tpu.dynamic_gather %add3A_1313[%gather3A_1346] in [0] : vector<16xi32>, vector<16xi32> -> vector<16xi32>
    %add3A_1348 = arith.addi %add3A_1313, %gather3A_1347 : vector<16xi32>
    %add3A_1349 = arith.constant 2 : i32
    %add3A_1350 = vector.broadcast %add3A_1349 : i32 to vector<16xi32>
    %add3A_1351 = arith.addi %iota3A, %add3A_1350 : vector<16xi32>
    %and3A_1352 = arith.constant 15 : i32
    %and3A_1353 = vector.broadcast %and3A_1352 : i32 to vector<16xi32>
    %and3A_1354 = arith.andi %add3A_1351, %and3A_1353 : vector<16xi32>
    %lt3A_1355 = arith.constant 0 : i32
    %lt3A_1356 = vector.broadcast %lt3A_1355 : i32 to vector<16xi32>
    %lt3A_1357 = arith.cmpi slt, %and3A_1354, %lt3A_1356 : vector<16xi32>
    %add3A_1358 = arith.constant 16 : i32
    %add3A_1359 = vector.broadcast %add3A_1358 : i32 to vector<16xi32>
    %add3A_1360 = arith.addi %and3A_1354, %add3A_1359 : vector<16xi32>
    %select_n3A_1361 = arith.select %lt3A_1357, %add3A_1360, %and3A_1354 : vector<16xi1>, vector<16xi32>
    %broadcast_in_dim3A_1362 = vector.shape_cast %select_n3A_1361 : vector<16xi32> to vector<16x1xi32>
    %gather3A_1363 = vector.shape_cast %broadcast_in_dim3A_1362 : vector<16x1xi32> to vector<16xi32>
    %gather3A_1364 = tpu.dynamic_gather %add3A_1348[%gather3A_1363] in [0] : vector<16xi32>, vector<16xi32> -> vector<16xi32>
    %add3A_1365 = arith.addi %add3A_1348, %gather3A_1364 : vector<16xi32>
    %add3A_1366 = arith.constant 4 : i32
    %add3A_1367 = vector.broadcast %add3A_1366 : i32 to vector<16xi32>
    %add3A_1368 = arith.addi %iota3A, %add3A_1367 : vector<16xi32>
    %and3A_1369 = arith.constant 15 : i32
    %and3A_1370 = vector.broadcast %and3A_1369 : i32 to vector<16xi32>
    %and3A_1371 = arith.andi %add3A_1368, %and3A_1370 : vector<16xi32>
    %lt3A_1372 = arith.constant 0 : i32
    %lt3A_1373 = vector.broadcast %lt3A_1372 : i32 to vector<16xi32>
    %lt3A_1374 = arith.cmpi slt, %and3A_1371, %lt3A_1373 : vector<16xi32>
    %add3A_1375 = arith.constant 16 : i32
    %add3A_1376 = vector.broadcast %add3A_1375 : i32 to vector<16xi32>
    %add3A_1377 = arith.addi %and3A_1371, %add3A_1376 : vector<16xi32>
    %select_n3A_1378 = arith.select %lt3A_1374, %add3A_1377, %and3A_1371 : vector<16xi1>, vector<16xi32>
    %broadcast_in_dim3A_1379 = vector.shape_cast %select_n3A_1378 : vector<16xi32> to vector<16x1xi32>
    %gather3A_1380 = vector.shape_cast %broadcast_in_dim3A_1379 : vector<16x1xi32> to vector<16xi32>
    %gather3A_1381 = tpu.dynamic_gather %add3A_1365[%gather3A_1380] in [0] : vector<16xi32>, vector<16xi32> -> vector<16xi32>
    %add3A_1382 = arith.addi %add3A_1365, %gather3A_1381 : vector<16xi32>
    %add3A_1383 = arith.constant 8 : i32
    %add3A_1384 = vector.broadcast %add3A_1383 : i32 to vector<16xi32>
    %add3A_1385 = arith.addi %iota3A, %add3A_1384 : vector<16xi32>
    %and3A_1386 = arith.constant 15 : i32
    %and3A_1387 = vector.broadcast %and3A_1386 : i32 to vector<16xi32>
    %and3A_1388 = arith.andi %add3A_1385, %and3A_1387 : vector<16xi32>
    %lt3A_1389 = arith.constant 0 : i32
    %lt3A_1390 = vector.broadcast %lt3A_1389 : i32 to vector<16xi32>
    %lt3A_1391 = arith.cmpi slt, %and3A_1388, %lt3A_1390 : vector<16xi32>
    %add3A_1392 = arith.constant 16 : i32
    %add3A_1393 = vector.broadcast %add3A_1392 : i32 to vector<16xi32>
    %add3A_1394 = arith.addi %and3A_1388, %add3A_1393 : vector<16xi32>
    %select_n3A_1395 = arith.select %lt3A_1391, %add3A_1394, %and3A_1388 : vector<16xi1>, vector<16xi32>
    %broadcast_in_dim3A_1396 = vector.shape_cast %select_n3A_1395 : vector<16xi32> to vector<16x1xi32>
    %gather3A_1397 = vector.shape_cast %broadcast_in_dim3A_1396 : vector<16x1xi32> to vector<16xi32>
    %gather3A_1398 = tpu.dynamic_gather %add3A_1382[%gather3A_1397] in [0] : vector<16xi32>, vector<16xi32> -> vector<16xi32>
    %add3A_1399 = arith.addi %add3A_1382, %gather3A_1398 : vector<16xi32>
    %add3A_1400 = arith.constant 1 : i32
    %add3A_1401 = vector.broadcast %add3A_1400 : i32 to vector<16xi32>
    %add3A_1402 = arith.addi %iota3A, %add3A_1401 : vector<16xi32>
    %and3A_1403 = arith.constant 15 : i32
    %and3A_1404 = vector.broadcast %and3A_1403 : i32 to vector<16xi32>
    %and3A_1405 = arith.andi %add3A_1402, %and3A_1404 : vector<16xi32>
    %lt3A_1406 = arith.constant 0 : i32
    %lt3A_1407 = vector.broadcast %lt3A_1406 : i32 to vector<16xi32>
    %lt3A_1408 = arith.cmpi slt, %and3A_1405, %lt3A_1407 : vector<16xi32>
    %add3A_1409 = arith.constant 16 : i32
    %add3A_1410 = vector.broadcast %add3A_1409 : i32 to vector<16xi32>
    %add3A_1411 = arith.addi %and3A_1405, %add3A_1410 : vector<16xi32>
    %select_n3A_1412 = arith.select %lt3A_1408, %add3A_1411, %and3A_1405 : vector<16xi1>, vector<16xi32>
    %broadcast_in_dim3A_1413 = vector.shape_cast %select_n3A_1412 : vector<16xi32> to vector<16x1xi32>
    %gather3A_1414 = vector.shape_cast %broadcast_in_dim3A_1413 : vector<16x1xi32> to vector<16xi32>
    %gather3A_1415 = tpu.dynamic_gather %add3A_1319[%gather3A_1414] in [0] : vector<16xi32>, vector<16xi32> -> vector<16xi32>
    %add3A_1416 = arith.addi %add3A_1319, %gather3A_1415 : vector<16xi32>
    %add3A_1417 = arith.constant 2 : i32
    %add3A_1418 = vector.broadcast %add3A_1417 : i32 to vector<16xi32>
    %add3A_1419 = arith.addi %iota3A, %add3A_1418 : vector<16xi32>
    %and3A_1420 = arith.constant 15 : i32
    %and3A_1421 = vector.broadcast %and3A_1420 : i32 to vector<16xi32>
    %and3A_1422 = arith.andi %add3A_1419, %and3A_1421 : vector<16xi32>
    %lt3A_1423 = arith.constant 0 : i32
    %lt3A_1424 = vector.broadcast %lt3A_1423 : i32 to vector<16xi32>
    %lt3A_1425 = arith.cmpi slt, %and3A_1422, %lt3A_1424 : vector<16xi32>
    %add3A_1426 = arith.constant 16 : i32
    %add3A_1427 = vector.broadcast %add3A_1426 : i32 to vector<16xi32>
    %add3A_1428 = arith.addi %and3A_1422, %add3A_1427 : vector<16xi32>
    %select_n3A_1429 = arith.select %lt3A_1425, %add3A_1428, %and3A_1422 : vector<16xi1>, vector<16xi32>
    %broadcast_in_dim3A_1430 = vector.shape_cast %select_n3A_1429 : vector<16xi32> to vector<16x1xi32>
    %gather3A_1431 = vector.shape_cast %broadcast_in_dim3A_1430 : vector<16x1xi32> to vector<16xi32>
    %gather3A_1432 = tpu.dynamic_gather %add3A_1416[%gather3A_1431] in [0] : vector<16xi32>, vector<16xi32> -> vector<16xi32>
    %add3A_1433 = arith.addi %add3A_1416, %gather3A_1432 : vector<16xi32>
    %add3A_1434 = arith.constant 4 : i32
    %add3A_1435 = vector.broadcast %add3A_1434 : i32 to vector<16xi32>
    %add3A_1436 = arith.addi %iota3A, %add3A_1435 : vector<16xi32>
    %and3A_1437 = arith.constant 15 : i32
    %and3A_1438 = vector.broadcast %and3A_1437 : i32 to vector<16xi32>
    %and3A_1439 = arith.andi %add3A_1436, %and3A_1438 : vector<16xi32>
    %lt3A_1440 = arith.constant 0 : i32
    %lt3A_1441 = vector.broadcast %lt3A_1440 : i32 to vector<16xi32>
    %lt3A_1442 = arith.cmpi slt, %and3A_1439, %lt3A_1441 : vector<16xi32>
    %add3A_1443 = arith.constant 16 : i32
    %add3A_1444 = vector.broadcast %add3A_1443 : i32 to vector<16xi32>
    %add3A_1445 = arith.addi %and3A_1439, %add3A_1444 : vector<16xi32>
    %select_n3A_1446 = arith.select %lt3A_1442, %add3A_1445, %and3A_1439 : vector<16xi1>, vector<16xi32>
    %broadcast_in_dim3A_1447 = vector.shape_cast %select_n3A_1446 : vector<16xi32> to vector<16x1xi32>
    %gather3A_1448 = vector.shape_cast %broadcast_in_dim3A_1447 : vector<16x1xi32> to vector<16xi32>
    %gather3A_1449 = tpu.dynamic_gather %add3A_1433[%gather3A_1448] in [0] : vector<16xi32>, vector<16xi32> -> vector<16xi32>
    %add3A_1450 = arith.addi %add3A_1433, %gather3A_1449 : vector<16xi32>
    %add3A_1451 = arith.constant 8 : i32
    %add3A_1452 = vector.broadcast %add3A_1451 : i32 to vector<16xi32>
    %add3A_1453 = arith.addi %iota3A, %add3A_1452 : vector<16xi32>
    %and3A_1454 = arith.constant 15 : i32
    %and3A_1455 = vector.broadcast %and3A_1454 : i32 to vector<16xi32>
    %and3A_1456 = arith.andi %add3A_1453, %and3A_1455 : vector<16xi32>
    %lt3A_1457 = arith.constant 0 : i32
    %lt3A_1458 = vector.broadcast %lt3A_1457 : i32 to vector<16xi32>
    %lt3A_1459 = arith.cmpi slt, %and3A_1456, %lt3A_1458 : vector<16xi32>
    %add3A_1460 = arith.constant 16 : i32
    %add3A_1461 = vector.broadcast %add3A_1460 : i32 to vector<16xi32>
    %add3A_1462 = arith.addi %and3A_1456, %add3A_1461 : vector<16xi32>
    %select_n3A_1463 = arith.select %lt3A_1459, %add3A_1462, %and3A_1456 : vector<16xi1>, vector<16xi32>
    %broadcast_in_dim3A_1464 = vector.shape_cast %select_n3A_1463 : vector<16xi32> to vector<16x1xi32>
    %gather3A_1465 = vector.shape_cast %broadcast_in_dim3A_1464 : vector<16x1xi32> to vector<16xi32>
    %gather3A_1466 = tpu.dynamic_gather %add3A_1450[%gather3A_1465] in [0] : vector<16xi32>, vector<16xi32> -> vector<16xi32>
    %add3A_1467 = arith.addi %add3A_1450, %gather3A_1466 : vector<16xi32>
    %add3A_1468 = arith.addi %add3A_1399, %add3A_1467 : vector<16xi32>
    %sub3A_1469 = arith.constant 6000 : i32
    %sub3A_1470 = vector.broadcast %sub3A_1469 : i32 to vector<16xi32>
    %sub3A_1471 = arith.subi %sub3A_1470, %add3A_1468 : vector<16xi32>
    %sub3A_1472 = arith.constant 1 : i32
    %sub3A_1473 = vector.broadcast %sub3A_1472 : i32 to vector<16xi32>
    %sub3A_1474 = arith.subi %iota3A, %sub3A_1473 : vector<16xi32>
    %max3A = arith.constant 0 : i32
    %max3A_1475 = vector.broadcast %max3A : i32 to vector<16xi32>
    %max3A_1476 = arith.maxsi %sub3A_1474, %max3A_1475 : vector<16xi32>
    %lt3A_1477 = arith.constant 0 : i32
    %lt3A_1478 = vector.broadcast %lt3A_1477 : i32 to vector<16xi32>
    %lt3A_1479 = arith.cmpi slt, %max3A_1476, %lt3A_1478 : vector<16xi32>
    %add3A_1480 = arith.constant 16 : i32
    %add3A_1481 = vector.broadcast %add3A_1480 : i32 to vector<16xi32>
    %add3A_1482 = arith.addi %max3A_1476, %add3A_1481 : vector<16xi32>
    %select_n3A_1483 = arith.select %lt3A_1479, %add3A_1482, %max3A_1476 : vector<16xi1>, vector<16xi32>
    %broadcast_in_dim3A_1484 = vector.shape_cast %select_n3A_1483 : vector<16xi32> to vector<16x1xi32>
    %gather3A_1485 = vector.shape_cast %broadcast_in_dim3A_1484 : vector<16x1xi32> to vector<16xi32>
    %gather3A_1486 = tpu.dynamic_gather %add3A_1325[%gather3A_1485] in [0] : vector<16xi32>, vector<16xi32> -> vector<16xi32>
    %ge3A = arith.constant 1 : i32
    %ge3A_1487 = vector.broadcast %ge3A : i32 to vector<16xi32>
    %ge3A_1488 = arith.cmpi sge, %iota3A, %ge3A_1487 : vector<16xi32>
    %select_n3A_1489 = arith.select %ge3A_1488, %gather3A_1486, %broadcast_in_dim3A_43 : vector<16xi1>, vector<16xi32>
    %add3A_1490 = arith.addi %add3A_1325, %select_n3A_1489 : vector<16xi32>
    %sub3A_1491 = arith.constant 2 : i32
    %sub3A_1492 = vector.broadcast %sub3A_1491 : i32 to vector<16xi32>
    %sub3A_1493 = arith.subi %iota3A, %sub3A_1492 : vector<16xi32>
    %max3A_1494 = arith.constant 0 : i32
    %max3A_1495 = vector.broadcast %max3A_1494 : i32 to vector<16xi32>
    %max3A_1496 = arith.maxsi %sub3A_1493, %max3A_1495 : vector<16xi32>
    %lt3A_1497 = arith.constant 0 : i32
    %lt3A_1498 = vector.broadcast %lt3A_1497 : i32 to vector<16xi32>
    %lt3A_1499 = arith.cmpi slt, %max3A_1496, %lt3A_1498 : vector<16xi32>
    %add3A_1500 = arith.constant 16 : i32
    %add3A_1501 = vector.broadcast %add3A_1500 : i32 to vector<16xi32>
    %add3A_1502 = arith.addi %max3A_1496, %add3A_1501 : vector<16xi32>
    %select_n3A_1503 = arith.select %lt3A_1499, %add3A_1502, %max3A_1496 : vector<16xi1>, vector<16xi32>
    %broadcast_in_dim3A_1504 = vector.shape_cast %select_n3A_1503 : vector<16xi32> to vector<16x1xi32>
    %gather3A_1505 = vector.shape_cast %broadcast_in_dim3A_1504 : vector<16x1xi32> to vector<16xi32>
    %gather3A_1506 = tpu.dynamic_gather %add3A_1490[%gather3A_1505] in [0] : vector<16xi32>, vector<16xi32> -> vector<16xi32>
    %ge3A_1507 = arith.constant 2 : i32
    %ge3A_1508 = vector.broadcast %ge3A_1507 : i32 to vector<16xi32>
    %ge3A_1509 = arith.cmpi sge, %iota3A, %ge3A_1508 : vector<16xi32>
    %select_n3A_1510 = arith.select %ge3A_1509, %gather3A_1506, %broadcast_in_dim3A_43 : vector<16xi1>, vector<16xi32>
    %add3A_1511 = arith.addi %add3A_1490, %select_n3A_1510 : vector<16xi32>
    %sub3A_1512 = arith.constant 4 : i32
    %sub3A_1513 = vector.broadcast %sub3A_1512 : i32 to vector<16xi32>
    %sub3A_1514 = arith.subi %iota3A, %sub3A_1513 : vector<16xi32>
    %max3A_1515 = arith.constant 0 : i32
    %max3A_1516 = vector.broadcast %max3A_1515 : i32 to vector<16xi32>
    %max3A_1517 = arith.maxsi %sub3A_1514, %max3A_1516 : vector<16xi32>
    %lt3A_1518 = arith.constant 0 : i32
    %lt3A_1519 = vector.broadcast %lt3A_1518 : i32 to vector<16xi32>
    %lt3A_1520 = arith.cmpi slt, %max3A_1517, %lt3A_1519 : vector<16xi32>
    %add3A_1521 = arith.constant 16 : i32
    %add3A_1522 = vector.broadcast %add3A_1521 : i32 to vector<16xi32>
    %add3A_1523 = arith.addi %max3A_1517, %add3A_1522 : vector<16xi32>
    %select_n3A_1524 = arith.select %lt3A_1520, %add3A_1523, %max3A_1517 : vector<16xi1>, vector<16xi32>
    %broadcast_in_dim3A_1525 = vector.shape_cast %select_n3A_1524 : vector<16xi32> to vector<16x1xi32>
    %gather3A_1526 = vector.shape_cast %broadcast_in_dim3A_1525 : vector<16x1xi32> to vector<16xi32>
    %gather3A_1527 = tpu.dynamic_gather %add3A_1511[%gather3A_1526] in [0] : vector<16xi32>, vector<16xi32> -> vector<16xi32>
    %ge3A_1528 = arith.constant 4 : i32
    %ge3A_1529 = vector.broadcast %ge3A_1528 : i32 to vector<16xi32>
    %ge3A_1530 = arith.cmpi sge, %iota3A, %ge3A_1529 : vector<16xi32>
    %select_n3A_1531 = arith.select %ge3A_1530, %gather3A_1527, %broadcast_in_dim3A_43 : vector<16xi1>, vector<16xi32>
    %add3A_1532 = arith.addi %add3A_1511, %select_n3A_1531 : vector<16xi32>
    %sub3A_1533 = arith.constant 8 : i32
    %sub3A_1534 = vector.broadcast %sub3A_1533 : i32 to vector<16xi32>
    %sub3A_1535 = arith.subi %iota3A, %sub3A_1534 : vector<16xi32>
    %max3A_1536 = arith.constant 0 : i32
    %max3A_1537 = vector.broadcast %max3A_1536 : i32 to vector<16xi32>
    %max3A_1538 = arith.maxsi %sub3A_1535, %max3A_1537 : vector<16xi32>
    %lt3A_1539 = arith.constant 0 : i32
    %lt3A_1540 = vector.broadcast %lt3A_1539 : i32 to vector<16xi32>
    %lt3A_1541 = arith.cmpi slt, %max3A_1538, %lt3A_1540 : vector<16xi32>
    %add3A_1542 = arith.constant 16 : i32
    %add3A_1543 = vector.broadcast %add3A_1542 : i32 to vector<16xi32>
    %add3A_1544 = arith.addi %max3A_1538, %add3A_1543 : vector<16xi32>
    %select_n3A_1545 = arith.select %lt3A_1541, %add3A_1544, %max3A_1538 : vector<16xi1>, vector<16xi32>
    %broadcast_in_dim3A_1546 = vector.shape_cast %select_n3A_1545 : vector<16xi32> to vector<16x1xi32>
    %gather3A_1547 = vector.shape_cast %broadcast_in_dim3A_1546 : vector<16x1xi32> to vector<16xi32>
    %gather3A_1548 = tpu.dynamic_gather %add3A_1532[%gather3A_1547] in [0] : vector<16xi32>, vector<16xi32> -> vector<16xi32>
    %ge3A_1549 = arith.constant 8 : i32
    %ge3A_1550 = vector.broadcast %ge3A_1549 : i32 to vector<16xi32>
    %ge3A_1551 = arith.cmpi sge, %iota3A, %ge3A_1550 : vector<16xi32>
    %select_n3A_1552 = arith.select %ge3A_1551, %gather3A_1548, %broadcast_in_dim3A_43 : vector<16xi1>, vector<16xi32>
    %add3A_1553 = arith.addi %add3A_1532, %select_n3A_1552 : vector<16xi32>
    %sub3A_1554 = arith.subi %add3A_1553, %add3A_1325 : vector<16xi32>
    %sub3A_1555 = arith.constant 1 : i32
    %sub3A_1556 = vector.broadcast %sub3A_1555 : i32 to vector<16xi32>
    %sub3A_1557 = arith.subi %iota3A, %sub3A_1556 : vector<16xi32>
    %max3A_1558 = arith.constant 0 : i32
    %max3A_1559 = vector.broadcast %max3A_1558 : i32 to vector<16xi32>
    %max3A_1560 = arith.maxsi %sub3A_1557, %max3A_1559 : vector<16xi32>
    %lt3A_1561 = arith.constant 0 : i32
    %lt3A_1562 = vector.broadcast %lt3A_1561 : i32 to vector<16xi32>
    %lt3A_1563 = arith.cmpi slt, %max3A_1560, %lt3A_1562 : vector<16xi32>
    %add3A_1564 = arith.constant 16 : i32
    %add3A_1565 = vector.broadcast %add3A_1564 : i32 to vector<16xi32>
    %add3A_1566 = arith.addi %max3A_1560, %add3A_1565 : vector<16xi32>
    %select_n3A_1567 = arith.select %lt3A_1563, %add3A_1566, %max3A_1560 : vector<16xi1>, vector<16xi32>
    %broadcast_in_dim3A_1568 = vector.shape_cast %select_n3A_1567 : vector<16xi32> to vector<16x1xi32>
    %gather3A_1569 = vector.shape_cast %broadcast_in_dim3A_1568 : vector<16x1xi32> to vector<16xi32>
    %gather3A_1570 = tpu.dynamic_gather %add3A_1331[%gather3A_1569] in [0] : vector<16xi32>, vector<16xi32> -> vector<16xi32>
    %ge3A_1571 = arith.constant 1 : i32
    %ge3A_1572 = vector.broadcast %ge3A_1571 : i32 to vector<16xi32>
    %ge3A_1573 = arith.cmpi sge, %iota3A, %ge3A_1572 : vector<16xi32>
    %select_n3A_1574 = arith.select %ge3A_1573, %gather3A_1570, %broadcast_in_dim3A_43 : vector<16xi1>, vector<16xi32>
    %add3A_1575 = arith.addi %add3A_1331, %select_n3A_1574 : vector<16xi32>
    %sub3A_1576 = arith.constant 2 : i32
    %sub3A_1577 = vector.broadcast %sub3A_1576 : i32 to vector<16xi32>
    %sub3A_1578 = arith.subi %iota3A, %sub3A_1577 : vector<16xi32>
    %max3A_1579 = arith.constant 0 : i32
    %max3A_1580 = vector.broadcast %max3A_1579 : i32 to vector<16xi32>
    %max3A_1581 = arith.maxsi %sub3A_1578, %max3A_1580 : vector<16xi32>
    %lt3A_1582 = arith.constant 0 : i32
    %lt3A_1583 = vector.broadcast %lt3A_1582 : i32 to vector<16xi32>
    %lt3A_1584 = arith.cmpi slt, %max3A_1581, %lt3A_1583 : vector<16xi32>
    %add3A_1585 = arith.constant 16 : i32
    %add3A_1586 = vector.broadcast %add3A_1585 : i32 to vector<16xi32>
    %add3A_1587 = arith.addi %max3A_1581, %add3A_1586 : vector<16xi32>
    %select_n3A_1588 = arith.select %lt3A_1584, %add3A_1587, %max3A_1581 : vector<16xi1>, vector<16xi32>
    %broadcast_in_dim3A_1589 = vector.shape_cast %select_n3A_1588 : vector<16xi32> to vector<16x1xi32>
    %gather3A_1590 = vector.shape_cast %broadcast_in_dim3A_1589 : vector<16x1xi32> to vector<16xi32>
    %gather3A_1591 = tpu.dynamic_gather %add3A_1575[%gather3A_1590] in [0] : vector<16xi32>, vector<16xi32> -> vector<16xi32>
    %ge3A_1592 = arith.constant 2 : i32
    %ge3A_1593 = vector.broadcast %ge3A_1592 : i32 to vector<16xi32>
    %ge3A_1594 = arith.cmpi sge, %iota3A, %ge3A_1593 : vector<16xi32>
    %select_n3A_1595 = arith.select %ge3A_1594, %gather3A_1591, %broadcast_in_dim3A_43 : vector<16xi1>, vector<16xi32>
    %add3A_1596 = arith.addi %add3A_1575, %select_n3A_1595 : vector<16xi32>
    %sub3A_1597 = arith.constant 4 : i32
    %sub3A_1598 = vector.broadcast %sub3A_1597 : i32 to vector<16xi32>
    %sub3A_1599 = arith.subi %iota3A, %sub3A_1598 : vector<16xi32>
    %max3A_1600 = arith.constant 0 : i32
    %max3A_1601 = vector.broadcast %max3A_1600 : i32 to vector<16xi32>
    %max3A_1602 = arith.maxsi %sub3A_1599, %max3A_1601 : vector<16xi32>
    %lt3A_1603 = arith.constant 0 : i32
    %lt3A_1604 = vector.broadcast %lt3A_1603 : i32 to vector<16xi32>
    %lt3A_1605 = arith.cmpi slt, %max3A_1602, %lt3A_1604 : vector<16xi32>
    %add3A_1606 = arith.constant 16 : i32
    %add3A_1607 = vector.broadcast %add3A_1606 : i32 to vector<16xi32>
    %add3A_1608 = arith.addi %max3A_1602, %add3A_1607 : vector<16xi32>
    %select_n3A_1609 = arith.select %lt3A_1605, %add3A_1608, %max3A_1602 : vector<16xi1>, vector<16xi32>
    %broadcast_in_dim3A_1610 = vector.shape_cast %select_n3A_1609 : vector<16xi32> to vector<16x1xi32>
    %gather3A_1611 = vector.shape_cast %broadcast_in_dim3A_1610 : vector<16x1xi32> to vector<16xi32>
    %gather3A_1612 = tpu.dynamic_gather %add3A_1596[%gather3A_1611] in [0] : vector<16xi32>, vector<16xi32> -> vector<16xi32>
    %ge3A_1613 = arith.constant 4 : i32
    %ge3A_1614 = vector.broadcast %ge3A_1613 : i32 to vector<16xi32>
    %ge3A_1615 = arith.cmpi sge, %iota3A, %ge3A_1614 : vector<16xi32>
    %select_n3A_1616 = arith.select %ge3A_1615, %gather3A_1612, %broadcast_in_dim3A_43 : vector<16xi1>, vector<16xi32>
    %add3A_1617 = arith.addi %add3A_1596, %select_n3A_1616 : vector<16xi32>
    %sub3A_1618 = arith.constant 8 : i32
    %sub3A_1619 = vector.broadcast %sub3A_1618 : i32 to vector<16xi32>
    %sub3A_1620 = arith.subi %iota3A, %sub3A_1619 : vector<16xi32>
    %max3A_1621 = arith.constant 0 : i32
    %max3A_1622 = vector.broadcast %max3A_1621 : i32 to vector<16xi32>
    %max3A_1623 = arith.maxsi %sub3A_1620, %max3A_1622 : vector<16xi32>
    %lt3A_1624 = arith.constant 0 : i32
    %lt3A_1625 = vector.broadcast %lt3A_1624 : i32 to vector<16xi32>
    %lt3A_1626 = arith.cmpi slt, %max3A_1623, %lt3A_1625 : vector<16xi32>
    %add3A_1627 = arith.constant 16 : i32
    %add3A_1628 = vector.broadcast %add3A_1627 : i32 to vector<16xi32>
    %add3A_1629 = arith.addi %max3A_1623, %add3A_1628 : vector<16xi32>
    %select_n3A_1630 = arith.select %lt3A_1626, %add3A_1629, %max3A_1623 : vector<16xi1>, vector<16xi32>
    %broadcast_in_dim3A_1631 = vector.shape_cast %select_n3A_1630 : vector<16xi32> to vector<16x1xi32>
    %gather3A_1632 = vector.shape_cast %broadcast_in_dim3A_1631 : vector<16x1xi32> to vector<16xi32>
    %gather3A_1633 = tpu.dynamic_gather %add3A_1617[%gather3A_1632] in [0] : vector<16xi32>, vector<16xi32> -> vector<16xi32>
    %ge3A_1634 = arith.constant 8 : i32
    %ge3A_1635 = vector.broadcast %ge3A_1634 : i32 to vector<16xi32>
    %ge3A_1636 = arith.cmpi sge, %iota3A, %ge3A_1635 : vector<16xi32>
    %select_n3A_1637 = arith.select %ge3A_1636, %gather3A_1633, %broadcast_in_dim3A_43 : vector<16xi1>, vector<16xi32>
    %add3A_1638 = arith.addi %add3A_1617, %select_n3A_1637 : vector<16xi32>
    %sub3A_1639 = arith.subi %add3A_1638, %add3A_1331 : vector<16xi32>
    %add3A_1640 = arith.constant 1 : i32
    %add3A_1641 = vector.broadcast %add3A_1640 : i32 to vector<16xi32>
    %add3A_1642 = arith.addi %iota3A, %add3A_1641 : vector<16xi32>
    %and3A_1643 = arith.constant 15 : i32
    %and3A_1644 = vector.broadcast %and3A_1643 : i32 to vector<16xi32>
    %and3A_1645 = arith.andi %add3A_1642, %and3A_1644 : vector<16xi32>
    %lt3A_1646 = arith.constant 0 : i32
    %lt3A_1647 = vector.broadcast %lt3A_1646 : i32 to vector<16xi32>
    %lt3A_1648 = arith.cmpi slt, %and3A_1645, %lt3A_1647 : vector<16xi32>
    %add3A_1649 = arith.constant 16 : i32
    %add3A_1650 = vector.broadcast %add3A_1649 : i32 to vector<16xi32>
    %add3A_1651 = arith.addi %and3A_1645, %add3A_1650 : vector<16xi32>
    %select_n3A_1652 = arith.select %lt3A_1648, %add3A_1651, %and3A_1645 : vector<16xi1>, vector<16xi32>
    %broadcast_in_dim3A_1653 = vector.shape_cast %select_n3A_1652 : vector<16xi32> to vector<16x1xi32>
    %gather3A_1654 = vector.shape_cast %broadcast_in_dim3A_1653 : vector<16x1xi32> to vector<16xi32>
    %gather3A_1655 = tpu.dynamic_gather %add3A_1325[%gather3A_1654] in [0] : vector<16xi32>, vector<16xi32> -> vector<16xi32>
    %add3A_1656 = arith.addi %add3A_1325, %gather3A_1655 : vector<16xi32>
    %add3A_1657 = arith.constant 2 : i32
    %add3A_1658 = vector.broadcast %add3A_1657 : i32 to vector<16xi32>
    %add3A_1659 = arith.addi %iota3A, %add3A_1658 : vector<16xi32>
    %and3A_1660 = arith.constant 15 : i32
    %and3A_1661 = vector.broadcast %and3A_1660 : i32 to vector<16xi32>
    %and3A_1662 = arith.andi %add3A_1659, %and3A_1661 : vector<16xi32>
    %lt3A_1663 = arith.constant 0 : i32
    %lt3A_1664 = vector.broadcast %lt3A_1663 : i32 to vector<16xi32>
    %lt3A_1665 = arith.cmpi slt, %and3A_1662, %lt3A_1664 : vector<16xi32>
    %add3A_1666 = arith.constant 16 : i32
    %add3A_1667 = vector.broadcast %add3A_1666 : i32 to vector<16xi32>
    %add3A_1668 = arith.addi %and3A_1662, %add3A_1667 : vector<16xi32>
    %select_n3A_1669 = arith.select %lt3A_1665, %add3A_1668, %and3A_1662 : vector<16xi1>, vector<16xi32>
    %broadcast_in_dim3A_1670 = vector.shape_cast %select_n3A_1669 : vector<16xi32> to vector<16x1xi32>
    %gather3A_1671 = vector.shape_cast %broadcast_in_dim3A_1670 : vector<16x1xi32> to vector<16xi32>
    %gather3A_1672 = tpu.dynamic_gather %add3A_1656[%gather3A_1671] in [0] : vector<16xi32>, vector<16xi32> -> vector<16xi32>
    %add3A_1673 = arith.addi %add3A_1656, %gather3A_1672 : vector<16xi32>
    %add3A_1674 = arith.constant 4 : i32
    %add3A_1675 = vector.broadcast %add3A_1674 : i32 to vector<16xi32>
    %add3A_1676 = arith.addi %iota3A, %add3A_1675 : vector<16xi32>
    %and3A_1677 = arith.constant 15 : i32
    %and3A_1678 = vector.broadcast %and3A_1677 : i32 to vector<16xi32>
    %and3A_1679 = arith.andi %add3A_1676, %and3A_1678 : vector<16xi32>
    %lt3A_1680 = arith.constant 0 : i32
    %lt3A_1681 = vector.broadcast %lt3A_1680 : i32 to vector<16xi32>
    %lt3A_1682 = arith.cmpi slt, %and3A_1679, %lt3A_1681 : vector<16xi32>
    %add3A_1683 = arith.constant 16 : i32
    %add3A_1684 = vector.broadcast %add3A_1683 : i32 to vector<16xi32>
    %add3A_1685 = arith.addi %and3A_1679, %add3A_1684 : vector<16xi32>
    %select_n3A_1686 = arith.select %lt3A_1682, %add3A_1685, %and3A_1679 : vector<16xi1>, vector<16xi32>
    %broadcast_in_dim3A_1687 = vector.shape_cast %select_n3A_1686 : vector<16xi32> to vector<16x1xi32>
    %gather3A_1688 = vector.shape_cast %broadcast_in_dim3A_1687 : vector<16x1xi32> to vector<16xi32>
    %gather3A_1689 = tpu.dynamic_gather %add3A_1673[%gather3A_1688] in [0] : vector<16xi32>, vector<16xi32> -> vector<16xi32>
    %add3A_1690 = arith.addi %add3A_1673, %gather3A_1689 : vector<16xi32>
    %add3A_1691 = arith.constant 8 : i32
    %add3A_1692 = vector.broadcast %add3A_1691 : i32 to vector<16xi32>
    %add3A_1693 = arith.addi %iota3A, %add3A_1692 : vector<16xi32>
    %and3A_1694 = arith.constant 15 : i32
    %and3A_1695 = vector.broadcast %and3A_1694 : i32 to vector<16xi32>
    %and3A_1696 = arith.andi %add3A_1693, %and3A_1695 : vector<16xi32>
    %lt3A_1697 = arith.constant 0 : i32
    %lt3A_1698 = vector.broadcast %lt3A_1697 : i32 to vector<16xi32>
    %lt3A_1699 = arith.cmpi slt, %and3A_1696, %lt3A_1698 : vector<16xi32>
    %add3A_1700 = arith.constant 16 : i32
    %add3A_1701 = vector.broadcast %add3A_1700 : i32 to vector<16xi32>
    %add3A_1702 = arith.addi %and3A_1696, %add3A_1701 : vector<16xi32>
    %select_n3A_1703 = arith.select %lt3A_1699, %add3A_1702, %and3A_1696 : vector<16xi1>, vector<16xi32>
    %broadcast_in_dim3A_1704 = vector.shape_cast %select_n3A_1703 : vector<16xi32> to vector<16x1xi32>
    %gather3A_1705 = vector.shape_cast %broadcast_in_dim3A_1704 : vector<16x1xi32> to vector<16xi32>
    %gather3A_1706 = tpu.dynamic_gather %add3A_1690[%gather3A_1705] in [0] : vector<16xi32>, vector<16xi32> -> vector<16xi32>
    %add3A_1707 = arith.addi %add3A_1690, %gather3A_1706 : vector<16xi32>
    %add3A_1708 = arith.addi %sub3A_1639, %add3A_1707 : vector<16xi32>
    %sub3A_1709 = arith.subi %sub3A_1471, %sub3A_1554 : vector<16xi32>
    %jit3A_1710 = arith.constant 0 : i32
    %max3A_1711 = vector.broadcast %jit3A_1710 : i32 to vector<16xi32>
    %max3A_1712 = arith.maxsi %max3A_1711, %sub3A_1709 : vector<16xi32>
    %min3A = arith.minsi %add3A_1325, %max3A_1712 : vector<16xi32>
    %add3A_1713 = arith.addi %add3A_1313, %min3A : vector<16xi32>
    %sub3A_1714 = arith.subi %sub3A_1471, %add3A_1708 : vector<16xi32>
    %jit3A_1715 = arith.constant 0 : i32
    %max3A_1716 = vector.broadcast %jit3A_1715 : i32 to vector<16xi32>
    %max3A_1717 = arith.maxsi %max3A_1716, %sub3A_1714 : vector<16xi32>
    %min3A_1718 = arith.minsi %add3A_1331, %max3A_1717 : vector<16xi32>
    %add3A_1719 = arith.addi %add3A_1319, %min3A_1718 : vector<16xi32>
    %add3A_1720 = arith.constant 7 : i32
    %add3A_1721 = vector.broadcast %add3A_1720 : i32 to vector<16xi32>
    %add3A_1722 = arith.addi %add3A_1713, %add3A_1721 : vector<16xi32>
    %and3A_1723 = arith.constant -8 : i32
    %and3A_1724 = vector.broadcast %and3A_1723 : i32 to vector<16xi32>
    %and3A_1725 = arith.andi %add3A_1722, %and3A_1724 : vector<16xi32>
    %add3A_1726 = arith.constant 7 : i32
    %add3A_1727 = vector.broadcast %add3A_1726 : i32 to vector<16xi32>
    %add3A_1728 = arith.addi %add3A_1719, %add3A_1727 : vector<16xi32>
    %and3A_1729 = arith.constant -8 : i32
    %and3A_1730 = vector.broadcast %and3A_1729 : i32 to vector<16xi32>
    %and3A_1731 = arith.andi %add3A_1728, %and3A_1730 : vector<16xi32>
    %sub3A_1732 = arith.constant 1 : i32
    %sub3A_1733 = vector.broadcast %sub3A_1732 : i32 to vector<16xi32>
    %sub3A_1734 = arith.subi %iota3A, %sub3A_1733 : vector<16xi32>
    %max3A_1735 = arith.constant 0 : i32
    %max3A_1736 = vector.broadcast %max3A_1735 : i32 to vector<16xi32>
    %max3A_1737 = arith.maxsi %sub3A_1734, %max3A_1736 : vector<16xi32>
    %lt3A_1738 = arith.constant 0 : i32
    %lt3A_1739 = vector.broadcast %lt3A_1738 : i32 to vector<16xi32>
    %lt3A_1740 = arith.cmpi slt, %max3A_1737, %lt3A_1739 : vector<16xi32>
    %add3A_1741 = arith.constant 16 : i32
    %add3A_1742 = vector.broadcast %add3A_1741 : i32 to vector<16xi32>
    %add3A_1743 = arith.addi %max3A_1737, %add3A_1742 : vector<16xi32>
    %select_n3A_1744 = arith.select %lt3A_1740, %add3A_1743, %max3A_1737 : vector<16xi1>, vector<16xi32>
    %broadcast_in_dim3A_1745 = vector.shape_cast %select_n3A_1744 : vector<16xi32> to vector<16x1xi32>
    %gather3A_1746 = vector.shape_cast %broadcast_in_dim3A_1745 : vector<16x1xi32> to vector<16xi32>
    %gather3A_1747 = tpu.dynamic_gather %and3A_1725[%gather3A_1746] in [0] : vector<16xi32>, vector<16xi32> -> vector<16xi32>
    %ge3A_1748 = arith.constant 1 : i32
    %ge3A_1749 = vector.broadcast %ge3A_1748 : i32 to vector<16xi32>
    %ge3A_1750 = arith.cmpi sge, %iota3A, %ge3A_1749 : vector<16xi32>
    %select_n3A_1751 = arith.select %ge3A_1750, %gather3A_1747, %broadcast_in_dim3A_43 : vector<16xi1>, vector<16xi32>
    %add3A_1752 = arith.addi %and3A_1725, %select_n3A_1751 : vector<16xi32>
    %sub3A_1753 = arith.constant 2 : i32
    %sub3A_1754 = vector.broadcast %sub3A_1753 : i32 to vector<16xi32>
    %sub3A_1755 = arith.subi %iota3A, %sub3A_1754 : vector<16xi32>
    %max3A_1756 = arith.constant 0 : i32
    %max3A_1757 = vector.broadcast %max3A_1756 : i32 to vector<16xi32>
    %max3A_1758 = arith.maxsi %sub3A_1755, %max3A_1757 : vector<16xi32>
    %lt3A_1759 = arith.constant 0 : i32
    %lt3A_1760 = vector.broadcast %lt3A_1759 : i32 to vector<16xi32>
    %lt3A_1761 = arith.cmpi slt, %max3A_1758, %lt3A_1760 : vector<16xi32>
    %add3A_1762 = arith.constant 16 : i32
    %add3A_1763 = vector.broadcast %add3A_1762 : i32 to vector<16xi32>
    %add3A_1764 = arith.addi %max3A_1758, %add3A_1763 : vector<16xi32>
    %select_n3A_1765 = arith.select %lt3A_1761, %add3A_1764, %max3A_1758 : vector<16xi1>, vector<16xi32>
    %broadcast_in_dim3A_1766 = vector.shape_cast %select_n3A_1765 : vector<16xi32> to vector<16x1xi32>
    %gather3A_1767 = vector.shape_cast %broadcast_in_dim3A_1766 : vector<16x1xi32> to vector<16xi32>
    %gather3A_1768 = tpu.dynamic_gather %add3A_1752[%gather3A_1767] in [0] : vector<16xi32>, vector<16xi32> -> vector<16xi32>
    %ge3A_1769 = arith.constant 2 : i32
    %ge3A_1770 = vector.broadcast %ge3A_1769 : i32 to vector<16xi32>
    %ge3A_1771 = arith.cmpi sge, %iota3A, %ge3A_1770 : vector<16xi32>
    %select_n3A_1772 = arith.select %ge3A_1771, %gather3A_1768, %broadcast_in_dim3A_43 : vector<16xi1>, vector<16xi32>
    %add3A_1773 = arith.addi %add3A_1752, %select_n3A_1772 : vector<16xi32>
    %sub3A_1774 = arith.constant 4 : i32
    %sub3A_1775 = vector.broadcast %sub3A_1774 : i32 to vector<16xi32>
    %sub3A_1776 = arith.subi %iota3A, %sub3A_1775 : vector<16xi32>
    %max3A_1777 = arith.constant 0 : i32
    %max3A_1778 = vector.broadcast %max3A_1777 : i32 to vector<16xi32>
    %max3A_1779 = arith.maxsi %sub3A_1776, %max3A_1778 : vector<16xi32>
    %lt3A_1780 = arith.constant 0 : i32
    %lt3A_1781 = vector.broadcast %lt3A_1780 : i32 to vector<16xi32>
    %lt3A_1782 = arith.cmpi slt, %max3A_1779, %lt3A_1781 : vector<16xi32>
    %add3A_1783 = arith.constant 16 : i32
    %add3A_1784 = vector.broadcast %add3A_1783 : i32 to vector<16xi32>
    %add3A_1785 = arith.addi %max3A_1779, %add3A_1784 : vector<16xi32>
    %select_n3A_1786 = arith.select %lt3A_1782, %add3A_1785, %max3A_1779 : vector<16xi1>, vector<16xi32>
    %broadcast_in_dim3A_1787 = vector.shape_cast %select_n3A_1786 : vector<16xi32> to vector<16x1xi32>
    %gather3A_1788 = vector.shape_cast %broadcast_in_dim3A_1787 : vector<16x1xi32> to vector<16xi32>
    %gather3A_1789 = tpu.dynamic_gather %add3A_1773[%gather3A_1788] in [0] : vector<16xi32>, vector<16xi32> -> vector<16xi32>
    %ge3A_1790 = arith.constant 4 : i32
    %ge3A_1791 = vector.broadcast %ge3A_1790 : i32 to vector<16xi32>
    %ge3A_1792 = arith.cmpi sge, %iota3A, %ge3A_1791 : vector<16xi32>
    %select_n3A_1793 = arith.select %ge3A_1792, %gather3A_1789, %broadcast_in_dim3A_43 : vector<16xi1>, vector<16xi32>
    %add3A_1794 = arith.addi %add3A_1773, %select_n3A_1793 : vector<16xi32>
    %sub3A_1795 = arith.constant 8 : i32
    %sub3A_1796 = vector.broadcast %sub3A_1795 : i32 to vector<16xi32>
    %sub3A_1797 = arith.subi %iota3A, %sub3A_1796 : vector<16xi32>
    %max3A_1798 = arith.constant 0 : i32
    %max3A_1799 = vector.broadcast %max3A_1798 : i32 to vector<16xi32>
    %max3A_1800 = arith.maxsi %sub3A_1797, %max3A_1799 : vector<16xi32>
    %lt3A_1801 = arith.constant 0 : i32
    %lt3A_1802 = vector.broadcast %lt3A_1801 : i32 to vector<16xi32>
    %lt3A_1803 = arith.cmpi slt, %max3A_1800, %lt3A_1802 : vector<16xi32>
    %add3A_1804 = arith.constant 16 : i32
    %add3A_1805 = vector.broadcast %add3A_1804 : i32 to vector<16xi32>
    %add3A_1806 = arith.addi %max3A_1800, %add3A_1805 : vector<16xi32>
    %select_n3A_1807 = arith.select %lt3A_1803, %add3A_1806, %max3A_1800 : vector<16xi1>, vector<16xi32>
    %broadcast_in_dim3A_1808 = vector.shape_cast %select_n3A_1807 : vector<16xi32> to vector<16x1xi32>
    %gather3A_1809 = vector.shape_cast %broadcast_in_dim3A_1808 : vector<16x1xi32> to vector<16xi32>
    %gather3A_1810 = tpu.dynamic_gather %add3A_1794[%gather3A_1809] in [0] : vector<16xi32>, vector<16xi32> -> vector<16xi32>
    %ge3A_1811 = arith.constant 8 : i32
    %ge3A_1812 = vector.broadcast %ge3A_1811 : i32 to vector<16xi32>
    %ge3A_1813 = arith.cmpi sge, %iota3A, %ge3A_1812 : vector<16xi32>
    %select_n3A_1814 = arith.select %ge3A_1813, %gather3A_1810, %broadcast_in_dim3A_43 : vector<16xi1>, vector<16xi32>
    %add3A_1815 = arith.addi %add3A_1794, %select_n3A_1814 : vector<16xi32>
    %sub3A_1816 = arith.subi %add3A_1815, %and3A_1725 : vector<16xi32>
    %sub3A_1817 = arith.constant 1 : i32
    %sub3A_1818 = vector.broadcast %sub3A_1817 : i32 to vector<16xi32>
    %sub3A_1819 = arith.subi %iota3A, %sub3A_1818 : vector<16xi32>
    %max3A_1820 = arith.constant 0 : i32
    %max3A_1821 = vector.broadcast %max3A_1820 : i32 to vector<16xi32>
    %max3A_1822 = arith.maxsi %sub3A_1819, %max3A_1821 : vector<16xi32>
    %lt3A_1823 = arith.constant 0 : i32
    %lt3A_1824 = vector.broadcast %lt3A_1823 : i32 to vector<16xi32>
    %lt3A_1825 = arith.cmpi slt, %max3A_1822, %lt3A_1824 : vector<16xi32>
    %add3A_1826 = arith.constant 16 : i32
    %add3A_1827 = vector.broadcast %add3A_1826 : i32 to vector<16xi32>
    %add3A_1828 = arith.addi %max3A_1822, %add3A_1827 : vector<16xi32>
    %select_n3A_1829 = arith.select %lt3A_1825, %add3A_1828, %max3A_1822 : vector<16xi1>, vector<16xi32>
    %broadcast_in_dim3A_1830 = vector.shape_cast %select_n3A_1829 : vector<16xi32> to vector<16x1xi32>
    %gather3A_1831 = vector.shape_cast %broadcast_in_dim3A_1830 : vector<16x1xi32> to vector<16xi32>
    %gather3A_1832 = tpu.dynamic_gather %and3A_1731[%gather3A_1831] in [0] : vector<16xi32>, vector<16xi32> -> vector<16xi32>
    %ge3A_1833 = arith.constant 1 : i32
    %ge3A_1834 = vector.broadcast %ge3A_1833 : i32 to vector<16xi32>
    %ge3A_1835 = arith.cmpi sge, %iota3A, %ge3A_1834 : vector<16xi32>
    %select_n3A_1836 = arith.select %ge3A_1835, %gather3A_1832, %broadcast_in_dim3A_43 : vector<16xi1>, vector<16xi32>
    %add3A_1837 = arith.addi %and3A_1731, %select_n3A_1836 : vector<16xi32>
    %sub3A_1838 = arith.constant 2 : i32
    %sub3A_1839 = vector.broadcast %sub3A_1838 : i32 to vector<16xi32>
    %sub3A_1840 = arith.subi %iota3A, %sub3A_1839 : vector<16xi32>
    %max3A_1841 = arith.constant 0 : i32
    %max3A_1842 = vector.broadcast %max3A_1841 : i32 to vector<16xi32>
    %max3A_1843 = arith.maxsi %sub3A_1840, %max3A_1842 : vector<16xi32>
    %lt3A_1844 = arith.constant 0 : i32
    %lt3A_1845 = vector.broadcast %lt3A_1844 : i32 to vector<16xi32>
    %lt3A_1846 = arith.cmpi slt, %max3A_1843, %lt3A_1845 : vector<16xi32>
    %add3A_1847 = arith.constant 16 : i32
    %add3A_1848 = vector.broadcast %add3A_1847 : i32 to vector<16xi32>
    %add3A_1849 = arith.addi %max3A_1843, %add3A_1848 : vector<16xi32>
    %select_n3A_1850 = arith.select %lt3A_1846, %add3A_1849, %max3A_1843 : vector<16xi1>, vector<16xi32>
    %broadcast_in_dim3A_1851 = vector.shape_cast %select_n3A_1850 : vector<16xi32> to vector<16x1xi32>
    %gather3A_1852 = vector.shape_cast %broadcast_in_dim3A_1851 : vector<16x1xi32> to vector<16xi32>
    %gather3A_1853 = tpu.dynamic_gather %add3A_1837[%gather3A_1852] in [0] : vector<16xi32>, vector<16xi32> -> vector<16xi32>
    %ge3A_1854 = arith.constant 2 : i32
    %ge3A_1855 = vector.broadcast %ge3A_1854 : i32 to vector<16xi32>
    %ge3A_1856 = arith.cmpi sge, %iota3A, %ge3A_1855 : vector<16xi32>
    %select_n3A_1857 = arith.select %ge3A_1856, %gather3A_1853, %broadcast_in_dim3A_43 : vector<16xi1>, vector<16xi32>
    %add3A_1858 = arith.addi %add3A_1837, %select_n3A_1857 : vector<16xi32>
    %sub3A_1859 = arith.constant 4 : i32
    %sub3A_1860 = vector.broadcast %sub3A_1859 : i32 to vector<16xi32>
    %sub3A_1861 = arith.subi %iota3A, %sub3A_1860 : vector<16xi32>
    %max3A_1862 = arith.constant 0 : i32
    %max3A_1863 = vector.broadcast %max3A_1862 : i32 to vector<16xi32>
    %max3A_1864 = arith.maxsi %sub3A_1861, %max3A_1863 : vector<16xi32>
    %lt3A_1865 = arith.constant 0 : i32
    %lt3A_1866 = vector.broadcast %lt3A_1865 : i32 to vector<16xi32>
    %lt3A_1867 = arith.cmpi slt, %max3A_1864, %lt3A_1866 : vector<16xi32>
    %add3A_1868 = arith.constant 16 : i32
    %add3A_1869 = vector.broadcast %add3A_1868 : i32 to vector<16xi32>
    %add3A_1870 = arith.addi %max3A_1864, %add3A_1869 : vector<16xi32>
    %select_n3A_1871 = arith.select %lt3A_1867, %add3A_1870, %max3A_1864 : vector<16xi1>, vector<16xi32>
    %broadcast_in_dim3A_1872 = vector.shape_cast %select_n3A_1871 : vector<16xi32> to vector<16x1xi32>
    %gather3A_1873 = vector.shape_cast %broadcast_in_dim3A_1872 : vector<16x1xi32> to vector<16xi32>
    %gather3A_1874 = tpu.dynamic_gather %add3A_1858[%gather3A_1873] in [0] : vector<16xi32>, vector<16xi32> -> vector<16xi32>
    %ge3A_1875 = arith.constant 4 : i32
    %ge3A_1876 = vector.broadcast %ge3A_1875 : i32 to vector<16xi32>
    %ge3A_1877 = arith.cmpi sge, %iota3A, %ge3A_1876 : vector<16xi32>
    %select_n3A_1878 = arith.select %ge3A_1877, %gather3A_1874, %broadcast_in_dim3A_43 : vector<16xi1>, vector<16xi32>
    %add3A_1879 = arith.addi %add3A_1858, %select_n3A_1878 : vector<16xi32>
    %sub3A_1880 = arith.constant 8 : i32
    %sub3A_1881 = vector.broadcast %sub3A_1880 : i32 to vector<16xi32>
    %sub3A_1882 = arith.subi %iota3A, %sub3A_1881 : vector<16xi32>
    %max3A_1883 = arith.constant 0 : i32
    %max3A_1884 = vector.broadcast %max3A_1883 : i32 to vector<16xi32>
    %max3A_1885 = arith.maxsi %sub3A_1882, %max3A_1884 : vector<16xi32>
    %lt3A_1886 = arith.constant 0 : i32
    %lt3A_1887 = vector.broadcast %lt3A_1886 : i32 to vector<16xi32>
    %lt3A_1888 = arith.cmpi slt, %max3A_1885, %lt3A_1887 : vector<16xi32>
    %add3A_1889 = arith.constant 16 : i32
    %add3A_1890 = vector.broadcast %add3A_1889 : i32 to vector<16xi32>
    %add3A_1891 = arith.addi %max3A_1885, %add3A_1890 : vector<16xi32>
    %select_n3A_1892 = arith.select %lt3A_1888, %add3A_1891, %max3A_1885 : vector<16xi1>, vector<16xi32>
    %broadcast_in_dim3A_1893 = vector.shape_cast %select_n3A_1892 : vector<16xi32> to vector<16x1xi32>
    %gather3A_1894 = vector.shape_cast %broadcast_in_dim3A_1893 : vector<16x1xi32> to vector<16xi32>
    %gather3A_1895 = tpu.dynamic_gather %add3A_1879[%gather3A_1894] in [0] : vector<16xi32>, vector<16xi32> -> vector<16xi32>
    %ge3A_1896 = arith.constant 8 : i32
    %ge3A_1897 = vector.broadcast %ge3A_1896 : i32 to vector<16xi32>
    %ge3A_1898 = arith.cmpi sge, %iota3A, %ge3A_1897 : vector<16xi32>
    %select_n3A_1899 = arith.select %ge3A_1898, %gather3A_1895, %broadcast_in_dim3A_43 : vector<16xi1>, vector<16xi32>
    %add3A_1900 = arith.addi %add3A_1879, %select_n3A_1899 : vector<16xi32>
    %sub3A_1901 = arith.subi %add3A_1900, %and3A_1731 : vector<16xi32>
    %add3A_1902 = arith.constant 1 : i32
    %add3A_1903 = vector.broadcast %add3A_1902 : i32 to vector<16xi32>
    %add3A_1904 = arith.addi %iota3A, %add3A_1903 : vector<16xi32>
    %and3A_1905 = arith.constant 15 : i32
    %and3A_1906 = vector.broadcast %and3A_1905 : i32 to vector<16xi32>
    %and3A_1907 = arith.andi %add3A_1904, %and3A_1906 : vector<16xi32>
    %lt3A_1908 = arith.constant 0 : i32
    %lt3A_1909 = vector.broadcast %lt3A_1908 : i32 to vector<16xi32>
    %lt3A_1910 = arith.cmpi slt, %and3A_1907, %lt3A_1909 : vector<16xi32>
    %add3A_1911 = arith.constant 16 : i32
    %add3A_1912 = vector.broadcast %add3A_1911 : i32 to vector<16xi32>
    %add3A_1913 = arith.addi %and3A_1907, %add3A_1912 : vector<16xi32>
    %select_n3A_1914 = arith.select %lt3A_1910, %add3A_1913, %and3A_1907 : vector<16xi1>, vector<16xi32>
    %broadcast_in_dim3A_1915 = vector.shape_cast %select_n3A_1914 : vector<16xi32> to vector<16x1xi32>
    %gather3A_1916 = vector.shape_cast %broadcast_in_dim3A_1915 : vector<16x1xi32> to vector<16xi32>
    %gather3A_1917 = tpu.dynamic_gather %and3A_1725[%gather3A_1916] in [0] : vector<16xi32>, vector<16xi32> -> vector<16xi32>
    %add3A_1918 = arith.addi %and3A_1725, %gather3A_1917 : vector<16xi32>
    %add3A_1919 = arith.constant 2 : i32
    %add3A_1920 = vector.broadcast %add3A_1919 : i32 to vector<16xi32>
    %add3A_1921 = arith.addi %iota3A, %add3A_1920 : vector<16xi32>
    %and3A_1922 = arith.constant 15 : i32
    %and3A_1923 = vector.broadcast %and3A_1922 : i32 to vector<16xi32>
    %and3A_1924 = arith.andi %add3A_1921, %and3A_1923 : vector<16xi32>
    %lt3A_1925 = arith.constant 0 : i32
    %lt3A_1926 = vector.broadcast %lt3A_1925 : i32 to vector<16xi32>
    %lt3A_1927 = arith.cmpi slt, %and3A_1924, %lt3A_1926 : vector<16xi32>
    %add3A_1928 = arith.constant 16 : i32
    %add3A_1929 = vector.broadcast %add3A_1928 : i32 to vector<16xi32>
    %add3A_1930 = arith.addi %and3A_1924, %add3A_1929 : vector<16xi32>
    %select_n3A_1931 = arith.select %lt3A_1927, %add3A_1930, %and3A_1924 : vector<16xi1>, vector<16xi32>
    %broadcast_in_dim3A_1932 = vector.shape_cast %select_n3A_1931 : vector<16xi32> to vector<16x1xi32>
    %gather3A_1933 = vector.shape_cast %broadcast_in_dim3A_1932 : vector<16x1xi32> to vector<16xi32>
    %gather3A_1934 = tpu.dynamic_gather %add3A_1918[%gather3A_1933] in [0] : vector<16xi32>, vector<16xi32> -> vector<16xi32>
    %add3A_1935 = arith.addi %add3A_1918, %gather3A_1934 : vector<16xi32>
    %add3A_1936 = arith.constant 4 : i32
    %add3A_1937 = vector.broadcast %add3A_1936 : i32 to vector<16xi32>
    %add3A_1938 = arith.addi %iota3A, %add3A_1937 : vector<16xi32>
    %and3A_1939 = arith.constant 15 : i32
    %and3A_1940 = vector.broadcast %and3A_1939 : i32 to vector<16xi32>
    %and3A_1941 = arith.andi %add3A_1938, %and3A_1940 : vector<16xi32>
    %lt3A_1942 = arith.constant 0 : i32
    %lt3A_1943 = vector.broadcast %lt3A_1942 : i32 to vector<16xi32>
    %lt3A_1944 = arith.cmpi slt, %and3A_1941, %lt3A_1943 : vector<16xi32>
    %add3A_1945 = arith.constant 16 : i32
    %add3A_1946 = vector.broadcast %add3A_1945 : i32 to vector<16xi32>
    %add3A_1947 = arith.addi %and3A_1941, %add3A_1946 : vector<16xi32>
    %select_n3A_1948 = arith.select %lt3A_1944, %add3A_1947, %and3A_1941 : vector<16xi1>, vector<16xi32>
    %broadcast_in_dim3A_1949 = vector.shape_cast %select_n3A_1948 : vector<16xi32> to vector<16x1xi32>
    %gather3A_1950 = vector.shape_cast %broadcast_in_dim3A_1949 : vector<16x1xi32> to vector<16xi32>
    %gather3A_1951 = tpu.dynamic_gather %add3A_1935[%gather3A_1950] in [0] : vector<16xi32>, vector<16xi32> -> vector<16xi32>
    %add3A_1952 = arith.addi %add3A_1935, %gather3A_1951 : vector<16xi32>
    %add3A_1953 = arith.constant 8 : i32
    %add3A_1954 = vector.broadcast %add3A_1953 : i32 to vector<16xi32>
    %add3A_1955 = arith.addi %iota3A, %add3A_1954 : vector<16xi32>
    %and3A_1956 = arith.constant 15 : i32
    %and3A_1957 = vector.broadcast %and3A_1956 : i32 to vector<16xi32>
    %and3A_1958 = arith.andi %add3A_1955, %and3A_1957 : vector<16xi32>
    %lt3A_1959 = arith.constant 0 : i32
    %lt3A_1960 = vector.broadcast %lt3A_1959 : i32 to vector<16xi32>
    %lt3A_1961 = arith.cmpi slt, %and3A_1958, %lt3A_1960 : vector<16xi32>
    %add3A_1962 = arith.constant 16 : i32
    %add3A_1963 = vector.broadcast %add3A_1962 : i32 to vector<16xi32>
    %add3A_1964 = arith.addi %and3A_1958, %add3A_1963 : vector<16xi32>
    %select_n3A_1965 = arith.select %lt3A_1961, %add3A_1964, %and3A_1958 : vector<16xi1>, vector<16xi32>
    %broadcast_in_dim3A_1966 = vector.shape_cast %select_n3A_1965 : vector<16xi32> to vector<16x1xi32>
    %gather3A_1967 = vector.shape_cast %broadcast_in_dim3A_1966 : vector<16x1xi32> to vector<16xi32>
    %gather3A_1968 = tpu.dynamic_gather %add3A_1952[%gather3A_1967] in [0] : vector<16xi32>, vector<16xi32> -> vector<16xi32>
    %add3A_1969 = arith.addi %add3A_1952, %gather3A_1968 : vector<16xi32>
    %add3A_1970 = arith.addi %sub3A_1901, %add3A_1969 : vector<16xi32>
    %add3A_1971 = arith.constant 1 : i32
    %add3A_1972 = vector.broadcast %add3A_1971 : i32 to vector<16xi32>
    %add3A_1973 = arith.addi %iota3A, %add3A_1972 : vector<16xi32>
    %and3A_1974 = arith.constant 15 : i32
    %and3A_1975 = vector.broadcast %and3A_1974 : i32 to vector<16xi32>
    %and3A_1976 = arith.andi %add3A_1973, %and3A_1975 : vector<16xi32>
    %lt3A_1977 = arith.constant 0 : i32
    %lt3A_1978 = vector.broadcast %lt3A_1977 : i32 to vector<16xi32>
    %lt3A_1979 = arith.cmpi slt, %and3A_1976, %lt3A_1978 : vector<16xi32>
    %add3A_1980 = arith.constant 16 : i32
    %add3A_1981 = vector.broadcast %add3A_1980 : i32 to vector<16xi32>
    %add3A_1982 = arith.addi %and3A_1976, %add3A_1981 : vector<16xi32>
    %select_n3A_1983 = arith.select %lt3A_1979, %add3A_1982, %and3A_1976 : vector<16xi1>, vector<16xi32>
    %broadcast_in_dim3A_1984 = vector.shape_cast %select_n3A_1983 : vector<16xi32> to vector<16x1xi32>
    %gather3A_1985 = vector.shape_cast %broadcast_in_dim3A_1984 : vector<16x1xi32> to vector<16xi32>
    %gather3A_1986 = tpu.dynamic_gather %and3A_1725[%gather3A_1985] in [0] : vector<16xi32>, vector<16xi32> -> vector<16xi32>
    %add3A_1987 = arith.addi %and3A_1725, %gather3A_1986 : vector<16xi32>
    %add3A_1988 = arith.constant 2 : i32
    %add3A_1989 = vector.broadcast %add3A_1988 : i32 to vector<16xi32>
    %add3A_1990 = arith.addi %iota3A, %add3A_1989 : vector<16xi32>
    %and3A_1991 = arith.constant 15 : i32
    %and3A_1992 = vector.broadcast %and3A_1991 : i32 to vector<16xi32>
    %and3A_1993 = arith.andi %add3A_1990, %and3A_1992 : vector<16xi32>
    %lt3A_1994 = arith.constant 0 : i32
    %lt3A_1995 = vector.broadcast %lt3A_1994 : i32 to vector<16xi32>
    %lt3A_1996 = arith.cmpi slt, %and3A_1993, %lt3A_1995 : vector<16xi32>
    %add3A_1997 = arith.constant 16 : i32
    %add3A_1998 = vector.broadcast %add3A_1997 : i32 to vector<16xi32>
    %add3A_1999 = arith.addi %and3A_1993, %add3A_1998 : vector<16xi32>
    %select_n3A_2000 = arith.select %lt3A_1996, %add3A_1999, %and3A_1993 : vector<16xi1>, vector<16xi32>
    %broadcast_in_dim3A_2001 = vector.shape_cast %select_n3A_2000 : vector<16xi32> to vector<16x1xi32>
    %gather3A_2002 = vector.shape_cast %broadcast_in_dim3A_2001 : vector<16x1xi32> to vector<16xi32>
    %gather3A_2003 = tpu.dynamic_gather %add3A_1987[%gather3A_2002] in [0] : vector<16xi32>, vector<16xi32> -> vector<16xi32>
    %add3A_2004 = arith.addi %add3A_1987, %gather3A_2003 : vector<16xi32>
    %add3A_2005 = arith.constant 4 : i32
    %add3A_2006 = vector.broadcast %add3A_2005 : i32 to vector<16xi32>
    %add3A_2007 = arith.addi %iota3A, %add3A_2006 : vector<16xi32>
    %and3A_2008 = arith.constant 15 : i32
    %and3A_2009 = vector.broadcast %and3A_2008 : i32 to vector<16xi32>
    %and3A_2010 = arith.andi %add3A_2007, %and3A_2009 : vector<16xi32>
    %lt3A_2011 = arith.constant 0 : i32
    %lt3A_2012 = vector.broadcast %lt3A_2011 : i32 to vector<16xi32>
    %lt3A_2013 = arith.cmpi slt, %and3A_2010, %lt3A_2012 : vector<16xi32>
    %add3A_2014 = arith.constant 16 : i32
    %add3A_2015 = vector.broadcast %add3A_2014 : i32 to vector<16xi32>
    %add3A_2016 = arith.addi %and3A_2010, %add3A_2015 : vector<16xi32>
    %select_n3A_2017 = arith.select %lt3A_2013, %add3A_2016, %and3A_2010 : vector<16xi1>, vector<16xi32>
    %broadcast_in_dim3A_2018 = vector.shape_cast %select_n3A_2017 : vector<16xi32> to vector<16x1xi32>
    %gather3A_2019 = vector.shape_cast %broadcast_in_dim3A_2018 : vector<16x1xi32> to vector<16xi32>
    %gather3A_2020 = tpu.dynamic_gather %add3A_2004[%gather3A_2019] in [0] : vector<16xi32>, vector<16xi32> -> vector<16xi32>
    %add3A_2021 = arith.addi %add3A_2004, %gather3A_2020 : vector<16xi32>
    %add3A_2022 = arith.constant 8 : i32
    %add3A_2023 = vector.broadcast %add3A_2022 : i32 to vector<16xi32>
    %add3A_2024 = arith.addi %iota3A, %add3A_2023 : vector<16xi32>
    %and3A_2025 = arith.constant 15 : i32
    %and3A_2026 = vector.broadcast %and3A_2025 : i32 to vector<16xi32>
    %and3A_2027 = arith.andi %add3A_2024, %and3A_2026 : vector<16xi32>
    %lt3A_2028 = arith.constant 0 : i32
    %lt3A_2029 = vector.broadcast %lt3A_2028 : i32 to vector<16xi32>
    %lt3A_2030 = arith.cmpi slt, %and3A_2027, %lt3A_2029 : vector<16xi32>
    %add3A_2031 = arith.constant 16 : i32
    %add3A_2032 = vector.broadcast %add3A_2031 : i32 to vector<16xi32>
    %add3A_2033 = arith.addi %and3A_2027, %add3A_2032 : vector<16xi32>
    %select_n3A_2034 = arith.select %lt3A_2030, %add3A_2033, %and3A_2027 : vector<16xi1>, vector<16xi32>
    %broadcast_in_dim3A_2035 = vector.shape_cast %select_n3A_2034 : vector<16xi32> to vector<16x1xi32>
    %gather3A_2036 = vector.shape_cast %broadcast_in_dim3A_2035 : vector<16x1xi32> to vector<16xi32>
    %gather3A_2037 = tpu.dynamic_gather %add3A_2021[%gather3A_2036] in [0] : vector<16xi32>, vector<16xi32> -> vector<16xi32>
    %add3A_2038 = arith.addi %add3A_2021, %gather3A_2037 : vector<16xi32>
    %add3A_2039 = arith.constant 1 : i32
    %add3A_2040 = vector.broadcast %add3A_2039 : i32 to vector<16xi32>
    %add3A_2041 = arith.addi %iota3A, %add3A_2040 : vector<16xi32>
    %and3A_2042 = arith.constant 15 : i32
    %and3A_2043 = vector.broadcast %and3A_2042 : i32 to vector<16xi32>
    %and3A_2044 = arith.andi %add3A_2041, %and3A_2043 : vector<16xi32>
    %lt3A_2045 = arith.constant 0 : i32
    %lt3A_2046 = vector.broadcast %lt3A_2045 : i32 to vector<16xi32>
    %lt3A_2047 = arith.cmpi slt, %and3A_2044, %lt3A_2046 : vector<16xi32>
    %add3A_2048 = arith.constant 16 : i32
    %add3A_2049 = vector.broadcast %add3A_2048 : i32 to vector<16xi32>
    %add3A_2050 = arith.addi %and3A_2044, %add3A_2049 : vector<16xi32>
    %select_n3A_2051 = arith.select %lt3A_2047, %add3A_2050, %and3A_2044 : vector<16xi1>, vector<16xi32>
    %broadcast_in_dim3A_2052 = vector.shape_cast %select_n3A_2051 : vector<16xi32> to vector<16x1xi32>
    %gather3A_2053 = vector.shape_cast %broadcast_in_dim3A_2052 : vector<16x1xi32> to vector<16xi32>
    %gather3A_2054 = tpu.dynamic_gather %and3A_1731[%gather3A_2053] in [0] : vector<16xi32>, vector<16xi32> -> vector<16xi32>
    %add3A_2055 = arith.addi %and3A_1731, %gather3A_2054 : vector<16xi32>
    %add3A_2056 = arith.constant 2 : i32
    %add3A_2057 = vector.broadcast %add3A_2056 : i32 to vector<16xi32>
    %add3A_2058 = arith.addi %iota3A, %add3A_2057 : vector<16xi32>
    %and3A_2059 = arith.constant 15 : i32
    %and3A_2060 = vector.broadcast %and3A_2059 : i32 to vector<16xi32>
    %and3A_2061 = arith.andi %add3A_2058, %and3A_2060 : vector<16xi32>
    %lt3A_2062 = arith.constant 0 : i32
    %lt3A_2063 = vector.broadcast %lt3A_2062 : i32 to vector<16xi32>
    %lt3A_2064 = arith.cmpi slt, %and3A_2061, %lt3A_2063 : vector<16xi32>
    %add3A_2065 = arith.constant 16 : i32
    %add3A_2066 = vector.broadcast %add3A_2065 : i32 to vector<16xi32>
    %add3A_2067 = arith.addi %and3A_2061, %add3A_2066 : vector<16xi32>
    %select_n3A_2068 = arith.select %lt3A_2064, %add3A_2067, %and3A_2061 : vector<16xi1>, vector<16xi32>
    %broadcast_in_dim3A_2069 = vector.shape_cast %select_n3A_2068 : vector<16xi32> to vector<16x1xi32>
    %gather3A_2070 = vector.shape_cast %broadcast_in_dim3A_2069 : vector<16x1xi32> to vector<16xi32>
    %gather3A_2071 = tpu.dynamic_gather %add3A_2055[%gather3A_2070] in [0] : vector<16xi32>, vector<16xi32> -> vector<16xi32>
    %add3A_2072 = arith.addi %add3A_2055, %gather3A_2071 : vector<16xi32>
    %add3A_2073 = arith.constant 4 : i32
    %add3A_2074 = vector.broadcast %add3A_2073 : i32 to vector<16xi32>
    %add3A_2075 = arith.addi %iota3A, %add3A_2074 : vector<16xi32>
    %and3A_2076 = arith.constant 15 : i32
    %and3A_2077 = vector.broadcast %and3A_2076 : i32 to vector<16xi32>
    %and3A_2078 = arith.andi %add3A_2075, %and3A_2077 : vector<16xi32>
    %lt3A_2079 = arith.constant 0 : i32
    %lt3A_2080 = vector.broadcast %lt3A_2079 : i32 to vector<16xi32>
    %lt3A_2081 = arith.cmpi slt, %and3A_2078, %lt3A_2080 : vector<16xi32>
    %add3A_2082 = arith.constant 16 : i32
    %add3A_2083 = vector.broadcast %add3A_2082 : i32 to vector<16xi32>
    %add3A_2084 = arith.addi %and3A_2078, %add3A_2083 : vector<16xi32>
    %select_n3A_2085 = arith.select %lt3A_2081, %add3A_2084, %and3A_2078 : vector<16xi1>, vector<16xi32>
    %broadcast_in_dim3A_2086 = vector.shape_cast %select_n3A_2085 : vector<16xi32> to vector<16x1xi32>
    %gather3A_2087 = vector.shape_cast %broadcast_in_dim3A_2086 : vector<16x1xi32> to vector<16xi32>
    %gather3A_2088 = tpu.dynamic_gather %add3A_2072[%gather3A_2087] in [0] : vector<16xi32>, vector<16xi32> -> vector<16xi32>
    %add3A_2089 = arith.addi %add3A_2072, %gather3A_2088 : vector<16xi32>
    %add3A_2090 = arith.constant 8 : i32
    %add3A_2091 = vector.broadcast %add3A_2090 : i32 to vector<16xi32>
    %add3A_2092 = arith.addi %iota3A, %add3A_2091 : vector<16xi32>
    %and3A_2093 = arith.constant 15 : i32
    %and3A_2094 = vector.broadcast %and3A_2093 : i32 to vector<16xi32>
    %and3A_2095 = arith.andi %add3A_2092, %and3A_2094 : vector<16xi32>
    %lt3A_2096 = arith.constant 0 : i32
    %lt3A_2097 = vector.broadcast %lt3A_2096 : i32 to vector<16xi32>
    %lt3A_2098 = arith.cmpi slt, %and3A_2095, %lt3A_2097 : vector<16xi32>
    %add3A_2099 = arith.constant 16 : i32
    %add3A_2100 = vector.broadcast %add3A_2099 : i32 to vector<16xi32>
    %add3A_2101 = arith.addi %and3A_2095, %add3A_2100 : vector<16xi32>
    %select_n3A_2102 = arith.select %lt3A_2098, %add3A_2101, %and3A_2095 : vector<16xi1>, vector<16xi32>
    %broadcast_in_dim3A_2103 = vector.shape_cast %select_n3A_2102 : vector<16xi32> to vector<16x1xi32>
    %gather3A_2104 = vector.shape_cast %broadcast_in_dim3A_2103 : vector<16x1xi32> to vector<16xi32>
    %gather3A_2105 = tpu.dynamic_gather %add3A_2089[%gather3A_2104] in [0] : vector<16xi32>, vector<16xi32> -> vector<16xi32>
    %add3A_2106 = arith.addi %add3A_2089, %gather3A_2105 : vector<16xi32>
    %add3A_2107 = arith.addi %add3A_2038, %add3A_2106 : vector<16xi32>
    %add3A_2108 = vector.broadcast %select_n3A : i32 to vector<16xi32>
    %add3A_2109 = arith.addi %broadcast_in_dim3A_43, %add3A_2108 : vector<16xi32>
    %mul3A_2110 = arith.constant 16 : i32
    %mul3A_2111 = arith.muli %mul3A_2110, %select_n3A : i32
    %sub3A_2112 = arith.subi %add3A, %mul3A_2111 : i32
    %add3A_2113 = vector.broadcast %sub3A_2112 : i32 to vector<16xi32>
    %add3A_2114 = arith.addi %broadcast_in_dim3A_43, %add3A_2113 : vector<16xi32>
    %sub3A_2115 = arith.constant 1 : i32
    %sub3A_2116 = vector.broadcast %sub3A_2115 : i32 to vector<16xi32>
    %sub3A_2117 = arith.subi %sub3A_2116, %add3A_2109 : vector<16xi32>
    %mul3A_2118 = arith.muli %sub3A_1554, %sub3A_2117 : vector<16xi32>
    %mul3A_2119 = arith.muli %add3A_1708, %add3A_2109 : vector<16xi32>
    %add3A_2120 = arith.addi %mul3A_2118, %mul3A_2119 : vector<16xi32>
    %eq3A_2121 = arith.cmpi eq, %iota3A, %add3A_2114 : vector<16xi32>
    %select_n3A_2122 = arith.select %eq3A_2121, %add3A_2120, %broadcast_in_dim3A_43 : vector<16xi1>, vector<16xi32>
    %add3A_2123 = arith.constant 1 : i32
    %add3A_2124 = vector.broadcast %add3A_2123 : i32 to vector<16xi32>
    %add3A_2125 = arith.addi %iota3A, %add3A_2124 : vector<16xi32>
    %and3A_2126 = arith.constant 15 : i32
    %and3A_2127 = vector.broadcast %and3A_2126 : i32 to vector<16xi32>
    %and3A_2128 = arith.andi %add3A_2125, %and3A_2127 : vector<16xi32>
    %lt3A_2129 = arith.constant 0 : i32
    %lt3A_2130 = vector.broadcast %lt3A_2129 : i32 to vector<16xi32>
    %lt3A_2131 = arith.cmpi slt, %and3A_2128, %lt3A_2130 : vector<16xi32>
    %add3A_2132 = arith.constant 16 : i32
    %add3A_2133 = vector.broadcast %add3A_2132 : i32 to vector<16xi32>
    %add3A_2134 = arith.addi %and3A_2128, %add3A_2133 : vector<16xi32>
    %select_n3A_2135 = arith.select %lt3A_2131, %add3A_2134, %and3A_2128 : vector<16xi1>, vector<16xi32>
    %broadcast_in_dim3A_2136 = vector.shape_cast %select_n3A_2135 : vector<16xi32> to vector<16x1xi32>
    %gather3A_2137 = vector.shape_cast %broadcast_in_dim3A_2136 : vector<16x1xi32> to vector<16xi32>
    %gather3A_2138 = tpu.dynamic_gather %select_n3A_2122[%gather3A_2137] in [0] : vector<16xi32>, vector<16xi32> -> vector<16xi32>
    %add3A_2139 = arith.addi %select_n3A_2122, %gather3A_2138 : vector<16xi32>
    %add3A_2140 = arith.constant 2 : i32
    %add3A_2141 = vector.broadcast %add3A_2140 : i32 to vector<16xi32>
    %add3A_2142 = arith.addi %iota3A, %add3A_2141 : vector<16xi32>
    %and3A_2143 = arith.constant 15 : i32
    %and3A_2144 = vector.broadcast %and3A_2143 : i32 to vector<16xi32>
    %and3A_2145 = arith.andi %add3A_2142, %and3A_2144 : vector<16xi32>
    %lt3A_2146 = arith.constant 0 : i32
    %lt3A_2147 = vector.broadcast %lt3A_2146 : i32 to vector<16xi32>
    %lt3A_2148 = arith.cmpi slt, %and3A_2145, %lt3A_2147 : vector<16xi32>
    %add3A_2149 = arith.constant 16 : i32
    %add3A_2150 = vector.broadcast %add3A_2149 : i32 to vector<16xi32>
    %add3A_2151 = arith.addi %and3A_2145, %add3A_2150 : vector<16xi32>
    %select_n3A_2152 = arith.select %lt3A_2148, %add3A_2151, %and3A_2145 : vector<16xi1>, vector<16xi32>
    %broadcast_in_dim3A_2153 = vector.shape_cast %select_n3A_2152 : vector<16xi32> to vector<16x1xi32>
    %gather3A_2154 = vector.shape_cast %broadcast_in_dim3A_2153 : vector<16x1xi32> to vector<16xi32>
    %gather3A_2155 = tpu.dynamic_gather %add3A_2139[%gather3A_2154] in [0] : vector<16xi32>, vector<16xi32> -> vector<16xi32>
    %add3A_2156 = arith.addi %add3A_2139, %gather3A_2155 : vector<16xi32>
    %add3A_2157 = arith.constant 4 : i32
    %add3A_2158 = vector.broadcast %add3A_2157 : i32 to vector<16xi32>
    %add3A_2159 = arith.addi %iota3A, %add3A_2158 : vector<16xi32>
    %and3A_2160 = arith.constant 15 : i32
    %and3A_2161 = vector.broadcast %and3A_2160 : i32 to vector<16xi32>
    %and3A_2162 = arith.andi %add3A_2159, %and3A_2161 : vector<16xi32>
    %lt3A_2163 = arith.constant 0 : i32
    %lt3A_2164 = vector.broadcast %lt3A_2163 : i32 to vector<16xi32>
    %lt3A_2165 = arith.cmpi slt, %and3A_2162, %lt3A_2164 : vector<16xi32>
    %add3A_2166 = arith.constant 16 : i32
    %add3A_2167 = vector.broadcast %add3A_2166 : i32 to vector<16xi32>
    %add3A_2168 = arith.addi %and3A_2162, %add3A_2167 : vector<16xi32>
    %select_n3A_2169 = arith.select %lt3A_2165, %add3A_2168, %and3A_2162 : vector<16xi1>, vector<16xi32>
    %broadcast_in_dim3A_2170 = vector.shape_cast %select_n3A_2169 : vector<16xi32> to vector<16x1xi32>
    %gather3A_2171 = vector.shape_cast %broadcast_in_dim3A_2170 : vector<16x1xi32> to vector<16xi32>
    %gather3A_2172 = tpu.dynamic_gather %add3A_2156[%gather3A_2171] in [0] : vector<16xi32>, vector<16xi32> -> vector<16xi32>
    %add3A_2173 = arith.addi %add3A_2156, %gather3A_2172 : vector<16xi32>
    %add3A_2174 = arith.constant 8 : i32
    %add3A_2175 = vector.broadcast %add3A_2174 : i32 to vector<16xi32>
    %add3A_2176 = arith.addi %iota3A, %add3A_2175 : vector<16xi32>
    %and3A_2177 = arith.constant 15 : i32
    %and3A_2178 = vector.broadcast %and3A_2177 : i32 to vector<16xi32>
    %and3A_2179 = arith.andi %add3A_2176, %and3A_2178 : vector<16xi32>
    %lt3A_2180 = arith.constant 0 : i32
    %lt3A_2181 = vector.broadcast %lt3A_2180 : i32 to vector<16xi32>
    %lt3A_2182 = arith.cmpi slt, %and3A_2179, %lt3A_2181 : vector<16xi32>
    %add3A_2183 = arith.constant 16 : i32
    %add3A_2184 = vector.broadcast %add3A_2183 : i32 to vector<16xi32>
    %add3A_2185 = arith.addi %and3A_2179, %add3A_2184 : vector<16xi32>
    %select_n3A_2186 = arith.select %lt3A_2182, %add3A_2185, %and3A_2179 : vector<16xi1>, vector<16xi32>
    %broadcast_in_dim3A_2187 = vector.shape_cast %select_n3A_2186 : vector<16xi32> to vector<16x1xi32>
    %gather3A_2188 = vector.shape_cast %broadcast_in_dim3A_2187 : vector<16x1xi32> to vector<16xi32>
    %gather3A_2189 = tpu.dynamic_gather %add3A_2173[%gather3A_2188] in [0] : vector<16xi32>, vector<16xi32> -> vector<16xi32>
    %add3A_2190 = arith.addi %add3A_2173, %gather3A_2189 : vector<16xi32>
    %sub3A_2191 = arith.constant 1 : i32
    %sub3A_2192 = vector.broadcast %sub3A_2191 : i32 to vector<16xi32>
    %sub3A_2193 = arith.subi %sub3A_2192, %add3A_2109 : vector<16xi32>
    %mul3A_2194 = arith.muli %sub3A_1816, %sub3A_2193 : vector<16xi32>
    %mul3A_2195 = arith.muli %add3A_1970, %add3A_2109 : vector<16xi32>
    %add3A_2196 = arith.addi %mul3A_2194, %mul3A_2195 : vector<16xi32>
    %eq3A_2197 = arith.cmpi eq, %iota3A, %add3A_2114 : vector<16xi32>
    %select_n3A_2198 = arith.select %eq3A_2197, %add3A_2196, %broadcast_in_dim3A_43 : vector<16xi1>, vector<16xi32>
    %add3A_2199 = arith.constant 1 : i32
    %add3A_2200 = vector.broadcast %add3A_2199 : i32 to vector<16xi32>
    %add3A_2201 = arith.addi %iota3A, %add3A_2200 : vector<16xi32>
    %and3A_2202 = arith.constant 15 : i32
    %and3A_2203 = vector.broadcast %and3A_2202 : i32 to vector<16xi32>
    %and3A_2204 = arith.andi %add3A_2201, %and3A_2203 : vector<16xi32>
    %lt3A_2205 = arith.constant 0 : i32
    %lt3A_2206 = vector.broadcast %lt3A_2205 : i32 to vector<16xi32>
    %lt3A_2207 = arith.cmpi slt, %and3A_2204, %lt3A_2206 : vector<16xi32>
    %add3A_2208 = arith.constant 16 : i32
    %add3A_2209 = vector.broadcast %add3A_2208 : i32 to vector<16xi32>
    %add3A_2210 = arith.addi %and3A_2204, %add3A_2209 : vector<16xi32>
    %select_n3A_2211 = arith.select %lt3A_2207, %add3A_2210, %and3A_2204 : vector<16xi1>, vector<16xi32>
    %broadcast_in_dim3A_2212 = vector.shape_cast %select_n3A_2211 : vector<16xi32> to vector<16x1xi32>
    %gather3A_2213 = vector.shape_cast %broadcast_in_dim3A_2212 : vector<16x1xi32> to vector<16xi32>
    %gather3A_2214 = tpu.dynamic_gather %select_n3A_2198[%gather3A_2213] in [0] : vector<16xi32>, vector<16xi32> -> vector<16xi32>
    %add3A_2215 = arith.addi %select_n3A_2198, %gather3A_2214 : vector<16xi32>
    %add3A_2216 = arith.constant 2 : i32
    %add3A_2217 = vector.broadcast %add3A_2216 : i32 to vector<16xi32>
    %add3A_2218 = arith.addi %iota3A, %add3A_2217 : vector<16xi32>
    %and3A_2219 = arith.constant 15 : i32
    %and3A_2220 = vector.broadcast %and3A_2219 : i32 to vector<16xi32>
    %and3A_2221 = arith.andi %add3A_2218, %and3A_2220 : vector<16xi32>
    %lt3A_2222 = arith.constant 0 : i32
    %lt3A_2223 = vector.broadcast %lt3A_2222 : i32 to vector<16xi32>
    %lt3A_2224 = arith.cmpi slt, %and3A_2221, %lt3A_2223 : vector<16xi32>
    %add3A_2225 = arith.constant 16 : i32
    %add3A_2226 = vector.broadcast %add3A_2225 : i32 to vector<16xi32>
    %add3A_2227 = arith.addi %and3A_2221, %add3A_2226 : vector<16xi32>
    %select_n3A_2228 = arith.select %lt3A_2224, %add3A_2227, %and3A_2221 : vector<16xi1>, vector<16xi32>
    %broadcast_in_dim3A_2229 = vector.shape_cast %select_n3A_2228 : vector<16xi32> to vector<16x1xi32>
    %gather3A_2230 = vector.shape_cast %broadcast_in_dim3A_2229 : vector<16x1xi32> to vector<16xi32>
    %gather3A_2231 = tpu.dynamic_gather %add3A_2215[%gather3A_2230] in [0] : vector<16xi32>, vector<16xi32> -> vector<16xi32>
    %add3A_2232 = arith.addi %add3A_2215, %gather3A_2231 : vector<16xi32>
    %add3A_2233 = arith.constant 4 : i32
    %add3A_2234 = vector.broadcast %add3A_2233 : i32 to vector<16xi32>
    %add3A_2235 = arith.addi %iota3A, %add3A_2234 : vector<16xi32>
    %and3A_2236 = arith.constant 15 : i32
    %and3A_2237 = vector.broadcast %and3A_2236 : i32 to vector<16xi32>
    %and3A_2238 = arith.andi %add3A_2235, %and3A_2237 : vector<16xi32>
    %lt3A_2239 = arith.constant 0 : i32
    %lt3A_2240 = vector.broadcast %lt3A_2239 : i32 to vector<16xi32>
    %lt3A_2241 = arith.cmpi slt, %and3A_2238, %lt3A_2240 : vector<16xi32>
    %add3A_2242 = arith.constant 16 : i32
    %add3A_2243 = vector.broadcast %add3A_2242 : i32 to vector<16xi32>
    %add3A_2244 = arith.addi %and3A_2238, %add3A_2243 : vector<16xi32>
    %select_n3A_2245 = arith.select %lt3A_2241, %add3A_2244, %and3A_2238 : vector<16xi1>, vector<16xi32>
    %broadcast_in_dim3A_2246 = vector.shape_cast %select_n3A_2245 : vector<16xi32> to vector<16x1xi32>
    %gather3A_2247 = vector.shape_cast %broadcast_in_dim3A_2246 : vector<16x1xi32> to vector<16xi32>
    %gather3A_2248 = tpu.dynamic_gather %add3A_2232[%gather3A_2247] in [0] : vector<16xi32>, vector<16xi32> -> vector<16xi32>
    %add3A_2249 = arith.addi %add3A_2232, %gather3A_2248 : vector<16xi32>
    %add3A_2250 = arith.constant 8 : i32
    %add3A_2251 = vector.broadcast %add3A_2250 : i32 to vector<16xi32>
    %add3A_2252 = arith.addi %iota3A, %add3A_2251 : vector<16xi32>
    %and3A_2253 = arith.constant 15 : i32
    %and3A_2254 = vector.broadcast %and3A_2253 : i32 to vector<16xi32>
    %and3A_2255 = arith.andi %add3A_2252, %and3A_2254 : vector<16xi32>
    %lt3A_2256 = arith.constant 0 : i32
    %lt3A_2257 = vector.broadcast %lt3A_2256 : i32 to vector<16xi32>
    %lt3A_2258 = arith.cmpi slt, %and3A_2255, %lt3A_2257 : vector<16xi32>
    %add3A_2259 = arith.constant 16 : i32
    %add3A_2260 = vector.broadcast %add3A_2259 : i32 to vector<16xi32>
    %add3A_2261 = arith.addi %and3A_2255, %add3A_2260 : vector<16xi32>
    %select_n3A_2262 = arith.select %lt3A_2258, %add3A_2261, %and3A_2255 : vector<16xi1>, vector<16xi32>
    %broadcast_in_dim3A_2263 = vector.shape_cast %select_n3A_2262 : vector<16xi32> to vector<16x1xi32>
    %gather3A_2264 = vector.shape_cast %broadcast_in_dim3A_2263 : vector<16x1xi32> to vector<16xi32>
    %gather3A_2265 = tpu.dynamic_gather %add3A_2249[%gather3A_2264] in [0] : vector<16xi32>, vector<16xi32> -> vector<16xi32>
    %add3A_2266 = arith.addi %add3A_2249, %gather3A_2265 : vector<16xi32>
    %swap3A_2267 = arith.constant 0 : index
    %swap3A_2268 = tpu.vector_load %arg37[%swap3A_2267] {strides = array<i32>} : memref<16xi32, #tpu.memory_space<vmem>>, vector<16xi32>,
    %swap3A_2269 = vector.shape_cast %swap3A_2268 : vector<16xi32> to vector<16xi32>
    %swap3A_2270 = vector.shape_cast %broadcast_in_dim3A_43 : vector<16xi32> to vector<16xi32>
    tpu.vector_store %arg37[%swap3A_2267], %swap3A_2270 {strides = array<i32>} : memref<16xi32, #tpu.memory_space<vmem>>, vector<16xi32>,
    %swap3A_2271 = arith.constant 0 : index
    %swap3A_2272 = tpu.vector_load %arg38[%swap3A_2271] {strides = array<i32>} : memref<16xi32, #tpu.memory_space<vmem>>, vector<16xi32>,
    %swap3A_2273 = vector.shape_cast %swap3A_2272 : vector<16xi32> to vector<16xi32>
    %swap3A_2274 = vector.shape_cast %broadcast_in_dim3A_43 : vector<16xi32> to vector<16xi32>
    tpu.vector_store %arg38[%swap3A_2271], %swap3A_2274 {strides = array<i32>} : memref<16xi32, #tpu.memory_space<vmem>>, vector<16xi32>,
    %swap3A_2275 = arith.constant 0 : index
    %swap3A_2276 = tpu.vector_load %arg39[%swap3A_2275] {strides = array<i32>} : memref<16xi32, #tpu.memory_space<vmem>>, vector<16xi32>,
    %swap3A_2277 = vector.shape_cast %swap3A_2276 : vector<16xi32> to vector<16xi32>
    %swap3A_2278 = vector.shape_cast %broadcast_in_dim3A_43 : vector<16xi32> to vector<16xi32>
    tpu.vector_store %arg39[%swap3A_2275], %swap3A_2278 {strides = array<i32>} : memref<16xi32, #tpu.memory_space<vmem>>, vector<16xi32>,
    %scan3A = arith.constant 0 : i32
    %scan3A_2279 = arith.constant 0 : i32
    %scan3A_2280 = arith.constant 44 : i32
    %scan3A_2281 = arith.addi %scan3A_2279, %scan3A_2280 : i32
    %scan3A_2282 = arith.constant 1 : i32
    scf.for %scan3A_2426 = %scan3A_2279 to %scan3A_2281 step %scan3A_2282  : i32 {
      %mul3A_2427 = arith.constant 16 : i32
      %mul3A_2428 = arith.muli %mul3A_2427, %scan3A_2426 : i32
      %multiple_of3A_2429 = tpu.assume_multiple %mul3A_2428, 8 : i32
      %get3A_2430 = arith.index_cast %multiple_of3A_2429 : i32 to index
      %get3A_2431 = tpu.vector_load %arg15[%get3A_2430] {strides = array<i32>} : memref<1408xf32, #tpu.memory_space<vmem>>, vector<16xf32>,
      %get3A_2432 = vector.shape_cast %get3A_2431 : vector<16xf32> to vector<16xf32>
      %get3A_2433 = arith.index_cast %multiple_of3A_2429 : i32 to index
      %get3A_2434 = tpu.vector_load %arg16[%get3A_2433] {strides = array<i32>} : memref<704xf32, #tpu.memory_space<vmem>>, vector<16xf32>,
      %get3A_2435 = vector.shape_cast %get3A_2434 : vector<16xf32> to vector<16xf32>
      %get3A_2436 = arith.index_cast %multiple_of3A_2429 : i32 to index
      %get3A_2437 = tpu.vector_load %arg17[%get3A_2436] {strides = array<i32>} : memref<704xf32, #tpu.memory_space<vmem>>, vector<16xf32>,
      %get3A_2438 = vector.shape_cast %get3A_2437 : vector<16xf32> to vector<16xf32>
      %get3A_2439 = arith.index_cast %multiple_of3A_2429 : i32 to index
      %get3A_2440 = tpu.vector_load %arg18[%get3A_2439] {strides = array<i32>} : memref<704xf32, #tpu.memory_space<vmem>>, vector<16xf32>,
      %get3A_2441 = vector.shape_cast %get3A_2440 : vector<16xf32> to vector<16xf32>
      %get3A_2442 = arith.index_cast %multiple_of3A_2429 : i32 to index
      %get3A_2443 = tpu.vector_load %arg19[%get3A_2442] {strides = array<i32>} : memref<704xf32, #tpu.memory_space<vmem>>, vector<16xf32>,
      %get3A_2444 = vector.shape_cast %get3A_2443 : vector<16xf32> to vector<16xf32>
      %mul3A_2445 = arith.constant 16 : i32
      %mul3A_2446 = arith.muli %mul3A_2445, %scan3A_2426 : i32
      %add3A_2447 = arith.addi %multiple_of3A, %mul3A_2446 : i32
      %add3A_2448 = vector.broadcast %add3A_2447 : i32 to vector<16xi32>
      %add3A_2449 = arith.addi %add3A_2448, %iota3A : vector<16xi32>
      %convert_element_type3A_2450 = arith.sitofp %add3A_2449 : vector<16xi32> to vector<16xf32>
      %get3A_2451 = arith.constant 0 : index
      %get3A_2452 = tpu.vector_load %arg39[%get3A_2451] {strides = array<i32>} : memref<16xi32, #tpu.memory_space<vmem>>, vector<16xi32>,
      %get3A_2453 = vector.shape_cast %get3A_2452 : vector<16xi32> to vector<16xi32>
      %gt3A_2454 = arith.cmpf ogt, %get3A_2432, %get3A_42 : vector<16xf32>
      %eq3A_2455 = arith.cmpf oeq, %get3A_2432, %get3A_42 : vector<16xf32>
      %select_n3A_2456 = arith.select %eq3A_2455, %broadcast_in_dim3A_45, %broadcast_in_dim3A_43 : vector<16xi1>, vector<16xi32>
      %sub3A_2457 = arith.constant 1 : i32
      %sub3A_2458 = vector.broadcast %sub3A_2457 : i32 to vector<16xi32>
      %sub3A_2459 = arith.subi %iota3A, %sub3A_2458 : vector<16xi32>
      %max3A_2460 = arith.constant 0 : i32
      %max3A_2461 = vector.broadcast %max3A_2460 : i32 to vector<16xi32>
      %max3A_2462 = arith.maxsi %sub3A_2459, %max3A_2461 : vector<16xi32>
      %lt3A_2463 = arith.constant 0 : i32
      %lt3A_2464 = vector.broadcast %lt3A_2463 : i32 to vector<16xi32>
      %lt3A_2465 = arith.cmpi slt, %max3A_2462, %lt3A_2464 : vector<16xi32>
      %add3A_2466 = arith.constant 16 : i32
      %add3A_2467 = vector.broadcast %add3A_2466 : i32 to vector<16xi32>
      %add3A_2468 = arith.addi %max3A_2462, %add3A_2467 : vector<16xi32>
      %select_n3A_2469 = arith.select %lt3A_2465, %add3A_2468, %max3A_2462 : vector<16xi1>, vector<16xi32>
      %broadcast_in_dim3A_2470 = vector.shape_cast %select_n3A_2469 : vector<16xi32> to vector<16x1xi32>
      %gather3A_2471 = vector.shape_cast %broadcast_in_dim3A_2470 : vector<16x1xi32> to vector<16xi32>
      %gather3A_2472 = tpu.dynamic_gather %select_n3A_2456[%gather3A_2471] in [0] : vector<16xi32>, vector<16xi32> -> vector<16xi32>
      %ge3A_2473 = arith.constant 1 : i32
      %ge3A_2474 = vector.broadcast %ge3A_2473 : i32 to vector<16xi32>
      %ge3A_2475 = arith.cmpi sge, %iota3A, %ge3A_2474 : vector<16xi32>
      %select_n3A_2476 = arith.select %ge3A_2475, %gather3A_2472, %broadcast_in_dim3A_43 : vector<16xi1>, vector<16xi32>
      %add3A_2477 = arith.addi %select_n3A_2456, %select_n3A_2476 : vector<16xi32>
      %sub3A_2478 = arith.constant 2 : i32
      %sub3A_2479 = vector.broadcast %sub3A_2478 : i32 to vector<16xi32>
      %sub3A_2480 = arith.subi %iota3A, %sub3A_2479 : vector<16xi32>
      %max3A_2481 = arith.constant 0 : i32
      %max3A_2482 = vector.broadcast %max3A_2481 : i32 to vector<16xi32>
      %max3A_2483 = arith.maxsi %sub3A_2480, %max3A_2482 : vector<16xi32>
      %lt3A_2484 = arith.constant 0 : i32
      %lt3A_2485 = vector.broadcast %lt3A_2484 : i32 to vector<16xi32>
      %lt3A_2486 = arith.cmpi slt, %max3A_2483, %lt3A_2485 : vector<16xi32>
      %add3A_2487 = arith.constant 16 : i32
      %add3A_2488 = vector.broadcast %add3A_2487 : i32 to vector<16xi32>
      %add3A_2489 = arith.addi %max3A_2483, %add3A_2488 : vector<16xi32>
      %select_n3A_2490 = arith.select %lt3A_2486, %add3A_2489, %max3A_2483 : vector<16xi1>, vector<16xi32>
      %broadcast_in_dim3A_2491 = vector.shape_cast %select_n3A_2490 : vector<16xi32> to vector<16x1xi32>
      %gather3A_2492 = vector.shape_cast %broadcast_in_dim3A_2491 : vector<16x1xi32> to vector<16xi32>
      %gather3A_2493 = tpu.dynamic_gather %add3A_2477[%gather3A_2492] in [0] : vector<16xi32>, vector<16xi32> -> vector<16xi32>
      %ge3A_2494 = arith.constant 2 : i32
      %ge3A_2495 = vector.broadcast %ge3A_2494 : i32 to vector<16xi32>
      %ge3A_2496 = arith.cmpi sge, %iota3A, %ge3A_2495 : vector<16xi32>
      %select_n3A_2497 = arith.select %ge3A_2496, %gather3A_2493, %broadcast_in_dim3A_43 : vector<16xi1>, vector<16xi32>
      %add3A_2498 = arith.addi %add3A_2477, %select_n3A_2497 : vector<16xi32>
      %sub3A_2499 = arith.constant 4 : i32
      %sub3A_2500 = vector.broadcast %sub3A_2499 : i32 to vector<16xi32>
      %sub3A_2501 = arith.subi %iota3A, %sub3A_2500 : vector<16xi32>
      %max3A_2502 = arith.constant 0 : i32
      %max3A_2503 = vector.broadcast %max3A_2502 : i32 to vector<16xi32>
      %max3A_2504 = arith.maxsi %sub3A_2501, %max3A_2503 : vector<16xi32>
      %lt3A_2505 = arith.constant 0 : i32
      %lt3A_2506 = vector.broadcast %lt3A_2505 : i32 to vector<16xi32>
      %lt3A_2507 = arith.cmpi slt, %max3A_2504, %lt3A_2506 : vector<16xi32>
      %add3A_2508 = arith.constant 16 : i32
      %add3A_2509 = vector.broadcast %add3A_2508 : i32 to vector<16xi32>
      %add3A_2510 = arith.addi %max3A_2504, %add3A_2509 : vector<16xi32>
      %select_n3A_2511 = arith.select %lt3A_2507, %add3A_2510, %max3A_2504 : vector<16xi1>, vector<16xi32>
      %broadcast_in_dim3A_2512 = vector.shape_cast %select_n3A_2511 : vector<16xi32> to vector<16x1xi32>
      %gather3A_2513 = vector.shape_cast %broadcast_in_dim3A_2512 : vector<16x1xi32> to vector<16xi32>
      %gather3A_2514 = tpu.dynamic_gather %add3A_2498[%gather3A_2513] in [0] : vector<16xi32>, vector<16xi32> -> vector<16xi32>
      %ge3A_2515 = arith.constant 4 : i32
      %ge3A_2516 = vector.broadcast %ge3A_2515 : i32 to vector<16xi32>
      %ge3A_2517 = arith.cmpi sge, %iota3A, %ge3A_2516 : vector<16xi32>
      %select_n3A_2518 = arith.select %ge3A_2517, %gather3A_2514, %broadcast_in_dim3A_43 : vector<16xi1>, vector<16xi32>
      %add3A_2519 = arith.addi %add3A_2498, %select_n3A_2518 : vector<16xi32>
      %sub3A_2520 = arith.constant 8 : i32
      %sub3A_2521 = vector.broadcast %sub3A_2520 : i32 to vector<16xi32>
      %sub3A_2522 = arith.subi %iota3A, %sub3A_2521 : vector<16xi32>
      %max3A_2523 = arith.constant 0 : i32
      %max3A_2524 = vector.broadcast %max3A_2523 : i32 to vector<16xi32>
      %max3A_2525 = arith.maxsi %sub3A_2522, %max3A_2524 : vector<16xi32>
      %lt3A_2526 = arith.constant 0 : i32
      %lt3A_2527 = vector.broadcast %lt3A_2526 : i32 to vector<16xi32>
      %lt3A_2528 = arith.cmpi slt, %max3A_2525, %lt3A_2527 : vector<16xi32>
      %add3A_2529 = arith.constant 16 : i32
      %add3A_2530 = vector.broadcast %add3A_2529 : i32 to vector<16xi32>
      %add3A_2531 = arith.addi %max3A_2525, %add3A_2530 : vector<16xi32>
      %select_n3A_2532 = arith.select %lt3A_2528, %add3A_2531, %max3A_2525 : vector<16xi1>, vector<16xi32>
      %broadcast_in_dim3A_2533 = vector.shape_cast %select_n3A_2532 : vector<16xi32> to vector<16x1xi32>
      %gather3A_2534 = vector.shape_cast %broadcast_in_dim3A_2533 : vector<16x1xi32> to vector<16xi32>
      %gather3A_2535 = tpu.dynamic_gather %add3A_2519[%gather3A_2534] in [0] : vector<16xi32>, vector<16xi32> -> vector<16xi32>
      %ge3A_2536 = arith.constant 8 : i32
      %ge3A_2537 = vector.broadcast %ge3A_2536 : i32 to vector<16xi32>
      %ge3A_2538 = arith.cmpi sge, %iota3A, %ge3A_2537 : vector<16xi32>
      %select_n3A_2539 = arith.select %ge3A_2538, %gather3A_2535, %broadcast_in_dim3A_43 : vector<16xi1>, vector<16xi32>
      %add3A_2540 = arith.addi %add3A_2519, %select_n3A_2539 : vector<16xi32>
      %add3A_2541 = arith.addi %get3A_2453, %add3A_2540 : vector<16xi32>
      %sub3A_2542 = arith.subi %add3A_2541, %select_n3A_2456 : vector<16xi32>
      %add3A_2543 = arith.addi %sub3A_2542, %add3A_2190 : vector<16xi32>
      %lt3A_2544 = arith.cmpi slt, %add3A_2543, %sub3A_1471 : vector<16xi32>
      %and3A_2545 = arith.andi %eq3A_2455, %lt3A_2544 : vector<16xi1>
      %or3A = arith.ori %gt3A_2454, %and3A_2545 : vector<16xi1>
      %select_n3A_2546 = arith.select %or3A, %broadcast_in_dim3A_45, %broadcast_in_dim3A_43 : vector<16xi1>, vector<16xi32>
      %add3A_2547 = arith.constant 1 : i32
      %add3A_2548 = vector.broadcast %add3A_2547 : i32 to vector<16xi32>
      %add3A_2549 = arith.addi %iota3A, %add3A_2548 : vector<16xi32>
      %and3A_2550 = arith.constant 15 : i32
      %and3A_2551 = vector.broadcast %and3A_2550 : i32 to vector<16xi32>
      %and3A_2552 = arith.andi %add3A_2549, %and3A_2551 : vector<16xi32>
      %lt3A_2553 = arith.constant 0 : i32
      %lt3A_2554 = vector.broadcast %lt3A_2553 : i32 to vector<16xi32>
      %lt3A_2555 = arith.cmpi slt, %and3A_2552, %lt3A_2554 : vector<16xi32>
      %add3A_2556 = arith.constant 16 : i32
      %add3A_2557 = vector.broadcast %add3A_2556 : i32 to vector<16xi32>
      %add3A_2558 = arith.addi %and3A_2552, %add3A_2557 : vector<16xi32>
      %select_n3A_2559 = arith.select %lt3A_2555, %add3A_2558, %and3A_2552 : vector<16xi1>, vector<16xi32>
      %broadcast_in_dim3A_2560 = vector.shape_cast %select_n3A_2559 : vector<16xi32> to vector<16x1xi32>
      %gather3A_2561 = vector.shape_cast %broadcast_in_dim3A_2560 : vector<16x1xi32> to vector<16xi32>
      %gather3A_2562 = tpu.dynamic_gather %select_n3A_2546[%gather3A_2561] in [0] : vector<16xi32>, vector<16xi32> -> vector<16xi32>
      %add3A_2563 = arith.addi %select_n3A_2546, %gather3A_2562 : vector<16xi32>
      %add3A_2564 = arith.constant 2 : i32
      %add3A_2565 = vector.broadcast %add3A_2564 : i32 to vector<16xi32>
      %add3A_2566 = arith.addi %iota3A, %add3A_2565 : vector<16xi32>
      %and3A_2567 = arith.constant 15 : i32
      %and3A_2568 = vector.broadcast %and3A_2567 : i32 to vector<16xi32>
      %and3A_2569 = arith.andi %add3A_2566, %and3A_2568 : vector<16xi32>
      %lt3A_2570 = arith.constant 0 : i32
      %lt3A_2571 = vector.broadcast %lt3A_2570 : i32 to vector<16xi32>
      %lt3A_2572 = arith.cmpi slt, %and3A_2569, %lt3A_2571 : vector<16xi32>
      %add3A_2573 = arith.constant 16 : i32
      %add3A_2574 = vector.broadcast %add3A_2573 : i32 to vector<16xi32>
      %add3A_2575 = arith.addi %and3A_2569, %add3A_2574 : vector<16xi32>
      %select_n3A_2576 = arith.select %lt3A_2572, %add3A_2575, %and3A_2569 : vector<16xi1>, vector<16xi32>
      %broadcast_in_dim3A_2577 = vector.shape_cast %select_n3A_2576 : vector<16xi32> to vector<16x1xi32>
      %gather3A_2578 = vector.shape_cast %broadcast_in_dim3A_2577 : vector<16x1xi32> to vector<16xi32>
      %gather3A_2579 = tpu.dynamic_gather %add3A_2563[%gather3A_2578] in [0] : vector<16xi32>, vector<16xi32> -> vector<16xi32>
      %add3A_2580 = arith.addi %add3A_2563, %gather3A_2579 : vector<16xi32>
      %add3A_2581 = arith.constant 4 : i32
      %add3A_2582 = vector.broadcast %add3A_2581 : i32 to vector<16xi32>
      %add3A_2583 = arith.addi %iota3A, %add3A_2582 : vector<16xi32>
      %and3A_2584 = arith.constant 15 : i32
      %and3A_2585 = vector.broadcast %and3A_2584 : i32 to vector<16xi32>
      %and3A_2586 = arith.andi %add3A_2583, %and3A_2585 : vector<16xi32>
      %lt3A_2587 = arith.constant 0 : i32
      %lt3A_2588 = vector.broadcast %lt3A_2587 : i32 to vector<16xi32>
      %lt3A_2589 = arith.cmpi slt, %and3A_2586, %lt3A_2588 : vector<16xi32>
      %add3A_2590 = arith.constant 16 : i32
      %add3A_2591 = vector.broadcast %add3A_2590 : i32 to vector<16xi32>
      %add3A_2592 = arith.addi %and3A_2586, %add3A_2591 : vector<16xi32>
      %select_n3A_2593 = arith.select %lt3A_2589, %add3A_2592, %and3A_2586 : vector<16xi1>, vector<16xi32>
      %broadcast_in_dim3A_2594 = vector.shape_cast %select_n3A_2593 : vector<16xi32> to vector<16x1xi32>
      %gather3A_2595 = vector.shape_cast %broadcast_in_dim3A_2594 : vector<16x1xi32> to vector<16xi32>
      %gather3A_2596 = tpu.dynamic_gather %add3A_2580[%gather3A_2595] in [0] : vector<16xi32>, vector<16xi32> -> vector<16xi32>
      %add3A_2597 = arith.addi %add3A_2580, %gather3A_2596 : vector<16xi32>
      %add3A_2598 = arith.constant 8 : i32
      %add3A_2599 = vector.broadcast %add3A_2598 : i32 to vector<16xi32>
      %add3A_2600 = arith.addi %iota3A, %add3A_2599 : vector<16xi32>
      %and3A_2601 = arith.constant 15 : i32
      %and3A_2602 = vector.broadcast %and3A_2601 : i32 to vector<16xi32>
      %and3A_2603 = arith.andi %add3A_2600, %and3A_2602 : vector<16xi32>
      %lt3A_2604 = arith.constant 0 : i32
      %lt3A_2605 = vector.broadcast %lt3A_2604 : i32 to vector<16xi32>
      %lt3A_2606 = arith.cmpi slt, %and3A_2603, %lt3A_2605 : vector<16xi32>
      %add3A_2607 = arith.constant 16 : i32
      %add3A_2608 = vector.broadcast %add3A_2607 : i32 to vector<16xi32>
      %add3A_2609 = arith.addi %and3A_2603, %add3A_2608 : vector<16xi32>
      %select_n3A_2610 = arith.select %lt3A_2606, %add3A_2609, %and3A_2603 : vector<16xi1>, vector<16xi32>
      %broadcast_in_dim3A_2611 = vector.shape_cast %select_n3A_2610 : vector<16xi32> to vector<16x1xi32>
      %gather3A_2612 = vector.shape_cast %broadcast_in_dim3A_2611 : vector<16x1xi32> to vector<16xi32>
      %gather3A_2613 = tpu.dynamic_gather %add3A_2597[%gather3A_2612] in [0] : vector<16xi32>, vector<16xi32> -> vector<16xi32>
      %add3A_2614 = arith.addi %add3A_2597, %gather3A_2613 : vector<16xi32>
      %sub3A_2615 = arith.constant 1 : i32
      %sub3A_2616 = vector.broadcast %sub3A_2615 : i32 to vector<16xi32>
      %sub3A_2617 = arith.subi %iota3A, %sub3A_2616 : vector<16xi32>
      %max3A_2618 = arith.constant 0 : i32
      %max3A_2619 = vector.broadcast %max3A_2618 : i32 to vector<16xi32>
      %max3A_2620 = arith.maxsi %sub3A_2617, %max3A_2619 : vector<16xi32>
      %lt3A_2621 = arith.constant 0 : i32
      %lt3A_2622 = vector.broadcast %lt3A_2621 : i32 to vector<16xi32>
      %lt3A_2623 = arith.cmpi slt, %max3A_2620, %lt3A_2622 : vector<16xi32>
      %add3A_2624 = arith.constant 16 : i32
      %add3A_2625 = vector.broadcast %add3A_2624 : i32 to vector<16xi32>
      %add3A_2626 = arith.addi %max3A_2620, %add3A_2625 : vector<16xi32>
      %select_n3A_2627 = arith.select %lt3A_2623, %add3A_2626, %max3A_2620 : vector<16xi1>, vector<16xi32>
      %broadcast_in_dim3A_2628 = vector.shape_cast %select_n3A_2627 : vector<16xi32> to vector<16x1xi32>
      %gather3A_2629 = vector.shape_cast %broadcast_in_dim3A_2628 : vector<16x1xi32> to vector<16xi32>
      %gather3A_2630 = tpu.dynamic_gather %select_n3A_2546[%gather3A_2629] in [0] : vector<16xi32>, vector<16xi32> -> vector<16xi32>
      %ge3A_2631 = arith.constant 1 : i32
      %ge3A_2632 = vector.broadcast %ge3A_2631 : i32 to vector<16xi32>
      %ge3A_2633 = arith.cmpi sge, %iota3A, %ge3A_2632 : vector<16xi32>
      %select_n3A_2634 = arith.select %ge3A_2633, %gather3A_2630, %broadcast_in_dim3A_43 : vector<16xi1>, vector<16xi32>
      %add3A_2635 = arith.addi %select_n3A_2546, %select_n3A_2634 : vector<16xi32>
      %sub3A_2636 = arith.constant 2 : i32
      %sub3A_2637 = vector.broadcast %sub3A_2636 : i32 to vector<16xi32>
      %sub3A_2638 = arith.subi %iota3A, %sub3A_2637 : vector<16xi32>
      %max3A_2639 = arith.constant 0 : i32
      %max3A_2640 = vector.broadcast %max3A_2639 : i32 to vector<16xi32>
      %max3A_2641 = arith.maxsi %sub3A_2638, %max3A_2640 : vector<16xi32>
      %lt3A_2642 = arith.constant 0 : i32
      %lt3A_2643 = vector.broadcast %lt3A_2642 : i32 to vector<16xi32>
      %lt3A_2644 = arith.cmpi slt, %max3A_2641, %lt3A_2643 : vector<16xi32>
      %add3A_2645 = arith.constant 16 : i32
      %add3A_2646 = vector.broadcast %add3A_2645 : i32 to vector<16xi32>
      %add3A_2647 = arith.addi %max3A_2641, %add3A_2646 : vector<16xi32>
      %select_n3A_2648 = arith.select %lt3A_2644, %add3A_2647, %max3A_2641 : vector<16xi1>, vector<16xi32>
      %broadcast_in_dim3A_2649 = vector.shape_cast %select_n3A_2648 : vector<16xi32> to vector<16x1xi32>
      %gather3A_2650 = vector.shape_cast %broadcast_in_dim3A_2649 : vector<16x1xi32> to vector<16xi32>
      %gather3A_2651 = tpu.dynamic_gather %add3A_2635[%gather3A_2650] in [0] : vector<16xi32>, vector<16xi32> -> vector<16xi32>
      %ge3A_2652 = arith.constant 2 : i32
      %ge3A_2653 = vector.broadcast %ge3A_2652 : i32 to vector<16xi32>
      %ge3A_2654 = arith.cmpi sge, %iota3A, %ge3A_2653 : vector<16xi32>
      %select_n3A_2655 = arith.select %ge3A_2654, %gather3A_2651, %broadcast_in_dim3A_43 : vector<16xi1>, vector<16xi32>
      %add3A_2656 = arith.addi %add3A_2635, %select_n3A_2655 : vector<16xi32>
      %sub3A_2657 = arith.constant 4 : i32
      %sub3A_2658 = vector.broadcast %sub3A_2657 : i32 to vector<16xi32>
      %sub3A_2659 = arith.subi %iota3A, %sub3A_2658 : vector<16xi32>
      %max3A_2660 = arith.constant 0 : i32
      %max3A_2661 = vector.broadcast %max3A_2660 : i32 to vector<16xi32>
      %max3A_2662 = arith.maxsi %sub3A_2659, %max3A_2661 : vector<16xi32>
      %lt3A_2663 = arith.constant 0 : i32
      %lt3A_2664 = vector.broadcast %lt3A_2663 : i32 to vector<16xi32>
      %lt3A_2665 = arith.cmpi slt, %max3A_2662, %lt3A_2664 : vector<16xi32>
      %add3A_2666 = arith.constant 16 : i32
      %add3A_2667 = vector.broadcast %add3A_2666 : i32 to vector<16xi32>
      %add3A_2668 = arith.addi %max3A_2662, %add3A_2667 : vector<16xi32>
      %select_n3A_2669 = arith.select %lt3A_2665, %add3A_2668, %max3A_2662 : vector<16xi1>, vector<16xi32>
      %broadcast_in_dim3A_2670 = vector.shape_cast %select_n3A_2669 : vector<16xi32> to vector<16x1xi32>
      %gather3A_2671 = vector.shape_cast %broadcast_in_dim3A_2670 : vector<16x1xi32> to vector<16xi32>
      %gather3A_2672 = tpu.dynamic_gather %add3A_2656[%gather3A_2671] in [0] : vector<16xi32>, vector<16xi32> -> vector<16xi32>
      %ge3A_2673 = arith.constant 4 : i32
      %ge3A_2674 = vector.broadcast %ge3A_2673 : i32 to vector<16xi32>
      %ge3A_2675 = arith.cmpi sge, %iota3A, %ge3A_2674 : vector<16xi32>
      %select_n3A_2676 = arith.select %ge3A_2675, %gather3A_2672, %broadcast_in_dim3A_43 : vector<16xi1>, vector<16xi32>
      %add3A_2677 = arith.addi %add3A_2656, %select_n3A_2676 : vector<16xi32>
      %sub3A_2678 = arith.constant 8 : i32
      %sub3A_2679 = vector.broadcast %sub3A_2678 : i32 to vector<16xi32>
      %sub3A_2680 = arith.subi %iota3A, %sub3A_2679 : vector<16xi32>
      %max3A_2681 = arith.constant 0 : i32
      %max3A_2682 = vector.broadcast %max3A_2681 : i32 to vector<16xi32>
      %max3A_2683 = arith.maxsi %sub3A_2680, %max3A_2682 : vector<16xi32>
      %lt3A_2684 = arith.constant 0 : i32
      %lt3A_2685 = vector.broadcast %lt3A_2684 : i32 to vector<16xi32>
      %lt3A_2686 = arith.cmpi slt, %max3A_2683, %lt3A_2685 : vector<16xi32>
      %add3A_2687 = arith.constant 16 : i32
      %add3A_2688 = vector.broadcast %add3A_2687 : i32 to vector<16xi32>
      %add3A_2689 = arith.addi %max3A_2683, %add3A_2688 : vector<16xi32>
      %select_n3A_2690 = arith.select %lt3A_2686, %add3A_2689, %max3A_2683 : vector<16xi1>, vector<16xi32>
      %broadcast_in_dim3A_2691 = vector.shape_cast %select_n3A_2690 : vector<16xi32> to vector<16x1xi32>
      %gather3A_2692 = vector.shape_cast %broadcast_in_dim3A_2691 : vector<16x1xi32> to vector<16xi32>
      %gather3A_2693 = tpu.dynamic_gather %add3A_2677[%gather3A_2692] in [0] : vector<16xi32>, vector<16xi32> -> vector<16xi32>
      %ge3A_2694 = arith.constant 8 : i32
      %ge3A_2695 = vector.broadcast %ge3A_2694 : i32 to vector<16xi32>
      %ge3A_2696 = arith.cmpi sge, %iota3A, %ge3A_2695 : vector<16xi32>
      %select_n3A_2697 = arith.select %ge3A_2696, %gather3A_2693, %broadcast_in_dim3A_43 : vector<16xi1>, vector<16xi32>
      %add3A_2698 = arith.addi %add3A_2677, %select_n3A_2697 : vector<16xi32>
      %sub3A_2699 = arith.subi %add3A_2698, %select_n3A_2546 : vector<16xi32>
      %sub3A_2700 = arith.subi %iota3A, %sub3A_2699 : vector<16xi32>
      %add3A_2701 = arith.constant 1 : i32
      %add3A_2702 = vector.broadcast %add3A_2701 : i32 to vector<16xi32>
      %add3A_2703 = arith.addi %iota3A, %add3A_2702 : vector<16xi32>
      %and3A_2704 = arith.constant 15 : i32
      %and3A_2705 = vector.broadcast %and3A_2704 : i32 to vector<16xi32>
      %and3A_2706 = arith.andi %add3A_2703, %and3A_2705 : vector<16xi32>
      %lt3A_2707 = arith.constant 0 : i32
      %lt3A_2708 = vector.broadcast %lt3A_2707 : i32 to vector<16xi32>
      %lt3A_2709 = arith.cmpi slt, %and3A_2706, %lt3A_2708 : vector<16xi32>
      %add3A_2710 = arith.constant 16 : i32
      %add3A_2711 = vector.broadcast %add3A_2710 : i32 to vector<16xi32>
      %add3A_2712 = arith.addi %and3A_2706, %add3A_2711 : vector<16xi32>
      %select_n3A_2713 = arith.select %lt3A_2709, %add3A_2712, %and3A_2706 : vector<16xi1>, vector<16xi32>
      %broadcast_in_dim3A_2714 = vector.shape_cast %select_n3A_2713 : vector<16xi32> to vector<16x1xi32>
      %gather3A_2715 = vector.shape_cast %broadcast_in_dim3A_2714 : vector<16x1xi32> to vector<16xi32>
      %gather3A_2716 = tpu.dynamic_gather %sub3A_2700[%gather3A_2715] in [0] : vector<16xi32>, vector<16xi32> -> vector<16xi32>
      %lt3A_2717 = arith.constant 0 : i32
      %lt3A_2718 = vector.broadcast %lt3A_2717 : i32 to vector<16xi32>
      %lt3A_2719 = arith.cmpi slt, %and3A_2706, %lt3A_2718 : vector<16xi32>
      %add3A_2720 = arith.constant 16 : i32
      %add3A_2721 = vector.broadcast %add3A_2720 : i32 to vector<16xi32>
      %add3A_2722 = arith.addi %and3A_2706, %add3A_2721 : vector<16xi32>
      %select_n3A_2723 = arith.select %lt3A_2719, %add3A_2722, %and3A_2706 : vector<16xi1>, vector<16xi32>
      %broadcast_in_dim3A_2724 = vector.shape_cast %select_n3A_2723 : vector<16xi32> to vector<16x1xi32>
      %gather3A_2725 = vector.shape_cast %broadcast_in_dim3A_2724 : vector<16x1xi32> to vector<16xi32>
      %gather3A_2726 = tpu.dynamic_gather %select_n3A_2546[%gather3A_2725] in [0] : vector<16xi32>, vector<16xi32> -> vector<16xi32>
      %eq3A_2727 = arith.constant 1 : i32
      %eq3A_2728 = vector.broadcast %eq3A_2727 : i32 to vector<16xi32>
      %eq3A_2729 = arith.cmpi eq, %gather3A_2726, %eq3A_2728 : vector<16xi32>
      %and3A_2730 = arith.constant 1 : i32
      %and3A_2731 = vector.broadcast %and3A_2730 : i32 to vector<16xi32>
      %and3A_2732 = arith.andi %gather3A_2716, %and3A_2731 : vector<16xi32>
      %ne3A_2733 = arith.constant 0 : i32
      %ne3A_2734 = vector.broadcast %ne3A_2733 : i32 to vector<16xi32>
      %ne3A_2735 = arith.cmpi ne, %and3A_2732, %ne3A_2734 : vector<16xi32>
      %and3A_2736 = arith.andi %eq3A_2729, %ne3A_2735 : vector<16xi1>
      %eq3A_2737 = arith.constant 1 : i32
      %eq3A_2738 = vector.broadcast %eq3A_2737 : i32 to vector<16xi32>
      %eq3A_2739 = arith.cmpi eq, %select_n3A_2546, %eq3A_2738 : vector<16xi32>
      %and3A_2740 = arith.constant 1 : i32
      %and3A_2741 = vector.broadcast %and3A_2740 : i32 to vector<16xi32>
      %and3A_2742 = arith.andi %sub3A_2700, %and3A_2741 : vector<16xi32>
      %ne3A_2743 = arith.constant 0 : i32
      %ne3A_2744 = vector.broadcast %ne3A_2743 : i32 to vector<16xi32>
      %ne3A_2745 = arith.cmpi ne, %and3A_2742, %ne3A_2744 : vector<16xi32>
      %and3A_2746 = arith.andi %eq3A_2739, %ne3A_2745 : vector<16xi1>
      %lt3A_2747 = arith.constant 0 : i32
      %lt3A_2748 = vector.broadcast %lt3A_2747 : i32 to vector<16xi32>
      %lt3A_2749 = arith.cmpi slt, %and3A_2706, %lt3A_2748 : vector<16xi32>
      %add3A_2750 = arith.constant 16 : i32
      %add3A_2751 = vector.broadcast %add3A_2750 : i32 to vector<16xi32>
      %add3A_2752 = arith.addi %and3A_2706, %add3A_2751 : vector<16xi32>
      %select_n3A_2753 = arith.select %lt3A_2749, %add3A_2752, %and3A_2706 : vector<16xi1>, vector<16xi32>
      %broadcast_in_dim3A_2754 = vector.shape_cast %select_n3A_2753 : vector<16xi32> to vector<16x1xi32>
      %gather3A_2755 = vector.shape_cast %broadcast_in_dim3A_2754 : vector<16x1xi32> to vector<16xi32>
      %gather3A_2756 = tpu.dynamic_gather %iota3A[%gather3A_2755] in [0] : vector<16xi32>, vector<16xi32> -> vector<16xi32>
      %select_n3A_2757 = arith.select %and3A_2736, %gather3A_2756, %iota3A : vector<16xi1>, vector<16xi32>
      %sub3A_2758 = arith.constant 1 : i32
      %sub3A_2759 = vector.broadcast %sub3A_2758 : i32 to vector<16xi32>
      %sub3A_2760 = arith.subi %gather3A_2716, %sub3A_2759 : vector<16xi32>
      %select_n3A_2761 = arith.select %and3A_2736, %sub3A_2760, %sub3A_2700 : vector<16xi1>, vector<16xi32>
      %select_n3A_2762 = arith.select %and3A_2746, %broadcast_in_dim3A_43, %select_n3A_2546 : vector<16xi1>, vector<16xi32>
      %select_n3A_2763 = arith.select %and3A_2736, %broadcast_in_dim3A_45, %select_n3A_2762 : vector<16xi1>, vector<16xi32>
      %add3A_2764 = arith.constant 2 : i32
      %add3A_2765 = vector.broadcast %add3A_2764 : i32 to vector<16xi32>
      %add3A_2766 = arith.addi %iota3A, %add3A_2765 : vector<16xi32>
      %and3A_2767 = arith.constant 15 : i32
      %and3A_2768 = vector.broadcast %and3A_2767 : i32 to vector<16xi32>
      %and3A_2769 = arith.andi %add3A_2766, %and3A_2768 : vector<16xi32>
      %lt3A_2770 = arith.constant 0 : i32
      %lt3A_2771 = vector.broadcast %lt3A_2770 : i32 to vector<16xi32>
      %lt3A_2772 = arith.cmpi slt, %and3A_2769, %lt3A_2771 : vector<16xi32>
      %add3A_2773 = arith.constant 16 : i32
      %add3A_2774 = vector.broadcast %add3A_2773 : i32 to vector<16xi32>
      %add3A_2775 = arith.addi %and3A_2769, %add3A_2774 : vector<16xi32>
      %select_n3A_2776 = arith.select %lt3A_2772, %add3A_2775, %and3A_2769 : vector<16xi1>, vector<16xi32>
      %broadcast_in_dim3A_2777 = vector.shape_cast %select_n3A_2776 : vector<16xi32> to vector<16x1xi32>
      %gather3A_2778 = vector.shape_cast %broadcast_in_dim3A_2777 : vector<16x1xi32> to vector<16xi32>
      %gather3A_2779 = tpu.dynamic_gather %select_n3A_2761[%gather3A_2778] in [0] : vector<16xi32>, vector<16xi32> -> vector<16xi32>
      %lt3A_2780 = arith.constant 0 : i32
      %lt3A_2781 = vector.broadcast %lt3A_2780 : i32 to vector<16xi32>
      %lt3A_2782 = arith.cmpi slt, %and3A_2769, %lt3A_2781 : vector<16xi32>
      %add3A_2783 = arith.constant 16 : i32
      %add3A_2784 = vector.broadcast %add3A_2783 : i32 to vector<16xi32>
      %add3A_2785 = arith.addi %and3A_2769, %add3A_2784 : vector<16xi32>
      %select_n3A_2786 = arith.select %lt3A_2782, %add3A_2785, %and3A_2769 : vector<16xi1>, vector<16xi32>
      %broadcast_in_dim3A_2787 = vector.shape_cast %select_n3A_2786 : vector<16xi32> to vector<16x1xi32>
      %gather3A_2788 = vector.shape_cast %broadcast_in_dim3A_2787 : vector<16x1xi32> to vector<16xi32>
      %gather3A_2789 = tpu.dynamic_gather %select_n3A_2763[%gather3A_2788] in [0] : vector<16xi32>, vector<16xi32> -> vector<16xi32>
      %eq3A_2790 = arith.constant 1 : i32
      %eq3A_2791 = vector.broadcast %eq3A_2790 : i32 to vector<16xi32>
      %eq3A_2792 = arith.cmpi eq, %gather3A_2789, %eq3A_2791 : vector<16xi32>
      %and3A_2793 = arith.constant 2 : i32
      %and3A_2794 = vector.broadcast %and3A_2793 : i32 to vector<16xi32>
      %and3A_2795 = arith.andi %gather3A_2779, %and3A_2794 : vector<16xi32>
      %ne3A_2796 = arith.constant 0 : i32
      %ne3A_2797 = vector.broadcast %ne3A_2796 : i32 to vector<16xi32>
      %ne3A_2798 = arith.cmpi ne, %and3A_2795, %ne3A_2797 : vector<16xi32>
      %and3A_2799 = arith.andi %eq3A_2792, %ne3A_2798 : vector<16xi1>
      %eq3A_2800 = arith.constant 1 : i32
      %eq3A_2801 = vector.broadcast %eq3A_2800 : i32 to vector<16xi32>
      %eq3A_2802 = arith.cmpi eq, %select_n3A_2763, %eq3A_2801 : vector<16xi32>
      %and3A_2803 = arith.constant 2 : i32
      %and3A_2804 = vector.broadcast %and3A_2803 : i32 to vector<16xi32>
      %and3A_2805 = arith.andi %select_n3A_2761, %and3A_2804 : vector<16xi32>
      %ne3A_2806 = arith.constant 0 : i32
      %ne3A_2807 = vector.broadcast %ne3A_2806 : i32 to vector<16xi32>
      %ne3A_2808 = arith.cmpi ne, %and3A_2805, %ne3A_2807 : vector<16xi32>
      %and3A_2809 = arith.andi %eq3A_2802, %ne3A_2808 : vector<16xi1>
      %lt3A_2810 = arith.constant 0 : i32
      %lt3A_2811 = vector.broadcast %lt3A_2810 : i32 to vector<16xi32>
      %lt3A_2812 = arith.cmpi slt, %and3A_2769, %lt3A_2811 : vector<16xi32>
      %add3A_2813 = arith.constant 16 : i32
      %add3A_2814 = vector.broadcast %add3A_2813 : i32 to vector<16xi32>
      %add3A_2815 = arith.addi %and3A_2769, %add3A_2814 : vector<16xi32>
      %select_n3A_2816 = arith.select %lt3A_2812, %add3A_2815, %and3A_2769 : vector<16xi1>, vector<16xi32>
      %broadcast_in_dim3A_2817 = vector.shape_cast %select_n3A_2816 : vector<16xi32> to vector<16x1xi32>
      %gather3A_2818 = vector.shape_cast %broadcast_in_dim3A_2817 : vector<16x1xi32> to vector<16xi32>
      %gather3A_2819 = tpu.dynamic_gather %select_n3A_2757[%gather3A_2818] in [0] : vector<16xi32>, vector<16xi32> -> vector<16xi32>
      %select_n3A_2820 = arith.select %and3A_2799, %gather3A_2819, %select_n3A_2757 : vector<16xi1>, vector<16xi32>
      %sub3A_2821 = arith.constant 2 : i32
      %sub3A_2822 = vector.broadcast %sub3A_2821 : i32 to vector<16xi32>
      %sub3A_2823 = arith.subi %gather3A_2779, %sub3A_2822 : vector<16xi32>
      %select_n3A_2824 = arith.select %and3A_2799, %sub3A_2823, %select_n3A_2761 : vector<16xi1>, vector<16xi32>
      %select_n3A_2825 = arith.select %and3A_2809, %broadcast_in_dim3A_43, %select_n3A_2763 : vector<16xi1>, vector<16xi32>
      %select_n3A_2826 = arith.select %and3A_2799, %broadcast_in_dim3A_45, %select_n3A_2825 : vector<16xi1>, vector<16xi32>
      %add3A_2827 = arith.constant 4 : i32
      %add3A_2828 = vector.broadcast %add3A_2827 : i32 to vector<16xi32>
      %add3A_2829 = arith.addi %iota3A, %add3A_2828 : vector<16xi32>
      %and3A_2830 = arith.constant 15 : i32
      %and3A_2831 = vector.broadcast %and3A_2830 : i32 to vector<16xi32>
      %and3A_2832 = arith.andi %add3A_2829, %and3A_2831 : vector<16xi32>
      %lt3A_2833 = arith.constant 0 : i32
      %lt3A_2834 = vector.broadcast %lt3A_2833 : i32 to vector<16xi32>
      %lt3A_2835 = arith.cmpi slt, %and3A_2832, %lt3A_2834 : vector<16xi32>
      %add3A_2836 = arith.constant 16 : i32
      %add3A_2837 = vector.broadcast %add3A_2836 : i32 to vector<16xi32>
      %add3A_2838 = arith.addi %and3A_2832, %add3A_2837 : vector<16xi32>
      %select_n3A_2839 = arith.select %lt3A_2835, %add3A_2838, %and3A_2832 : vector<16xi1>, vector<16xi32>
      %broadcast_in_dim3A_2840 = vector.shape_cast %select_n3A_2839 : vector<16xi32> to vector<16x1xi32>
      %gather3A_2841 = vector.shape_cast %broadcast_in_dim3A_2840 : vector<16x1xi32> to vector<16xi32>
      %gather3A_2842 = tpu.dynamic_gather %select_n3A_2824[%gather3A_2841] in [0] : vector<16xi32>, vector<16xi32> -> vector<16xi32>
      %lt3A_2843 = arith.constant 0 : i32
      %lt3A_2844 = vector.broadcast %lt3A_2843 : i32 to vector<16xi32>
      %lt3A_2845 = arith.cmpi slt, %and3A_2832, %lt3A_2844 : vector<16xi32>
      %add3A_2846 = arith.constant 16 : i32
      %add3A_2847 = vector.broadcast %add3A_2846 : i32 to vector<16xi32>
      %add3A_2848 = arith.addi %and3A_2832, %add3A_2847 : vector<16xi32>
      %select_n3A_2849 = arith.select %lt3A_2845, %add3A_2848, %and3A_2832 : vector<16xi1>, vector<16xi32>
      %broadcast_in_dim3A_2850 = vector.shape_cast %select_n3A_2849 : vector<16xi32> to vector<16x1xi32>
      %gather3A_2851 = vector.shape_cast %broadcast_in_dim3A_2850 : vector<16x1xi32> to vector<16xi32>
      %gather3A_2852 = tpu.dynamic_gather %select_n3A_2826[%gather3A_2851] in [0] : vector<16xi32>, vector<16xi32> -> vector<16xi32>
      %eq3A_2853 = arith.constant 1 : i32
      %eq3A_2854 = vector.broadcast %eq3A_2853 : i32 to vector<16xi32>
      %eq3A_2855 = arith.cmpi eq, %gather3A_2852, %eq3A_2854 : vector<16xi32>
      %and3A_2856 = arith.constant 4 : i32
      %and3A_2857 = vector.broadcast %and3A_2856 : i32 to vector<16xi32>
      %and3A_2858 = arith.andi %gather3A_2842, %and3A_2857 : vector<16xi32>
      %ne3A_2859 = arith.constant 0 : i32
      %ne3A_2860 = vector.broadcast %ne3A_2859 : i32 to vector<16xi32>
      %ne3A_2861 = arith.cmpi ne, %and3A_2858, %ne3A_2860 : vector<16xi32>
      %and3A_2862 = arith.andi %eq3A_2855, %ne3A_2861 : vector<16xi1>
      %eq3A_2863 = arith.constant 1 : i32
      %eq3A_2864 = vector.broadcast %eq3A_2863 : i32 to vector<16xi32>
      %eq3A_2865 = arith.cmpi eq, %select_n3A_2826, %eq3A_2864 : vector<16xi32>
      %and3A_2866 = arith.constant 4 : i32
      %and3A_2867 = vector.broadcast %and3A_2866 : i32 to vector<16xi32>
      %and3A_2868 = arith.andi %select_n3A_2824, %and3A_2867 : vector<16xi32>
      %ne3A_2869 = arith.constant 0 : i32
      %ne3A_2870 = vector.broadcast %ne3A_2869 : i32 to vector<16xi32>
      %ne3A_2871 = arith.cmpi ne, %and3A_2868, %ne3A_2870 : vector<16xi32>
      %and3A_2872 = arith.andi %eq3A_2865, %ne3A_2871 : vector<16xi1>
      %lt3A_2873 = arith.constant 0 : i32
      %lt3A_2874 = vector.broadcast %lt3A_2873 : i32 to vector<16xi32>
      %lt3A_2875 = arith.cmpi slt, %and3A_2832, %lt3A_2874 : vector<16xi32>
      %add3A_2876 = arith.constant 16 : i32
      %add3A_2877 = vector.broadcast %add3A_2876 : i32 to vector<16xi32>
      %add3A_2878 = arith.addi %and3A_2832, %add3A_2877 : vector<16xi32>
      %select_n3A_2879 = arith.select %lt3A_2875, %add3A_2878, %and3A_2832 : vector<16xi1>, vector<16xi32>
      %broadcast_in_dim3A_2880 = vector.shape_cast %select_n3A_2879 : vector<16xi32> to vector<16x1xi32>
      %gather3A_2881 = vector.shape_cast %broadcast_in_dim3A_2880 : vector<16x1xi32> to vector<16xi32>
      %gather3A_2882 = tpu.dynamic_gather %select_n3A_2820[%gather3A_2881] in [0] : vector<16xi32>, vector<16xi32> -> vector<16xi32>
      %select_n3A_2883 = arith.select %and3A_2862, %gather3A_2882, %select_n3A_2820 : vector<16xi1>, vector<16xi32>
      %sub3A_2884 = arith.constant 4 : i32
      %sub3A_2885 = vector.broadcast %sub3A_2884 : i32 to vector<16xi32>
      %sub3A_2886 = arith.subi %gather3A_2842, %sub3A_2885 : vector<16xi32>
      %select_n3A_2887 = arith.select %and3A_2862, %sub3A_2886, %select_n3A_2824 : vector<16xi1>, vector<16xi32>
      %select_n3A_2888 = arith.select %and3A_2872, %broadcast_in_dim3A_43, %select_n3A_2826 : vector<16xi1>, vector<16xi32>
      %select_n3A_2889 = arith.select %and3A_2862, %broadcast_in_dim3A_45, %select_n3A_2888 : vector<16xi1>, vector<16xi32>
      %add3A_2890 = arith.constant 8 : i32
      %add3A_2891 = vector.broadcast %add3A_2890 : i32 to vector<16xi32>
      %add3A_2892 = arith.addi %iota3A, %add3A_2891 : vector<16xi32>
      %and3A_2893 = arith.constant 15 : i32
      %and3A_2894 = vector.broadcast %and3A_2893 : i32 to vector<16xi32>
      %and3A_2895 = arith.andi %add3A_2892, %and3A_2894 : vector<16xi32>
      %lt3A_2896 = arith.constant 0 : i32
      %lt3A_2897 = vector.broadcast %lt3A_2896 : i32 to vector<16xi32>
      %lt3A_2898 = arith.cmpi slt, %and3A_2895, %lt3A_2897 : vector<16xi32>
      %add3A_2899 = arith.constant 16 : i32
      %add3A_2900 = vector.broadcast %add3A_2899 : i32 to vector<16xi32>
      %add3A_2901 = arith.addi %and3A_2895, %add3A_2900 : vector<16xi32>
      %select_n3A_2902 = arith.select %lt3A_2898, %add3A_2901, %and3A_2895 : vector<16xi1>, vector<16xi32>
      %broadcast_in_dim3A_2903 = vector.shape_cast %select_n3A_2902 : vector<16xi32> to vector<16x1xi32>
      %gather3A_2904 = vector.shape_cast %broadcast_in_dim3A_2903 : vector<16x1xi32> to vector<16xi32>
      %gather3A_2905 = tpu.dynamic_gather %select_n3A_2887[%gather3A_2904] in [0] : vector<16xi32>, vector<16xi32> -> vector<16xi32>
      %lt3A_2906 = arith.constant 0 : i32
      %lt3A_2907 = vector.broadcast %lt3A_2906 : i32 to vector<16xi32>
      %lt3A_2908 = arith.cmpi slt, %and3A_2895, %lt3A_2907 : vector<16xi32>
      %add3A_2909 = arith.constant 16 : i32
      %add3A_2910 = vector.broadcast %add3A_2909 : i32 to vector<16xi32>
      %add3A_2911 = arith.addi %and3A_2895, %add3A_2910 : vector<16xi32>
      %select_n3A_2912 = arith.select %lt3A_2908, %add3A_2911, %and3A_2895 : vector<16xi1>, vector<16xi32>
      %broadcast_in_dim3A_2913 = vector.shape_cast %select_n3A_2912 : vector<16xi32> to vector<16x1xi32>
      %gather3A_2914 = vector.shape_cast %broadcast_in_dim3A_2913 : vector<16x1xi32> to vector<16xi32>
      %gather3A_2915 = tpu.dynamic_gather %select_n3A_2889[%gather3A_2914] in [0] : vector<16xi32>, vector<16xi32> -> vector<16xi32>
      %eq3A_2916 = arith.constant 1 : i32
      %eq3A_2917 = vector.broadcast %eq3A_2916 : i32 to vector<16xi32>
      %eq3A_2918 = arith.cmpi eq, %gather3A_2915, %eq3A_2917 : vector<16xi32>
      %and3A_2919 = arith.constant 8 : i32
      %and3A_2920 = vector.broadcast %and3A_2919 : i32 to vector<16xi32>
      %and3A_2921 = arith.andi %gather3A_2905, %and3A_2920 : vector<16xi32>
      %ne3A_2922 = arith.constant 0 : i32
      %ne3A_2923 = vector.broadcast %ne3A_2922 : i32 to vector<16xi32>
      %ne3A_2924 = arith.cmpi ne, %and3A_2921, %ne3A_2923 : vector<16xi32>
      %and3A_2925 = arith.andi %eq3A_2918, %ne3A_2924 : vector<16xi1>
      %eq3A_2926 = arith.constant 1 : i32
      %eq3A_2927 = vector.broadcast %eq3A_2926 : i32 to vector<16xi32>
      %eq3A_2928 = arith.cmpi eq, %select_n3A_2889, %eq3A_2927 : vector<16xi32>
      %and3A_2929 = arith.constant 8 : i32
      %and3A_2930 = vector.broadcast %and3A_2929 : i32 to vector<16xi32>
      %and3A_2931 = arith.andi %select_n3A_2887, %and3A_2930 : vector<16xi32>
      %ne3A_2932 = arith.constant 0 : i32
      %ne3A_2933 = vector.broadcast %ne3A_2932 : i32 to vector<16xi32>
      %ne3A_2934 = arith.cmpi ne, %and3A_2931, %ne3A_2933 : vector<16xi32>
      %and3A_2935 = arith.andi %eq3A_2928, %ne3A_2934 : vector<16xi1>
      %lt3A_2936 = arith.constant 0 : i32
      %lt3A_2937 = vector.broadcast %lt3A_2936 : i32 to vector<16xi32>
      %lt3A_2938 = arith.cmpi slt, %and3A_2895, %lt3A_2937 : vector<16xi32>
      %add3A_2939 = arith.constant 16 : i32
      %add3A_2940 = vector.broadcast %add3A_2939 : i32 to vector<16xi32>
      %add3A_2941 = arith.addi %and3A_2895, %add3A_2940 : vector<16xi32>
      %select_n3A_2942 = arith.select %lt3A_2938, %add3A_2941, %and3A_2895 : vector<16xi1>, vector<16xi32>
      %broadcast_in_dim3A_2943 = vector.shape_cast %select_n3A_2942 : vector<16xi32> to vector<16x1xi32>
      %gather3A_2944 = vector.shape_cast %broadcast_in_dim3A_2943 : vector<16x1xi32> to vector<16xi32>
      %gather3A_2945 = tpu.dynamic_gather %select_n3A_2883[%gather3A_2944] in [0] : vector<16xi32>, vector<16xi32> -> vector<16xi32>
      %select_n3A_2946 = arith.select %and3A_2925, %gather3A_2945, %select_n3A_2883 : vector<16xi1>, vector<16xi32>
      %sub3A_2947 = arith.constant 8 : i32
      %sub3A_2948 = vector.broadcast %sub3A_2947 : i32 to vector<16xi32>
      %sub3A_2949 = arith.subi %gather3A_2905, %sub3A_2948 : vector<16xi32>
      %select_n3A_2950 = arith.select %and3A_2925, %sub3A_2949, %select_n3A_2887 : vector<16xi1>, vector<16xi32>
      %select_n3A_2951 = arith.select %and3A_2935, %broadcast_in_dim3A_43, %select_n3A_2889 : vector<16xi1>, vector<16xi32>
      %select_n3A_2952 = arith.select %and3A_2925, %broadcast_in_dim3A_45, %select_n3A_2951 : vector<16xi1>, vector<16xi32>
      %get3A_2953 = arith.constant 0 : index
      %get3A_2954 = tpu.vector_load %arg37[%get3A_2953] {strides = array<i32>} : memref<16xi32, #tpu.memory_space<vmem>>, vector<16xi32>,
      %get3A_2955 = vector.shape_cast %get3A_2954 : vector<16xi32> to vector<16xi32>
      %get3A_2956 = arith.constant 0 : index
      %get3A_2957 = tpu.vector_load %arg38[%get3A_2956] {strides = array<i32>} : memref<16xi32, #tpu.memory_space<vmem>>, vector<16xi32>,
      %get3A_2958 = vector.shape_cast %get3A_2957 : vector<16xi32> to vector<16xi32>
      %sub3A_2959 = arith.subi %iota3A, %get3A_2955 : vector<16xi32>
      %and3A_2960 = arith.constant 15 : i32
      %and3A_2961 = vector.broadcast %and3A_2960 : i32 to vector<16xi32>
      %and3A_2962 = arith.andi %sub3A_2959, %and3A_2961 : vector<16xi32>
      %lt3A_2963 = arith.constant 0 : i32
      %lt3A_2964 = vector.broadcast %lt3A_2963 : i32 to vector<16xi32>
      %lt3A_2965 = arith.cmpi slt, %and3A_2962, %lt3A_2964 : vector<16xi32>
      %add3A_2966 = arith.constant 16 : i32
      %add3A_2967 = vector.broadcast %add3A_2966 : i32 to vector<16xi32>
      %add3A_2968 = arith.addi %and3A_2962, %add3A_2967 : vector<16xi32>
      %select_n3A_2969 = arith.select %lt3A_2965, %add3A_2968, %and3A_2962 : vector<16xi1>, vector<16xi32>
      %broadcast_in_dim3A_2970 = vector.shape_cast %select_n3A_2969 : vector<16xi32> to vector<16x1xi32>
      %gather3A_2971 = vector.shape_cast %broadcast_in_dim3A_2970 : vector<16x1xi32> to vector<16xi32>
      %gather3A_2972 = tpu.dynamic_gather %select_n3A_2946[%gather3A_2971] in [0] : vector<16xi32>, vector<16xi32> -> vector<16xi32>
      %sub3A_2973 = arith.constant 16 : i32
      %sub3A_2974 = vector.broadcast %sub3A_2973 : i32 to vector<16xi32>
      %sub3A_2975 = arith.subi %sub3A_2974, %get3A_2955 : vector<16xi32>
      %add3A_2976 = arith.addi %iota3A, %sub3A_2975 : vector<16xi32>
      %and3A_2977 = arith.constant 15 : i32
      %and3A_2978 = vector.broadcast %and3A_2977 : i32 to vector<16xi32>
      %and3A_2979 = arith.andi %add3A_2976, %and3A_2978 : vector<16xi32>
      %lt3A_2980 = arith.constant 0 : i32
      %lt3A_2981 = vector.broadcast %lt3A_2980 : i32 to vector<16xi32>
      %lt3A_2982 = arith.cmpi slt, %and3A_2979, %lt3A_2981 : vector<16xi32>
      %add3A_2983 = arith.constant 16 : i32
      %add3A_2984 = vector.broadcast %add3A_2983 : i32 to vector<16xi32>
      %add3A_2985 = arith.addi %and3A_2979, %add3A_2984 : vector<16xi32>
      %select_n3A_2986 = arith.select %lt3A_2982, %add3A_2985, %and3A_2979 : vector<16xi1>, vector<16xi32>
      %broadcast_in_dim3A_2987 = vector.shape_cast %select_n3A_2986 : vector<16xi32> to vector<16x1xi32>
      %gather3A_2988 = vector.shape_cast %broadcast_in_dim3A_2987 : vector<16x1xi32> to vector<16xi32>
      %gather3A_2989 = tpu.dynamic_gather %select_n3A_2946[%gather3A_2988] in [0] : vector<16xi32>, vector<16xi32> -> vector<16xi32>
      %get3A_2990 = arith.constant 0 : index
      %get3A_2991 = tpu.vector_load %arg31[%get3A_2990] {strides = array<i32>} : memref<16xf32, #tpu.memory_space<vmem>>, vector<16xf32>,
      %get3A_2992 = vector.shape_cast %get3A_2991 : vector<16xf32> to vector<16xf32>
      %get3A_2993 = arith.constant 0 : index
      %get3A_2994 = tpu.vector_load %arg32[%get3A_2993] {strides = array<i32>} : memref<16xf32, #tpu.memory_space<vmem>>, vector<16xf32>,
      %get3A_2995 = vector.shape_cast %get3A_2994 : vector<16xf32> to vector<16xf32>
      %get3A_2996 = arith.constant 0 : index
      %get3A_2997 = tpu.vector_load %arg33[%get3A_2996] {strides = array<i32>} : memref<16xf32, #tpu.memory_space<vmem>>, vector<16xf32>,
      %get3A_2998 = vector.shape_cast %get3A_2997 : vector<16xf32> to vector<16xf32>
      %get3A_2999 = arith.constant 0 : index
      %get3A_3000 = tpu.vector_load %arg34[%get3A_2999] {strides = array<i32>} : memref<16xf32, #tpu.memory_space<vmem>>, vector<16xf32>,
      %get3A_3001 = vector.shape_cast %get3A_3000 : vector<16xf32> to vector<16xf32>
      %get3A_3002 = arith.constant 0 : index
      %get3A_3003 = tpu.vector_load %arg35[%get3A_3002] {strides = array<i32>} : memref<16xf32, #tpu.memory_space<vmem>>, vector<16xf32>,
      %get3A_3004 = vector.shape_cast %get3A_3003 : vector<16xf32> to vector<16xf32>
      %get3A_3005 = arith.constant 0 : index
      %get3A_3006 = tpu.vector_load %arg36[%get3A_3005] {strides = array<i32>} : memref<16xf32, #tpu.memory_space<vmem>>, vector<16xf32>,
      %get3A_3007 = vector.shape_cast %get3A_3006 : vector<16xf32> to vector<16xf32>
      %lt3A_3008 = arith.cmpi slt, %iota3A, %get3A_2955 : vector<16xi32>
      %lt3A_3009 = arith.constant 0 : i32
      %lt3A_3010 = vector.broadcast %lt3A_3009 : i32 to vector<16xi32>
      %lt3A_3011 = arith.cmpi slt, %gather3A_2972, %lt3A_3010 : vector<16xi32>
      %add3A_3012 = arith.constant 16 : i32
      %add3A_3013 = vector.broadcast %add3A_3012 : i32 to vector<16xi32>
      %add3A_3014 = arith.addi %gather3A_2972, %add3A_3013 : vector<16xi32>
      %select_n3A_3015 = arith.select %lt3A_3011, %add3A_3014, %gather3A_2972 : vector<16xi1>, vector<16xi32>
      %broadcast_in_dim3A_3016 = vector.shape_cast %select_n3A_3015 : vector<16xi32> to vector<16x1xi32>
      %gather3A_3017 = vector.shape_cast %broadcast_in_dim3A_3016 : vector<16x1xi32> to vector<16xi32>
      %gather3A_3018 = tpu.dynamic_gather %get3A_2432[%gather3A_3017] in [0] : vector<16xf32>, vector<16xi32> -> vector<16xf32>
      %select_n3A_3019 = arith.select %lt3A_3008, %get3A_2992, %gather3A_3018 : vector<16xi1>, vector<16xf32>
      %lt3A_3020 = arith.cmpi slt, %iota3A, %get3A_2955 : vector<16xi32>
      %lt3A_3021 = arith.constant 0 : i32
      %lt3A_3022 = vector.broadcast %lt3A_3021 : i32 to vector<16xi32>
      %lt3A_3023 = arith.cmpi slt, %gather3A_2972, %lt3A_3022 : vector<16xi32>
      %add3A_3024 = arith.constant 16 : i32
      %add3A_3025 = vector.broadcast %add3A_3024 : i32 to vector<16xi32>
      %add3A_3026 = arith.addi %gather3A_2972, %add3A_3025 : vector<16xi32>
      %select_n3A_3027 = arith.select %lt3A_3023, %add3A_3026, %gather3A_2972 : vector<16xi1>, vector<16xi32>
      %broadcast_in_dim3A_3028 = vector.shape_cast %select_n3A_3027 : vector<16xi32> to vector<16x1xi32>
      %gather3A_3029 = vector.shape_cast %broadcast_in_dim3A_3028 : vector<16x1xi32> to vector<16xi32>
      %gather3A_3030 = tpu.dynamic_gather %get3A_2435[%gather3A_3029] in [0] : vector<16xf32>, vector<16xi32> -> vector<16xf32>
      %select_n3A_3031 = arith.select %lt3A_3020, %get3A_2995, %gather3A_3030 : vector<16xi1>, vector<16xf32>
      %lt3A_3032 = arith.cmpi slt, %iota3A, %get3A_2955 : vector<16xi32>
      %lt3A_3033 = arith.constant 0 : i32
      %lt3A_3034 = vector.broadcast %lt3A_3033 : i32 to vector<16xi32>
      %lt3A_3035 = arith.cmpi slt, %gather3A_2972, %lt3A_3034 : vector<16xi32>
      %add3A_3036 = arith.constant 16 : i32
      %add3A_3037 = vector.broadcast %add3A_3036 : i32 to vector<16xi32>
      %add3A_3038 = arith.addi %gather3A_2972, %add3A_3037 : vector<16xi32>
      %select_n3A_3039 = arith.select %lt3A_3035, %add3A_3038, %gather3A_2972 : vector<16xi1>, vector<16xi32>
      %broadcast_in_dim3A_3040 = vector.shape_cast %select_n3A_3039 : vector<16xi32> to vector<16x1xi32>
      %gather3A_3041 = vector.shape_cast %broadcast_in_dim3A_3040 : vector<16x1xi32> to vector<16xi32>
      %gather3A_3042 = tpu.dynamic_gather %get3A_2438[%gather3A_3041] in [0] : vector<16xf32>, vector<16xi32> -> vector<16xf32>
      %select_n3A_3043 = arith.select %lt3A_3032, %get3A_2998, %gather3A_3042 : vector<16xi1>, vector<16xf32>
      %lt3A_3044 = arith.cmpi slt, %iota3A, %get3A_2955 : vector<16xi32>
      %lt3A_3045 = arith.constant 0 : i32
      %lt3A_3046 = vector.broadcast %lt3A_3045 : i32 to vector<16xi32>
      %lt3A_3047 = arith.cmpi slt, %gather3A_2972, %lt3A_3046 : vector<16xi32>
      %add3A_3048 = arith.constant 16 : i32
      %add3A_3049 = vector.broadcast %add3A_3048 : i32 to vector<16xi32>
      %add3A_3050 = arith.addi %gather3A_2972, %add3A_3049 : vector<16xi32>
      %select_n3A_3051 = arith.select %lt3A_3047, %add3A_3050, %gather3A_2972 : vector<16xi1>, vector<16xi32>
      %broadcast_in_dim3A_3052 = vector.shape_cast %select_n3A_3051 : vector<16xi32> to vector<16x1xi32>
      %gather3A_3053 = vector.shape_cast %broadcast_in_dim3A_3052 : vector<16x1xi32> to vector<16xi32>
      %gather3A_3054 = tpu.dynamic_gather %get3A_2441[%gather3A_3053] in [0] : vector<16xf32>, vector<16xi32> -> vector<16xf32>
      %select_n3A_3055 = arith.select %lt3A_3044, %get3A_3001, %gather3A_3054 : vector<16xi1>, vector<16xf32>
      %lt3A_3056 = arith.cmpi slt, %iota3A, %get3A_2955 : vector<16xi32>
      %lt3A_3057 = arith.constant 0 : i32
      %lt3A_3058 = vector.broadcast %lt3A_3057 : i32 to vector<16xi32>
      %lt3A_3059 = arith.cmpi slt, %gather3A_2972, %lt3A_3058 : vector<16xi32>
      %add3A_3060 = arith.constant 16 : i32
      %add3A_3061 = vector.broadcast %add3A_3060 : i32 to vector<16xi32>
      %add3A_3062 = arith.addi %gather3A_2972, %add3A_3061 : vector<16xi32>
      %select_n3A_3063 = arith.select %lt3A_3059, %add3A_3062, %gather3A_2972 : vector<16xi1>, vector<16xi32>
      %broadcast_in_dim3A_3064 = vector.shape_cast %select_n3A_3063 : vector<16xi32> to vector<16x1xi32>
      %gather3A_3065 = vector.shape_cast %broadcast_in_dim3A_3064 : vector<16x1xi32> to vector<16xi32>
      %gather3A_3066 = tpu.dynamic_gather %get3A_2444[%gather3A_3065] in [0] : vector<16xf32>, vector<16xi32> -> vector<16xf32>
      %select_n3A_3067 = arith.select %lt3A_3056, %get3A_3004, %gather3A_3066 : vector<16xi1>, vector<16xf32>
      %lt3A_3068 = arith.cmpi slt, %iota3A, %get3A_2955 : vector<16xi32>
      %lt3A_3069 = arith.constant 0 : i32
      %lt3A_3070 = vector.broadcast %lt3A_3069 : i32 to vector<16xi32>
      %lt3A_3071 = arith.cmpi slt, %gather3A_2972, %lt3A_3070 : vector<16xi32>
      %add3A_3072 = arith.constant 16 : i32
      %add3A_3073 = vector.broadcast %add3A_3072 : i32 to vector<16xi32>
      %add3A_3074 = arith.addi %gather3A_2972, %add3A_3073 : vector<16xi32>
      %select_n3A_3075 = arith.select %lt3A_3071, %add3A_3074, %gather3A_2972 : vector<16xi1>, vector<16xi32>
      %broadcast_in_dim3A_3076 = vector.shape_cast %select_n3A_3075 : vector<16xi32> to vector<16x1xi32>
      %gather3A_3077 = vector.shape_cast %broadcast_in_dim3A_3076 : vector<16x1xi32> to vector<16xi32>
      %gather3A_3078 = tpu.dynamic_gather %convert_element_type3A_2450[%gather3A_3077] in [0] : vector<16xf32>, vector<16xi32> -> vector<16xf32>
      %select_n3A_3079 = arith.select %lt3A_3068, %get3A_3007, %gather3A_3078 : vector<16xi1>, vector<16xf32>
      %add3A_3080 = arith.addi %get3A_2955, %add3A_2614 : vector<16xi32>
      %slice3A_3081 = vector.extract_strided_slice %add3A_3080 {offsets = [0], sizes = [1], strides = [1]} : vector<16xi32> to vector<1xi32>
      %squeeze3A_3082 = vector.extract %slice3A_3081[0] : i32 from vector<1xi32>
      %ge3A_3083 = arith.constant 16 : i32
      %ge3A_3084 = arith.cmpi sge, %squeeze3A_3082, %ge3A_3083 : i32
      %convert_element_type3A_3085 = arith.extui %ge3A_3084 : i1 to i32
      %cond3A_3086 = arith.constant 0 : i32
      %cond3A_3087 = arith.cmpi ne, %convert_element_type3A_3085, %cond3A_3086 : i32
      scf.if %cond3A_3087 {
        %slice3A_3270 = vector.extract_strided_slice %get3A_2958 {offsets = [0], sizes = [1], strides = [1]} : vector<16xi32> to vector<1xi32>
        %squeeze3A_3271 = vector.extract %slice3A_3270[0] : i32 from vector<1xi32>
        %multiple_of3A_3272 = tpu.assume_multiple %squeeze3A_3271, 8 : i32
        %swap3A_3273 = arith.index_cast %multiple_of3A_3272 : i32 to index
        %swap3A_3274 = tpu.vector_load %arg21[%swap3A_3273] {strides = array<i32>} : memref<768xf32, #tpu.memory_space<vmem>>, vector<16xf32>,
        %swap3A_3275 = vector.shape_cast %swap3A_3274 : vector<16xf32> to vector<16xf32>
        %swap3A_3276 = vector.shape_cast %select_n3A_3019 : vector<16xf32> to vector<16xf32>
        tpu.vector_store %arg21[%swap3A_3273], %swap3A_3276 {strides = array<i32>} : memref<768xf32, #tpu.memory_space<vmem>>, vector<16xf32>,
        %swap3A_3277 = arith.index_cast %multiple_of3A_3272 : i32 to index
        %swap3A_3278 = tpu.vector_load %arg22[%swap3A_3277] {strides = array<i32>} : memref<768xf32, #tpu.memory_space<vmem>>, vector<16xf32>,
        %swap3A_3279 = vector.shape_cast %swap3A_3278 : vector<16xf32> to vector<16xf32>
        %swap3A_3280 = vector.shape_cast %select_n3A_3031 : vector<16xf32> to vector<16xf32>
        tpu.vector_store %arg22[%swap3A_3277], %swap3A_3280 {strides = array<i32>} : memref<768xf32, #tpu.memory_space<vmem>>, vector<16xf32>,
        %swap3A_3281 = arith.index_cast %multiple_of3A_3272 : i32 to index
        %swap3A_3282 = tpu.vector_load %arg23[%swap3A_3281] {strides = array<i32>} : memref<768xf32, #tpu.memory_space<vmem>>, vector<16xf32>,
        %swap3A_3283 = vector.shape_cast %swap3A_3282 : vector<16xf32> to vector<16xf32>
        %swap3A_3284 = vector.shape_cast %select_n3A_3043 : vector<16xf32> to vector<16xf32>
        tpu.vector_store %arg23[%swap3A_3281], %swap3A_3284 {strides = array<i32>} : memref<768xf32, #tpu.memory_space<vmem>>, vector<16xf32>,
        %swap3A_3285 = arith.index_cast %multiple_of3A_3272 : i32 to index
        %swap3A_3286 = tpu.vector_load %arg24[%swap3A_3285] {strides = array<i32>} : memref<768xf32, #tpu.memory_space<vmem>>, vector<16xf32>,
        %swap3A_3287 = vector.shape_cast %swap3A_3286 : vector<16xf32> to vector<16xf32>
        %swap3A_3288 = vector.shape_cast %select_n3A_3055 : vector<16xf32> to vector<16xf32>
        tpu.vector_store %arg24[%swap3A_3285], %swap3A_3288 {strides = array<i32>} : memref<768xf32, #tpu.memory_space<vmem>>, vector<16xf32>,
        %swap3A_3289 = arith.index_cast %multiple_of3A_3272 : i32 to index
        %swap3A_3290 = tpu.vector_load %arg25[%swap3A_3289] {strides = array<i32>} : memref<768xf32, #tpu.memory_space<vmem>>, vector<16xf32>,
        %swap3A_3291 = vector.shape_cast %swap3A_3290 : vector<16xf32> to vector<16xf32>
        %swap3A_3292 = vector.shape_cast %select_n3A_3067 : vector<16xf32> to vector<16xf32>
        tpu.vector_store %arg25[%swap3A_3289], %swap3A_3292 {strides = array<i32>} : memref<768xf32, #tpu.memory_space<vmem>>, vector<16xf32>,
        %swap3A_3293 = arith.index_cast %multiple_of3A_3272 : i32 to index
        %swap3A_3294 = tpu.vector_load %arg26[%swap3A_3293] {strides = array<i32>} : memref<768xf32, #tpu.memory_space<vmem>>, vector<16xf32>,
        %swap3A_3295 = vector.shape_cast %swap3A_3294 : vector<16xf32> to vector<16xf32>
        %swap3A_3296 = vector.shape_cast %select_n3A_3079 : vector<16xf32> to vector<16xf32>
        tpu.vector_store %arg26[%swap3A_3293], %swap3A_3296 {strides = array<i32>} : memref<768xf32, #tpu.memory_space<vmem>>, vector<16xf32>,
      } else {
      }
      %ge3A_3088 = arith.constant 16 : i32
      %ge3A_3089 = vector.broadcast %ge3A_3088 : i32 to vector<16xi32>
      %ge3A_3090 = arith.cmpi sge, %add3A_3080, %ge3A_3089 : vector<16xi32>
      %lt3A_3091 = arith.constant 0 : i32
      %lt3A_3092 = vector.broadcast %lt3A_3091 : i32 to vector<16xi32>
      %lt3A_3093 = arith.cmpi slt, %gather3A_2989, %lt3A_3092 : vector<16xi32>
      %add3A_3094 = arith.constant 16 : i32
      %add3A_3095 = vector.broadcast %add3A_3094 : i32 to vector<16xi32>
      %add3A_3096 = arith.addi %gather3A_2989, %add3A_3095 : vector<16xi32>
      %select_n3A_3097 = arith.select %lt3A_3093, %add3A_3096, %gather3A_2989 : vector<16xi1>, vector<16xi32>
      %broadcast_in_dim3A_3098 = vector.shape_cast %select_n3A_3097 : vector<16xi32> to vector<16x1xi32>
      %gather3A_3099 = vector.shape_cast %broadcast_in_dim3A_3098 : vector<16x1xi32> to vector<16xi32>
      %gather3A_3100 = tpu.dynamic_gather %get3A_2432[%gather3A_3099] in [0] : vector<16xf32>, vector<16xi32> -> vector<16xf32>
      %select_n3A_3101 = arith.select %ge3A_3090, %gather3A_3100, %select_n3A_3019 : vector<16xi1>, vector<16xf32>
      %lt3A_3102 = arith.constant 0 : i32
      %lt3A_3103 = vector.broadcast %lt3A_3102 : i32 to vector<16xi32>
      %lt3A_3104 = arith.cmpi slt, %gather3A_2989, %lt3A_3103 : vector<16xi32>
      %add3A_3105 = arith.constant 16 : i32
      %add3A_3106 = vector.broadcast %add3A_3105 : i32 to vector<16xi32>
      %add3A_3107 = arith.addi %gather3A_2989, %add3A_3106 : vector<16xi32>
      %select_n3A_3108 = arith.select %lt3A_3104, %add3A_3107, %gather3A_2989 : vector<16xi1>, vector<16xi32>
      %broadcast_in_dim3A_3109 = vector.shape_cast %select_n3A_3108 : vector<16xi32> to vector<16x1xi32>
      %gather3A_3110 = vector.shape_cast %broadcast_in_dim3A_3109 : vector<16x1xi32> to vector<16xi32>
      %gather3A_3111 = tpu.dynamic_gather %get3A_2435[%gather3A_3110] in [0] : vector<16xf32>, vector<16xi32> -> vector<16xf32>
      %select_n3A_3112 = arith.select %ge3A_3090, %gather3A_3111, %select_n3A_3031 : vector<16xi1>, vector<16xf32>
      %lt3A_3113 = arith.constant 0 : i32
      %lt3A_3114 = vector.broadcast %lt3A_3113 : i32 to vector<16xi32>
      %lt3A_3115 = arith.cmpi slt, %gather3A_2989, %lt3A_3114 : vector<16xi32>
      %add3A_3116 = arith.constant 16 : i32
      %add3A_3117 = vector.broadcast %add3A_3116 : i32 to vector<16xi32>
      %add3A_3118 = arith.addi %gather3A_2989, %add3A_3117 : vector<16xi32>
      %select_n3A_3119 = arith.select %lt3A_3115, %add3A_3118, %gather3A_2989 : vector<16xi1>, vector<16xi32>
      %broadcast_in_dim3A_3120 = vector.shape_cast %select_n3A_3119 : vector<16xi32> to vector<16x1xi32>
      %gather3A_3121 = vector.shape_cast %broadcast_in_dim3A_3120 : vector<16x1xi32> to vector<16xi32>
      %gather3A_3122 = tpu.dynamic_gather %get3A_2438[%gather3A_3121] in [0] : vector<16xf32>, vector<16xi32> -> vector<16xf32>
      %select_n3A_3123 = arith.select %ge3A_3090, %gather3A_3122, %select_n3A_3043 : vector<16xi1>, vector<16xf32>
      %lt3A_3124 = arith.constant 0 : i32
      %lt3A_3125 = vector.broadcast %lt3A_3124 : i32 to vector<16xi32>
      %lt3A_3126 = arith.cmpi slt, %gather3A_2989, %lt3A_3125 : vector<16xi32>
      %add3A_3127 = arith.constant 16 : i32
      %add3A_3128 = vector.broadcast %add3A_3127 : i32 to vector<16xi32>
      %add3A_3129 = arith.addi %gather3A_2989, %add3A_3128 : vector<16xi32>
      %select_n3A_3130 = arith.select %lt3A_3126, %add3A_3129, %gather3A_2989 : vector<16xi1>, vector<16xi32>
      %broadcast_in_dim3A_3131 = vector.shape_cast %select_n3A_3130 : vector<16xi32> to vector<16x1xi32>
      %gather3A_3132 = vector.shape_cast %broadcast_in_dim3A_3131 : vector<16x1xi32> to vector<16xi32>
      %gather3A_3133 = tpu.dynamic_gather %get3A_2441[%gather3A_3132] in [0] : vector<16xf32>, vector<16xi32> -> vector<16xf32>
      %select_n3A_3134 = arith.select %ge3A_3090, %gather3A_3133, %select_n3A_3055 : vector<16xi1>, vector<16xf32>
      %lt3A_3135 = arith.constant 0 : i32
      %lt3A_3136 = vector.broadcast %lt3A_3135 : i32 to vector<16xi32>
      %lt3A_3137 = arith.cmpi slt, %gather3A_2989, %lt3A_3136 : vector<16xi32>
      %add3A_3138 = arith.constant 16 : i32
      %add3A_3139 = vector.broadcast %add3A_3138 : i32 to vector<16xi32>
      %add3A_3140 = arith.addi %gather3A_2989, %add3A_3139 : vector<16xi32>
      %select_n3A_3141 = arith.select %lt3A_3137, %add3A_3140, %gather3A_2989 : vector<16xi1>, vector<16xi32>
      %broadcast_in_dim3A_3142 = vector.shape_cast %select_n3A_3141 : vector<16xi32> to vector<16x1xi32>
      %gather3A_3143 = vector.shape_cast %broadcast_in_dim3A_3142 : vector<16x1xi32> to vector<16xi32>
      %gather3A_3144 = tpu.dynamic_gather %get3A_2444[%gather3A_3143] in [0] : vector<16xf32>, vector<16xi32> -> vector<16xf32>
      %select_n3A_3145 = arith.select %ge3A_3090, %gather3A_3144, %select_n3A_3067 : vector<16xi1>, vector<16xf32>
      %lt3A_3146 = arith.constant 0 : i32
      %lt3A_3147 = vector.broadcast %lt3A_3146 : i32 to vector<16xi32>
      %lt3A_3148 = arith.cmpi slt, %gather3A_2989, %lt3A_3147 : vector<16xi32>
      %add3A_3149 = arith.constant 16 : i32
      %add3A_3150 = vector.broadcast %add3A_3149 : i32 to vector<16xi32>
      %add3A_3151 = arith.addi %gather3A_2989, %add3A_3150 : vector<16xi32>
      %select_n3A_3152 = arith.select %lt3A_3148, %add3A_3151, %gather3A_2989 : vector<16xi1>, vector<16xi32>
      %broadcast_in_dim3A_3153 = vector.shape_cast %select_n3A_3152 : vector<16xi32> to vector<16x1xi32>
      %gather3A_3154 = vector.shape_cast %broadcast_in_dim3A_3153 : vector<16x1xi32> to vector<16xi32>
      %gather3A_3155 = tpu.dynamic_gather %convert_element_type3A_2450[%gather3A_3154] in [0] : vector<16xf32>, vector<16xi32> -> vector<16xf32>
      %select_n3A_3156 = arith.select %ge3A_3090, %gather3A_3155, %select_n3A_3079 : vector<16xi1>, vector<16xf32>
      %swap3A_3157 = arith.constant 0 : index
      %swap3A_3158 = tpu.vector_load %arg31[%swap3A_3157] {strides = array<i32>} : memref<16xf32, #tpu.memory_space<vmem>>, vector<16xf32>,
      %swap3A_3159 = vector.shape_cast %swap3A_3158 : vector<16xf32> to vector<16xf32>
      %swap3A_3160 = vector.shape_cast %select_n3A_3101 : vector<16xf32> to vector<16xf32>
      tpu.vector_store %arg31[%swap3A_3157], %swap3A_3160 {strides = array<i32>} : memref<16xf32, #tpu.memory_space<vmem>>, vector<16xf32>,
      %swap3A_3161 = arith.constant 0 : index
      %swap3A_3162 = tpu.vector_load %arg32[%swap3A_3161] {strides = array<i32>} : memref<16xf32, #tpu.memory_space<vmem>>, vector<16xf32>,
      %swap3A_3163 = vector.shape_cast %swap3A_3162 : vector<16xf32> to vector<16xf32>
      %swap3A_3164 = vector.shape_cast %select_n3A_3112 : vector<16xf32> to vector<16xf32>
      tpu.vector_store %arg32[%swap3A_3161], %swap3A_3164 {strides = array<i32>} : memref<16xf32, #tpu.memory_space<vmem>>, vector<16xf32>,
      %swap3A_3165 = arith.constant 0 : index
      %swap3A_3166 = tpu.vector_load %arg33[%swap3A_3165] {strides = array<i32>} : memref<16xf32, #tpu.memory_space<vmem>>, vector<16xf32>,
      %swap3A_3167 = vector.shape_cast %swap3A_3166 : vector<16xf32> to vector<16xf32>
      %swap3A_3168 = vector.shape_cast %select_n3A_3123 : vector<16xf32> to vector<16xf32>
      tpu.vector_store %arg33[%swap3A_3165], %swap3A_3168 {strides = array<i32>} : memref<16xf32, #tpu.memory_space<vmem>>, vector<16xf32>,
      %swap3A_3169 = arith.constant 0 : index
      %swap3A_3170 = tpu.vector_load %arg34[%swap3A_3169] {strides = array<i32>} : memref<16xf32, #tpu.memory_space<vmem>>, vector<16xf32>,
      %swap3A_3171 = vector.shape_cast %swap3A_3170 : vector<16xf32> to vector<16xf32>
      %swap3A_3172 = vector.shape_cast %select_n3A_3134 : vector<16xf32> to vector<16xf32>
      tpu.vector_store %arg34[%swap3A_3169], %swap3A_3172 {strides = array<i32>} : memref<16xf32, #tpu.memory_space<vmem>>, vector<16xf32>,
      %swap3A_3173 = arith.constant 0 : index
      %swap3A_3174 = tpu.vector_load %arg35[%swap3A_3173] {strides = array<i32>} : memref<16xf32, #tpu.memory_space<vmem>>, vector<16xf32>,
      %swap3A_3175 = vector.shape_cast %swap3A_3174 : vector<16xf32> to vector<16xf32>
      %swap3A_3176 = vector.shape_cast %select_n3A_3145 : vector<16xf32> to vector<16xf32>
      tpu.vector_store %arg35[%swap3A_3173], %swap3A_3176 {strides = array<i32>} : memref<16xf32, #tpu.memory_space<vmem>>, vector<16xf32>,
      %swap3A_3177 = arith.constant 0 : index
      %swap3A_3178 = tpu.vector_load %arg36[%swap3A_3177] {strides = array<i32>} : memref<16xf32, #tpu.memory_space<vmem>>, vector<16xf32>,
      %swap3A_3179 = vector.shape_cast %swap3A_3178 : vector<16xf32> to vector<16xf32>
      %swap3A_3180 = vector.shape_cast %select_n3A_3156 : vector<16xf32> to vector<16xf32>
      tpu.vector_store %arg36[%swap3A_3177], %swap3A_3180 {strides = array<i32>} : memref<16xf32, #tpu.memory_space<vmem>>, vector<16xf32>,
      %sub3A_3181 = arith.constant 16 : i32
      %sub3A_3182 = vector.broadcast %sub3A_3181 : i32 to vector<16xi32>
      %sub3A_3183 = arith.subi %add3A_3080, %sub3A_3182 : vector<16xi32>
      %select_n3A_3184 = arith.select %ge3A_3090, %sub3A_3183, %add3A_3080 : vector<16xi1>, vector<16xi32>
      %swap3A_3185 = arith.constant 0 : index
      %swap3A_3186 = tpu.vector_load %arg37[%swap3A_3185] {strides = array<i32>} : memref<16xi32, #tpu.memory_space<vmem>>, vector<16xi32>,
      %swap3A_3187 = vector.shape_cast %swap3A_3186 : vector<16xi32> to vector<16xi32>
      %swap3A_3188 = vector.shape_cast %select_n3A_3184 : vector<16xi32> to vector<16xi32>
      tpu.vector_store %arg37[%swap3A_3185], %swap3A_3188 {strides = array<i32>} : memref<16xi32, #tpu.memory_space<vmem>>, vector<16xi32>,
      %broadcast_in_dim3A_3189 = arith.constant 16 : i32
      %broadcast_in_dim3A_3190 = vector.broadcast %broadcast_in_dim3A_3189 : i32 to vector<16xi32>
      %select_n3A_3191 = arith.select %ge3A_3090, %broadcast_in_dim3A_3190, %broadcast_in_dim3A_43 : vector<16xi1>, vector<16xi32>
      %add3A_3192 = arith.addi %get3A_2958, %select_n3A_3191 : vector<16xi32>
      %swap3A_3193 = arith.constant 0 : index
      %swap3A_3194 = tpu.vector_load %arg38[%swap3A_3193] {strides = array<i32>} : memref<16xi32, #tpu.memory_space<vmem>>, vector<16xi32>,
      %swap3A_3195 = vector.shape_cast %swap3A_3194 : vector<16xi32> to vector<16xi32>
      %swap3A_3196 = vector.shape_cast %add3A_3192 : vector<16xi32> to vector<16xi32>
      tpu.vector_store %arg38[%swap3A_3193], %swap3A_3196 {strides = array<i32>} : memref<16xi32, #tpu.memory_space<vmem>>, vector<16xi32>,
      %add3A_3197 = arith.constant 1 : i32
      %add3A_3198 = vector.broadcast %add3A_3197 : i32 to vector<16xi32>
      %add3A_3199 = arith.addi %iota3A, %add3A_3198 : vector<16xi32>
      %and3A_3200 = arith.constant 15 : i32
      %and3A_3201 = vector.broadcast %and3A_3200 : i32 to vector<16xi32>
      %and3A_3202 = arith.andi %add3A_3199, %and3A_3201 : vector<16xi32>
      %lt3A_3203 = arith.constant 0 : i32
      %lt3A_3204 = vector.broadcast %lt3A_3203 : i32 to vector<16xi32>
      %lt3A_3205 = arith.cmpi slt, %and3A_3202, %lt3A_3204 : vector<16xi32>
      %add3A_3206 = arith.constant 16 : i32
      %add3A_3207 = vector.broadcast %add3A_3206 : i32 to vector<16xi32>
      %add3A_3208 = arith.addi %and3A_3202, %add3A_3207 : vector<16xi32>
      %select_n3A_3209 = arith.select %lt3A_3205, %add3A_3208, %and3A_3202 : vector<16xi1>, vector<16xi32>
      %broadcast_in_dim3A_3210 = vector.shape_cast %select_n3A_3209 : vector<16xi32> to vector<16x1xi32>
      %gather3A_3211 = vector.shape_cast %broadcast_in_dim3A_3210 : vector<16x1xi32> to vector<16xi32>
      %gather3A_3212 = tpu.dynamic_gather %select_n3A_2456[%gather3A_3211] in [0] : vector<16xi32>, vector<16xi32> -> vector<16xi32>
      %add3A_3213 = arith.addi %select_n3A_2456, %gather3A_3212 : vector<16xi32>
      %add3A_3214 = arith.constant 2 : i32
      %add3A_3215 = vector.broadcast %add3A_3214 : i32 to vector<16xi32>
      %add3A_3216 = arith.addi %iota3A, %add3A_3215 : vector<16xi32>
      %and3A_3217 = arith.constant 15 : i32
      %and3A_3218 = vector.broadcast %and3A_3217 : i32 to vector<16xi32>
      %and3A_3219 = arith.andi %add3A_3216, %and3A_3218 : vector<16xi32>
      %lt3A_3220 = arith.constant 0 : i32
      %lt3A_3221 = vector.broadcast %lt3A_3220 : i32 to vector<16xi32>
      %lt3A_3222 = arith.cmpi slt, %and3A_3219, %lt3A_3221 : vector<16xi32>
      %add3A_3223 = arith.constant 16 : i32
      %add3A_3224 = vector.broadcast %add3A_3223 : i32 to vector<16xi32>
      %add3A_3225 = arith.addi %and3A_3219, %add3A_3224 : vector<16xi32>
      %select_n3A_3226 = arith.select %lt3A_3222, %add3A_3225, %and3A_3219 : vector<16xi1>, vector<16xi32>
      %broadcast_in_dim3A_3227 = vector.shape_cast %select_n3A_3226 : vector<16xi32> to vector<16x1xi32>
      %gather3A_3228 = vector.shape_cast %broadcast_in_dim3A_3227 : vector<16x1xi32> to vector<16xi32>
      %gather3A_3229 = tpu.dynamic_gather %add3A_3213[%gather3A_3228] in [0] : vector<16xi32>, vector<16xi32> -> vector<16xi32>
      %add3A_3230 = arith.addi %add3A_3213, %gather3A_3229 : vector<16xi32>
      %add3A_3231 = arith.constant 4 : i32
      %add3A_3232 = vector.broadcast %add3A_3231 : i32 to vector<16xi32>
      %add3A_3233 = arith.addi %iota3A, %add3A_3232 : vector<16xi32>
      %and3A_3234 = arith.constant 15 : i32
      %and3A_3235 = vector.broadcast %and3A_3234 : i32 to vector<16xi32>
      %and3A_3236 = arith.andi %add3A_3233, %and3A_3235 : vector<16xi32>
      %lt3A_3237 = arith.constant 0 : i32
      %lt3A_3238 = vector.broadcast %lt3A_3237 : i32 to vector<16xi32>
      %lt3A_3239 = arith.cmpi slt, %and3A_3236, %lt3A_3238 : vector<16xi32>
      %add3A_3240 = arith.constant 16 : i32
      %add3A_3241 = vector.broadcast %add3A_3240 : i32 to vector<16xi32>
      %add3A_3242 = arith.addi %and3A_3236, %add3A_3241 : vector<16xi32>
      %select_n3A_3243 = arith.select %lt3A_3239, %add3A_3242, %and3A_3236 : vector<16xi1>, vector<16xi32>
      %broadcast_in_dim3A_3244 = vector.shape_cast %select_n3A_3243 : vector<16xi32> to vector<16x1xi32>
      %gather3A_3245 = vector.shape_cast %broadcast_in_dim3A_3244 : vector<16x1xi32> to vector<16xi32>
      %gather3A_3246 = tpu.dynamic_gather %add3A_3230[%gather3A_3245] in [0] : vector<16xi32>, vector<16xi32> -> vector<16xi32>
      %add3A_3247 = arith.addi %add3A_3230, %gather3A_3246 : vector<16xi32>
      %add3A_3248 = arith.constant 8 : i32
      %add3A_3249 = vector.broadcast %add3A_3248 : i32 to vector<16xi32>
      %add3A_3250 = arith.addi %iota3A, %add3A_3249 : vector<16xi32>
      %and3A_3251 = arith.constant 15 : i32
      %and3A_3252 = vector.broadcast %and3A_3251 : i32 to vector<16xi32>
      %and3A_3253 = arith.andi %add3A_3250, %and3A_3252 : vector<16xi32>
      %lt3A_3254 = arith.constant 0 : i32
      %lt3A_3255 = vector.broadcast %lt3A_3254 : i32 to vector<16xi32>
      %lt3A_3256 = arith.cmpi slt, %and3A_3253, %lt3A_3255 : vector<16xi32>
      %add3A_3257 = arith.constant 16 : i32
      %add3A_3258 = vector.broadcast %add3A_3257 : i32 to vector<16xi32>
      %add3A_3259 = arith.addi %and3A_3253, %add3A_3258 : vector<16xi32>
      %select_n3A_3260 = arith.select %lt3A_3256, %add3A_3259, %and3A_3253 : vector<16xi1>, vector<16xi32>
      %broadcast_in_dim3A_3261 = vector.shape_cast %select_n3A_3260 : vector<16xi32> to vector<16x1xi32>
      %gather3A_3262 = vector.shape_cast %broadcast_in_dim3A_3261 : vector<16x1xi32> to vector<16xi32>
      %gather3A_3263 = tpu.dynamic_gather %add3A_3247[%gather3A_3262] in [0] : vector<16xi32>, vector<16xi32> -> vector<16xi32>
      %add3A_3264 = arith.addi %add3A_3247, %gather3A_3263 : vector<16xi32>
      %add3A_3265 = arith.addi %get3A_2453, %add3A_3264 : vector<16xi32>
      %swap3A_3266 = arith.constant 0 : index
      %swap3A_3267 = tpu.vector_load %arg39[%swap3A_3266] {strides = array<i32>} : memref<16xi32, #tpu.memory_space<vmem>>, vector<16xi32>,
      %swap3A_3268 = vector.shape_cast %swap3A_3267 : vector<16xi32> to vector<16xi32>
      %swap3A_3269 = vector.shape_cast %add3A_3265 : vector<16xi32> to vector<16xi32>
      tpu.vector_store %arg39[%swap3A_3266], %swap3A_3269 {strides = array<i32>} : memref<16xi32, #tpu.memory_space<vmem>>, vector<16xi32>,
    }
    %scan3A_2283 = arith.constant 44 : i32
    %get3A_2284 = arith.constant 0 : index
    %get3A_2285 = tpu.vector_load %arg37[%get3A_2284] {strides = array<i32>} : memref<16xi32, #tpu.memory_space<vmem>>, vector<16xi32>,
    %get3A_2286 = vector.shape_cast %get3A_2285 : vector<16xi32> to vector<16xi32>
    %get3A_2287 = arith.constant 0 : index
    %get3A_2288 = tpu.vector_load %arg38[%get3A_2287] {strides = array<i32>} : memref<16xi32, #tpu.memory_space<vmem>>, vector<16xi32>,
    %get3A_2289 = vector.shape_cast %get3A_2288 : vector<16xi32> to vector<16xi32>
    %slice3A = vector.extract_strided_slice %get3A_2289 {offsets = [0], sizes = [1], strides = [1]} : vector<16xi32> to vector<1xi32>
    %squeeze3A = vector.extract %slice3A[0] : i32 from vector<1xi32>
    %multiple_of3A_2290 = tpu.assume_multiple %squeeze3A, 8 : i32
    %lt3A_2291 = arith.cmpi slt, %iota3A, %get3A_2286 : vector<16xi32>
    %get3A_2292 = arith.constant 0 : index
    %get3A_2293 = tpu.vector_load %arg31[%get3A_2292] {strides = array<i32>} : memref<16xf32, #tpu.memory_space<vmem>>, vector<16xf32>,
    %get3A_2294 = vector.shape_cast %get3A_2293 : vector<16xf32> to vector<16xf32>
    %broadcast_in_dim3A_2295 = arith.constant -3.000000e+38 : f32
    %broadcast_in_dim3A_2296 = vector.broadcast %broadcast_in_dim3A_2295 : f32 to vector<16xf32>
    %select_n3A_2297 = arith.select %lt3A_2291, %get3A_2294, %broadcast_in_dim3A_2296 : vector<16xi1>, vector<16xf32>
    %swap3A_2298 = arith.index_cast %multiple_of3A_2290 : i32 to index
    %swap3A_2299 = tpu.vector_load %arg21[%swap3A_2298] {strides = array<i32>} : memref<768xf32, #tpu.memory_space<vmem>>, vector<16xf32>,
    %swap3A_2300 = vector.shape_cast %swap3A_2299 : vector<16xf32> to vector<16xf32>
    %swap3A_2301 = vector.shape_cast %select_n3A_2297 : vector<16xf32> to vector<16xf32>
    tpu.vector_store %arg21[%swap3A_2298], %swap3A_2301 {strides = array<i32>} : memref<768xf32, #tpu.memory_space<vmem>>, vector<16xf32>,
    %get3A_2302 = arith.constant 0 : index
    %get3A_2303 = tpu.vector_load %arg32[%get3A_2302] {strides = array<i32>} : memref<16xf32, #tpu.memory_space<vmem>>, vector<16xf32>,
    %get3A_2304 = vector.shape_cast %get3A_2303 : vector<16xf32> to vector<16xf32>
    %swap3A_2305 = arith.index_cast %multiple_of3A_2290 : i32 to index
    %swap3A_2306 = tpu.vector_load %arg22[%swap3A_2305] {strides = array<i32>} : memref<768xf32, #tpu.memory_space<vmem>>, vector<16xf32>,
    %swap3A_2307 = vector.shape_cast %swap3A_2306 : vector<16xf32> to vector<16xf32>
    %swap3A_2308 = vector.shape_cast %get3A_2304 : vector<16xf32> to vector<16xf32>
    tpu.vector_store %arg22[%swap3A_2305], %swap3A_2308 {strides = array<i32>} : memref<768xf32, #tpu.memory_space<vmem>>, vector<16xf32>,
    %get3A_2309 = arith.constant 0 : index
    %get3A_2310 = tpu.vector_load %arg33[%get3A_2309] {strides = array<i32>} : memref<16xf32, #tpu.memory_space<vmem>>, vector<16xf32>,
    %get3A_2311 = vector.shape_cast %get3A_2310 : vector<16xf32> to vector<16xf32>
    %swap3A_2312 = arith.index_cast %multiple_of3A_2290 : i32 to index
    %swap3A_2313 = tpu.vector_load %arg23[%swap3A_2312] {strides = array<i32>} : memref<768xf32, #tpu.memory_space<vmem>>, vector<16xf32>,
    %swap3A_2314 = vector.shape_cast %swap3A_2313 : vector<16xf32> to vector<16xf32>
    %swap3A_2315 = vector.shape_cast %get3A_2311 : vector<16xf32> to vector<16xf32>
    tpu.vector_store %arg23[%swap3A_2312], %swap3A_2315 {strides = array<i32>} : memref<768xf32, #tpu.memory_space<vmem>>, vector<16xf32>,
    %get3A_2316 = arith.constant 0 : index
    %get3A_2317 = tpu.vector_load %arg34[%get3A_2316] {strides = array<i32>} : memref<16xf32, #tpu.memory_space<vmem>>, vector<16xf32>,
    %get3A_2318 = vector.shape_cast %get3A_2317 : vector<16xf32> to vector<16xf32>
    %swap3A_2319 = arith.index_cast %multiple_of3A_2290 : i32 to index
    %swap3A_2320 = tpu.vector_load %arg24[%swap3A_2319] {strides = array<i32>} : memref<768xf32, #tpu.memory_space<vmem>>, vector<16xf32>,
    %swap3A_2321 = vector.shape_cast %swap3A_2320 : vector<16xf32> to vector<16xf32>
    %swap3A_2322 = vector.shape_cast %get3A_2318 : vector<16xf32> to vector<16xf32>
    tpu.vector_store %arg24[%swap3A_2319], %swap3A_2322 {strides = array<i32>} : memref<768xf32, #tpu.memory_space<vmem>>, vector<16xf32>,
    %get3A_2323 = arith.constant 0 : index
    %get3A_2324 = tpu.vector_load %arg35[%get3A_2323] {strides = array<i32>} : memref<16xf32, #tpu.memory_space<vmem>>, vector<16xf32>,
    %get3A_2325 = vector.shape_cast %get3A_2324 : vector<16xf32> to vector<16xf32>
    %swap3A_2326 = arith.index_cast %multiple_of3A_2290 : i32 to index
    %swap3A_2327 = tpu.vector_load %arg25[%swap3A_2326] {strides = array<i32>} : memref<768xf32, #tpu.memory_space<vmem>>, vector<16xf32>,
    %swap3A_2328 = vector.shape_cast %swap3A_2327 : vector<16xf32> to vector<16xf32>
    %swap3A_2329 = vector.shape_cast %get3A_2325 : vector<16xf32> to vector<16xf32>
    tpu.vector_store %arg25[%swap3A_2326], %swap3A_2329 {strides = array<i32>} : memref<768xf32, #tpu.memory_space<vmem>>, vector<16xf32>,
    %get3A_2330 = arith.constant 0 : index
    %get3A_2331 = tpu.vector_load %arg36[%get3A_2330] {strides = array<i32>} : memref<16xf32, #tpu.memory_space<vmem>>, vector<16xf32>,
    %get3A_2332 = vector.shape_cast %get3A_2331 : vector<16xf32> to vector<16xf32>
    %swap3A_2333 = arith.index_cast %multiple_of3A_2290 : i32 to index
    %swap3A_2334 = tpu.vector_load %arg26[%swap3A_2333] {strides = array<i32>} : memref<768xf32, #tpu.memory_space<vmem>>, vector<16xf32>,
    %swap3A_2335 = vector.shape_cast %swap3A_2334 : vector<16xf32> to vector<16xf32>
    %swap3A_2336 = vector.shape_cast %get3A_2332 : vector<16xf32> to vector<16xf32>
    tpu.vector_store %arg26[%swap3A_2333], %swap3A_2336 {strides = array<i32>} : memref<768xf32, #tpu.memory_space<vmem>>, vector<16xf32>,
    %add3A_2337 = arith.addi %get3A_2289, %get3A_2286 : vector<16xi32>
    %add3A_2338 = arith.constant 7 : i32
    %add3A_2339 = vector.broadcast %add3A_2338 : i32 to vector<16xi32>
    %add3A_2340 = arith.addi %add3A_2337, %add3A_2339 : vector<16xi32>
    %and3A_2341 = arith.constant -8 : i32
    %and3A_2342 = vector.broadcast %and3A_2341 : i32 to vector<16xi32>
    %and3A_2343 = arith.andi %add3A_2340, %and3A_2342 : vector<16xi32>
    %slice3A_2344 = vector.extract_strided_slice %and3A_2343 {offsets = [0], sizes = [1], strides = [1]} : vector<16xi32> to vector<1xi32>
    %squeeze3A_2345 = vector.extract %slice3A_2344[0] : i32 from vector<1xi32>
    %slice3A_2346 = vector.extract_strided_slice %add3A_2266 {offsets = [0], sizes = [1], strides = [1]} : vector<16xi32> to vector<1xi32>
    %squeeze3A_2347 = vector.extract %slice3A_2346[0] : i32 from vector<1xi32>
    %and3A_2348 = arith.constant 512 : i32
    %and3A_2349 = arith.andi %squeeze3A_2345, %and3A_2348 : i32
    %ne3A_2350 = arith.constant 0 : i32
    %ne3A_2351 = arith.cmpi ne, %and3A_2349, %ne3A_2350 : i32
    %convert_element_type3A = arith.extui %ne3A_2351 : i1 to i32
    %cond3A = arith.constant 0 : i32
    %cond3A_2352 = arith.constant 0 : i32
    %cond3A_2353 = arith.cmpi ne, %convert_element_type3A, %cond3A_2352 : i32
    scf.if %cond3A_2353 {
      %multiple_of3A_2426 = tpu.assume_multiple %cond3A, 8 : i32
      %add3A_2427 = arith.addi %squeeze3A_2347, %multiple_of3A_2426 : i32
      %multiple_of3A_2428 = tpu.assume_multiple %add3A_2427, 8 : i32
      "tpu.region"() ({
        %run_scoped3A = tpu.sem_alloc : memref<!tpu.dma_semaphore, #tpu.memory_space<semaphore_mem>>
        %dma_start3A = tpu.memref_slice %arg21[%multiple_of3A_2426] : memref<768xf32, #tpu.memory_space<vmem>> -> memref<512xf32, #tpu.memory_space<vmem>>
        %dma_start3A_2429 = tpu.memref_slice %arg8[%multiple_of3A_2428] : memref<7168xf32, #tpu.memory_space<hbm>> -> memref<512xf32, #tpu.memory_space<hbm>>
        %dma_start3A_2430 = tpu.memref_slice %arg8[%multiple_of3A_2428] : memref<7168xf32, #tpu.memory_space<hbm>> -> memref<512xf32, #tpu.memory_space<hbm>>
        %dma_start3A_2431 = tpu.memref_slice %arg21[%multiple_of3A_2426] : memref<768xf32, #tpu.memory_space<vmem>> -> memref<512xf32, #tpu.memory_space<vmem>>
        tpu.enqueue_dma source(%dma_start3A_2431 : memref<512xf32, #tpu.memory_space<vmem>>) target(%dma_start3A_2430 : memref<512xf32, #tpu.memory_space<hbm>>) target_semaphore(%run_scoped3A : memref<!tpu.dma_semaphore, #tpu.memory_space<semaphore_mem>>)
        %dma_wait3A = tpu.memref_slice %arg21[%multiple_of3A_2426] : memref<768xf32, #tpu.memory_space<vmem>> -> memref<512xf32, #tpu.memory_space<vmem>>
        %dma_wait3A_2432 = tpu.memref_slice %arg8[%multiple_of3A_2428] : memref<7168xf32, #tpu.memory_space<hbm>> -> memref<512xf32, #tpu.memory_space<hbm>>
        %dma_wait3A_2433 = tpu.memref_slice %arg8[%multiple_of3A_2428] : memref<7168xf32, #tpu.memory_space<hbm>> -> memref<512xf32, #tpu.memory_space<hbm>>
        %dma_wait3A_2434 = tpu.memref_slice %arg21[%multiple_of3A_2426] : memref<768xf32, #tpu.memory_space<vmem>> -> memref<512xf32, #tpu.memory_space<vmem>>
        tpu.wait_dma2 semaphore(%run_scoped3A : memref<!tpu.dma_semaphore, #tpu.memory_space<semaphore_mem>>) src(%dma_wait3A_2434 : memref<512xf32, #tpu.memory_space<vmem>>) dst(%dma_wait3A_2433 : memref<512xf32, #tpu.memory_space<hbm>>)
        tpu.yield
      }) : () -> ()
      "tpu.region"() ({
        %run_scoped3A = tpu.sem_alloc : memref<!tpu.dma_semaphore, #tpu.memory_space<semaphore_mem>>
        %dma_start3A = tpu.memref_slice %arg22[%multiple_of3A_2426] : memref<768xf32, #tpu.memory_space<vmem>> -> memref<512xf32, #tpu.memory_space<vmem>>
        %dma_start3A_2429 = tpu.memref_slice %arg9[%multiple_of3A_2428] : memref<7168xf32, #tpu.memory_space<hbm>> -> memref<512xf32, #tpu.memory_space<hbm>>
        %dma_start3A_2430 = tpu.memref_slice %arg9[%multiple_of3A_2428] : memref<7168xf32, #tpu.memory_space<hbm>> -> memref<512xf32, #tpu.memory_space<hbm>>
        %dma_start3A_2431 = tpu.memref_slice %arg22[%multiple_of3A_2426] : memref<768xf32, #tpu.memory_space<vmem>> -> memref<512xf32, #tpu.memory_space<vmem>>
        tpu.enqueue_dma source(%dma_start3A_2431 : memref<512xf32, #tpu.memory_space<vmem>>) target(%dma_start3A_2430 : memref<512xf32, #tpu.memory_space<hbm>>) target_semaphore(%run_scoped3A : memref<!tpu.dma_semaphore, #tpu.memory_space<semaphore_mem>>)
        %dma_wait3A = tpu.memref_slice %arg22[%multiple_of3A_2426] : memref<768xf32, #tpu.memory_space<vmem>> -> memref<512xf32, #tpu.memory_space<vmem>>
        %dma_wait3A_2432 = tpu.memref_slice %arg9[%multiple_of3A_2428] : memref<7168xf32, #tpu.memory_space<hbm>> -> memref<512xf32, #tpu.memory_space<hbm>>
        %dma_wait3A_2433 = tpu.memref_slice %arg9[%multiple_of3A_2428] : memref<7168xf32, #tpu.memory_space<hbm>> -> memref<512xf32, #tpu.memory_space<hbm>>
        %dma_wait3A_2434 = tpu.memref_slice %arg22[%multiple_of3A_2426] : memref<768xf32, #tpu.memory_space<vmem>> -> memref<512xf32, #tpu.memory_space<vmem>>
        tpu.wait_dma2 semaphore(%run_scoped3A : memref<!tpu.dma_semaphore, #tpu.memory_space<semaphore_mem>>) src(%dma_wait3A_2434 : memref<512xf32, #tpu.memory_space<vmem>>) dst(%dma_wait3A_2433 : memref<512xf32, #tpu.memory_space<hbm>>)
        tpu.yield
      }) : () -> ()
      "tpu.region"() ({
        %run_scoped3A = tpu.sem_alloc : memref<!tpu.dma_semaphore, #tpu.memory_space<semaphore_mem>>
        %dma_start3A = tpu.memref_slice %arg23[%multiple_of3A_2426] : memref<768xf32, #tpu.memory_space<vmem>> -> memref<512xf32, #tpu.memory_space<vmem>>
        %dma_start3A_2429 = tpu.memref_slice %arg10[%multiple_of3A_2428] : memref<7168xf32, #tpu.memory_space<hbm>> -> memref<512xf32, #tpu.memory_space<hbm>>
        %dma_start3A_2430 = tpu.memref_slice %arg10[%multiple_of3A_2428] : memref<7168xf32, #tpu.memory_space<hbm>> -> memref<512xf32, #tpu.memory_space<hbm>>
        %dma_start3A_2431 = tpu.memref_slice %arg23[%multiple_of3A_2426] : memref<768xf32, #tpu.memory_space<vmem>> -> memref<512xf32, #tpu.memory_space<vmem>>
        tpu.enqueue_dma source(%dma_start3A_2431 : memref<512xf32, #tpu.memory_space<vmem>>) target(%dma_start3A_2430 : memref<512xf32, #tpu.memory_space<hbm>>) target_semaphore(%run_scoped3A : memref<!tpu.dma_semaphore, #tpu.memory_space<semaphore_mem>>)
        %dma_wait3A = tpu.memref_slice %arg23[%multiple_of3A_2426] : memref<768xf32, #tpu.memory_space<vmem>> -> memref<512xf32, #tpu.memory_space<vmem>>
        %dma_wait3A_2432 = tpu.memref_slice %arg10[%multiple_of3A_2428] : memref<7168xf32, #tpu.memory_space<hbm>> -> memref<512xf32, #tpu.memory_space<hbm>>
        %dma_wait3A_2433 = tpu.memref_slice %arg10[%multiple_of3A_2428] : memref<7168xf32, #tpu.memory_space<hbm>> -> memref<512xf32, #tpu.memory_space<hbm>>
        %dma_wait3A_2434 = tpu.memref_slice %arg23[%multiple_of3A_2426] : memref<768xf32, #tpu.memory_space<vmem>> -> memref<512xf32, #tpu.memory_space<vmem>>
        tpu.wait_dma2 semaphore(%run_scoped3A : memref<!tpu.dma_semaphore, #tpu.memory_space<semaphore_mem>>) src(%dma_wait3A_2434 : memref<512xf32, #tpu.memory_space<vmem>>) dst(%dma_wait3A_2433 : memref<512xf32, #tpu.memory_space<hbm>>)
        tpu.yield
      }) : () -> ()
      "tpu.region"() ({
        %run_scoped3A = tpu.sem_alloc : memref<!tpu.dma_semaphore, #tpu.memory_space<semaphore_mem>>
        %dma_start3A = tpu.memref_slice %arg24[%multiple_of3A_2426] : memref<768xf32, #tpu.memory_space<vmem>> -> memref<512xf32, #tpu.memory_space<vmem>>
        %dma_start3A_2429 = tpu.memref_slice %arg11[%multiple_of3A_2428] : memref<7168xf32, #tpu.memory_space<hbm>> -> memref<512xf32, #tpu.memory_space<hbm>>
        %dma_start3A_2430 = tpu.memref_slice %arg11[%multiple_of3A_2428] : memref<7168xf32, #tpu.memory_space<hbm>> -> memref<512xf32, #tpu.memory_space<hbm>>
        %dma_start3A_2431 = tpu.memref_slice %arg24[%multiple_of3A_2426] : memref<768xf32, #tpu.memory_space<vmem>> -> memref<512xf32, #tpu.memory_space<vmem>>
        tpu.enqueue_dma source(%dma_start3A_2431 : memref<512xf32, #tpu.memory_space<vmem>>) target(%dma_start3A_2430 : memref<512xf32, #tpu.memory_space<hbm>>) target_semaphore(%run_scoped3A : memref<!tpu.dma_semaphore, #tpu.memory_space<semaphore_mem>>)
        %dma_wait3A = tpu.memref_slice %arg24[%multiple_of3A_2426] : memref<768xf32, #tpu.memory_space<vmem>> -> memref<512xf32, #tpu.memory_space<vmem>>
        %dma_wait3A_2432 = tpu.memref_slice %arg11[%multiple_of3A_2428] : memref<7168xf32, #tpu.memory_space<hbm>> -> memref<512xf32, #tpu.memory_space<hbm>>
        %dma_wait3A_2433 = tpu.memref_slice %arg11[%multiple_of3A_2428] : memref<7168xf32, #tpu.memory_space<hbm>> -> memref<512xf32, #tpu.memory_space<hbm>>
        %dma_wait3A_2434 = tpu.memref_slice %arg24[%multiple_of3A_2426] : memref<768xf32, #tpu.memory_space<vmem>> -> memref<512xf32, #tpu.memory_space<vmem>>
        tpu.wait_dma2 semaphore(%run_scoped3A : memref<!tpu.dma_semaphore, #tpu.memory_space<semaphore_mem>>) src(%dma_wait3A_2434 : memref<512xf32, #tpu.memory_space<vmem>>) dst(%dma_wait3A_2433 : memref<512xf32, #tpu.memory_space<hbm>>)
        tpu.yield
      }) : () -> ()
      "tpu.region"() ({
        %run_scoped3A = tpu.sem_alloc : memref<!tpu.dma_semaphore, #tpu.memory_space<semaphore_mem>>
        %dma_start3A = tpu.memref_slice %arg25[%multiple_of3A_2426] : memref<768xf32, #tpu.memory_space<vmem>> -> memref<512xf32, #tpu.memory_space<vmem>>
        %dma_start3A_2429 = tpu.memref_slice %arg12[%multiple_of3A_2428] : memref<7168xf32, #tpu.memory_space<hbm>> -> memref<512xf32, #tpu.memory_space<hbm>>
        %dma_start3A_2430 = tpu.memref_slice %arg12[%multiple_of3A_2428] : memref<7168xf32, #tpu.memory_space<hbm>> -> memref<512xf32, #tpu.memory_space<hbm>>
        %dma_start3A_2431 = tpu.memref_slice %arg25[%multiple_of3A_2426] : memref<768xf32, #tpu.memory_space<vmem>> -> memref<512xf32, #tpu.memory_space<vmem>>
        tpu.enqueue_dma source(%dma_start3A_2431 : memref<512xf32, #tpu.memory_space<vmem>>) target(%dma_start3A_2430 : memref<512xf32, #tpu.memory_space<hbm>>) target_semaphore(%run_scoped3A : memref<!tpu.dma_semaphore, #tpu.memory_space<semaphore_mem>>)
        %dma_wait3A = tpu.memref_slice %arg25[%multiple_of3A_2426] : memref<768xf32, #tpu.memory_space<vmem>> -> memref<512xf32, #tpu.memory_space<vmem>>
        %dma_wait3A_2432 = tpu.memref_slice %arg12[%multiple_of3A_2428] : memref<7168xf32, #tpu.memory_space<hbm>> -> memref<512xf32, #tpu.memory_space<hbm>>
        %dma_wait3A_2433 = tpu.memref_slice %arg12[%multiple_of3A_2428] : memref<7168xf32, #tpu.memory_space<hbm>> -> memref<512xf32, #tpu.memory_space<hbm>>
        %dma_wait3A_2434 = tpu.memref_slice %arg25[%multiple_of3A_2426] : memref<768xf32, #tpu.memory_space<vmem>> -> memref<512xf32, #tpu.memory_space<vmem>>
        tpu.wait_dma2 semaphore(%run_scoped3A : memref<!tpu.dma_semaphore, #tpu.memory_space<semaphore_mem>>) src(%dma_wait3A_2434 : memref<512xf32, #tpu.memory_space<vmem>>) dst(%dma_wait3A_2433 : memref<512xf32, #tpu.memory_space<hbm>>)
        tpu.yield
      }) : () -> ()
      "tpu.region"() ({
        %run_scoped3A = tpu.sem_alloc : memref<!tpu.dma_semaphore, #tpu.memory_space<semaphore_mem>>
        %dma_start3A = tpu.memref_slice %arg26[%multiple_of3A_2426] : memref<768xf32, #tpu.memory_space<vmem>> -> memref<512xf32, #tpu.memory_space<vmem>>
        %dma_start3A_2429 = tpu.memref_slice %arg13[%multiple_of3A_2428] : memref<7168xf32, #tpu.memory_space<hbm>> -> memref<512xf32, #tpu.memory_space<hbm>>
        %dma_start3A_2430 = tpu.memref_slice %arg13[%multiple_of3A_2428] : memref<7168xf32, #tpu.memory_space<hbm>> -> memref<512xf32, #tpu.memory_space<hbm>>
        %dma_start3A_2431 = tpu.memref_slice %arg26[%multiple_of3A_2426] : memref<768xf32, #tpu.memory_space<vmem>> -> memref<512xf32, #tpu.memory_space<vmem>>
        tpu.enqueue_dma source(%dma_start3A_2431 : memref<512xf32, #tpu.memory_space<vmem>>) target(%dma_start3A_2430 : memref<512xf32, #tpu.memory_space<hbm>>) target_semaphore(%run_scoped3A : memref<!tpu.dma_semaphore, #tpu.memory_space<semaphore_mem>>)
        %dma_wait3A = tpu.memref_slice %arg26[%multiple_of3A_2426] : memref<768xf32, #tpu.memory_space<vmem>> -> memref<512xf32, #tpu.memory_space<vmem>>
        %dma_wait3A_2432 = tpu.memref_slice %arg13[%multiple_of3A_2428] : memref<7168xf32, #tpu.memory_space<hbm>> -> memref<512xf32, #tpu.memory_space<hbm>>
        %dma_wait3A_2433 = tpu.memref_slice %arg13[%multiple_of3A_2428] : memref<7168xf32, #tpu.memory_space<hbm>> -> memref<512xf32, #tpu.memory_space<hbm>>
        %dma_wait3A_2434 = tpu.memref_slice %arg26[%multiple_of3A_2426] : memref<768xf32, #tpu.memory_space<vmem>> -> memref<512xf32, #tpu.memory_space<vmem>>
        tpu.wait_dma2 semaphore(%run_scoped3A : memref<!tpu.dma_semaphore, #tpu.memory_space<semaphore_mem>>) src(%dma_wait3A_2434 : memref<512xf32, #tpu.memory_space<vmem>>) dst(%dma_wait3A_2433 : memref<512xf32, #tpu.memory_space<hbm>>)
        tpu.yield
      }) : () -> ()
    } else {
    }
    %and3A_2354 = arith.constant 512 : i32
    %and3A_2355 = arith.andi %squeeze3A_2345, %and3A_2354 : i32
    %add3A_2356 = arith.constant 0 : i32
    %add3A_2357 = arith.addi %add3A_2356, %and3A_2355 : i32
    %and3A_2358 = arith.constant 256 : i32
    %and3A_2359 = arith.andi %squeeze3A_2345, %and3A_2358 : i32
    %ne3A_2360 = arith.constant 0 : i32
    %ne3A_2361 = arith.cmpi ne, %and3A_2359, %ne3A_2360 : i32
    %convert_element_type3A_2362 = arith.extui %ne3A_2361 : i1 to i32
    %cond3A_2363 = arith.constant 0 : i32
    %cond3A_2364 = arith.cmpi ne, %convert_element_type3A_2362, %cond3A_2363 : i32
    scf.if %cond3A_2364 {
      %multiple_of3A_2426 = tpu.assume_multiple %add3A_2357, 8 : i32
      %add3A_2427 = arith.addi %squeeze3A_2347, %multiple_of3A_2426 : i32
      %multiple_of3A_2428 = tpu.assume_multiple %add3A_2427, 8 : i32
      "tpu.region"() ({
        %run_scoped3A = tpu.sem_alloc : memref<!tpu.dma_semaphore, #tpu.memory_space<semaphore_mem>>
        %dma_start3A = tpu.memref_slice %arg21[%multiple_of3A_2426] : memref<768xf32, #tpu.memory_space<vmem>> -> memref<256xf32, #tpu.memory_space<vmem>>
        %dma_start3A_2429 = tpu.memref_slice %arg8[%multiple_of3A_2428] : memref<7168xf32, #tpu.memory_space<hbm>> -> memref<256xf32, #tpu.memory_space<hbm>>
        %dma_start3A_2430 = tpu.memref_slice %arg8[%multiple_of3A_2428] : memref<7168xf32, #tpu.memory_space<hbm>> -> memref<256xf32, #tpu.memory_space<hbm>>
        %dma_start3A_2431 = tpu.memref_slice %arg21[%multiple_of3A_2426] : memref<768xf32, #tpu.memory_space<vmem>> -> memref<256xf32, #tpu.memory_space<vmem>>
        tpu.enqueue_dma source(%dma_start3A_2431 : memref<256xf32, #tpu.memory_space<vmem>>) target(%dma_start3A_2430 : memref<256xf32, #tpu.memory_space<hbm>>) target_semaphore(%run_scoped3A : memref<!tpu.dma_semaphore, #tpu.memory_space<semaphore_mem>>)
        %dma_wait3A = tpu.memref_slice %arg21[%multiple_of3A_2426] : memref<768xf32, #tpu.memory_space<vmem>> -> memref<256xf32, #tpu.memory_space<vmem>>
        %dma_wait3A_2432 = tpu.memref_slice %arg8[%multiple_of3A_2428] : memref<7168xf32, #tpu.memory_space<hbm>> -> memref<256xf32, #tpu.memory_space<hbm>>
        %dma_wait3A_2433 = tpu.memref_slice %arg8[%multiple_of3A_2428] : memref<7168xf32, #tpu.memory_space<hbm>> -> memref<256xf32, #tpu.memory_space<hbm>>
        %dma_wait3A_2434 = tpu.memref_slice %arg21[%multiple_of3A_2426] : memref<768xf32, #tpu.memory_space<vmem>> -> memref<256xf32, #tpu.memory_space<vmem>>
        tpu.wait_dma2 semaphore(%run_scoped3A : memref<!tpu.dma_semaphore, #tpu.memory_space<semaphore_mem>>) src(%dma_wait3A_2434 : memref<256xf32, #tpu.memory_space<vmem>>) dst(%dma_wait3A_2433 : memref<256xf32, #tpu.memory_space<hbm>>)
        tpu.yield
      }) : () -> ()
      "tpu.region"() ({
        %run_scoped3A = tpu.sem_alloc : memref<!tpu.dma_semaphore, #tpu.memory_space<semaphore_mem>>
        %dma_start3A = tpu.memref_slice %arg22[%multiple_of3A_2426] : memref<768xf32, #tpu.memory_space<vmem>> -> memref<256xf32, #tpu.memory_space<vmem>>
        %dma_start3A_2429 = tpu.memref_slice %arg9[%multiple_of3A_2428] : memref<7168xf32, #tpu.memory_space<hbm>> -> memref<256xf32, #tpu.memory_space<hbm>>
        %dma_start3A_2430 = tpu.memref_slice %arg9[%multiple_of3A_2428] : memref<7168xf32, #tpu.memory_space<hbm>> -> memref<256xf32, #tpu.memory_space<hbm>>
        %dma_start3A_2431 = tpu.memref_slice %arg22[%multiple_of3A_2426] : memref<768xf32, #tpu.memory_space<vmem>> -> memref<256xf32, #tpu.memory_space<vmem>>
        tpu.enqueue_dma source(%dma_start3A_2431 : memref<256xf32, #tpu.memory_space<vmem>>) target(%dma_start3A_2430 : memref<256xf32, #tpu.memory_space<hbm>>) target_semaphore(%run_scoped3A : memref<!tpu.dma_semaphore, #tpu.memory_space<semaphore_mem>>)
        %dma_wait3A = tpu.memref_slice %arg22[%multiple_of3A_2426] : memref<768xf32, #tpu.memory_space<vmem>> -> memref<256xf32, #tpu.memory_space<vmem>>
        %dma_wait3A_2432 = tpu.memref_slice %arg9[%multiple_of3A_2428] : memref<7168xf32, #tpu.memory_space<hbm>> -> memref<256xf32, #tpu.memory_space<hbm>>
        %dma_wait3A_2433 = tpu.memref_slice %arg9[%multiple_of3A_2428] : memref<7168xf32, #tpu.memory_space<hbm>> -> memref<256xf32, #tpu.memory_space<hbm>>
        %dma_wait3A_2434 = tpu.memref_slice %arg22[%multiple_of3A_2426] : memref<768xf32, #tpu.memory_space<vmem>> -> memref<256xf32, #tpu.memory_space<vmem>>
        tpu.wait_dma2 semaphore(%run_scoped3A : memref<!tpu.dma_semaphore, #tpu.memory_space<semaphore_mem>>) src(%dma_wait3A_2434 : memref<256xf32, #tpu.memory_space<vmem>>) dst(%dma_wait3A_2433 : memref<256xf32, #tpu.memory_space<hbm>>)
        tpu.yield
      }) : () -> ()
      "tpu.region"() ({
        %run_scoped3A = tpu.sem_alloc : memref<!tpu.dma_semaphore, #tpu.memory_space<semaphore_mem>>
        %dma_start3A = tpu.memref_slice %arg23[%multiple_of3A_2426] : memref<768xf32, #tpu.memory_space<vmem>> -> memref<256xf32, #tpu.memory_space<vmem>>
        %dma_start3A_2429 = tpu.memref_slice %arg10[%multiple_of3A_2428] : memref<7168xf32, #tpu.memory_space<hbm>> -> memref<256xf32, #tpu.memory_space<hbm>>
        %dma_start3A_2430 = tpu.memref_slice %arg10[%multiple_of3A_2428] : memref<7168xf32, #tpu.memory_space<hbm>> -> memref<256xf32, #tpu.memory_space<hbm>>
        %dma_start3A_2431 = tpu.memref_slice %arg23[%multiple_of3A_2426] : memref<768xf32, #tpu.memory_space<vmem>> -> memref<256xf32, #tpu.memory_space<vmem>>
        tpu.enqueue_dma source(%dma_start3A_2431 : memref<256xf32, #tpu.memory_space<vmem>>) target(%dma_start3A_2430 : memref<256xf32, #tpu.memory_space<hbm>>) target_semaphore(%run_scoped3A : memref<!tpu.dma_semaphore, #tpu.memory_space<semaphore_mem>>)
        %dma_wait3A = tpu.memref_slice %arg23[%multiple_of3A_2426] : memref<768xf32, #tpu.memory_space<vmem>> -> memref<256xf32, #tpu.memory_space<vmem>>
        %dma_wait3A_2432 = tpu.memref_slice %arg10[%multiple_of3A_2428] : memref<7168xf32, #tpu.memory_space<hbm>> -> memref<256xf32, #tpu.memory_space<hbm>>
        %dma_wait3A_2433 = tpu.memref_slice %arg10[%multiple_of3A_2428] : memref<7168xf32, #tpu.memory_space<hbm>> -> memref<256xf32, #tpu.memory_space<hbm>>
        %dma_wait3A_2434 = tpu.memref_slice %arg23[%multiple_of3A_2426] : memref<768xf32, #tpu.memory_space<vmem>> -> memref<256xf32, #tpu.memory_space<vmem>>
        tpu.wait_dma2 semaphore(%run_scoped3A : memref<!tpu.dma_semaphore, #tpu.memory_space<semaphore_mem>>) src(%dma_wait3A_2434 : memref<256xf32, #tpu.memory_space<vmem>>) dst(%dma_wait3A_2433 : memref<256xf32, #tpu.memory_space<hbm>>)
        tpu.yield
      }) : () -> ()
      "tpu.region"() ({
        %run_scoped3A = tpu.sem_alloc : memref<!tpu.dma_semaphore, #tpu.memory_space<semaphore_mem>>
        %dma_start3A = tpu.memref_slice %arg24[%multiple_of3A_2426] : memref<768xf32, #tpu.memory_space<vmem>> -> memref<256xf32, #tpu.memory_space<vmem>>
        %dma_start3A_2429 = tpu.memref_slice %arg11[%multiple_of3A_2428] : memref<7168xf32, #tpu.memory_space<hbm>> -> memref<256xf32, #tpu.memory_space<hbm>>
        %dma_start3A_2430 = tpu.memref_slice %arg11[%multiple_of3A_2428] : memref<7168xf32, #tpu.memory_space<hbm>> -> memref<256xf32, #tpu.memory_space<hbm>>
        %dma_start3A_2431 = tpu.memref_slice %arg24[%multiple_of3A_2426] : memref<768xf32, #tpu.memory_space<vmem>> -> memref<256xf32, #tpu.memory_space<vmem>>
        tpu.enqueue_dma source(%dma_start3A_2431 : memref<256xf32, #tpu.memory_space<vmem>>) target(%dma_start3A_2430 : memref<256xf32, #tpu.memory_space<hbm>>) target_semaphore(%run_scoped3A : memref<!tpu.dma_semaphore, #tpu.memory_space<semaphore_mem>>)
        %dma_wait3A = tpu.memref_slice %arg24[%multiple_of3A_2426] : memref<768xf32, #tpu.memory_space<vmem>> -> memref<256xf32, #tpu.memory_space<vmem>>
        %dma_wait3A_2432 = tpu.memref_slice %arg11[%multiple_of3A_2428] : memref<7168xf32, #tpu.memory_space<hbm>> -> memref<256xf32, #tpu.memory_space<hbm>>
        %dma_wait3A_2433 = tpu.memref_slice %arg11[%multiple_of3A_2428] : memref<7168xf32, #tpu.memory_space<hbm>> -> memref<256xf32, #tpu.memory_space<hbm>>
        %dma_wait3A_2434 = tpu.memref_slice %arg24[%multiple_of3A_2426] : memref<768xf32, #tpu.memory_space<vmem>> -> memref<256xf32, #tpu.memory_space<vmem>>
        tpu.wait_dma2 semaphore(%run_scoped3A : memref<!tpu.dma_semaphore, #tpu.memory_space<semaphore_mem>>) src(%dma_wait3A_2434 : memref<256xf32, #tpu.memory_space<vmem>>) dst(%dma_wait3A_2433 : memref<256xf32, #tpu.memory_space<hbm>>)
        tpu.yield
      }) : () -> ()
      "tpu.region"() ({
        %run_scoped3A = tpu.sem_alloc : memref<!tpu.dma_semaphore, #tpu.memory_space<semaphore_mem>>
        %dma_start3A = tpu.memref_slice %arg25[%multiple_of3A_2426] : memref<768xf32, #tpu.memory_space<vmem>> -> memref<256xf32, #tpu.memory_space<vmem>>
        %dma_start3A_2429 = tpu.memref_slice %arg12[%multiple_of3A_2428] : memref<7168xf32, #tpu.memory_space<hbm>> -> memref<256xf32, #tpu.memory_space<hbm>>
        %dma_start3A_2430 = tpu.memref_slice %arg12[%multiple_of3A_2428] : memref<7168xf32, #tpu.memory_space<hbm>> -> memref<256xf32, #tpu.memory_space<hbm>>
        %dma_start3A_2431 = tpu.memref_slice %arg25[%multiple_of3A_2426] : memref<768xf32, #tpu.memory_space<vmem>> -> memref<256xf32, #tpu.memory_space<vmem>>
        tpu.enqueue_dma source(%dma_start3A_2431 : memref<256xf32, #tpu.memory_space<vmem>>) target(%dma_start3A_2430 : memref<256xf32, #tpu.memory_space<hbm>>) target_semaphore(%run_scoped3A : memref<!tpu.dma_semaphore, #tpu.memory_space<semaphore_mem>>)
        %dma_wait3A = tpu.memref_slice %arg25[%multiple_of3A_2426] : memref<768xf32, #tpu.memory_space<vmem>> -> memref<256xf32, #tpu.memory_space<vmem>>
        %dma_wait3A_2432 = tpu.memref_slice %arg12[%multiple_of3A_2428] : memref<7168xf32, #tpu.memory_space<hbm>> -> memref<256xf32, #tpu.memory_space<hbm>>
        %dma_wait3A_2433 = tpu.memref_slice %arg12[%multiple_of3A_2428] : memref<7168xf32, #tpu.memory_space<hbm>> -> memref<256xf32, #tpu.memory_space<hbm>>
        %dma_wait3A_2434 = tpu.memref_slice %arg25[%multiple_of3A_2426] : memref<768xf32, #tpu.memory_space<vmem>> -> memref<256xf32, #tpu.memory_space<vmem>>
        tpu.wait_dma2 semaphore(%run_scoped3A : memref<!tpu.dma_semaphore, #tpu.memory_space<semaphore_mem>>) src(%dma_wait3A_2434 : memref<256xf32, #tpu.memory_space<vmem>>) dst(%dma_wait3A_2433 : memref<256xf32, #tpu.memory_space<hbm>>)
        tpu.yield
      }) : () -> ()
      "tpu.region"() ({
        %run_scoped3A = tpu.sem_alloc : memref<!tpu.dma_semaphore, #tpu.memory_space<semaphore_mem>>
        %dma_start3A = tpu.memref_slice %arg26[%multiple_of3A_2426] : memref<768xf32, #tpu.memory_space<vmem>> -> memref<256xf32, #tpu.memory_space<vmem>>
        %dma_start3A_2429 = tpu.memref_slice %arg13[%multiple_of3A_2428] : memref<7168xf32, #tpu.memory_space<hbm>> -> memref<256xf32, #tpu.memory_space<hbm>>
        %dma_start3A_2430 = tpu.memref_slice %arg13[%multiple_of3A_2428] : memref<7168xf32, #tpu.memory_space<hbm>> -> memref<256xf32, #tpu.memory_space<hbm>>
        %dma_start3A_2431 = tpu.memref_slice %arg26[%multiple_of3A_2426] : memref<768xf32, #tpu.memory_space<vmem>> -> memref<256xf32, #tpu.memory_space<vmem>>
        tpu.enqueue_dma source(%dma_start3A_2431 : memref<256xf32, #tpu.memory_space<vmem>>) target(%dma_start3A_2430 : memref<256xf32, #tpu.memory_space<hbm>>) target_semaphore(%run_scoped3A : memref<!tpu.dma_semaphore, #tpu.memory_space<semaphore_mem>>)
        %dma_wait3A = tpu.memref_slice %arg26[%multiple_of3A_2426] : memref<768xf32, #tpu.memory_space<vmem>> -> memref<256xf32, #tpu.memory_space<vmem>>
        %dma_wait3A_2432 = tpu.memref_slice %arg13[%multiple_of3A_2428] : memref<7168xf32, #tpu.memory_space<hbm>> -> memref<256xf32, #tpu.memory_space<hbm>>
        %dma_wait3A_2433 = tpu.memref_slice %arg13[%multiple_of3A_2428] : memref<7168xf32, #tpu.memory_space<hbm>> -> memref<256xf32, #tpu.memory_space<hbm>>
        %dma_wait3A_2434 = tpu.memref_slice %arg26[%multiple_of3A_2426] : memref<768xf32, #tpu.memory_space<vmem>> -> memref<256xf32, #tpu.memory_space<vmem>>
        tpu.wait_dma2 semaphore(%run_scoped3A : memref<!tpu.dma_semaphore, #tpu.memory_space<semaphore_mem>>) src(%dma_wait3A_2434 : memref<256xf32, #tpu.memory_space<vmem>>) dst(%dma_wait3A_2433 : memref<256xf32, #tpu.memory_space<hbm>>)
        tpu.yield
      }) : () -> ()
    } else {
    }
    %and3A_2365 = arith.constant 256 : i32
    %and3A_2366 = arith.andi %squeeze3A_2345, %and3A_2365 : i32
    %add3A_2367 = arith.addi %add3A_2357, %and3A_2366 : i32
    %and3A_2368 = arith.constant 128 : i32
    %and3A_2369 = arith.andi %squeeze3A_2345, %and3A_2368 : i32
    %ne3A_2370 = arith.constant 0 : i32
    %ne3A_2371 = arith.cmpi ne, %and3A_2369, %ne3A_2370 : i32
    %convert_element_type3A_2372 = arith.extui %ne3A_2371 : i1 to i32
    %cond3A_2373 = arith.constant 0 : i32
    %cond3A_2374 = arith.cmpi ne, %convert_element_type3A_2372, %cond3A_2373 : i32
    scf.if %cond3A_2374 {
      %multiple_of3A_2426 = tpu.assume_multiple %add3A_2367, 8 : i32
      %add3A_2427 = arith.addi %squeeze3A_2347, %multiple_of3A_2426 : i32
      %multiple_of3A_2428 = tpu.assume_multiple %add3A_2427, 8 : i32
      "tpu.region"() ({
        %run_scoped3A = tpu.sem_alloc : memref<!tpu.dma_semaphore, #tpu.memory_space<semaphore_mem>>
        %dma_start3A = tpu.memref_slice %arg21[%multiple_of3A_2426] : memref<768xf32, #tpu.memory_space<vmem>> -> memref<128xf32, #tpu.memory_space<vmem>>
        %dma_start3A_2429 = tpu.memref_slice %arg8[%multiple_of3A_2428] : memref<7168xf32, #tpu.memory_space<hbm>> -> memref<128xf32, #tpu.memory_space<hbm>>
        %dma_start3A_2430 = tpu.memref_slice %arg8[%multiple_of3A_2428] : memref<7168xf32, #tpu.memory_space<hbm>> -> memref<128xf32, #tpu.memory_space<hbm>>
        %dma_start3A_2431 = tpu.memref_slice %arg21[%multiple_of3A_2426] : memref<768xf32, #tpu.memory_space<vmem>> -> memref<128xf32, #tpu.memory_space<vmem>>
        tpu.enqueue_dma source(%dma_start3A_2431 : memref<128xf32, #tpu.memory_space<vmem>>) target(%dma_start3A_2430 : memref<128xf32, #tpu.memory_space<hbm>>) target_semaphore(%run_scoped3A : memref<!tpu.dma_semaphore, #tpu.memory_space<semaphore_mem>>)
        %dma_wait3A = tpu.memref_slice %arg21[%multiple_of3A_2426] : memref<768xf32, #tpu.memory_space<vmem>> -> memref<128xf32, #tpu.memory_space<vmem>>
        %dma_wait3A_2432 = tpu.memref_slice %arg8[%multiple_of3A_2428] : memref<7168xf32, #tpu.memory_space<hbm>> -> memref<128xf32, #tpu.memory_space<hbm>>
        %dma_wait3A_2433 = tpu.memref_slice %arg8[%multiple_of3A_2428] : memref<7168xf32, #tpu.memory_space<hbm>> -> memref<128xf32, #tpu.memory_space<hbm>>
        %dma_wait3A_2434 = tpu.memref_slice %arg21[%multiple_of3A_2426] : memref<768xf32, #tpu.memory_space<vmem>> -> memref<128xf32, #tpu.memory_space<vmem>>
        tpu.wait_dma2 semaphore(%run_scoped3A : memref<!tpu.dma_semaphore, #tpu.memory_space<semaphore_mem>>) src(%dma_wait3A_2434 : memref<128xf32, #tpu.memory_space<vmem>>) dst(%dma_wait3A_2433 : memref<128xf32, #tpu.memory_space<hbm>>)
        tpu.yield
      }) : () -> ()
      "tpu.region"() ({
        %run_scoped3A = tpu.sem_alloc : memref<!tpu.dma_semaphore, #tpu.memory_space<semaphore_mem>>
        %dma_start3A = tpu.memref_slice %arg22[%multiple_of3A_2426] : memref<768xf32, #tpu.memory_space<vmem>> -> memref<128xf32, #tpu.memory_space<vmem>>
        %dma_start3A_2429 = tpu.memref_slice %arg9[%multiple_of3A_2428] : memref<7168xf32, #tpu.memory_space<hbm>> -> memref<128xf32, #tpu.memory_space<hbm>>
        %dma_start3A_2430 = tpu.memref_slice %arg9[%multiple_of3A_2428] : memref<7168xf32, #tpu.memory_space<hbm>> -> memref<128xf32, #tpu.memory_space<hbm>>
        %dma_start3A_2431 = tpu.memref_slice %arg22[%multiple_of3A_2426] : memref<768xf32, #tpu.memory_space<vmem>> -> memref<128xf32, #tpu.memory_space<vmem>>
        tpu.enqueue_dma source(%dma_start3A_2431 : memref<128xf32, #tpu.memory_space<vmem>>) target(%dma_start3A_2430 : memref<128xf32, #tpu.memory_space<hbm>>) target_semaphore(%run_scoped3A : memref<!tpu.dma_semaphore, #tpu.memory_space<semaphore_mem>>)
        %dma_wait3A = tpu.memref_slice %arg22[%multiple_of3A_2426] : memref<768xf32, #tpu.memory_space<vmem>> -> memref<128xf32, #tpu.memory_space<vmem>>
        %dma_wait3A_2432 = tpu.memref_slice %arg9[%multiple_of3A_2428] : memref<7168xf32, #tpu.memory_space<hbm>> -> memref<128xf32, #tpu.memory_space<hbm>>
        %dma_wait3A_2433 = tpu.memref_slice %arg9[%multiple_of3A_2428] : memref<7168xf32, #tpu.memory_space<hbm>> -> memref<128xf32, #tpu.memory_space<hbm>>
        %dma_wait3A_2434 = tpu.memref_slice %arg22[%multiple_of3A_2426] : memref<768xf32, #tpu.memory_space<vmem>> -> memref<128xf32, #tpu.memory_space<vmem>>
        tpu.wait_dma2 semaphore(%run_scoped3A : memref<!tpu.dma_semaphore, #tpu.memory_space<semaphore_mem>>) src(%dma_wait3A_2434 : memref<128xf32, #tpu.memory_space<vmem>>) dst(%dma_wait3A_2433 : memref<128xf32, #tpu.memory_space<hbm>>)
        tpu.yield
      }) : () -> ()
      "tpu.region"() ({
        %run_scoped3A = tpu.sem_alloc : memref<!tpu.dma_semaphore, #tpu.memory_space<semaphore_mem>>
        %dma_start3A = tpu.memref_slice %arg23[%multiple_of3A_2426] : memref<768xf32, #tpu.memory_space<vmem>> -> memref<128xf32, #tpu.memory_space<vmem>>
        %dma_start3A_2429 = tpu.memref_slice %arg10[%multiple_of3A_2428] : memref<7168xf32, #tpu.memory_space<hbm>> -> memref<128xf32, #tpu.memory_space<hbm>>
        %dma_start3A_2430 = tpu.memref_slice %arg10[%multiple_of3A_2428] : memref<7168xf32, #tpu.memory_space<hbm>> -> memref<128xf32, #tpu.memory_space<hbm>>
        %dma_start3A_2431 = tpu.memref_slice %arg23[%multiple_of3A_2426] : memref<768xf32, #tpu.memory_space<vmem>> -> memref<128xf32, #tpu.memory_space<vmem>>
        tpu.enqueue_dma source(%dma_start3A_2431 : memref<128xf32, #tpu.memory_space<vmem>>) target(%dma_start3A_2430 : memref<128xf32, #tpu.memory_space<hbm>>) target_semaphore(%run_scoped3A : memref<!tpu.dma_semaphore, #tpu.memory_space<semaphore_mem>>)
        %dma_wait3A = tpu.memref_slice %arg23[%multiple_of3A_2426] : memref<768xf32, #tpu.memory_space<vmem>> -> memref<128xf32, #tpu.memory_space<vmem>>
        %dma_wait3A_2432 = tpu.memref_slice %arg10[%multiple_of3A_2428] : memref<7168xf32, #tpu.memory_space<hbm>> -> memref<128xf32, #tpu.memory_space<hbm>>
        %dma_wait3A_2433 = tpu.memref_slice %arg10[%multiple_of3A_2428] : memref<7168xf32, #tpu.memory_space<hbm>> -> memref<128xf32, #tpu.memory_space<hbm>>
        %dma_wait3A_2434 = tpu.memref_slice %arg23[%multiple_of3A_2426] : memref<768xf32, #tpu.memory_space<vmem>> -> memref<128xf32, #tpu.memory_space<vmem>>
        tpu.wait_dma2 semaphore(%run_scoped3A : memref<!tpu.dma_semaphore, #tpu.memory_space<semaphore_mem>>) src(%dma_wait3A_2434 : memref<128xf32, #tpu.memory_space<vmem>>) dst(%dma_wait3A_2433 : memref<128xf32, #tpu.memory_space<hbm>>)
        tpu.yield
      }) : () -> ()
      "tpu.region"() ({
        %run_scoped3A = tpu.sem_alloc : memref<!tpu.dma_semaphore, #tpu.memory_space<semaphore_mem>>
        %dma_start3A = tpu.memref_slice %arg24[%multiple_of3A_2426] : memref<768xf32, #tpu.memory_space<vmem>> -> memref<128xf32, #tpu.memory_space<vmem>>
        %dma_start3A_2429 = tpu.memref_slice %arg11[%multiple_of3A_2428] : memref<7168xf32, #tpu.memory_space<hbm>> -> memref<128xf32, #tpu.memory_space<hbm>>
        %dma_start3A_2430 = tpu.memref_slice %arg11[%multiple_of3A_2428] : memref<7168xf32, #tpu.memory_space<hbm>> -> memref<128xf32, #tpu.memory_space<hbm>>
        %dma_start3A_2431 = tpu.memref_slice %arg24[%multiple_of3A_2426] : memref<768xf32, #tpu.memory_space<vmem>> -> memref<128xf32, #tpu.memory_space<vmem>>
        tpu.enqueue_dma source(%dma_start3A_2431 : memref<128xf32, #tpu.memory_space<vmem>>) target(%dma_start3A_2430 : memref<128xf32, #tpu.memory_space<hbm>>) target_semaphore(%run_scoped3A : memref<!tpu.dma_semaphore, #tpu.memory_space<semaphore_mem>>)
        %dma_wait3A = tpu.memref_slice %arg24[%multiple_of3A_2426] : memref<768xf32, #tpu.memory_space<vmem>> -> memref<128xf32, #tpu.memory_space<vmem>>
        %dma_wait3A_2432 = tpu.memref_slice %arg11[%multiple_of3A_2428] : memref<7168xf32, #tpu.memory_space<hbm>> -> memref<128xf32, #tpu.memory_space<hbm>>
        %dma_wait3A_2433 = tpu.memref_slice %arg11[%multiple_of3A_2428] : memref<7168xf32, #tpu.memory_space<hbm>> -> memref<128xf32, #tpu.memory_space<hbm>>
        %dma_wait3A_2434 = tpu.memref_slice %arg24[%multiple_of3A_2426] : memref<768xf32, #tpu.memory_space<vmem>> -> memref<128xf32, #tpu.memory_space<vmem>>
        tpu.wait_dma2 semaphore(%run_scoped3A : memref<!tpu.dma_semaphore, #tpu.memory_space<semaphore_mem>>) src(%dma_wait3A_2434 : memref<128xf32, #tpu.memory_space<vmem>>) dst(%dma_wait3A_2433 : memref<128xf32, #tpu.memory_space<hbm>>)
        tpu.yield
      }) : () -> ()
      "tpu.region"() ({
        %run_scoped3A = tpu.sem_alloc : memref<!tpu.dma_semaphore, #tpu.memory_space<semaphore_mem>>
        %dma_start3A = tpu.memref_slice %arg25[%multiple_of3A_2426] : memref<768xf32, #tpu.memory_space<vmem>> -> memref<128xf32, #tpu.memory_space<vmem>>
        %dma_start3A_2429 = tpu.memref_slice %arg12[%multiple_of3A_2428] : memref<7168xf32, #tpu.memory_space<hbm>> -> memref<128xf32, #tpu.memory_space<hbm>>
        %dma_start3A_2430 = tpu.memref_slice %arg12[%multiple_of3A_2428] : memref<7168xf32, #tpu.memory_space<hbm>> -> memref<128xf32, #tpu.memory_space<hbm>>
        %dma_start3A_2431 = tpu.memref_slice %arg25[%multiple_of3A_2426] : memref<768xf32, #tpu.memory_space<vmem>> -> memref<128xf32, #tpu.memory_space<vmem>>
        tpu.enqueue_dma source(%dma_start3A_2431 : memref<128xf32, #tpu.memory_space<vmem>>) target(%dma_start3A_2430 : memref<128xf32, #tpu.memory_space<hbm>>) target_semaphore(%run_scoped3A : memref<!tpu.dma_semaphore, #tpu.memory_space<semaphore_mem>>)
        %dma_wait3A = tpu.memref_slice %arg25[%multiple_of3A_2426] : memref<768xf32, #tpu.memory_space<vmem>> -> memref<128xf32, #tpu.memory_space<vmem>>
        %dma_wait3A_2432 = tpu.memref_slice %arg12[%multiple_of3A_2428] : memref<7168xf32, #tpu.memory_space<hbm>> -> memref<128xf32, #tpu.memory_space<hbm>>
        %dma_wait3A_2433 = tpu.memref_slice %arg12[%multiple_of3A_2428] : memref<7168xf32, #tpu.memory_space<hbm>> -> memref<128xf32, #tpu.memory_space<hbm>>
        %dma_wait3A_2434 = tpu.memref_slice %arg25[%multiple_of3A_2426] : memref<768xf32, #tpu.memory_space<vmem>> -> memref<128xf32, #tpu.memory_space<vmem>>
        tpu.wait_dma2 semaphore(%run_scoped3A : memref<!tpu.dma_semaphore, #tpu.memory_space<semaphore_mem>>) src(%dma_wait3A_2434 : memref<128xf32, #tpu.memory_space<vmem>>) dst(%dma_wait3A_2433 : memref<128xf32, #tpu.memory_space<hbm>>)
        tpu.yield
      }) : () -> ()
      "tpu.region"() ({
        %run_scoped3A = tpu.sem_alloc : memref<!tpu.dma_semaphore, #tpu.memory_space<semaphore_mem>>
        %dma_start3A = tpu.memref_slice %arg26[%multiple_of3A_2426] : memref<768xf32, #tpu.memory_space<vmem>> -> memref<128xf32, #tpu.memory_space<vmem>>
        %dma_start3A_2429 = tpu.memref_slice %arg13[%multiple_of3A_2428] : memref<7168xf32, #tpu.memory_space<hbm>> -> memref<128xf32, #tpu.memory_space<hbm>>
        %dma_start3A_2430 = tpu.memref_slice %arg13[%multiple_of3A_2428] : memref<7168xf32, #tpu.memory_space<hbm>> -> memref<128xf32, #tpu.memory_space<hbm>>
        %dma_start3A_2431 = tpu.memref_slice %arg26[%multiple_of3A_2426] : memref<768xf32, #tpu.memory_space<vmem>> -> memref<128xf32, #tpu.memory_space<vmem>>
        tpu.enqueue_dma source(%dma_start3A_2431 : memref<128xf32, #tpu.memory_space<vmem>>) target(%dma_start3A_2430 : memref<128xf32, #tpu.memory_space<hbm>>) target_semaphore(%run_scoped3A : memref<!tpu.dma_semaphore, #tpu.memory_space<semaphore_mem>>)
        %dma_wait3A = tpu.memref_slice %arg26[%multiple_of3A_2426] : memref<768xf32, #tpu.memory_space<vmem>> -> memref<128xf32, #tpu.memory_space<vmem>>
        %dma_wait3A_2432 = tpu.memref_slice %arg13[%multiple_of3A_2428] : memref<7168xf32, #tpu.memory_space<hbm>> -> memref<128xf32, #tpu.memory_space<hbm>>
        %dma_wait3A_2433 = tpu.memref_slice %arg13[%multiple_of3A_2428] : memref<7168xf32, #tpu.memory_space<hbm>> -> memref<128xf32, #tpu.memory_space<hbm>>
        %dma_wait3A_2434 = tpu.memref_slice %arg26[%multiple_of3A_2426] : memref<768xf32, #tpu.memory_space<vmem>> -> memref<128xf32, #tpu.memory_space<vmem>>
        tpu.wait_dma2 semaphore(%run_scoped3A : memref<!tpu.dma_semaphore, #tpu.memory_space<semaphore_mem>>) src(%dma_wait3A_2434 : memref<128xf32, #tpu.memory_space<vmem>>) dst(%dma_wait3A_2433 : memref<128xf32, #tpu.memory_space<hbm>>)
        tpu.yield
      }) : () -> ()
    } else {
    }
    %and3A_2375 = arith.constant 128 : i32
    %and3A_2376 = arith.andi %squeeze3A_2345, %and3A_2375 : i32
    %add3A_2377 = arith.addi %add3A_2367, %and3A_2376 : i32
    %and3A_2378 = arith.constant 64 : i32
    %and3A_2379 = arith.andi %squeeze3A_2345, %and3A_2378 : i32
    %ne3A_2380 = arith.constant 0 : i32
    %ne3A_2381 = arith.cmpi ne, %and3A_2379, %ne3A_2380 : i32
    %convert_element_type3A_2382 = arith.extui %ne3A_2381 : i1 to i32
    %cond3A_2383 = arith.constant 0 : i32
    %cond3A_2384 = arith.cmpi ne, %convert_element_type3A_2382, %cond3A_2383 : i32
    scf.if %cond3A_2384 {
      %multiple_of3A_2426 = tpu.assume_multiple %add3A_2377, 8 : i32
      %add3A_2427 = arith.addi %squeeze3A_2347, %multiple_of3A_2426 : i32
      %multiple_of3A_2428 = tpu.assume_multiple %add3A_2427, 8 : i32
      "tpu.region"() ({
        %run_scoped3A = tpu.sem_alloc : memref<!tpu.dma_semaphore, #tpu.memory_space<semaphore_mem>>
        %dma_start3A = tpu.memref_slice %arg21[%multiple_of3A_2426] : memref<768xf32, #tpu.memory_space<vmem>> -> memref<64xf32, #tpu.memory_space<vmem>>
        %dma_start3A_2429 = tpu.memref_slice %arg8[%multiple_of3A_2428] : memref<7168xf32, #tpu.memory_space<hbm>> -> memref<64xf32, #tpu.memory_space<hbm>>
        %dma_start3A_2430 = tpu.memref_slice %arg8[%multiple_of3A_2428] : memref<7168xf32, #tpu.memory_space<hbm>> -> memref<64xf32, #tpu.memory_space<hbm>>
        %dma_start3A_2431 = tpu.memref_slice %arg21[%multiple_of3A_2426] : memref<768xf32, #tpu.memory_space<vmem>> -> memref<64xf32, #tpu.memory_space<vmem>>
        tpu.enqueue_dma source(%dma_start3A_2431 : memref<64xf32, #tpu.memory_space<vmem>>) target(%dma_start3A_2430 : memref<64xf32, #tpu.memory_space<hbm>>) target_semaphore(%run_scoped3A : memref<!tpu.dma_semaphore, #tpu.memory_space<semaphore_mem>>)
        %dma_wait3A = tpu.memref_slice %arg21[%multiple_of3A_2426] : memref<768xf32, #tpu.memory_space<vmem>> -> memref<64xf32, #tpu.memory_space<vmem>>
        %dma_wait3A_2432 = tpu.memref_slice %arg8[%multiple_of3A_2428] : memref<7168xf32, #tpu.memory_space<hbm>> -> memref<64xf32, #tpu.memory_space<hbm>>
        %dma_wait3A_2433 = tpu.memref_slice %arg8[%multiple_of3A_2428] : memref<7168xf32, #tpu.memory_space<hbm>> -> memref<64xf32, #tpu.memory_space<hbm>>
        %dma_wait3A_2434 = tpu.memref_slice %arg21[%multiple_of3A_2426] : memref<768xf32, #tpu.memory_space<vmem>> -> memref<64xf32, #tpu.memory_space<vmem>>
        tpu.wait_dma2 semaphore(%run_scoped3A : memref<!tpu.dma_semaphore, #tpu.memory_space<semaphore_mem>>) src(%dma_wait3A_2434 : memref<64xf32, #tpu.memory_space<vmem>>) dst(%dma_wait3A_2433 : memref<64xf32, #tpu.memory_space<hbm>>)
        tpu.yield
      }) : () -> ()
      "tpu.region"() ({
        %run_scoped3A = tpu.sem_alloc : memref<!tpu.dma_semaphore, #tpu.memory_space<semaphore_mem>>
        %dma_start3A = tpu.memref_slice %arg22[%multiple_of3A_2426] : memref<768xf32, #tpu.memory_space<vmem>> -> memref<64xf32, #tpu.memory_space<vmem>>
        %dma_start3A_2429 = tpu.memref_slice %arg9[%multiple_of3A_2428] : memref<7168xf32, #tpu.memory_space<hbm>> -> memref<64xf32, #tpu.memory_space<hbm>>
        %dma_start3A_2430 = tpu.memref_slice %arg9[%multiple_of3A_2428] : memref<7168xf32, #tpu.memory_space<hbm>> -> memref<64xf32, #tpu.memory_space<hbm>>
        %dma_start3A_2431 = tpu.memref_slice %arg22[%multiple_of3A_2426] : memref<768xf32, #tpu.memory_space<vmem>> -> memref<64xf32, #tpu.memory_space<vmem>>
        tpu.enqueue_dma source(%dma_start3A_2431 : memref<64xf32, #tpu.memory_space<vmem>>) target(%dma_start3A_2430 : memref<64xf32, #tpu.memory_space<hbm>>) target_semaphore(%run_scoped3A : memref<!tpu.dma_semaphore, #tpu.memory_space<semaphore_mem>>)
        %dma_wait3A = tpu.memref_slice %arg22[%multiple_of3A_2426] : memref<768xf32, #tpu.memory_space<vmem>> -> memref<64xf32, #tpu.memory_space<vmem>>
        %dma_wait3A_2432 = tpu.memref_slice %arg9[%multiple_of3A_2428] : memref<7168xf32, #tpu.memory_space<hbm>> -> memref<64xf32, #tpu.memory_space<hbm>>
        %dma_wait3A_2433 = tpu.memref_slice %arg9[%multiple_of3A_2428] : memref<7168xf32, #tpu.memory_space<hbm>> -> memref<64xf32, #tpu.memory_space<hbm>>
        %dma_wait3A_2434 = tpu.memref_slice %arg22[%multiple_of3A_2426] : memref<768xf32, #tpu.memory_space<vmem>> -> memref<64xf32, #tpu.memory_space<vmem>>
        tpu.wait_dma2 semaphore(%run_scoped3A : memref<!tpu.dma_semaphore, #tpu.memory_space<semaphore_mem>>) src(%dma_wait3A_2434 : memref<64xf32, #tpu.memory_space<vmem>>) dst(%dma_wait3A_2433 : memref<64xf32, #tpu.memory_space<hbm>>)
        tpu.yield
      }) : () -> ()
      "tpu.region"() ({
        %run_scoped3A = tpu.sem_alloc : memref<!tpu.dma_semaphore, #tpu.memory_space<semaphore_mem>>
        %dma_start3A = tpu.memref_slice %arg23[%multiple_of3A_2426] : memref<768xf32, #tpu.memory_space<vmem>> -> memref<64xf32, #tpu.memory_space<vmem>>
        %dma_start3A_2429 = tpu.memref_slice %arg10[%multiple_of3A_2428] : memref<7168xf32, #tpu.memory_space<hbm>> -> memref<64xf32, #tpu.memory_space<hbm>>
        %dma_start3A_2430 = tpu.memref_slice %arg10[%multiple_of3A_2428] : memref<7168xf32, #tpu.memory_space<hbm>> -> memref<64xf32, #tpu.memory_space<hbm>>
        %dma_start3A_2431 = tpu.memref_slice %arg23[%multiple_of3A_2426] : memref<768xf32, #tpu.memory_space<vmem>> -> memref<64xf32, #tpu.memory_space<vmem>>
        tpu.enqueue_dma source(%dma_start3A_2431 : memref<64xf32, #tpu.memory_space<vmem>>) target(%dma_start3A_2430 : memref<64xf32, #tpu.memory_space<hbm>>) target_semaphore(%run_scoped3A : memref<!tpu.dma_semaphore, #tpu.memory_space<semaphore_mem>>)
        %dma_wait3A = tpu.memref_slice %arg23[%multiple_of3A_2426] : memref<768xf32, #tpu.memory_space<vmem>> -> memref<64xf32, #tpu.memory_space<vmem>>
        %dma_wait3A_2432 = tpu.memref_slice %arg10[%multiple_of3A_2428] : memref<7168xf32, #tpu.memory_space<hbm>> -> memref<64xf32, #tpu.memory_space<hbm>>
        %dma_wait3A_2433 = tpu.memref_slice %arg10[%multiple_of3A_2428] : memref<7168xf32, #tpu.memory_space<hbm>> -> memref<64xf32, #tpu.memory_space<hbm>>
        %dma_wait3A_2434 = tpu.memref_slice %arg23[%multiple_of3A_2426] : memref<768xf32, #tpu.memory_space<vmem>> -> memref<64xf32, #tpu.memory_space<vmem>>
        tpu.wait_dma2 semaphore(%run_scoped3A : memref<!tpu.dma_semaphore, #tpu.memory_space<semaphore_mem>>) src(%dma_wait3A_2434 : memref<64xf32, #tpu.memory_space<vmem>>) dst(%dma_wait3A_2433 : memref<64xf32, #tpu.memory_space<hbm>>)
        tpu.yield
      }) : () -> ()
      "tpu.region"() ({
        %run_scoped3A = tpu.sem_alloc : memref<!tpu.dma_semaphore, #tpu.memory_space<semaphore_mem>>
        %dma_start3A = tpu.memref_slice %arg24[%multiple_of3A_2426] : memref<768xf32, #tpu.memory_space<vmem>> -> memref<64xf32, #tpu.memory_space<vmem>>
        %dma_start3A_2429 = tpu.memref_slice %arg11[%multiple_of3A_2428] : memref<7168xf32, #tpu.memory_space<hbm>> -> memref<64xf32, #tpu.memory_space<hbm>>
        %dma_start3A_2430 = tpu.memref_slice %arg11[%multiple_of3A_2428] : memref<7168xf32, #tpu.memory_space<hbm>> -> memref<64xf32, #tpu.memory_space<hbm>>
        %dma_start3A_2431 = tpu.memref_slice %arg24[%multiple_of3A_2426] : memref<768xf32, #tpu.memory_space<vmem>> -> memref<64xf32, #tpu.memory_space<vmem>>
        tpu.enqueue_dma source(%dma_start3A_2431 : memref<64xf32, #tpu.memory_space<vmem>>) target(%dma_start3A_2430 : memref<64xf32, #tpu.memory_space<hbm>>) target_semaphore(%run_scoped3A : memref<!tpu.dma_semaphore, #tpu.memory_space<semaphore_mem>>)
        %dma_wait3A = tpu.memref_slice %arg24[%multiple_of3A_2426] : memref<768xf32, #tpu.memory_space<vmem>> -> memref<64xf32, #tpu.memory_space<vmem>>
        %dma_wait3A_2432 = tpu.memref_slice %arg11[%multiple_of3A_2428] : memref<7168xf32, #tpu.memory_space<hbm>> -> memref<64xf32, #tpu.memory_space<hbm>>
        %dma_wait3A_2433 = tpu.memref_slice %arg11[%multiple_of3A_2428] : memref<7168xf32, #tpu.memory_space<hbm>> -> memref<64xf32, #tpu.memory_space<hbm>>
        %dma_wait3A_2434 = tpu.memref_slice %arg24[%multiple_of3A_2426] : memref<768xf32, #tpu.memory_space<vmem>> -> memref<64xf32, #tpu.memory_space<vmem>>
        tpu.wait_dma2 semaphore(%run_scoped3A : memref<!tpu.dma_semaphore, #tpu.memory_space<semaphore_mem>>) src(%dma_wait3A_2434 : memref<64xf32, #tpu.memory_space<vmem>>) dst(%dma_wait3A_2433 : memref<64xf32, #tpu.memory_space<hbm>>)
        tpu.yield
      }) : () -> ()
      "tpu.region"() ({
        %run_scoped3A = tpu.sem_alloc : memref<!tpu.dma_semaphore, #tpu.memory_space<semaphore_mem>>
        %dma_start3A = tpu.memref_slice %arg25[%multiple_of3A_2426] : memref<768xf32, #tpu.memory_space<vmem>> -> memref<64xf32, #tpu.memory_space<vmem>>
        %dma_start3A_2429 = tpu.memref_slice %arg12[%multiple_of3A_2428] : memref<7168xf32, #tpu.memory_space<hbm>> -> memref<64xf32, #tpu.memory_space<hbm>>
        %dma_start3A_2430 = tpu.memref_slice %arg12[%multiple_of3A_2428] : memref<7168xf32, #tpu.memory_space<hbm>> -> memref<64xf32, #tpu.memory_space<hbm>>
        %dma_start3A_2431 = tpu.memref_slice %arg25[%multiple_of3A_2426] : memref<768xf32, #tpu.memory_space<vmem>> -> memref<64xf32, #tpu.memory_space<vmem>>
        tpu.enqueue_dma source(%dma_start3A_2431 : memref<64xf32, #tpu.memory_space<vmem>>) target(%dma_start3A_2430 : memref<64xf32, #tpu.memory_space<hbm>>) target_semaphore(%run_scoped3A : memref<!tpu.dma_semaphore, #tpu.memory_space<semaphore_mem>>)
        %dma_wait3A = tpu.memref_slice %arg25[%multiple_of3A_2426] : memref<768xf32, #tpu.memory_space<vmem>> -> memref<64xf32, #tpu.memory_space<vmem>>
        %dma_wait3A_2432 = tpu.memref_slice %arg12[%multiple_of3A_2428] : memref<7168xf32, #tpu.memory_space<hbm>> -> memref<64xf32, #tpu.memory_space<hbm>>
        %dma_wait3A_2433 = tpu.memref_slice %arg12[%multiple_of3A_2428] : memref<7168xf32, #tpu.memory_space<hbm>> -> memref<64xf32, #tpu.memory_space<hbm>>
        %dma_wait3A_2434 = tpu.memref_slice %arg25[%multiple_of3A_2426] : memref<768xf32, #tpu.memory_space<vmem>> -> memref<64xf32, #tpu.memory_space<vmem>>
        tpu.wait_dma2 semaphore(%run_scoped3A : memref<!tpu.dma_semaphore, #tpu.memory_space<semaphore_mem>>) src(%dma_wait3A_2434 : memref<64xf32, #tpu.memory_space<vmem>>) dst(%dma_wait3A_2433 : memref<64xf32, #tpu.memory_space<hbm>>)
        tpu.yield
      }) : () -> ()
      "tpu.region"() ({
        %run_scoped3A = tpu.sem_alloc : memref<!tpu.dma_semaphore, #tpu.memory_space<semaphore_mem>>
        %dma_start3A = tpu.memref_slice %arg26[%multiple_of3A_2426] : memref<768xf32, #tpu.memory_space<vmem>> -> memref<64xf32, #tpu.memory_space<vmem>>
        %dma_start3A_2429 = tpu.memref_slice %arg13[%multiple_of3A_2428] : memref<7168xf32, #tpu.memory_space<hbm>> -> memref<64xf32, #tpu.memory_space<hbm>>
        %dma_start3A_2430 = tpu.memref_slice %arg13[%multiple_of3A_2428] : memref<7168xf32, #tpu.memory_space<hbm>> -> memref<64xf32, #tpu.memory_space<hbm>>
        %dma_start3A_2431 = tpu.memref_slice %arg26[%multiple_of3A_2426] : memref<768xf32, #tpu.memory_space<vmem>> -> memref<64xf32, #tpu.memory_space<vmem>>
        tpu.enqueue_dma source(%dma_start3A_2431 : memref<64xf32, #tpu.memory_space<vmem>>) target(%dma_start3A_2430 : memref<64xf32, #tpu.memory_space<hbm>>) target_semaphore(%run_scoped3A : memref<!tpu.dma_semaphore, #tpu.memory_space<semaphore_mem>>)
        %dma_wait3A = tpu.memref_slice %arg26[%multiple_of3A_2426] : memref<768xf32, #tpu.memory_space<vmem>> -> memref<64xf32, #tpu.memory_space<vmem>>
        %dma_wait3A_2432 = tpu.memref_slice %arg13[%multiple_of3A_2428] : memref<7168xf32, #tpu.memory_space<hbm>> -> memref<64xf32, #tpu.memory_space<hbm>>
        %dma_wait3A_2433 = tpu.memref_slice %arg13[%multiple_of3A_2428] : memref<7168xf32, #tpu.memory_space<hbm>> -> memref<64xf32, #tpu.memory_space<hbm>>
        %dma_wait3A_2434 = tpu.memref_slice %arg26[%multiple_of3A_2426] : memref<768xf32, #tpu.memory_space<vmem>> -> memref<64xf32, #tpu.memory_space<vmem>>
        tpu.wait_dma2 semaphore(%run_scoped3A : memref<!tpu.dma_semaphore, #tpu.memory_space<semaphore_mem>>) src(%dma_wait3A_2434 : memref<64xf32, #tpu.memory_space<vmem>>) dst(%dma_wait3A_2433 : memref<64xf32, #tpu.memory_space<hbm>>)
        tpu.yield
      }) : () -> ()
    } else {
    }
    %and3A_2385 = arith.constant 64 : i32
    %and3A_2386 = arith.andi %squeeze3A_2345, %and3A_2385 : i32
    %add3A_2387 = arith.addi %add3A_2377, %and3A_2386 : i32
    %and3A_2388 = arith.constant 32 : i32
    %and3A_2389 = arith.andi %squeeze3A_2345, %and3A_2388 : i32
    %ne3A_2390 = arith.constant 0 : i32
    %ne3A_2391 = arith.cmpi ne, %and3A_2389, %ne3A_2390 : i32
    %convert_element_type3A_2392 = arith.extui %ne3A_2391 : i1 to i32
    %cond3A_2393 = arith.constant 0 : i32
    %cond3A_2394 = arith.cmpi ne, %convert_element_type3A_2392, %cond3A_2393 : i32
    scf.if %cond3A_2394 {
      %multiple_of3A_2426 = tpu.assume_multiple %add3A_2387, 8 : i32
      %add3A_2427 = arith.addi %squeeze3A_2347, %multiple_of3A_2426 : i32
      %multiple_of3A_2428 = tpu.assume_multiple %add3A_2427, 8 : i32
      "tpu.region"() ({
        %run_scoped3A = tpu.sem_alloc : memref<!tpu.dma_semaphore, #tpu.memory_space<semaphore_mem>>
        %dma_start3A = tpu.memref_slice %arg21[%multiple_of3A_2426] : memref<768xf32, #tpu.memory_space<vmem>> -> memref<32xf32, #tpu.memory_space<vmem>>
        %dma_start3A_2429 = tpu.memref_slice %arg8[%multiple_of3A_2428] : memref<7168xf32, #tpu.memory_space<hbm>> -> memref<32xf32, #tpu.memory_space<hbm>>
        %dma_start3A_2430 = tpu.memref_slice %arg8[%multiple_of3A_2428] : memref<7168xf32, #tpu.memory_space<hbm>> -> memref<32xf32, #tpu.memory_space<hbm>>
        %dma_start3A_2431 = tpu.memref_slice %arg21[%multiple_of3A_2426] : memref<768xf32, #tpu.memory_space<vmem>> -> memref<32xf32, #tpu.memory_space<vmem>>
        tpu.enqueue_dma source(%dma_start3A_2431 : memref<32xf32, #tpu.memory_space<vmem>>) target(%dma_start3A_2430 : memref<32xf32, #tpu.memory_space<hbm>>) target_semaphore(%run_scoped3A : memref<!tpu.dma_semaphore, #tpu.memory_space<semaphore_mem>>)
        %dma_wait3A = tpu.memref_slice %arg21[%multiple_of3A_2426] : memref<768xf32, #tpu.memory_space<vmem>> -> memref<32xf32, #tpu.memory_space<vmem>>
        %dma_wait3A_2432 = tpu.memref_slice %arg8[%multiple_of3A_2428] : memref<7168xf32, #tpu.memory_space<hbm>> -> memref<32xf32, #tpu.memory_space<hbm>>
        %dma_wait3A_2433 = tpu.memref_slice %arg8[%multiple_of3A_2428] : memref<7168xf32, #tpu.memory_space<hbm>> -> memref<32xf32, #tpu.memory_space<hbm>>
        %dma_wait3A_2434 = tpu.memref_slice %arg21[%multiple_of3A_2426] : memref<768xf32, #tpu.memory_space<vmem>> -> memref<32xf32, #tpu.memory_space<vmem>>
        tpu.wait_dma2 semaphore(%run_scoped3A : memref<!tpu.dma_semaphore, #tpu.memory_space<semaphore_mem>>) src(%dma_wait3A_2434 : memref<32xf32, #tpu.memory_space<vmem>>) dst(%dma_wait3A_2433 : memref<32xf32, #tpu.memory_space<hbm>>)
        tpu.yield
      }) : () -> ()
      "tpu.region"() ({
        %run_scoped3A = tpu.sem_alloc : memref<!tpu.dma_semaphore, #tpu.memory_space<semaphore_mem>>
        %dma_start3A = tpu.memref_slice %arg22[%multiple_of3A_2426] : memref<768xf32, #tpu.memory_space<vmem>> -> memref<32xf32, #tpu.memory_space<vmem>>
        %dma_start3A_2429 = tpu.memref_slice %arg9[%multiple_of3A_2428] : memref<7168xf32, #tpu.memory_space<hbm>> -> memref<32xf32, #tpu.memory_space<hbm>>
        %dma_start3A_2430 = tpu.memref_slice %arg9[%multiple_of3A_2428] : memref<7168xf32, #tpu.memory_space<hbm>> -> memref<32xf32, #tpu.memory_space<hbm>>
        %dma_start3A_2431 = tpu.memref_slice %arg22[%multiple_of3A_2426] : memref<768xf32, #tpu.memory_space<vmem>> -> memref<32xf32, #tpu.memory_space<vmem>>
        tpu.enqueue_dma source(%dma_start3A_2431 : memref<32xf32, #tpu.memory_space<vmem>>) target(%dma_start3A_2430 : memref<32xf32, #tpu.memory_space<hbm>>) target_semaphore(%run_scoped3A : memref<!tpu.dma_semaphore, #tpu.memory_space<semaphore_mem>>)
        %dma_wait3A = tpu.memref_slice %arg22[%multiple_of3A_2426] : memref<768xf32, #tpu.memory_space<vmem>> -> memref<32xf32, #tpu.memory_space<vmem>>
        %dma_wait3A_2432 = tpu.memref_slice %arg9[%multiple_of3A_2428] : memref<7168xf32, #tpu.memory_space<hbm>> -> memref<32xf32, #tpu.memory_space<hbm>>
        %dma_wait3A_2433 = tpu.memref_slice %arg9[%multiple_of3A_2428] : memref<7168xf32, #tpu.memory_space<hbm>> -> memref<32xf32, #tpu.memory_space<hbm>>
        %dma_wait3A_2434 = tpu.memref_slice %arg22[%multiple_of3A_2426] : memref<768xf32, #tpu.memory_space<vmem>> -> memref<32xf32, #tpu.memory_space<vmem>>
        tpu.wait_dma2 semaphore(%run_scoped3A : memref<!tpu.dma_semaphore, #tpu.memory_space<semaphore_mem>>) src(%dma_wait3A_2434 : memref<32xf32, #tpu.memory_space<vmem>>) dst(%dma_wait3A_2433 : memref<32xf32, #tpu.memory_space<hbm>>)
        tpu.yield
      }) : () -> ()
      "tpu.region"() ({
        %run_scoped3A = tpu.sem_alloc : memref<!tpu.dma_semaphore, #tpu.memory_space<semaphore_mem>>
        %dma_start3A = tpu.memref_slice %arg23[%multiple_of3A_2426] : memref<768xf32, #tpu.memory_space<vmem>> -> memref<32xf32, #tpu.memory_space<vmem>>
        %dma_start3A_2429 = tpu.memref_slice %arg10[%multiple_of3A_2428] : memref<7168xf32, #tpu.memory_space<hbm>> -> memref<32xf32, #tpu.memory_space<hbm>>
        %dma_start3A_2430 = tpu.memref_slice %arg10[%multiple_of3A_2428] : memref<7168xf32, #tpu.memory_space<hbm>> -> memref<32xf32, #tpu.memory_space<hbm>>
        %dma_start3A_2431 = tpu.memref_slice %arg23[%multiple_of3A_2426] : memref<768xf32, #tpu.memory_space<vmem>> -> memref<32xf32, #tpu.memory_space<vmem>>
        tpu.enqueue_dma source(%dma_start3A_2431 : memref<32xf32, #tpu.memory_space<vmem>>) target(%dma_start3A_2430 : memref<32xf32, #tpu.memory_space<hbm>>) target_semaphore(%run_scoped3A : memref<!tpu.dma_semaphore, #tpu.memory_space<semaphore_mem>>)
        %dma_wait3A = tpu.memref_slice %arg23[%multiple_of3A_2426] : memref<768xf32, #tpu.memory_space<vmem>> -> memref<32xf32, #tpu.memory_space<vmem>>
        %dma_wait3A_2432 = tpu.memref_slice %arg10[%multiple_of3A_2428] : memref<7168xf32, #tpu.memory_space<hbm>> -> memref<32xf32, #tpu.memory_space<hbm>>
        %dma_wait3A_2433 = tpu.memref_slice %arg10[%multiple_of3A_2428] : memref<7168xf32, #tpu.memory_space<hbm>> -> memref<32xf32, #tpu.memory_space<hbm>>
        %dma_wait3A_2434 = tpu.memref_slice %arg23[%multiple_of3A_2426] : memref<768xf32, #tpu.memory_space<vmem>> -> memref<32xf32, #tpu.memory_space<vmem>>
        tpu.wait_dma2 semaphore(%run_scoped3A : memref<!tpu.dma_semaphore, #tpu.memory_space<semaphore_mem>>) src(%dma_wait3A_2434 : memref<32xf32, #tpu.memory_space<vmem>>) dst(%dma_wait3A_2433 : memref<32xf32, #tpu.memory_space<hbm>>)
        tpu.yield
      }) : () -> ()
      "tpu.region"() ({
        %run_scoped3A = tpu.sem_alloc : memref<!tpu.dma_semaphore, #tpu.memory_space<semaphore_mem>>
        %dma_start3A = tpu.memref_slice %arg24[%multiple_of3A_2426] : memref<768xf32, #tpu.memory_space<vmem>> -> memref<32xf32, #tpu.memory_space<vmem>>
        %dma_start3A_2429 = tpu.memref_slice %arg11[%multiple_of3A_2428] : memref<7168xf32, #tpu.memory_space<hbm>> -> memref<32xf32, #tpu.memory_space<hbm>>
        %dma_start3A_2430 = tpu.memref_slice %arg11[%multiple_of3A_2428] : memref<7168xf32, #tpu.memory_space<hbm>> -> memref<32xf32, #tpu.memory_space<hbm>>
        %dma_start3A_2431 = tpu.memref_slice %arg24[%multiple_of3A_2426] : memref<768xf32, #tpu.memory_space<vmem>> -> memref<32xf32, #tpu.memory_space<vmem>>
        tpu.enqueue_dma source(%dma_start3A_2431 : memref<32xf32, #tpu.memory_space<vmem>>) target(%dma_start3A_2430 : memref<32xf32, #tpu.memory_space<hbm>>) target_semaphore(%run_scoped3A : memref<!tpu.dma_semaphore, #tpu.memory_space<semaphore_mem>>)
        %dma_wait3A = tpu.memref_slice %arg24[%multiple_of3A_2426] : memref<768xf32, #tpu.memory_space<vmem>> -> memref<32xf32, #tpu.memory_space<vmem>>
        %dma_wait3A_2432 = tpu.memref_slice %arg11[%multiple_of3A_2428] : memref<7168xf32, #tpu.memory_space<hbm>> -> memref<32xf32, #tpu.memory_space<hbm>>
        %dma_wait3A_2433 = tpu.memref_slice %arg11[%multiple_of3A_2428] : memref<7168xf32, #tpu.memory_space<hbm>> -> memref<32xf32, #tpu.memory_space<hbm>>
        %dma_wait3A_2434 = tpu.memref_slice %arg24[%multiple_of3A_2426] : memref<768xf32, #tpu.memory_space<vmem>> -> memref<32xf32, #tpu.memory_space<vmem>>
        tpu.wait_dma2 semaphore(%run_scoped3A : memref<!tpu.dma_semaphore, #tpu.memory_space<semaphore_mem>>) src(%dma_wait3A_2434 : memref<32xf32, #tpu.memory_space<vmem>>) dst(%dma_wait3A_2433 : memref<32xf32, #tpu.memory_space<hbm>>)
        tpu.yield
      }) : () -> ()
      "tpu.region"() ({
        %run_scoped3A = tpu.sem_alloc : memref<!tpu.dma_semaphore, #tpu.memory_space<semaphore_mem>>
        %dma_start3A = tpu.memref_slice %arg25[%multiple_of3A_2426] : memref<768xf32, #tpu.memory_space<vmem>> -> memref<32xf32, #tpu.memory_space<vmem>>
        %dma_start3A_2429 = tpu.memref_slice %arg12[%multiple_of3A_2428] : memref<7168xf32, #tpu.memory_space<hbm>> -> memref<32xf32, #tpu.memory_space<hbm>>
        %dma_start3A_2430 = tpu.memref_slice %arg12[%multiple_of3A_2428] : memref<7168xf32, #tpu.memory_space<hbm>> -> memref<32xf32, #tpu.memory_space<hbm>>
        %dma_start3A_2431 = tpu.memref_slice %arg25[%multiple_of3A_2426] : memref<768xf32, #tpu.memory_space<vmem>> -> memref<32xf32, #tpu.memory_space<vmem>>
        tpu.enqueue_dma source(%dma_start3A_2431 : memref<32xf32, #tpu.memory_space<vmem>>) target(%dma_start3A_2430 : memref<32xf32, #tpu.memory_space<hbm>>) target_semaphore(%run_scoped3A : memref<!tpu.dma_semaphore, #tpu.memory_space<semaphore_mem>>)
        %dma_wait3A = tpu.memref_slice %arg25[%multiple_of3A_2426] : memref<768xf32, #tpu.memory_space<vmem>> -> memref<32xf32, #tpu.memory_space<vmem>>
        %dma_wait3A_2432 = tpu.memref_slice %arg12[%multiple_of3A_2428] : memref<7168xf32, #tpu.memory_space<hbm>> -> memref<32xf32, #tpu.memory_space<hbm>>
        %dma_wait3A_2433 = tpu.memref_slice %arg12[%multiple_of3A_2428] : memref<7168xf32, #tpu.memory_space<hbm>> -> memref<32xf32, #tpu.memory_space<hbm>>
        %dma_wait3A_2434 = tpu.memref_slice %arg25[%multiple_of3A_2426] : memref<768xf32, #tpu.memory_space<vmem>> -> memref<32xf32, #tpu.memory_space<vmem>>
        tpu.wait_dma2 semaphore(%run_scoped3A : memref<!tpu.dma_semaphore, #tpu.memory_space<semaphore_mem>>) src(%dma_wait3A_2434 : memref<32xf32, #tpu.memory_space<vmem>>) dst(%dma_wait3A_2433 : memref<32xf32, #tpu.memory_space<hbm>>)
        tpu.yield
      }) : () -> ()
      "tpu.region"() ({
        %run_scoped3A = tpu.sem_alloc : memref<!tpu.dma_semaphore, #tpu.memory_space<semaphore_mem>>
        %dma_start3A = tpu.memref_slice %arg26[%multiple_of3A_2426] : memref<768xf32, #tpu.memory_space<vmem>> -> memref<32xf32, #tpu.memory_space<vmem>>
        %dma_start3A_2429 = tpu.memref_slice %arg13[%multiple_of3A_2428] : memref<7168xf32, #tpu.memory_space<hbm>> -> memref<32xf32, #tpu.memory_space<hbm>>
        %dma_start3A_2430 = tpu.memref_slice %arg13[%multiple_of3A_2428] : memref<7168xf32, #tpu.memory_space<hbm>> -> memref<32xf32, #tpu.memory_space<hbm>>
        %dma_start3A_2431 = tpu.memref_slice %arg26[%multiple_of3A_2426] : memref<768xf32, #tpu.memory_space<vmem>> -> memref<32xf32, #tpu.memory_space<vmem>>
        tpu.enqueue_dma source(%dma_start3A_2431 : memref<32xf32, #tpu.memory_space<vmem>>) target(%dma_start3A_2430 : memref<32xf32, #tpu.memory_space<hbm>>) target_semaphore(%run_scoped3A : memref<!tpu.dma_semaphore, #tpu.memory_space<semaphore_mem>>)
        %dma_wait3A = tpu.memref_slice %arg26[%multiple_of3A_2426] : memref<768xf32, #tpu.memory_space<vmem>> -> memref<32xf32, #tpu.memory_space<vmem>>
        %dma_wait3A_2432 = tpu.memref_slice %arg13[%multiple_of3A_2428] : memref<7168xf32, #tpu.memory_space<hbm>> -> memref<32xf32, #tpu.memory_space<hbm>>
        %dma_wait3A_2433 = tpu.memref_slice %arg13[%multiple_of3A_2428] : memref<7168xf32, #tpu.memory_space<hbm>> -> memref<32xf32, #tpu.memory_space<hbm>>
        %dma_wait3A_2434 = tpu.memref_slice %arg26[%multiple_of3A_2426] : memref<768xf32, #tpu.memory_space<vmem>> -> memref<32xf32, #tpu.memory_space<vmem>>
        tpu.wait_dma2 semaphore(%run_scoped3A : memref<!tpu.dma_semaphore, #tpu.memory_space<semaphore_mem>>) src(%dma_wait3A_2434 : memref<32xf32, #tpu.memory_space<vmem>>) dst(%dma_wait3A_2433 : memref<32xf32, #tpu.memory_space<hbm>>)
        tpu.yield
      }) : () -> ()
    } else {
    }
    %and3A_2395 = arith.constant 32 : i32
    %and3A_2396 = arith.andi %squeeze3A_2345, %and3A_2395 : i32
    %add3A_2397 = arith.addi %add3A_2387, %and3A_2396 : i32
    %and3A_2398 = arith.constant 16 : i32
    %and3A_2399 = arith.andi %squeeze3A_2345, %and3A_2398 : i32
    %ne3A_2400 = arith.constant 0 : i32
    %ne3A_2401 = arith.cmpi ne, %and3A_2399, %ne3A_2400 : i32
    %convert_element_type3A_2402 = arith.extui %ne3A_2401 : i1 to i32
    %cond3A_2403 = arith.constant 0 : i32
    %cond3A_2404 = arith.cmpi ne, %convert_element_type3A_2402, %cond3A_2403 : i32
    scf.if %cond3A_2404 {
      %multiple_of3A_2426 = tpu.assume_multiple %add3A_2397, 8 : i32
      %add3A_2427 = arith.addi %squeeze3A_2347, %multiple_of3A_2426 : i32
      %multiple_of3A_2428 = tpu.assume_multiple %add3A_2427, 8 : i32
      "tpu.region"() ({
        %run_scoped3A = tpu.sem_alloc : memref<!tpu.dma_semaphore, #tpu.memory_space<semaphore_mem>>
        %dma_start3A = tpu.memref_slice %arg21[%multiple_of3A_2426] : memref<768xf32, #tpu.memory_space<vmem>> -> memref<16xf32, #tpu.memory_space<vmem>>
        %dma_start3A_2429 = tpu.memref_slice %arg8[%multiple_of3A_2428] : memref<7168xf32, #tpu.memory_space<hbm>> -> memref<16xf32, #tpu.memory_space<hbm>>
        %dma_start3A_2430 = tpu.memref_slice %arg8[%multiple_of3A_2428] : memref<7168xf32, #tpu.memory_space<hbm>> -> memref<16xf32, #tpu.memory_space<hbm>>
        %dma_start3A_2431 = tpu.memref_slice %arg21[%multiple_of3A_2426] : memref<768xf32, #tpu.memory_space<vmem>> -> memref<16xf32, #tpu.memory_space<vmem>>
        tpu.enqueue_dma source(%dma_start3A_2431 : memref<16xf32, #tpu.memory_space<vmem>>) target(%dma_start3A_2430 : memref<16xf32, #tpu.memory_space<hbm>>) target_semaphore(%run_scoped3A : memref<!tpu.dma_semaphore, #tpu.memory_space<semaphore_mem>>)
        %dma_wait3A = tpu.memref_slice %arg21[%multiple_of3A_2426] : memref<768xf32, #tpu.memory_space<vmem>> -> memref<16xf32, #tpu.memory_space<vmem>>
        %dma_wait3A_2432 = tpu.memref_slice %arg8[%multiple_of3A_2428] : memref<7168xf32, #tpu.memory_space<hbm>> -> memref<16xf32, #tpu.memory_space<hbm>>
        %dma_wait3A_2433 = tpu.memref_slice %arg8[%multiple_of3A_2428] : memref<7168xf32, #tpu.memory_space<hbm>> -> memref<16xf32, #tpu.memory_space<hbm>>
        %dma_wait3A_2434 = tpu.memref_slice %arg21[%multiple_of3A_2426] : memref<768xf32, #tpu.memory_space<vmem>> -> memref<16xf32, #tpu.memory_space<vmem>>
        tpu.wait_dma2 semaphore(%run_scoped3A : memref<!tpu.dma_semaphore, #tpu.memory_space<semaphore_mem>>) src(%dma_wait3A_2434 : memref<16xf32, #tpu.memory_space<vmem>>) dst(%dma_wait3A_2433 : memref<16xf32, #tpu.memory_space<hbm>>)
        tpu.yield
      }) : () -> ()
      "tpu.region"() ({
        %run_scoped3A = tpu.sem_alloc : memref<!tpu.dma_semaphore, #tpu.memory_space<semaphore_mem>>
        %dma_start3A = tpu.memref_slice %arg22[%multiple_of3A_2426] : memref<768xf32, #tpu.memory_space<vmem>> -> memref<16xf32, #tpu.memory_space<vmem>>
        %dma_start3A_2429 = tpu.memref_slice %arg9[%multiple_of3A_2428] : memref<7168xf32, #tpu.memory_space<hbm>> -> memref<16xf32, #tpu.memory_space<hbm>>
        %dma_start3A_2430 = tpu.memref_slice %arg9[%multiple_of3A_2428] : memref<7168xf32, #tpu.memory_space<hbm>> -> memref<16xf32, #tpu.memory_space<hbm>>
        %dma_start3A_2431 = tpu.memref_slice %arg22[%multiple_of3A_2426] : memref<768xf32, #tpu.memory_space<vmem>> -> memref<16xf32, #tpu.memory_space<vmem>>
        tpu.enqueue_dma source(%dma_start3A_2431 : memref<16xf32, #tpu.memory_space<vmem>>) target(%dma_start3A_2430 : memref<16xf32, #tpu.memory_space<hbm>>) target_semaphore(%run_scoped3A : memref<!tpu.dma_semaphore, #tpu.memory_space<semaphore_mem>>)
        %dma_wait3A = tpu.memref_slice %arg22[%multiple_of3A_2426] : memref<768xf32, #tpu.memory_space<vmem>> -> memref<16xf32, #tpu.memory_space<vmem>>
        %dma_wait3A_2432 = tpu.memref_slice %arg9[%multiple_of3A_2428] : memref<7168xf32, #tpu.memory_space<hbm>> -> memref<16xf32, #tpu.memory_space<hbm>>
        %dma_wait3A_2433 = tpu.memref_slice %arg9[%multiple_of3A_2428] : memref<7168xf32, #tpu.memory_space<hbm>> -> memref<16xf32, #tpu.memory_space<hbm>>
        %dma_wait3A_2434 = tpu.memref_slice %arg22[%multiple_of3A_2426] : memref<768xf32, #tpu.memory_space<vmem>> -> memref<16xf32, #tpu.memory_space<vmem>>
        tpu.wait_dma2 semaphore(%run_scoped3A : memref<!tpu.dma_semaphore, #tpu.memory_space<semaphore_mem>>) src(%dma_wait3A_2434 : memref<16xf32, #tpu.memory_space<vmem>>) dst(%dma_wait3A_2433 : memref<16xf32, #tpu.memory_space<hbm>>)
        tpu.yield
      }) : () -> ()
      "tpu.region"() ({
        %run_scoped3A = tpu.sem_alloc : memref<!tpu.dma_semaphore, #tpu.memory_space<semaphore_mem>>
        %dma_start3A = tpu.memref_slice %arg23[%multiple_of3A_2426] : memref<768xf32, #tpu.memory_space<vmem>> -> memref<16xf32, #tpu.memory_space<vmem>>
        %dma_start3A_2429 = tpu.memref_slice %arg10[%multiple_of3A_2428] : memref<7168xf32, #tpu.memory_space<hbm>> -> memref<16xf32, #tpu.memory_space<hbm>>
        %dma_start3A_2430 = tpu.memref_slice %arg10[%multiple_of3A_2428] : memref<7168xf32, #tpu.memory_space<hbm>> -> memref<16xf32, #tpu.memory_space<hbm>>
        %dma_start3A_2431 = tpu.memref_slice %arg23[%multiple_of3A_2426] : memref<768xf32, #tpu.memory_space<vmem>> -> memref<16xf32, #tpu.memory_space<vmem>>
        tpu.enqueue_dma source(%dma_start3A_2431 : memref<16xf32, #tpu.memory_space<vmem>>) target(%dma_start3A_2430 : memref<16xf32, #tpu.memory_space<hbm>>) target_semaphore(%run_scoped3A : memref<!tpu.dma_semaphore, #tpu.memory_space<semaphore_mem>>)
        %dma_wait3A = tpu.memref_slice %arg23[%multiple_of3A_2426] : memref<768xf32, #tpu.memory_space<vmem>> -> memref<16xf32, #tpu.memory_space<vmem>>
        %dma_wait3A_2432 = tpu.memref_slice %arg10[%multiple_of3A_2428] : memref<7168xf32, #tpu.memory_space<hbm>> -> memref<16xf32, #tpu.memory_space<hbm>>
        %dma_wait3A_2433 = tpu.memref_slice %arg10[%multiple_of3A_2428] : memref<7168xf32, #tpu.memory_space<hbm>> -> memref<16xf32, #tpu.memory_space<hbm>>
        %dma_wait3A_2434 = tpu.memref_slice %arg23[%multiple_of3A_2426] : memref<768xf32, #tpu.memory_space<vmem>> -> memref<16xf32, #tpu.memory_space<vmem>>
        tpu.wait_dma2 semaphore(%run_scoped3A : memref<!tpu.dma_semaphore, #tpu.memory_space<semaphore_mem>>) src(%dma_wait3A_2434 : memref<16xf32, #tpu.memory_space<vmem>>) dst(%dma_wait3A_2433 : memref<16xf32, #tpu.memory_space<hbm>>)
        tpu.yield
      }) : () -> ()
      "tpu.region"() ({
        %run_scoped3A = tpu.sem_alloc : memref<!tpu.dma_semaphore, #tpu.memory_space<semaphore_mem>>
        %dma_start3A = tpu.memref_slice %arg24[%multiple_of3A_2426] : memref<768xf32, #tpu.memory_space<vmem>> -> memref<16xf32, #tpu.memory_space<vmem>>
        %dma_start3A_2429 = tpu.memref_slice %arg11[%multiple_of3A_2428] : memref<7168xf32, #tpu.memory_space<hbm>> -> memref<16xf32, #tpu.memory_space<hbm>>
        %dma_start3A_2430 = tpu.memref_slice %arg11[%multiple_of3A_2428] : memref<7168xf32, #tpu.memory_space<hbm>> -> memref<16xf32, #tpu.memory_space<hbm>>
        %dma_start3A_2431 = tpu.memref_slice %arg24[%multiple_of3A_2426] : memref<768xf32, #tpu.memory_space<vmem>> -> memref<16xf32, #tpu.memory_space<vmem>>
        tpu.enqueue_dma source(%dma_start3A_2431 : memref<16xf32, #tpu.memory_space<vmem>>) target(%dma_start3A_2430 : memref<16xf32, #tpu.memory_space<hbm>>) target_semaphore(%run_scoped3A : memref<!tpu.dma_semaphore, #tpu.memory_space<semaphore_mem>>)
        %dma_wait3A = tpu.memref_slice %arg24[%multiple_of3A_2426] : memref<768xf32, #tpu.memory_space<vmem>> -> memref<16xf32, #tpu.memory_space<vmem>>
        %dma_wait3A_2432 = tpu.memref_slice %arg11[%multiple_of3A_2428] : memref<7168xf32, #tpu.memory_space<hbm>> -> memref<16xf32, #tpu.memory_space<hbm>>
        %dma_wait3A_2433 = tpu.memref_slice %arg11[%multiple_of3A_2428] : memref<7168xf32, #tpu.memory_space<hbm>> -> memref<16xf32, #tpu.memory_space<hbm>>
        %dma_wait3A_2434 = tpu.memref_slice %arg24[%multiple_of3A_2426] : memref<768xf32, #tpu.memory_space<vmem>> -> memref<16xf32, #tpu.memory_space<vmem>>
        tpu.wait_dma2 semaphore(%run_scoped3A : memref<!tpu.dma_semaphore, #tpu.memory_space<semaphore_mem>>) src(%dma_wait3A_2434 : memref<16xf32, #tpu.memory_space<vmem>>) dst(%dma_wait3A_2433 : memref<16xf32, #tpu.memory_space<hbm>>)
        tpu.yield
      }) : () -> ()
      "tpu.region"() ({
        %run_scoped3A = tpu.sem_alloc : memref<!tpu.dma_semaphore, #tpu.memory_space<semaphore_mem>>
        %dma_start3A = tpu.memref_slice %arg25[%multiple_of3A_2426] : memref<768xf32, #tpu.memory_space<vmem>> -> memref<16xf32, #tpu.memory_space<vmem>>
        %dma_start3A_2429 = tpu.memref_slice %arg12[%multiple_of3A_2428] : memref<7168xf32, #tpu.memory_space<hbm>> -> memref<16xf32, #tpu.memory_space<hbm>>
        %dma_start3A_2430 = tpu.memref_slice %arg12[%multiple_of3A_2428] : memref<7168xf32, #tpu.memory_space<hbm>> -> memref<16xf32, #tpu.memory_space<hbm>>
        %dma_start3A_2431 = tpu.memref_slice %arg25[%multiple_of3A_2426] : memref<768xf32, #tpu.memory_space<vmem>> -> memref<16xf32, #tpu.memory_space<vmem>>
        tpu.enqueue_dma source(%dma_start3A_2431 : memref<16xf32, #tpu.memory_space<vmem>>) target(%dma_start3A_2430 : memref<16xf32, #tpu.memory_space<hbm>>) target_semaphore(%run_scoped3A : memref<!tpu.dma_semaphore, #tpu.memory_space<semaphore_mem>>)
        %dma_wait3A = tpu.memref_slice %arg25[%multiple_of3A_2426] : memref<768xf32, #tpu.memory_space<vmem>> -> memref<16xf32, #tpu.memory_space<vmem>>
        %dma_wait3A_2432 = tpu.memref_slice %arg12[%multiple_of3A_2428] : memref<7168xf32, #tpu.memory_space<hbm>> -> memref<16xf32, #tpu.memory_space<hbm>>
        %dma_wait3A_2433 = tpu.memref_slice %arg12[%multiple_of3A_2428] : memref<7168xf32, #tpu.memory_space<hbm>> -> memref<16xf32, #tpu.memory_space<hbm>>
        %dma_wait3A_2434 = tpu.memref_slice %arg25[%multiple_of3A_2426] : memref<768xf32, #tpu.memory_space<vmem>> -> memref<16xf32, #tpu.memory_space<vmem>>
        tpu.wait_dma2 semaphore(%run_scoped3A : memref<!tpu.dma_semaphore, #tpu.memory_space<semaphore_mem>>) src(%dma_wait3A_2434 : memref<16xf32, #tpu.memory_space<vmem>>) dst(%dma_wait3A_2433 : memref<16xf32, #tpu.memory_space<hbm>>)
        tpu.yield
      }) : () -> ()
      "tpu.region"() ({
        %run_scoped3A = tpu.sem_alloc : memref<!tpu.dma_semaphore, #tpu.memory_space<semaphore_mem>>
        %dma_start3A = tpu.memref_slice %arg26[%multiple_of3A_2426] : memref<768xf32, #tpu.memory_space<vmem>> -> memref<16xf32, #tpu.memory_space<vmem>>
        %dma_start3A_2429 = tpu.memref_slice %arg13[%multiple_of3A_2428] : memref<7168xf32, #tpu.memory_space<hbm>> -> memref<16xf32, #tpu.memory_space<hbm>>
        %dma_start3A_2430 = tpu.memref_slice %arg13[%multiple_of3A_2428] : memref<7168xf32, #tpu.memory_space<hbm>> -> memref<16xf32, #tpu.memory_space<hbm>>
        %dma_start3A_2431 = tpu.memref_slice %arg26[%multiple_of3A_2426] : memref<768xf32, #tpu.memory_space<vmem>> -> memref<16xf32, #tpu.memory_space<vmem>>
        tpu.enqueue_dma source(%dma_start3A_2431 : memref<16xf32, #tpu.memory_space<vmem>>) target(%dma_start3A_2430 : memref<16xf32, #tpu.memory_space<hbm>>) target_semaphore(%run_scoped3A : memref<!tpu.dma_semaphore, #tpu.memory_space<semaphore_mem>>)
        %dma_wait3A = tpu.memref_slice %arg26[%multiple_of3A_2426] : memref<768xf32, #tpu.memory_space<vmem>> -> memref<16xf32, #tpu.memory_space<vmem>>
        %dma_wait3A_2432 = tpu.memref_slice %arg13[%multiple_of3A_2428] : memref<7168xf32, #tpu.memory_space<hbm>> -> memref<16xf32, #tpu.memory_space<hbm>>
        %dma_wait3A_2433 = tpu.memref_slice %arg13[%multiple_of3A_2428] : memref<7168xf32, #tpu.memory_space<hbm>> -> memref<16xf32, #tpu.memory_space<hbm>>
        %dma_wait3A_2434 = tpu.memref_slice %arg26[%multiple_of3A_2426] : memref<768xf32, #tpu.memory_space<vmem>> -> memref<16xf32, #tpu.memory_space<vmem>>
        tpu.wait_dma2 semaphore(%run_scoped3A : memref<!tpu.dma_semaphore, #tpu.memory_space<semaphore_mem>>) src(%dma_wait3A_2434 : memref<16xf32, #tpu.memory_space<vmem>>) dst(%dma_wait3A_2433 : memref<16xf32, #tpu.memory_space<hbm>>)
        tpu.yield
      }) : () -> ()
    } else {
    }
    %and3A_2405 = arith.constant 16 : i32
    %and3A_2406 = arith.andi %squeeze3A_2345, %and3A_2405 : i32
    %add3A_2407 = arith.addi %add3A_2397, %and3A_2406 : i32
    %and3A_2408 = arith.constant 8 : i32
    %and3A_2409 = arith.andi %squeeze3A_2345, %and3A_2408 : i32
    %ne3A_2410 = arith.constant 0 : i32
    %ne3A_2411 = arith.cmpi ne, %and3A_2409, %ne3A_2410 : i32
    %convert_element_type3A_2412 = arith.extui %ne3A_2411 : i1 to i32
    %cond3A_2413 = arith.constant 0 : i32
    %cond3A_2414 = arith.cmpi ne, %convert_element_type3A_2412, %cond3A_2413 : i32
    scf.if %cond3A_2414 {
      %multiple_of3A_2426 = tpu.assume_multiple %add3A_2407, 8 : i32
      %add3A_2427 = arith.addi %squeeze3A_2347, %multiple_of3A_2426 : i32
      %multiple_of3A_2428 = tpu.assume_multiple %add3A_2427, 8 : i32
      "tpu.region"() ({
        %run_scoped3A = tpu.sem_alloc : memref<!tpu.dma_semaphore, #tpu.memory_space<semaphore_mem>>
        %dma_start3A = tpu.memref_slice %arg21[%multiple_of3A_2426] : memref<768xf32, #tpu.memory_space<vmem>> -> memref<8xf32, #tpu.memory_space<vmem>>
        %dma_start3A_2429 = tpu.memref_slice %arg8[%multiple_of3A_2428] : memref<7168xf32, #tpu.memory_space<hbm>> -> memref<8xf32, #tpu.memory_space<hbm>>
        %dma_start3A_2430 = tpu.memref_slice %arg8[%multiple_of3A_2428] : memref<7168xf32, #tpu.memory_space<hbm>> -> memref<8xf32, #tpu.memory_space<hbm>>
        %dma_start3A_2431 = tpu.memref_slice %arg21[%multiple_of3A_2426] : memref<768xf32, #tpu.memory_space<vmem>> -> memref<8xf32, #tpu.memory_space<vmem>>
        tpu.enqueue_dma source(%dma_start3A_2431 : memref<8xf32, #tpu.memory_space<vmem>>) target(%dma_start3A_2430 : memref<8xf32, #tpu.memory_space<hbm>>) target_semaphore(%run_scoped3A : memref<!tpu.dma_semaphore, #tpu.memory_space<semaphore_mem>>)
        %dma_wait3A = tpu.memref_slice %arg21[%multiple_of3A_2426] : memref<768xf32, #tpu.memory_space<vmem>> -> memref<8xf32, #tpu.memory_space<vmem>>
        %dma_wait3A_2432 = tpu.memref_slice %arg8[%multiple_of3A_2428] : memref<7168xf32, #tpu.memory_space<hbm>> -> memref<8xf32, #tpu.memory_space<hbm>>
        %dma_wait3A_2433 = tpu.memref_slice %arg8[%multiple_of3A_2428] : memref<7168xf32, #tpu.memory_space<hbm>> -> memref<8xf32, #tpu.memory_space<hbm>>
        %dma_wait3A_2434 = tpu.memref_slice %arg21[%multiple_of3A_2426] : memref<768xf32, #tpu.memory_space<vmem>> -> memref<8xf32, #tpu.memory_space<vmem>>
        tpu.wait_dma2 semaphore(%run_scoped3A : memref<!tpu.dma_semaphore, #tpu.memory_space<semaphore_mem>>) src(%dma_wait3A_2434 : memref<8xf32, #tpu.memory_space<vmem>>) dst(%dma_wait3A_2433 : memref<8xf32, #tpu.memory_space<hbm>>)
        tpu.yield
      }) : () -> ()
      "tpu.region"() ({
        %run_scoped3A = tpu.sem_alloc : memref<!tpu.dma_semaphore, #tpu.memory_space<semaphore_mem>>
        %dma_start3A = tpu.memref_slice %arg22[%multiple_of3A_2426] : memref<768xf32, #tpu.memory_space<vmem>> -> memref<8xf32, #tpu.memory_space<vmem>>
        %dma_start3A_2429 = tpu.memref_slice %arg9[%multiple_of3A_2428] : memref<7168xf32, #tpu.memory_space<hbm>> -> memref<8xf32, #tpu.memory_space<hbm>>
        %dma_start3A_2430 = tpu.memref_slice %arg9[%multiple_of3A_2428] : memref<7168xf32, #tpu.memory_space<hbm>> -> memref<8xf32, #tpu.memory_space<hbm>>
        %dma_start3A_2431 = tpu.memref_slice %arg22[%multiple_of3A_2426] : memref<768xf32, #tpu.memory_space<vmem>> -> memref<8xf32, #tpu.memory_space<vmem>>
        tpu.enqueue_dma source(%dma_start3A_2431 : memref<8xf32, #tpu.memory_space<vmem>>) target(%dma_start3A_2430 : memref<8xf32, #tpu.memory_space<hbm>>) target_semaphore(%run_scoped3A : memref<!tpu.dma_semaphore, #tpu.memory_space<semaphore_mem>>)
        %dma_wait3A = tpu.memref_slice %arg22[%multiple_of3A_2426] : memref<768xf32, #tpu.memory_space<vmem>> -> memref<8xf32, #tpu.memory_space<vmem>>
        %dma_wait3A_2432 = tpu.memref_slice %arg9[%multiple_of3A_2428] : memref<7168xf32, #tpu.memory_space<hbm>> -> memref<8xf32, #tpu.memory_space<hbm>>
        %dma_wait3A_2433 = tpu.memref_slice %arg9[%multiple_of3A_2428] : memref<7168xf32, #tpu.memory_space<hbm>> -> memref<8xf32, #tpu.memory_space<hbm>>
        %dma_wait3A_2434 = tpu.memref_slice %arg22[%multiple_of3A_2426] : memref<768xf32, #tpu.memory_space<vmem>> -> memref<8xf32, #tpu.memory_space<vmem>>
        tpu.wait_dma2 semaphore(%run_scoped3A : memref<!tpu.dma_semaphore, #tpu.memory_space<semaphore_mem>>) src(%dma_wait3A_2434 : memref<8xf32, #tpu.memory_space<vmem>>) dst(%dma_wait3A_2433 : memref<8xf32, #tpu.memory_space<hbm>>)
        tpu.yield
      }) : () -> ()
      "tpu.region"() ({
        %run_scoped3A = tpu.sem_alloc : memref<!tpu.dma_semaphore, #tpu.memory_space<semaphore_mem>>
        %dma_start3A = tpu.memref_slice %arg23[%multiple_of3A_2426] : memref<768xf32, #tpu.memory_space<vmem>> -> memref<8xf32, #tpu.memory_space<vmem>>
        %dma_start3A_2429 = tpu.memref_slice %arg10[%multiple_of3A_2428] : memref<7168xf32, #tpu.memory_space<hbm>> -> memref<8xf32, #tpu.memory_space<hbm>>
        %dma_start3A_2430 = tpu.memref_slice %arg10[%multiple_of3A_2428] : memref<7168xf32, #tpu.memory_space<hbm>> -> memref<8xf32, #tpu.memory_space<hbm>>
        %dma_start3A_2431 = tpu.memref_slice %arg23[%multiple_of3A_2426] : memref<768xf32, #tpu.memory_space<vmem>> -> memref<8xf32, #tpu.memory_space<vmem>>
        tpu.enqueue_dma source(%dma_start3A_2431 : memref<8xf32, #tpu.memory_space<vmem>>) target(%dma_start3A_2430 : memref<8xf32, #tpu.memory_space<hbm>>) target_semaphore(%run_scoped3A : memref<!tpu.dma_semaphore, #tpu.memory_space<semaphore_mem>>)
        %dma_wait3A = tpu.memref_slice %arg23[%multiple_of3A_2426] : memref<768xf32, #tpu.memory_space<vmem>> -> memref<8xf32, #tpu.memory_space<vmem>>
        %dma_wait3A_2432 = tpu.memref_slice %arg10[%multiple_of3A_2428] : memref<7168xf32, #tpu.memory_space<hbm>> -> memref<8xf32, #tpu.memory_space<hbm>>
        %dma_wait3A_2433 = tpu.memref_slice %arg10[%multiple_of3A_2428] : memref<7168xf32, #tpu.memory_space<hbm>> -> memref<8xf32, #tpu.memory_space<hbm>>
        %dma_wait3A_2434 = tpu.memref_slice %arg23[%multiple_of3A_2426] : memref<768xf32, #tpu.memory_space<vmem>> -> memref<8xf32, #tpu.memory_space<vmem>>
        tpu.wait_dma2 semaphore(%run_scoped3A : memref<!tpu.dma_semaphore, #tpu.memory_space<semaphore_mem>>) src(%dma_wait3A_2434 : memref<8xf32, #tpu.memory_space<vmem>>) dst(%dma_wait3A_2433 : memref<8xf32, #tpu.memory_space<hbm>>)
        tpu.yield
      }) : () -> ()
      "tpu.region"() ({
        %run_scoped3A = tpu.sem_alloc : memref<!tpu.dma_semaphore, #tpu.memory_space<semaphore_mem>>
        %dma_start3A = tpu.memref_slice %arg24[%multiple_of3A_2426] : memref<768xf32, #tpu.memory_space<vmem>> -> memref<8xf32, #tpu.memory_space<vmem>>
        %dma_start3A_2429 = tpu.memref_slice %arg11[%multiple_of3A_2428] : memref<7168xf32, #tpu.memory_space<hbm>> -> memref<8xf32, #tpu.memory_space<hbm>>
        %dma_start3A_2430 = tpu.memref_slice %arg11[%multiple_of3A_2428] : memref<7168xf32, #tpu.memory_space<hbm>> -> memref<8xf32, #tpu.memory_space<hbm>>
        %dma_start3A_2431 = tpu.memref_slice %arg24[%multiple_of3A_2426] : memref<768xf32, #tpu.memory_space<vmem>> -> memref<8xf32, #tpu.memory_space<vmem>>
        tpu.enqueue_dma source(%dma_start3A_2431 : memref<8xf32, #tpu.memory_space<vmem>>) target(%dma_start3A_2430 : memref<8xf32, #tpu.memory_space<hbm>>) target_semaphore(%run_scoped3A : memref<!tpu.dma_semaphore, #tpu.memory_space<semaphore_mem>>)
        %dma_wait3A = tpu.memref_slice %arg24[%multiple_of3A_2426] : memref<768xf32, #tpu.memory_space<vmem>> -> memref<8xf32, #tpu.memory_space<vmem>>
        %dma_wait3A_2432 = tpu.memref_slice %arg11[%multiple_of3A_2428] : memref<7168xf32, #tpu.memory_space<hbm>> -> memref<8xf32, #tpu.memory_space<hbm>>
        %dma_wait3A_2433 = tpu.memref_slice %arg11[%multiple_of3A_2428] : memref<7168xf32, #tpu.memory_space<hbm>> -> memref<8xf32, #tpu.memory_space<hbm>>
        %dma_wait3A_2434 = tpu.memref_slice %arg24[%multiple_of3A_2426] : memref<768xf32, #tpu.memory_space<vmem>> -> memref<8xf32, #tpu.memory_space<vmem>>
        tpu.wait_dma2 semaphore(%run_scoped3A : memref<!tpu.dma_semaphore, #tpu.memory_space<semaphore_mem>>) src(%dma_wait3A_2434 : memref<8xf32, #tpu.memory_space<vmem>>) dst(%dma_wait3A_2433 : memref<8xf32, #tpu.memory_space<hbm>>)
        tpu.yield
      }) : () -> ()
      "tpu.region"() ({
        %run_scoped3A = tpu.sem_alloc : memref<!tpu.dma_semaphore, #tpu.memory_space<semaphore_mem>>
        %dma_start3A = tpu.memref_slice %arg25[%multiple_of3A_2426] : memref<768xf32, #tpu.memory_space<vmem>> -> memref<8xf32, #tpu.memory_space<vmem>>
        %dma_start3A_2429 = tpu.memref_slice %arg12[%multiple_of3A_2428] : memref<7168xf32, #tpu.memory_space<hbm>> -> memref<8xf32, #tpu.memory_space<hbm>>
        %dma_start3A_2430 = tpu.memref_slice %arg12[%multiple_of3A_2428] : memref<7168xf32, #tpu.memory_space<hbm>> -> memref<8xf32, #tpu.memory_space<hbm>>
        %dma_start3A_2431 = tpu.memref_slice %arg25[%multiple_of3A_2426] : memref<768xf32, #tpu.memory_space<vmem>> -> memref<8xf32, #tpu.memory_space<vmem>>
        tpu.enqueue_dma source(%dma_start3A_2431 : memref<8xf32, #tpu.memory_space<vmem>>) target(%dma_start3A_2430 : memref<8xf32, #tpu.memory_space<hbm>>) target_semaphore(%run_scoped3A : memref<!tpu.dma_semaphore, #tpu.memory_space<semaphore_mem>>)
        %dma_wait3A = tpu.memref_slice %arg25[%multiple_of3A_2426] : memref<768xf32, #tpu.memory_space<vmem>> -> memref<8xf32, #tpu.memory_space<vmem>>
        %dma_wait3A_2432 = tpu.memref_slice %arg12[%multiple_of3A_2428] : memref<7168xf32, #tpu.memory_space<hbm>> -> memref<8xf32, #tpu.memory_space<hbm>>
        %dma_wait3A_2433 = tpu.memref_slice %arg12[%multiple_of3A_2428] : memref<7168xf32, #tpu.memory_space<hbm>> -> memref<8xf32, #tpu.memory_space<hbm>>
        %dma_wait3A_2434 = tpu.memref_slice %arg25[%multiple_of3A_2426] : memref<768xf32, #tpu.memory_space<vmem>> -> memref<8xf32, #tpu.memory_space<vmem>>
        tpu.wait_dma2 semaphore(%run_scoped3A : memref<!tpu.dma_semaphore, #tpu.memory_space<semaphore_mem>>) src(%dma_wait3A_2434 : memref<8xf32, #tpu.memory_space<vmem>>) dst(%dma_wait3A_2433 : memref<8xf32, #tpu.memory_space<hbm>>)
        tpu.yield
      }) : () -> ()
      "tpu.region"() ({
        %run_scoped3A = tpu.sem_alloc : memref<!tpu.dma_semaphore, #tpu.memory_space<semaphore_mem>>
        %dma_start3A = tpu.memref_slice %arg26[%multiple_of3A_2426] : memref<768xf32, #tpu.memory_space<vmem>> -> memref<8xf32, #tpu.memory_space<vmem>>
        %dma_start3A_2429 = tpu.memref_slice %arg13[%multiple_of3A_2428] : memref<7168xf32, #tpu.memory_space<hbm>> -> memref<8xf32, #tpu.memory_space<hbm>>
        %dma_start3A_2430 = tpu.memref_slice %arg13[%multiple_of3A_2428] : memref<7168xf32, #tpu.memory_space<hbm>> -> memref<8xf32, #tpu.memory_space<hbm>>
        %dma_start3A_2431 = tpu.memref_slice %arg26[%multiple_of3A_2426] : memref<768xf32, #tpu.memory_space<vmem>> -> memref<8xf32, #tpu.memory_space<vmem>>
        tpu.enqueue_dma source(%dma_start3A_2431 : memref<8xf32, #tpu.memory_space<vmem>>) target(%dma_start3A_2430 : memref<8xf32, #tpu.memory_space<hbm>>) target_semaphore(%run_scoped3A : memref<!tpu.dma_semaphore, #tpu.memory_space<semaphore_mem>>)
        %dma_wait3A = tpu.memref_slice %arg26[%multiple_of3A_2426] : memref<768xf32, #tpu.memory_space<vmem>> -> memref<8xf32, #tpu.memory_space<vmem>>
        %dma_wait3A_2432 = tpu.memref_slice %arg13[%multiple_of3A_2428] : memref<7168xf32, #tpu.memory_space<hbm>> -> memref<8xf32, #tpu.memory_space<hbm>>
        %dma_wait3A_2433 = tpu.memref_slice %arg13[%multiple_of3A_2428] : memref<7168xf32, #tpu.memory_space<hbm>> -> memref<8xf32, #tpu.memory_space<hbm>>
        %dma_wait3A_2434 = tpu.memref_slice %arg26[%multiple_of3A_2426] : memref<768xf32, #tpu.memory_space<vmem>> -> memref<8xf32, #tpu.memory_space<vmem>>
        tpu.wait_dma2 semaphore(%run_scoped3A : memref<!tpu.dma_semaphore, #tpu.memory_space<semaphore_mem>>) src(%dma_wait3A_2434 : memref<8xf32, #tpu.memory_space<vmem>>) dst(%dma_wait3A_2433 : memref<8xf32, #tpu.memory_space<hbm>>)
        tpu.yield
      }) : () -> ()
    } else {
    }
    %and3A_2415 = arith.constant 8 : i32
    %and3A_2416 = arith.andi %squeeze3A_2345, %and3A_2415 : i32
    %add3A_2417 = arith.addi %add3A_2407, %and3A_2416 : i32
    %eq3A_2418 = arith.constant 0 : i32
    %eq3A_2419 = arith.cmpi eq, %arg0, %eq3A_2418 : i32
    %eq3A_2420 = arith.constant 0 : i32
    %eq3A_2421 = arith.cmpi eq, %arg1, %eq3A_2420 : i32
    %and3A_2422 = arith.andi %eq3A_2419, %eq3A_2421 : i1
    %convert_element_type3A_2423 = arith.extui %and3A_2422 : i1 to i32
    %cond3A_2424 = arith.constant 0 : i32
    %cond3A_2425 = arith.cmpi ne, %convert_element_type3A_2423, %cond3A_2424 : i32
    scf.if %cond3A_2425 {
      %convert_element_type3A_2426 = arith.sitofp %add3A_2107 : vector<16xi32> to vector<16xf32>
      %swap3A_2427 = arith.constant 0 : index
      %swap3A_2428 = tpu.vector_load %arg29[%swap3A_2427] {strides = array<i32>} : memref<16xf32, #tpu.memory_space<vmem>>, vector<16xf32>,
      %swap3A_2429 = vector.shape_cast %swap3A_2428 : vector<16xf32> to vector<16xf32>
      %swap3A_2430 = vector.shape_cast %convert_element_type3A_2426 : vector<16xf32> to vector<16xf32>
      tpu.vector_store %arg29[%swap3A_2427], %swap3A_2430 {strides = array<i32>} : memref<16xf32, #tpu.memory_space<vmem>>, vector<16xf32>,
      "tpu.region"() ({
        %run_scoped3A = tpu.sem_alloc : memref<!tpu.dma_semaphore, #tpu.memory_space<semaphore_mem>>
        %dma_start3A = arith.constant 0 : i32
        %dma_start3A_2431 = tpu.memref_slice %arg14[%dma_start3A] : memref<1024xf32, #tpu.memory_space<hbm>> -> memref<16xf32, #tpu.memory_space<hbm>>
        %dma_start3A_2432 = arith.constant 0 : i32
        %dma_start3A_2433 = tpu.memref_slice %arg14[%dma_start3A_2432] : memref<1024xf32, #tpu.memory_space<hbm>> -> memref<16xf32, #tpu.memory_space<hbm>>
        tpu.enqueue_dma source(%arg29 : memref<16xf32, #tpu.memory_space<vmem>>) target(%dma_start3A_2433 : memref<16xf32, #tpu.memory_space<hbm>>) target_semaphore(%run_scoped3A : memref<!tpu.dma_semaphore, #tpu.memory_space<semaphore_mem>>)
        %dma_wait3A = arith.constant 0 : i32
        %dma_wait3A_2434 = tpu.memref_slice %arg14[%dma_wait3A] : memref<1024xf32, #tpu.memory_space<hbm>> -> memref<16xf32, #tpu.memory_space<hbm>>
        %dma_wait3A_2435 = arith.constant 0 : i32
        %dma_wait3A_2436 = tpu.memref_slice %arg14[%dma_wait3A_2435] : memref<1024xf32, #tpu.memory_space<hbm>> -> memref<16xf32, #tpu.memory_space<hbm>>
        tpu.wait_dma2 semaphore(%run_scoped3A : memref<!tpu.dma_semaphore, #tpu.memory_space<semaphore_mem>>) src(%arg29 : memref<16xf32, #tpu.memory_space<vmem>>) dst(%dma_wait3A_2436 : memref<16xf32, #tpu.memory_space<hbm>>)
        tpu.yield
      }) : () -> ()
    } else {
    }
    return
  }
}

module attributes {stable_mosaic.version = 14 : i64} {
  func.func @_decode_body(%arg0: memref<176x128xf32, #tpu.memory_space<vmem>>, %arg1: memref<176x128xf32, #tpu.memory_space<vmem>>, %arg2: memref<176x128xf32, #tpu.memory_space<vmem>>, %arg3: memref<176x128xf32, #tpu.memory_space<vmem>>, %arg4: memref<176x128xf32, #tpu.memory_space<vmem>>, %arg5: memref<176x128xf32, #tpu.memory_space<vmem>>, %arg6: memref<176x128xf32, #tpu.memory_space<vmem>>, %arg7: memref<176x128xf32, #tpu.memory_space<vmem>>, %arg8: memref<176x128xf32, #tpu.memory_space<vmem>>, %arg9: memref<176x128xf32, #tpu.memory_space<vmem>>, %arg10: memref<176x128xf32, #tpu.memory_space<vmem>>, %arg11: memref<176x128xf32, #tpu.memory_space<vmem>>, %arg12: memref<176x128xf32, #tpu.memory_space<vmem>>, %arg13: memref<176x128xf32, #tpu.memory_space<vmem>>, %arg14: memref<176x128xf32, #tpu.memory_space<vmem>>, %arg15: memref<8x128xf32, #tpu.memory_space<vmem>>) attributes {dimension_semantics = [], scalar_prefetch = 0 : i64, scratch_operands = 0 : i64, tpu.core_type = #tpu.core_type<tc>} {
    %get3A = arith.constant 0 : index
    %get3A_0 = arith.constant 0 : index
    %get3A_1 = vector.load %arg0[%get3A, %get3A_0] : memref<176x128xf32, #tpu.memory_space<vmem>>, vector<176x128xf32>
    %get3A_2 = arith.constant 0 : index
    %get3A_3 = arith.constant 0 : index
    %get3A_4 = vector.load %arg1[%get3A_2, %get3A_3] : memref<176x128xf32, #tpu.memory_space<vmem>>, vector<176x128xf32>
    %get3A_5 = arith.constant 0 : index
    %get3A_6 = arith.constant 0 : index
    %get3A_7 = vector.load %arg6[%get3A_5, %get3A_6] : memref<176x128xf32, #tpu.memory_space<vmem>>, vector<176x128xf32>
    %get3A_8 = arith.constant 0 : index
    %get3A_9 = arith.constant 0 : index
    %get3A_10 = vector.load %arg7[%get3A_8, %get3A_9] : memref<176x128xf32, #tpu.memory_space<vmem>>, vector<176x128xf32>
    %max3A = arith.maximumf %get3A_1, %get3A_4 : vector<176x128xf32>
    %sub3A = arith.subf %get3A_1, %max3A : vector<176x128xf32>
    %exp3A = math.exp %sub3A : vector<176x128xf32>
    %sub3A_11 = arith.subf %get3A_4, %max3A : vector<176x128xf32>
    %exp3A_12 = math.exp %sub3A_11 : vector<176x128xf32>
    %add3A = arith.addf %exp3A_12, %exp3A : vector<176x128xf32>
    %div3A = arith.divf %exp3A, %add3A : vector<176x128xf32>
    %get3A_13 = arith.constant 0 : index
    %get3A_14 = arith.constant 0 : index
    %get3A_15 = vector.load %arg2[%get3A_13, %get3A_14] : memref<176x128xf32, #tpu.memory_space<vmem>>, vector<176x128xf32>
    %mul3A = arith.mulf %get3A_15, %get3A_7 : vector<176x128xf32>
    %get3A_16 = arith.constant 0 : index
    %get3A_17 = arith.constant 0 : index
    %get3A_18 = vector.load %arg8[%get3A_16, %get3A_17] : memref<176x128xf32, #tpu.memory_space<vmem>>, vector<176x128xf32>
    %add3A_19 = arith.addf %mul3A, %get3A_18 : vector<176x128xf32>
    %get3A_20 = arith.constant 0 : index
    %get3A_21 = arith.constant 0 : index
    %get3A_22 = vector.load %arg3[%get3A_20, %get3A_21] : memref<176x128xf32, #tpu.memory_space<vmem>>, vector<176x128xf32>
    %mul3A_23 = arith.mulf %get3A_22, %get3A_10 : vector<176x128xf32>
    %get3A_24 = arith.constant 0 : index
    %get3A_25 = arith.constant 0 : index
    %get3A_26 = vector.load %arg9[%get3A_24, %get3A_25] : memref<176x128xf32, #tpu.memory_space<vmem>>, vector<176x128xf32>
    %add3A_27 = arith.addf %mul3A_23, %get3A_26 : vector<176x128xf32>
    %get3A_28 = arith.constant 0 : index
    %get3A_29 = arith.constant 0 : index
    %get3A_30 = vector.load %arg4[%get3A_28, %get3A_29] : memref<176x128xf32, #tpu.memory_space<vmem>>, vector<176x128xf32>
    %exp3A_31 = math.exp %get3A_30 : vector<176x128xf32>
    %mul3A_32 = arith.mulf %exp3A_31, %get3A_7 : vector<176x128xf32>
    %get3A_33 = arith.constant 0 : index
    %get3A_34 = arith.constant 0 : index
    %get3A_35 = vector.load %arg5[%get3A_33, %get3A_34] : memref<176x128xf32, #tpu.memory_space<vmem>>, vector<176x128xf32>
    %exp3A_36 = math.exp %get3A_35 : vector<176x128xf32>
    %mul3A_37 = arith.mulf %exp3A_36, %get3A_10 : vector<176x128xf32>
    %mul3A_38 = arith.constant 5.000000e-01 : f32
    %mul3A_39 = vector.broadcast %mul3A_38 : f32 to vector<176x128xf32>
    %mul3A_40 = arith.mulf %mul3A_39, %mul3A_32 : vector<176x128xf32>
    %sub3A_41 = arith.subf %add3A_19, %mul3A_40 : vector<176x128xf32>
    %jit3A = arith.constant 0.000000e+00 : f32
    %jit3A_42 = arith.constant 7.990000e+02 : f32
    %max3A_43 = vector.broadcast %jit3A : f32 to vector<176x128xf32>
    %max3A_44 = arith.maximumf %max3A_43, %sub3A_41 : vector<176x128xf32>
    %min3A = vector.broadcast %jit3A_42 : f32 to vector<176x128xf32>
    %min3A_45 = arith.minimumf %min3A, %max3A_44 : vector<176x128xf32>
    %mul3A_46 = arith.constant 5.000000e-01 : f32
    %mul3A_47 = vector.broadcast %mul3A_46 : f32 to vector<176x128xf32>
    %mul3A_48 = arith.mulf %mul3A_47, %mul3A_37 : vector<176x128xf32>
    %sub3A_49 = arith.subf %add3A_27, %mul3A_48 : vector<176x128xf32>
    %jit3A_50 = arith.constant 0.000000e+00 : f32
    %jit3A_51 = arith.constant 7.990000e+02 : f32
    %max3A_52 = vector.broadcast %jit3A_50 : f32 to vector<176x128xf32>
    %max3A_53 = arith.maximumf %max3A_52, %sub3A_49 : vector<176x128xf32>
    %min3A_54 = vector.broadcast %jit3A_51 : f32 to vector<176x128xf32>
    %min3A_55 = arith.minimumf %min3A_54, %max3A_53 : vector<176x128xf32>
    %mul3A_56 = arith.constant 5.000000e-01 : f32
    %mul3A_57 = vector.broadcast %mul3A_56 : f32 to vector<176x128xf32>
    %mul3A_58 = arith.mulf %mul3A_57, %mul3A_32 : vector<176x128xf32>
    %add3A_59 = arith.addf %add3A_19, %mul3A_58 : vector<176x128xf32>
    %jit3A_60 = arith.constant 0.000000e+00 : f32
    %jit3A_61 = arith.constant 7.990000e+02 : f32
    %max3A_62 = vector.broadcast %jit3A_60 : f32 to vector<176x128xf32>
    %max3A_63 = arith.maximumf %max3A_62, %add3A_59 : vector<176x128xf32>
    %min3A_64 = vector.broadcast %jit3A_61 : f32 to vector<176x128xf32>
    %min3A_65 = arith.minimumf %min3A_64, %max3A_63 : vector<176x128xf32>
    %mul3A_66 = arith.constant 5.000000e-01 : f32
    %mul3A_67 = vector.broadcast %mul3A_66 : f32 to vector<176x128xf32>
    %mul3A_68 = arith.mulf %mul3A_67, %mul3A_37 : vector<176x128xf32>
    %add3A_69 = arith.addf %add3A_27, %mul3A_68 : vector<176x128xf32>
    %jit3A_70 = arith.constant 0.000000e+00 : f32
    %jit3A_71 = arith.constant 7.990000e+02 : f32
    %max3A_72 = vector.broadcast %jit3A_70 : f32 to vector<176x128xf32>
    %max3A_73 = arith.maximumf %max3A_72, %add3A_69 : vector<176x128xf32>
    %min3A_74 = vector.broadcast %jit3A_71 : f32 to vector<176x128xf32>
    %min3A_75 = arith.minimumf %min3A_74, %max3A_73 : vector<176x128xf32>
    %sub3A_76 = arith.subf %min3A_65, %min3A_45 : vector<176x128xf32>
    %add3A_77 = arith.constant 1.000000e+00 : f32
    %add3A_78 = vector.broadcast %add3A_77 : f32 to vector<176x128xf32>
    %add3A_79 = arith.addf %sub3A_76, %add3A_78 : vector<176x128xf32>
    %sub3A_80 = arith.subf %min3A_75, %min3A_55 : vector<176x128xf32>
    %add3A_81 = arith.constant 1.000000e+00 : f32
    %add3A_82 = vector.broadcast %add3A_81 : f32 to vector<176x128xf32>
    %add3A_83 = arith.addf %sub3A_80, %add3A_82 : vector<176x128xf32>
    %ge3A = arith.constant 1.600000e+01 : f32
    %ge3A_84 = vector.broadcast %ge3A : f32 to vector<176x128xf32>
    %ge3A_85 = arith.cmpf oge, %add3A_79, %ge3A_84 : vector<176x128xf32>
    %ge3A_86 = arith.constant 1.600000e+01 : f32
    %ge3A_87 = vector.broadcast %ge3A_86 : f32 to vector<176x128xf32>
    %ge3A_88 = arith.cmpf oge, %add3A_83, %ge3A_87 : vector<176x128xf32>
    %and3A = arith.andi %ge3A_85, %ge3A_88 : vector<176x128xi1>
    %jit3A_89 = arith.constant -1.000000e+09 : f32
    %broadcast_in_dim3A = vector.broadcast %jit3A_89 : f32 to vector<176x128xf32>
    %select_n3A = arith.select %and3A, %div3A, %broadcast_in_dim3A : vector<176x128xi1>, vector<176x128xf32>
    %iota3A = tpu.iota {dimensions = array<i32: 0>} : vector<176x128xi32>
    %iota3A_90 = tpu.iota {dimensions = array<i32: 1>} : vector<176x128xi32>
    %mul3A_91 = arith.constant 128 : i32
    %mul3A_92 = vector.broadcast %mul3A_91 : i32 to vector<176x128xi32>
    %mul3A_93 = arith.muli %iota3A, %mul3A_92 : vector<176x128xi32>
    %add3A_94 = arith.addi %mul3A_93, %iota3A_90 : vector<176x128xi32>
    %lt3A = arith.constant 22500 : i32
    %lt3A_95 = vector.broadcast %lt3A : i32 to vector<176x128xi32>
    %lt3A_96 = arith.cmpi slt, %add3A_94, %lt3A_95 : vector<176x128xi32>
    %jit3A_97 = arith.constant -2.000000e+09 : f32
    %broadcast_in_dim3A_98 = vector.broadcast %jit3A_97 : f32 to vector<176x128xf32>
    %select_n3A_99 = arith.select %lt3A_96, %select_n3A, %broadcast_in_dim3A_98 : vector<176x128xi1>, vector<176x128xf32>
    %bitcast_convert_type3A = tpu.bitcast %select_n3A_99 : vector<176x128xf32> -> vector<176x128xi32>
    %shift_right_arithmetic3A = arith.constant 31 : i32
    %shift_right_arithmetic3A_100 = vector.broadcast %shift_right_arithmetic3A : i32 to vector<176x128xi32>
    %shift_right_arithmetic3A_101 = arith.shrsi %bitcast_convert_type3A, %shift_right_arithmetic3A_100 : vector<176x128xi32>
    %and3A_102 = arith.constant 2147483647 : i32
    %and3A_103 = vector.broadcast %and3A_102 : i32 to vector<176x128xi32>
    %and3A_104 = arith.andi %shift_right_arithmetic3A_101, %and3A_103 : vector<176x128xi32>
    %xor3A = arith.xori %bitcast_convert_type3A, %and3A_104 : vector<176x128xi32>
    %broadcast_in_dim3A_105 = arith.constant -2147483648 : i32
    %broadcast_in_dim3A_106 = vector.broadcast %broadcast_in_dim3A_105 : i32 to vector<1x1xi32>
    %broadcast_in_dim3A_107 = arith.constant 2147483647 : i32
    %broadcast_in_dim3A_108 = vector.broadcast %broadcast_in_dim3A_107 : i32 to vector<1x1xi32>
    %scan3A = arith.constant 0 : i32
    %scan3A_109 = arith.constant 32 : i32
    %scan3A_110 = arith.addi %scan3A, %scan3A_109 : i32
    %scan3A_111 = arith.constant 1 : i32
    %scan3A_112:2 = scf.for %scan3A_140 = %scan3A to %scan3A_110 step %scan3A_111 iter_args(%scan3A_141 = %broadcast_in_dim3A_106, %scan3A_142 = %broadcast_in_dim3A_108) -> (vector<1x1xi32>, vector<1x1xi32>)  : i32 {
      %shift_right_arithmetic3A_143 = arith.constant 1 : i32
      %shift_right_arithmetic3A_144 = vector.broadcast %shift_right_arithmetic3A_143 : i32 to vector<1x1xi32>
      %shift_right_arithmetic3A_145 = arith.shrsi %scan3A_141, %shift_right_arithmetic3A_144 : vector<1x1xi32>
      %shift_right_arithmetic3A_146 = arith.constant 1 : i32
      %shift_right_arithmetic3A_147 = vector.broadcast %shift_right_arithmetic3A_146 : i32 to vector<1x1xi32>
      %shift_right_arithmetic3A_148 = arith.shrsi %scan3A_142, %shift_right_arithmetic3A_147 : vector<1x1xi32>
      %add3A_149 = arith.addi %shift_right_arithmetic3A_145, %shift_right_arithmetic3A_148 : vector<1x1xi32>
      %or3A = arith.ori %scan3A_141, %scan3A_142 : vector<1x1xi32>
      %and3A_150 = arith.constant 1 : i32
      %and3A_151 = vector.broadcast %and3A_150 : i32 to vector<1x1xi32>
      %and3A_152 = arith.andi %or3A, %and3A_151 : vector<1x1xi32>
      %add3A_153 = arith.addi %add3A_149, %and3A_152 : vector<1x1xi32>
      %ge3A_154 = vector.broadcast %add3A_153 : vector<1x1xi32> to vector<176x128xi32>
      %ge3A_155 = arith.cmpi sge, %xor3A, %ge3A_154 : vector<176x128xi32>
      %convert_element_type3A = arith.extui %ge3A_155 : vector<176x128xi1> to vector<176x128xi32>
      %slice3A = vector.extract_strided_slice %convert_element_type3A {offsets = [0, 0], sizes = [8, 128], strides = [1, 1]} : vector<176x128xi32> to vector<8x128xi32>
      %slice3A_156 = vector.extract_strided_slice %convert_element_type3A {offsets = [8, 0], sizes = [8, 128], strides = [1, 1]} : vector<176x128xi32> to vector<8x128xi32>
      %slice3A_157 = vector.extract_strided_slice %convert_element_type3A {offsets = [16, 0], sizes = [8, 128], strides = [1, 1]} : vector<176x128xi32> to vector<8x128xi32>
      %slice3A_158 = vector.extract_strided_slice %convert_element_type3A {offsets = [24, 0], sizes = [8, 128], strides = [1, 1]} : vector<176x128xi32> to vector<8x128xi32>
      %slice3A_159 = vector.extract_strided_slice %convert_element_type3A {offsets = [32, 0], sizes = [8, 128], strides = [1, 1]} : vector<176x128xi32> to vector<8x128xi32>
      %slice3A_160 = vector.extract_strided_slice %convert_element_type3A {offsets = [40, 0], sizes = [8, 128], strides = [1, 1]} : vector<176x128xi32> to vector<8x128xi32>
      %slice3A_161 = vector.extract_strided_slice %convert_element_type3A {offsets = [48, 0], sizes = [8, 128], strides = [1, 1]} : vector<176x128xi32> to vector<8x128xi32>
      %slice3A_162 = vector.extract_strided_slice %convert_element_type3A {offsets = [56, 0], sizes = [8, 128], strides = [1, 1]} : vector<176x128xi32> to vector<8x128xi32>
      %slice3A_163 = vector.extract_strided_slice %convert_element_type3A {offsets = [64, 0], sizes = [8, 128], strides = [1, 1]} : vector<176x128xi32> to vector<8x128xi32>
      %slice3A_164 = vector.extract_strided_slice %convert_element_type3A {offsets = [72, 0], sizes = [8, 128], strides = [1, 1]} : vector<176x128xi32> to vector<8x128xi32>
      %slice3A_165 = vector.extract_strided_slice %convert_element_type3A {offsets = [80, 0], sizes = [8, 128], strides = [1, 1]} : vector<176x128xi32> to vector<8x128xi32>
      %slice3A_166 = vector.extract_strided_slice %convert_element_type3A {offsets = [88, 0], sizes = [8, 128], strides = [1, 1]} : vector<176x128xi32> to vector<8x128xi32>
      %slice3A_167 = vector.extract_strided_slice %convert_element_type3A {offsets = [96, 0], sizes = [8, 128], strides = [1, 1]} : vector<176x128xi32> to vector<8x128xi32>
      %slice3A_168 = vector.extract_strided_slice %convert_element_type3A {offsets = [104, 0], sizes = [8, 128], strides = [1, 1]} : vector<176x128xi32> to vector<8x128xi32>
      %slice3A_169 = vector.extract_strided_slice %convert_element_type3A {offsets = [112, 0], sizes = [8, 128], strides = [1, 1]} : vector<176x128xi32> to vector<8x128xi32>
      %slice3A_170 = vector.extract_strided_slice %convert_element_type3A {offsets = [120, 0], sizes = [8, 128], strides = [1, 1]} : vector<176x128xi32> to vector<8x128xi32>
      %slice3A_171 = vector.extract_strided_slice %convert_element_type3A {offsets = [128, 0], sizes = [8, 128], strides = [1, 1]} : vector<176x128xi32> to vector<8x128xi32>
      %slice3A_172 = vector.extract_strided_slice %convert_element_type3A {offsets = [136, 0], sizes = [8, 128], strides = [1, 1]} : vector<176x128xi32> to vector<8x128xi32>
      %slice3A_173 = vector.extract_strided_slice %convert_element_type3A {offsets = [144, 0], sizes = [8, 128], strides = [1, 1]} : vector<176x128xi32> to vector<8x128xi32>
      %slice3A_174 = vector.extract_strided_slice %convert_element_type3A {offsets = [152, 0], sizes = [8, 128], strides = [1, 1]} : vector<176x128xi32> to vector<8x128xi32>
      %slice3A_175 = vector.extract_strided_slice %convert_element_type3A {offsets = [160, 0], sizes = [8, 128], strides = [1, 1]} : vector<176x128xi32> to vector<8x128xi32>
      %slice3A_176 = vector.extract_strided_slice %convert_element_type3A {offsets = [168, 0], sizes = [8, 128], strides = [1, 1]} : vector<176x128xi32> to vector<8x128xi32>
      %add3A_177 = arith.addi %slice3A, %slice3A_156 : vector<8x128xi32>
      %add3A_178 = arith.addi %slice3A_157, %slice3A_158 : vector<8x128xi32>
      %add3A_179 = arith.addi %slice3A_159, %slice3A_160 : vector<8x128xi32>
      %add3A_180 = arith.addi %slice3A_161, %slice3A_162 : vector<8x128xi32>
      %add3A_181 = arith.addi %slice3A_163, %slice3A_164 : vector<8x128xi32>
      %add3A_182 = arith.addi %slice3A_165, %slice3A_166 : vector<8x128xi32>
      %add3A_183 = arith.addi %slice3A_167, %slice3A_168 : vector<8x128xi32>
      %add3A_184 = arith.addi %slice3A_169, %slice3A_170 : vector<8x128xi32>
      %add3A_185 = arith.addi %slice3A_171, %slice3A_172 : vector<8x128xi32>
      %add3A_186 = arith.addi %slice3A_173, %slice3A_174 : vector<8x128xi32>
      %add3A_187 = arith.addi %slice3A_175, %slice3A_176 : vector<8x128xi32>
      %add3A_188 = arith.addi %add3A_177, %add3A_178 : vector<8x128xi32>
      %add3A_189 = arith.addi %add3A_179, %add3A_180 : vector<8x128xi32>
      %add3A_190 = arith.addi %add3A_181, %add3A_182 : vector<8x128xi32>
      %add3A_191 = arith.addi %add3A_183, %add3A_184 : vector<8x128xi32>
      %add3A_192 = arith.addi %add3A_185, %add3A_186 : vector<8x128xi32>
      %add3A_193 = arith.addi %add3A_188, %add3A_189 : vector<8x128xi32>
      %add3A_194 = arith.addi %add3A_190, %add3A_191 : vector<8x128xi32>
      %add3A_195 = arith.addi %add3A_192, %add3A_187 : vector<8x128xi32>
      %add3A_196 = arith.addi %add3A_193, %add3A_194 : vector<8x128xi32>
      %add3A_197 = arith.addi %add3A_196, %add3A_195 : vector<8x128xi32>
      %reduce_sum3A = arith.constant dense<0> : vector<128xi32>
      %reduce_sum3A_198 = vector.multi_reduction <add>, %add3A_197, %reduce_sum3A [0] : vector<8x128xi32> to vector<128xi32>
      %broadcast_in_dim3A_199 = vector.shape_cast %reduce_sum3A_198 : vector<128xi32> to vector<1x128xi32>
      %reduce_sum3A_200 = arith.constant dense<0> : vector<1xi32>
      %reduce_sum3A_201 = vector.multi_reduction <add>, %broadcast_in_dim3A_199, %reduce_sum3A_200 [1] : vector<1x128xi32> to vector<1xi32>
      %broadcast_in_dim3A_202 = vector.shape_cast %reduce_sum3A_201 : vector<1xi32> to vector<1x1xi32>
      %ge3A_203 = arith.constant 6000 : i32
      %ge3A_204 = vector.broadcast %ge3A_203 : i32 to vector<1x1xi32>
      %ge3A_205 = arith.cmpi sge, %broadcast_in_dim3A_202, %ge3A_204 : vector<1x1xi32>
      %select_n3A_206 = arith.select %ge3A_205, %add3A_153, %scan3A_141 : vector<1x1xi1>, vector<1x1xi32>
      %sub3A_207 = arith.constant 1 : i32
      %sub3A_208 = vector.broadcast %sub3A_207 : i32 to vector<1x1xi32>
      %sub3A_209 = arith.subi %add3A_153, %sub3A_208 : vector<1x1xi32>
      %select_n3A_210 = arith.select %ge3A_205, %scan3A_142, %sub3A_209 : vector<1x1xi1>, vector<1x1xi32>
      scf.yield %select_n3A_206, %select_n3A_210 : vector<1x1xi32>, vector<1x1xi32>
    }
    %ge3A_113 = arith.constant 0 : i32
    %ge3A_114 = vector.broadcast %ge3A_113 : i32 to vector<1x1xi32>
    %ge3A_115 = arith.cmpi sge, %scan3A_112#0, %ge3A_114 : vector<1x1xi32>
    %xor3A_116 = arith.constant 2147483647 : i32
    %xor3A_117 = vector.broadcast %xor3A_116 : i32 to vector<1x1xi32>
    %xor3A_118 = arith.xori %scan3A_112#0, %xor3A_117 : vector<1x1xi32>
    %select_n3A_119 = arith.select %ge3A_115, %scan3A_112#0, %xor3A_118 : vector<1x1xi1>, vector<1x1xi32>
    %bitcast_convert_type3A_120 = tpu.bitcast %select_n3A_119 : vector<1x1xi32> -> vector<1x1xf32>
    %swap3A = arith.constant 0 : index
    %swap3A_121 = arith.constant 0 : index
    %swap3A_122 = vector.load %arg10[%swap3A, %swap3A_121] : memref<176x128xf32, #tpu.memory_space<vmem>>, vector<176x128xf32>
    tpu.vector_store %arg10[%swap3A, %swap3A_121], %select_n3A_99 {strides = array<i32>} : memref<176x128xf32, #tpu.memory_space<vmem>>, vector<176x128xf32>,
    %swap3A_123 = arith.constant 0 : index
    %swap3A_124 = arith.constant 0 : index
    %swap3A_125 = vector.load %arg11[%swap3A_123, %swap3A_124] : memref<176x128xf32, #tpu.memory_space<vmem>>, vector<176x128xf32>
    tpu.vector_store %arg11[%swap3A_123, %swap3A_124], %min3A_45 {strides = array<i32>} : memref<176x128xf32, #tpu.memory_space<vmem>>, vector<176x128xf32>,
    %swap3A_126 = arith.constant 0 : index
    %swap3A_127 = arith.constant 0 : index
    %swap3A_128 = vector.load %arg12[%swap3A_126, %swap3A_127] : memref<176x128xf32, #tpu.memory_space<vmem>>, vector<176x128xf32>
    tpu.vector_store %arg12[%swap3A_126, %swap3A_127], %min3A_55 {strides = array<i32>} : memref<176x128xf32, #tpu.memory_space<vmem>>, vector<176x128xf32>,
    %swap3A_129 = arith.constant 0 : index
    %swap3A_130 = arith.constant 0 : index
    %swap3A_131 = vector.load %arg13[%swap3A_129, %swap3A_130] : memref<176x128xf32, #tpu.memory_space<vmem>>, vector<176x128xf32>
    tpu.vector_store %arg13[%swap3A_129, %swap3A_130], %min3A_65 {strides = array<i32>} : memref<176x128xf32, #tpu.memory_space<vmem>>, vector<176x128xf32>,
    %swap3A_132 = arith.constant 0 : index
    %swap3A_133 = arith.constant 0 : index
    %swap3A_134 = vector.load %arg14[%swap3A_132, %swap3A_133] : memref<176x128xf32, #tpu.memory_space<vmem>>, vector<176x128xf32>
    tpu.vector_store %arg14[%swap3A_132, %swap3A_133], %min3A_75 {strides = array<i32>} : memref<176x128xf32, #tpu.memory_space<vmem>>, vector<176x128xf32>,
    %broadcast_in_dim3A_135 = vector.shape_cast %bitcast_convert_type3A_120 : vector<1x1xf32> to vector<1x1xf32>
    %broadcast_in_dim3A_136 = vector.broadcast %broadcast_in_dim3A_135 : vector<1x1xf32> to vector<8x128xf32>
    %swap3A_137 = arith.constant 0 : index
    %swap3A_138 = arith.constant 0 : index
    %swap3A_139 = vector.load %arg15[%swap3A_137, %swap3A_138] : memref<8x128xf32, #tpu.memory_space<vmem>>, vector<8x128xf32>
    tpu.vector_store %arg15[%swap3A_137, %swap3A_138], %broadcast_in_dim3A_136 {strides = array<i32>} : memref<8x128xf32, #tpu.memory_space<vmem>>, vector<8x128xf32>,
    return
  }
}

module attributes {stable_mosaic.version = 14 : i64} {
  func.func @_nms_body(%arg0: memref<56x128xf32, #tpu.memory_space<vmem>>, %arg1: memref<56x128xf32, #tpu.memory_space<vmem>>, %arg2: memref<56x128xf32, #tpu.memory_space<vmem>>, %arg3: memref<56x128xf32, #tpu.memory_space<vmem>>, %arg4: memref<56x128xf32, #tpu.memory_space<vmem>>, %arg5: memref<56x128xf32, #tpu.memory_space<vmem>>, %arg6: memref<8x128xf32, #tpu.memory_space<vmem>>, %arg7: memref<304x8xf32, #tpu.memory_space<vmem>>) attributes {dimension_semantics = [], scalar_prefetch = 0 : i64, scratch_operands = 0 : i64, tpu.core_type = #tpu.core_type<tc>} {
    %get3A = arith.constant 0 : index
    %get3A_0 = arith.constant 0 : index
    %get3A_1 = vector.load %arg0[%get3A, %get3A_0] : memref<56x128xf32, #tpu.memory_space<vmem>>, vector<56x128xf32>
    %get3A_2 = arith.constant 0 : index
    %get3A_3 = arith.constant 0 : index
    %get3A_4 = vector.load %arg1[%get3A_2, %get3A_3] : memref<56x128xf32, #tpu.memory_space<vmem>>, vector<56x128xf32>
    %get3A_5 = arith.constant 0 : index
    %get3A_6 = arith.constant 0 : index
    %get3A_7 = vector.load %arg2[%get3A_5, %get3A_6] : memref<56x128xf32, #tpu.memory_space<vmem>>, vector<56x128xf32>
    %get3A_8 = arith.constant 0 : index
    %get3A_9 = arith.constant 0 : index
    %get3A_10 = vector.load %arg3[%get3A_8, %get3A_9] : memref<56x128xf32, #tpu.memory_space<vmem>>, vector<56x128xf32>
    %get3A_11 = arith.constant 0 : index
    %get3A_12 = arith.constant 0 : index
    %get3A_13 = vector.load %arg4[%get3A_11, %get3A_12] : memref<56x128xf32, #tpu.memory_space<vmem>>, vector<56x128xf32>
    %get3A_14 = arith.constant 0 : index
    %get3A_15 = arith.constant 0 : index
    %get3A_16 = vector.load %arg5[%get3A_14, %get3A_15] : memref<56x128xf32, #tpu.memory_space<vmem>>, vector<56x128xf32>
    %sub3A = arith.subf %get3A_10, %get3A_4 : vector<56x128xf32>
    %add3A = arith.constant 1.000000e+00 : f32
    %add3A_17 = vector.broadcast %add3A : f32 to vector<56x128xf32>
    %add3A_18 = arith.addf %sub3A, %add3A_17 : vector<56x128xf32>
    %sub3A_19 = arith.subf %get3A_13, %get3A_7 : vector<56x128xf32>
    %add3A_20 = arith.constant 1.000000e+00 : f32
    %add3A_21 = vector.broadcast %add3A_20 : f32 to vector<56x128xf32>
    %add3A_22 = arith.addf %sub3A_19, %add3A_21 : vector<56x128xf32>
    %mul3A = arith.mulf %add3A_18, %add3A_22 : vector<56x128xf32>
    %get3A_23 = arith.constant 0 : index
    %get3A_24 = arith.constant 0 : index
    %get3A_25 = vector.load %arg6[%get3A_23, %get3A_24] : memref<8x128xf32, #tpu.memory_space<vmem>>, vector<1x1xf32>
    %convert_element_type3A = arith.fptosi %get3A_25 : vector<1x1xf32> to vector<1x1xi32>
    %iota3A = tpu.iota {dimensions = array<i32: 0>} : vector<56x128xi32>
    %iota3A_26 = tpu.iota {dimensions = array<i32: 1>} : vector<56x128xi32>
    %mul3A_27 = arith.constant 128 : i32
    %mul3A_28 = vector.broadcast %mul3A_27 : i32 to vector<56x128xi32>
    %mul3A_29 = arith.muli %iota3A, %mul3A_28 : vector<56x128xi32>
    %add3A_30 = arith.addi %mul3A_29, %iota3A_26 : vector<56x128xi32>
    %lt3A = vector.broadcast %convert_element_type3A : vector<1x1xi32> to vector<56x128xi32>
    %lt3A_31 = arith.cmpi slt, %add3A_30, %lt3A : vector<56x128xi32>
    %ge3A = arith.constant -1.000000e+09 : f32
    %ge3A_32 = vector.broadcast %ge3A : f32 to vector<56x128xf32>
    %ge3A_33 = arith.cmpf oge, %get3A_1, %ge3A_32 : vector<56x128xf32>
    %and3A = arith.andi %lt3A_31, %ge3A_33 : vector<56x128xi1>
    %jit3A = arith.constant -3.000000e+38 : f32
    %broadcast_in_dim3A = vector.broadcast %jit3A : f32 to vector<56x128xf32>
    %select_n3A = arith.select %and3A, %get3A_1, %broadcast_in_dim3A : vector<56x128xi1>, vector<56x128xf32>
    %iota3A_34 = tpu.iota {dimensions = array<i32: 1>} : vector<1x8xi32>
    %scan3A = arith.constant 0 : i32
    %scan3A_35 = arith.constant 300 : i32
    %scan3A_36 = arith.addi %scan3A, %scan3A_35 : i32
    %scan3A_37 = arith.constant 1 : i32
    %scan3A_38 = scf.for %scan3A_40 = %scan3A to %scan3A_36 step %scan3A_37 iter_args(%scan3A_41 = %select_n3A) -> (vector<56x128xf32>)  : i32 {
      %slice3A = vector.extract_strided_slice %scan3A_41 {offsets = [0, 0], sizes = [8, 128], strides = [1, 1]} : vector<56x128xf32> to vector<8x128xf32>
      %slice3A_42 = vector.extract_strided_slice %scan3A_41 {offsets = [8, 0], sizes = [8, 128], strides = [1, 1]} : vector<56x128xf32> to vector<8x128xf32>
      %slice3A_43 = vector.extract_strided_slice %scan3A_41 {offsets = [16, 0], sizes = [8, 128], strides = [1, 1]} : vector<56x128xf32> to vector<8x128xf32>
      %slice3A_44 = vector.extract_strided_slice %scan3A_41 {offsets = [24, 0], sizes = [8, 128], strides = [1, 1]} : vector<56x128xf32> to vector<8x128xf32>
      %slice3A_45 = vector.extract_strided_slice %scan3A_41 {offsets = [32, 0], sizes = [8, 128], strides = [1, 1]} : vector<56x128xf32> to vector<8x128xf32>
      %slice3A_46 = vector.extract_strided_slice %scan3A_41 {offsets = [40, 0], sizes = [8, 128], strides = [1, 1]} : vector<56x128xf32> to vector<8x128xf32>
      %slice3A_47 = vector.extract_strided_slice %scan3A_41 {offsets = [48, 0], sizes = [8, 128], strides = [1, 1]} : vector<56x128xf32> to vector<8x128xf32>
      %max3A = arith.maximumf %slice3A, %slice3A_42 : vector<8x128xf32>
      %max3A_48 = arith.maximumf %slice3A_43, %slice3A_44 : vector<8x128xf32>
      %max3A_49 = arith.maximumf %slice3A_45, %slice3A_46 : vector<8x128xf32>
      %max3A_50 = arith.maximumf %max3A, %max3A_48 : vector<8x128xf32>
      %max3A_51 = arith.maximumf %max3A_49, %slice3A_47 : vector<8x128xf32>
      %max3A_52 = arith.maximumf %max3A_50, %max3A_51 : vector<8x128xf32>
      %reduce_max3A = arith.constant dense<0xFF800000> : vector<128xf32>
      %reduce_max3A_53 = vector.multi_reduction <maximumf>, %max3A_52, %reduce_max3A [0] : vector<8x128xf32> to vector<128xf32>
      %broadcast_in_dim3A_54 = vector.shape_cast %reduce_max3A_53 : vector<128xf32> to vector<1x128xf32>
      %reduce_max3A_55 = arith.constant dense<0xFF800000> : vector<1xf32>
      %reduce_max3A_56 = vector.multi_reduction <maximumf>, %broadcast_in_dim3A_54, %reduce_max3A_55 [1] : vector<1x128xf32> to vector<1xf32>
      %broadcast_in_dim3A_57 = vector.shape_cast %reduce_max3A_56 : vector<1xf32> to vector<1x1xf32>
      %gt3A = arith.constant -2.000000e+09 : f32
      %gt3A_58 = vector.broadcast %gt3A : f32 to vector<1x1xf32>
      %gt3A_59 = arith.cmpf ogt, %broadcast_in_dim3A_57, %gt3A_58 : vector<1x1xf32>
      %eq3A = vector.broadcast %broadcast_in_dim3A_57 : vector<1x1xf32> to vector<56x128xf32>
      %eq3A_60 = arith.cmpf oeq, %scan3A_41, %eq3A : vector<56x128xf32>
      %jit3A_61 = arith.constant 3.000000e+38 : f32
      %broadcast_in_dim3A_62 = vector.broadcast %jit3A_61 : f32 to vector<56x128xf32>
      %select_n3A_63 = arith.select %eq3A_60, %get3A_16, %broadcast_in_dim3A_62 : vector<56x128xi1>, vector<56x128xf32>
      %slice3A_64 = vector.extract_strided_slice %select_n3A_63 {offsets = [0, 0], sizes = [8, 128], strides = [1, 1]} : vector<56x128xf32> to vector<8x128xf32>
      %slice3A_65 = vector.extract_strided_slice %select_n3A_63 {offsets = [8, 0], sizes = [8, 128], strides = [1, 1]} : vector<56x128xf32> to vector<8x128xf32>
      %slice3A_66 = vector.extract_strided_slice %select_n3A_63 {offsets = [16, 0], sizes = [8, 128], strides = [1, 1]} : vector<56x128xf32> to vector<8x128xf32>
      %slice3A_67 = vector.extract_strided_slice %select_n3A_63 {offsets = [24, 0], sizes = [8, 128], strides = [1, 1]} : vector<56x128xf32> to vector<8x128xf32>
      %slice3A_68 = vector.extract_strided_slice %select_n3A_63 {offsets = [32, 0], sizes = [8, 128], strides = [1, 1]} : vector<56x128xf32> to vector<8x128xf32>
      %slice3A_69 = vector.extract_strided_slice %select_n3A_63 {offsets = [40, 0], sizes = [8, 128], strides = [1, 1]} : vector<56x128xf32> to vector<8x128xf32>
      %slice3A_70 = vector.extract_strided_slice %select_n3A_63 {offsets = [48, 0], sizes = [8, 128], strides = [1, 1]} : vector<56x128xf32> to vector<8x128xf32>
      %min3A = arith.minimumf %slice3A_64, %slice3A_65 : vector<8x128xf32>
      %min3A_71 = arith.minimumf %slice3A_66, %slice3A_67 : vector<8x128xf32>
      %min3A_72 = arith.minimumf %slice3A_68, %slice3A_69 : vector<8x128xf32>
      %min3A_73 = arith.minimumf %min3A, %min3A_71 : vector<8x128xf32>
      %min3A_74 = arith.minimumf %min3A_72, %slice3A_70 : vector<8x128xf32>
      %min3A_75 = arith.minimumf %min3A_73, %min3A_74 : vector<8x128xf32>
      %reduce_min3A = arith.constant dense<0x7F800000> : vector<128xf32>
      %reduce_min3A_76 = vector.multi_reduction <minimumf>, %min3A_75, %reduce_min3A [0] : vector<8x128xf32> to vector<128xf32>
      %broadcast_in_dim3A_77 = vector.shape_cast %reduce_min3A_76 : vector<128xf32> to vector<1x128xf32>
      %reduce_min3A_78 = arith.constant dense<0x7F800000> : vector<1xf32>
      %reduce_min3A_79 = vector.multi_reduction <minimumf>, %broadcast_in_dim3A_77, %reduce_min3A_78 [1] : vector<1x128xf32> to vector<1xf32>
      %broadcast_in_dim3A_80 = vector.shape_cast %reduce_min3A_79 : vector<1xf32> to vector<1x1xf32>
      %eq3A_81 = vector.broadcast %broadcast_in_dim3A_80 : vector<1x1xf32> to vector<56x128xf32>
      %eq3A_82 = arith.cmpf oeq, %get3A_16, %eq3A_81 : vector<56x128xf32>
      %and3A_83 = arith.andi %eq3A_60, %eq3A_82 : vector<56x128xi1>
      %jit3A_84 = arith.constant -3.400000e+38 : f32
      %broadcast_in_dim3A_85 = vector.broadcast %jit3A_84 : f32 to vector<56x128xf32>
      %select_n3A_86 = arith.select %and3A_83, %get3A_4, %broadcast_in_dim3A_85 : vector<56x128xi1>, vector<56x128xf32>
      %slice3A_87 = vector.extract_strided_slice %select_n3A_86 {offsets = [0, 0], sizes = [8, 128], strides = [1, 1]} : vector<56x128xf32> to vector<8x128xf32>
      %slice3A_88 = vector.extract_strided_slice %select_n3A_86 {offsets = [8, 0], sizes = [8, 128], strides = [1, 1]} : vector<56x128xf32> to vector<8x128xf32>
      %slice3A_89 = vector.extract_strided_slice %select_n3A_86 {offsets = [16, 0], sizes = [8, 128], strides = [1, 1]} : vector<56x128xf32> to vector<8x128xf32>
      %slice3A_90 = vector.extract_strided_slice %select_n3A_86 {offsets = [24, 0], sizes = [8, 128], strides = [1, 1]} : vector<56x128xf32> to vector<8x128xf32>
      %slice3A_91 = vector.extract_strided_slice %select_n3A_86 {offsets = [32, 0], sizes = [8, 128], strides = [1, 1]} : vector<56x128xf32> to vector<8x128xf32>
      %slice3A_92 = vector.extract_strided_slice %select_n3A_86 {offsets = [40, 0], sizes = [8, 128], strides = [1, 1]} : vector<56x128xf32> to vector<8x128xf32>
      %slice3A_93 = vector.extract_strided_slice %select_n3A_86 {offsets = [48, 0], sizes = [8, 128], strides = [1, 1]} : vector<56x128xf32> to vector<8x128xf32>
      %max3A_94 = arith.maximumf %slice3A_87, %slice3A_88 : vector<8x128xf32>
      %max3A_95 = arith.maximumf %slice3A_89, %slice3A_90 : vector<8x128xf32>
      %max3A_96 = arith.maximumf %slice3A_91, %slice3A_92 : vector<8x128xf32>
      %max3A_97 = arith.maximumf %max3A_94, %max3A_95 : vector<8x128xf32>
      %max3A_98 = arith.maximumf %max3A_96, %slice3A_93 : vector<8x128xf32>
      %max3A_99 = arith.maximumf %max3A_97, %max3A_98 : vector<8x128xf32>
      %reduce_max3A_100 = arith.constant dense<0xFF800000> : vector<128xf32>
      %reduce_max3A_101 = vector.multi_reduction <maximumf>, %max3A_99, %reduce_max3A_100 [0] : vector<8x128xf32> to vector<128xf32>
      %broadcast_in_dim3A_102 = vector.shape_cast %reduce_max3A_101 : vector<128xf32> to vector<1x128xf32>
      %reduce_max3A_103 = arith.constant dense<0xFF800000> : vector<1xf32>
      %reduce_max3A_104 = vector.multi_reduction <maximumf>, %broadcast_in_dim3A_102, %reduce_max3A_103 [1] : vector<1x128xf32> to vector<1xf32>
      %broadcast_in_dim3A_105 = vector.shape_cast %reduce_max3A_104 : vector<1xf32> to vector<1x1xf32>
      %jit3A_106 = arith.constant -3.400000e+38 : f32
      %broadcast_in_dim3A_107 = vector.broadcast %jit3A_106 : f32 to vector<56x128xf32>
      %select_n3A_108 = arith.select %and3A_83, %get3A_7, %broadcast_in_dim3A_107 : vector<56x128xi1>, vector<56x128xf32>
      %slice3A_109 = vector.extract_strided_slice %select_n3A_108 {offsets = [0, 0], sizes = [8, 128], strides = [1, 1]} : vector<56x128xf32> to vector<8x128xf32>
      %slice3A_110 = vector.extract_strided_slice %select_n3A_108 {offsets = [8, 0], sizes = [8, 128], strides = [1, 1]} : vector<56x128xf32> to vector<8x128xf32>
      %slice3A_111 = vector.extract_strided_slice %select_n3A_108 {offsets = [16, 0], sizes = [8, 128], strides = [1, 1]} : vector<56x128xf32> to vector<8x128xf32>
      %slice3A_112 = vector.extract_strided_slice %select_n3A_108 {offsets = [24, 0], sizes = [8, 128], strides = [1, 1]} : vector<56x128xf32> to vector<8x128xf32>
      %slice3A_113 = vector.extract_strided_slice %select_n3A_108 {offsets = [32, 0], sizes = [8, 128], strides = [1, 1]} : vector<56x128xf32> to vector<8x128xf32>
      %slice3A_114 = vector.extract_strided_slice %select_n3A_108 {offsets = [40, 0], sizes = [8, 128], strides = [1, 1]} : vector<56x128xf32> to vector<8x128xf32>
      %slice3A_115 = vector.extract_strided_slice %select_n3A_108 {offsets = [48, 0], sizes = [8, 128], strides = [1, 1]} : vector<56x128xf32> to vector<8x128xf32>
      %max3A_116 = arith.maximumf %slice3A_109, %slice3A_110 : vector<8x128xf32>
      %max3A_117 = arith.maximumf %slice3A_111, %slice3A_112 : vector<8x128xf32>
      %max3A_118 = arith.maximumf %slice3A_113, %slice3A_114 : vector<8x128xf32>
      %max3A_119 = arith.maximumf %max3A_116, %max3A_117 : vector<8x128xf32>
      %max3A_120 = arith.maximumf %max3A_118, %slice3A_115 : vector<8x128xf32>
      %max3A_121 = arith.maximumf %max3A_119, %max3A_120 : vector<8x128xf32>
      %reduce_max3A_122 = arith.constant dense<0xFF800000> : vector<128xf32>
      %reduce_max3A_123 = vector.multi_reduction <maximumf>, %max3A_121, %reduce_max3A_122 [0] : vector<8x128xf32> to vector<128xf32>
      %broadcast_in_dim3A_124 = vector.shape_cast %reduce_max3A_123 : vector<128xf32> to vector<1x128xf32>
      %reduce_max3A_125 = arith.constant dense<0xFF800000> : vector<1xf32>
      %reduce_max3A_126 = vector.multi_reduction <maximumf>, %broadcast_in_dim3A_124, %reduce_max3A_125 [1] : vector<1x128xf32> to vector<1xf32>
      %broadcast_in_dim3A_127 = vector.shape_cast %reduce_max3A_126 : vector<1xf32> to vector<1x1xf32>
      %jit3A_128 = arith.constant -3.400000e+38 : f32
      %broadcast_in_dim3A_129 = vector.broadcast %jit3A_128 : f32 to vector<56x128xf32>
      %select_n3A_130 = arith.select %and3A_83, %get3A_10, %broadcast_in_dim3A_129 : vector<56x128xi1>, vector<56x128xf32>
      %slice3A_131 = vector.extract_strided_slice %select_n3A_130 {offsets = [0, 0], sizes = [8, 128], strides = [1, 1]} : vector<56x128xf32> to vector<8x128xf32>
      %slice3A_132 = vector.extract_strided_slice %select_n3A_130 {offsets = [8, 0], sizes = [8, 128], strides = [1, 1]} : vector<56x128xf32> to vector<8x128xf32>
      %slice3A_133 = vector.extract_strided_slice %select_n3A_130 {offsets = [16, 0], sizes = [8, 128], strides = [1, 1]} : vector<56x128xf32> to vector<8x128xf32>
      %slice3A_134 = vector.extract_strided_slice %select_n3A_130 {offsets = [24, 0], sizes = [8, 128], strides = [1, 1]} : vector<56x128xf32> to vector<8x128xf32>
      %slice3A_135 = vector.extract_strided_slice %select_n3A_130 {offsets = [32, 0], sizes = [8, 128], strides = [1, 1]} : vector<56x128xf32> to vector<8x128xf32>
      %slice3A_136 = vector.extract_strided_slice %select_n3A_130 {offsets = [40, 0], sizes = [8, 128], strides = [1, 1]} : vector<56x128xf32> to vector<8x128xf32>
      %slice3A_137 = vector.extract_strided_slice %select_n3A_130 {offsets = [48, 0], sizes = [8, 128], strides = [1, 1]} : vector<56x128xf32> to vector<8x128xf32>
      %max3A_138 = arith.maximumf %slice3A_131, %slice3A_132 : vector<8x128xf32>
      %max3A_139 = arith.maximumf %slice3A_133, %slice3A_134 : vector<8x128xf32>
      %max3A_140 = arith.maximumf %slice3A_135, %slice3A_136 : vector<8x128xf32>
      %max3A_141 = arith.maximumf %max3A_138, %max3A_139 : vector<8x128xf32>
      %max3A_142 = arith.maximumf %max3A_140, %slice3A_137 : vector<8x128xf32>
      %max3A_143 = arith.maximumf %max3A_141, %max3A_142 : vector<8x128xf32>
      %reduce_max3A_144 = arith.constant dense<0xFF800000> : vector<128xf32>
      %reduce_max3A_145 = vector.multi_reduction <maximumf>, %max3A_143, %reduce_max3A_144 [0] : vector<8x128xf32> to vector<128xf32>
      %broadcast_in_dim3A_146 = vector.shape_cast %reduce_max3A_145 : vector<128xf32> to vector<1x128xf32>
      %reduce_max3A_147 = arith.constant dense<0xFF800000> : vector<1xf32>
      %reduce_max3A_148 = vector.multi_reduction <maximumf>, %broadcast_in_dim3A_146, %reduce_max3A_147 [1] : vector<1x128xf32> to vector<1xf32>
      %broadcast_in_dim3A_149 = vector.shape_cast %reduce_max3A_148 : vector<1xf32> to vector<1x1xf32>
      %jit3A_150 = arith.constant -3.400000e+38 : f32
      %broadcast_in_dim3A_151 = vector.broadcast %jit3A_150 : f32 to vector<56x128xf32>
      %select_n3A_152 = arith.select %and3A_83, %get3A_13, %broadcast_in_dim3A_151 : vector<56x128xi1>, vector<56x128xf32>
      %slice3A_153 = vector.extract_strided_slice %select_n3A_152 {offsets = [0, 0], sizes = [8, 128], strides = [1, 1]} : vector<56x128xf32> to vector<8x128xf32>
      %slice3A_154 = vector.extract_strided_slice %select_n3A_152 {offsets = [8, 0], sizes = [8, 128], strides = [1, 1]} : vector<56x128xf32> to vector<8x128xf32>
      %slice3A_155 = vector.extract_strided_slice %select_n3A_152 {offsets = [16, 0], sizes = [8, 128], strides = [1, 1]} : vector<56x128xf32> to vector<8x128xf32>
      %slice3A_156 = vector.extract_strided_slice %select_n3A_152 {offsets = [24, 0], sizes = [8, 128], strides = [1, 1]} : vector<56x128xf32> to vector<8x128xf32>
      %slice3A_157 = vector.extract_strided_slice %select_n3A_152 {offsets = [32, 0], sizes = [8, 128], strides = [1, 1]} : vector<56x128xf32> to vector<8x128xf32>
      %slice3A_158 = vector.extract_strided_slice %select_n3A_152 {offsets = [40, 0], sizes = [8, 128], strides = [1, 1]} : vector<56x128xf32> to vector<8x128xf32>
      %slice3A_159 = vector.extract_strided_slice %select_n3A_152 {offsets = [48, 0], sizes = [8, 128], strides = [1, 1]} : vector<56x128xf32> to vector<8x128xf32>
      %max3A_160 = arith.maximumf %slice3A_153, %slice3A_154 : vector<8x128xf32>
      %max3A_161 = arith.maximumf %slice3A_155, %slice3A_156 : vector<8x128xf32>
      %max3A_162 = arith.maximumf %slice3A_157, %slice3A_158 : vector<8x128xf32>
      %max3A_163 = arith.maximumf %max3A_160, %max3A_161 : vector<8x128xf32>
      %max3A_164 = arith.maximumf %max3A_162, %slice3A_159 : vector<8x128xf32>
      %max3A_165 = arith.maximumf %max3A_163, %max3A_164 : vector<8x128xf32>
      %reduce_max3A_166 = arith.constant dense<0xFF800000> : vector<128xf32>
      %reduce_max3A_167 = vector.multi_reduction <maximumf>, %max3A_165, %reduce_max3A_166 [0] : vector<8x128xf32> to vector<128xf32>
      %broadcast_in_dim3A_168 = vector.shape_cast %reduce_max3A_167 : vector<128xf32> to vector<1x128xf32>
      %reduce_max3A_169 = arith.constant dense<0xFF800000> : vector<1xf32>
      %reduce_max3A_170 = vector.multi_reduction <maximumf>, %broadcast_in_dim3A_168, %reduce_max3A_169 [1] : vector<1x128xf32> to vector<1xf32>
      %broadcast_in_dim3A_171 = vector.shape_cast %reduce_max3A_170 : vector<1xf32> to vector<1x1xf32>
      %jit3A_172 = arith.constant -3.400000e+38 : f32
      %broadcast_in_dim3A_173 = vector.broadcast %jit3A_172 : f32 to vector<56x128xf32>
      %select_n3A_174 = arith.select %and3A_83, %mul3A, %broadcast_in_dim3A_173 : vector<56x128xi1>, vector<56x128xf32>
      %slice3A_175 = vector.extract_strided_slice %select_n3A_174 {offsets = [0, 0], sizes = [8, 128], strides = [1, 1]} : vector<56x128xf32> to vector<8x128xf32>
      %slice3A_176 = vector.extract_strided_slice %select_n3A_174 {offsets = [8, 0], sizes = [8, 128], strides = [1, 1]} : vector<56x128xf32> to vector<8x128xf32>
      %slice3A_177 = vector.extract_strided_slice %select_n3A_174 {offsets = [16, 0], sizes = [8, 128], strides = [1, 1]} : vector<56x128xf32> to vector<8x128xf32>
      %slice3A_178 = vector.extract_strided_slice %select_n3A_174 {offsets = [24, 0], sizes = [8, 128], strides = [1, 1]} : vector<56x128xf32> to vector<8x128xf32>
      %slice3A_179 = vector.extract_strided_slice %select_n3A_174 {offsets = [32, 0], sizes = [8, 128], strides = [1, 1]} : vector<56x128xf32> to vector<8x128xf32>
      %slice3A_180 = vector.extract_strided_slice %select_n3A_174 {offsets = [40, 0], sizes = [8, 128], strides = [1, 1]} : vector<56x128xf32> to vector<8x128xf32>
      %slice3A_181 = vector.extract_strided_slice %select_n3A_174 {offsets = [48, 0], sizes = [8, 128], strides = [1, 1]} : vector<56x128xf32> to vector<8x128xf32>
      %max3A_182 = arith.maximumf %slice3A_175, %slice3A_176 : vector<8x128xf32>
      %max3A_183 = arith.maximumf %slice3A_177, %slice3A_178 : vector<8x128xf32>
      %max3A_184 = arith.maximumf %slice3A_179, %slice3A_180 : vector<8x128xf32>
      %max3A_185 = arith.maximumf %max3A_182, %max3A_183 : vector<8x128xf32>
      %max3A_186 = arith.maximumf %max3A_184, %slice3A_181 : vector<8x128xf32>
      %max3A_187 = arith.maximumf %max3A_185, %max3A_186 : vector<8x128xf32>
      %reduce_max3A_188 = arith.constant dense<0xFF800000> : vector<128xf32>
      %reduce_max3A_189 = vector.multi_reduction <maximumf>, %max3A_187, %reduce_max3A_188 [0] : vector<8x128xf32> to vector<128xf32>
      %broadcast_in_dim3A_190 = vector.shape_cast %reduce_max3A_189 : vector<128xf32> to vector<1x128xf32>
      %reduce_max3A_191 = arith.constant dense<0xFF800000> : vector<1xf32>
      %reduce_max3A_192 = vector.multi_reduction <maximumf>, %broadcast_in_dim3A_190, %reduce_max3A_191 [1] : vector<1x128xf32> to vector<1xf32>
      %broadcast_in_dim3A_193 = vector.shape_cast %reduce_max3A_192 : vector<1xf32> to vector<1x1xf32>
      %max3A_194 = vector.broadcast %broadcast_in_dim3A_105 : vector<1x1xf32> to vector<56x128xf32>
      %max3A_195 = arith.maximumf %max3A_194, %get3A_4 : vector<56x128xf32>
      %max3A_196 = vector.broadcast %broadcast_in_dim3A_127 : vector<1x1xf32> to vector<56x128xf32>
      %max3A_197 = arith.maximumf %max3A_196, %get3A_7 : vector<56x128xf32>
      %min3A_198 = vector.broadcast %broadcast_in_dim3A_149 : vector<1x1xf32> to vector<56x128xf32>
      %min3A_199 = arith.minimumf %min3A_198, %get3A_10 : vector<56x128xf32>
      %min3A_200 = vector.broadcast %broadcast_in_dim3A_171 : vector<1x1xf32> to vector<56x128xf32>
      %min3A_201 = arith.minimumf %min3A_200, %get3A_13 : vector<56x128xf32>
      %sub3A_202 = arith.subf %min3A_199, %max3A_195 : vector<56x128xf32>
      %add3A_203 = arith.constant 1.000000e+00 : f32
      %add3A_204 = vector.broadcast %add3A_203 : f32 to vector<56x128xf32>
      %add3A_205 = arith.addf %sub3A_202, %add3A_204 : vector<56x128xf32>
      %max3A_206 = arith.constant 0.000000e+00 : f32
      %max3A_207 = vector.broadcast %max3A_206 : f32 to vector<56x128xf32>
      %max3A_208 = arith.maximumf %max3A_207, %add3A_205 : vector<56x128xf32>
      %sub3A_209 = arith.subf %min3A_201, %max3A_197 : vector<56x128xf32>
      %add3A_210 = arith.constant 1.000000e+00 : f32
      %add3A_211 = vector.broadcast %add3A_210 : f32 to vector<56x128xf32>
      %add3A_212 = arith.addf %sub3A_209, %add3A_211 : vector<56x128xf32>
      %max3A_213 = arith.constant 0.000000e+00 : f32
      %max3A_214 = vector.broadcast %max3A_213 : f32 to vector<56x128xf32>
      %max3A_215 = arith.maximumf %max3A_214, %add3A_212 : vector<56x128xf32>
      %mul3A_216 = arith.mulf %max3A_208, %max3A_215 : vector<56x128xf32>
      %add3A_217 = vector.broadcast %broadcast_in_dim3A_193 : vector<1x1xf32> to vector<56x128xf32>
      %add3A_218 = arith.addf %add3A_217, %mul3A : vector<56x128xf32>
      %sub3A_219 = arith.subf %add3A_218, %mul3A_216 : vector<56x128xf32>
      %div3A = arith.divf %mul3A_216, %sub3A_219 : vector<56x128xf32>
      %gt3A_220 = arith.constant 0.699999988 : f32
      %gt3A_221 = vector.broadcast %gt3A_220 : f32 to vector<56x128xf32>
      %gt3A_222 = arith.cmpf ogt, %div3A, %gt3A_221 : vector<56x128xf32>
      %and3A_223 = vector.broadcast %gt3A_59 : vector<1x1xi1> to vector<56x128xi1>
      %and3A_224 = arith.andi %and3A_223, %gt3A_222 : vector<56x128xi1>
      %jit3A_225 = arith.constant -3.000000e+38 : f32
      %broadcast_in_dim3A_226 = vector.broadcast %jit3A_225 : f32 to vector<56x128xf32>
      %select_n3A_227 = arith.select %and3A_224, %broadcast_in_dim3A_226, %scan3A_41 : vector<56x128xi1>, vector<56x128xf32>
      %jit3A_228 = arith.constant 1.000000e+00 : f32
      %jit3A_229 = arith.constant 0.000000e+00 : f32
      %broadcast_in_dim3A_230 = vector.broadcast %jit3A_228 : f32 to vector<1x1xf32>
      %broadcast_in_dim3A_231 = vector.broadcast %jit3A_229 : f32 to vector<1x1xf32>
      %select_n3A_232 = arith.select %gt3A_59, %broadcast_in_dim3A_230, %broadcast_in_dim3A_231 : vector<1x1xi1>, vector<1x1xf32>
      %eq3A_233 = arith.constant 1 : i32
      %eq3A_234 = vector.broadcast %eq3A_233 : i32 to vector<1x8xi32>
      %eq3A_235 = arith.cmpi eq, %iota3A_34, %eq3A_234 : vector<1x8xi32>
      %eq3A_236 = arith.constant 2 : i32
      %eq3A_237 = vector.broadcast %eq3A_236 : i32 to vector<1x8xi32>
      %eq3A_238 = arith.cmpi eq, %iota3A_34, %eq3A_237 : vector<1x8xi32>
      %eq3A_239 = arith.constant 3 : i32
      %eq3A_240 = vector.broadcast %eq3A_239 : i32 to vector<1x8xi32>
      %eq3A_241 = arith.cmpi eq, %iota3A_34, %eq3A_240 : vector<1x8xi32>
      %eq3A_242 = arith.constant 4 : i32
      %eq3A_243 = vector.broadcast %eq3A_242 : i32 to vector<1x8xi32>
      %eq3A_244 = arith.cmpi eq, %iota3A_34, %eq3A_243 : vector<1x8xi32>
      %jit3A_245 = arith.constant 0.000000e+00 : f32
      %broadcast_in_dim3A_246 = vector.shape_cast %broadcast_in_dim3A_171 : vector<1x1xf32> to vector<1x1xf32>
      %broadcast_in_dim3A_247 = vector.broadcast %broadcast_in_dim3A_246 : vector<1x1xf32> to vector<1x8xf32>
      %broadcast_in_dim3A_248 = vector.broadcast %jit3A_245 : f32 to vector<1x8xf32>
      %select_n3A_249 = arith.select %eq3A_244, %broadcast_in_dim3A_247, %broadcast_in_dim3A_248 : vector<1x8xi1>, vector<1x8xf32>
      %broadcast_in_dim3A_250 = vector.shape_cast %broadcast_in_dim3A_149 : vector<1x1xf32> to vector<1x1xf32>
      %broadcast_in_dim3A_251 = vector.broadcast %broadcast_in_dim3A_250 : vector<1x1xf32> to vector<1x8xf32>
      %select_n3A_252 = arith.select %eq3A_241, %broadcast_in_dim3A_251, %select_n3A_249 : vector<1x8xi1>, vector<1x8xf32>
      %broadcast_in_dim3A_253 = vector.shape_cast %broadcast_in_dim3A_127 : vector<1x1xf32> to vector<1x1xf32>
      %broadcast_in_dim3A_254 = vector.broadcast %broadcast_in_dim3A_253 : vector<1x1xf32> to vector<1x8xf32>
      %select_n3A_255 = arith.select %eq3A_238, %broadcast_in_dim3A_254, %select_n3A_252 : vector<1x8xi1>, vector<1x8xf32>
      %broadcast_in_dim3A_256 = vector.shape_cast %broadcast_in_dim3A_105 : vector<1x1xf32> to vector<1x1xf32>
      %broadcast_in_dim3A_257 = vector.broadcast %broadcast_in_dim3A_256 : vector<1x1xf32> to vector<1x8xf32>
      %select_n3A_258 = arith.select %eq3A_235, %broadcast_in_dim3A_257, %select_n3A_255 : vector<1x8xi1>, vector<1x8xf32>
      %mul3A_259 = vector.broadcast %select_n3A_232 : vector<1x1xf32> to vector<1x8xf32>
      %mul3A_260 = arith.mulf %select_n3A_258, %mul3A_259 : vector<1x8xf32>
      %swap3A = arith.index_cast %scan3A_40 : i32 to index
      %swap3A_261 = arith.constant 0 : index
      %swap3A_262 = vector.load %arg7[%swap3A, %swap3A_261] : memref<304x8xf32, #tpu.memory_space<vmem>>, vector<1x8xf32>
      tpu.vector_store %arg7[%swap3A, %swap3A_261], %mul3A_260 {strides = array<i32>} : memref<304x8xf32, #tpu.memory_space<vmem>>, vector<1x8xf32>,
      scf.yield %select_n3A_227 : vector<56x128xf32>
    }
    %scan3A_39 = arith.constant 300 : i32
    return
  }
}

</mosaic_0001>

<sc_bundles>
// kernel: kernel.5.cloned.1.call-start
scs
__scs_entry_jumppad:
0x0: {  	(pc) =	sbr.rel $0x88, $3  }
0x1: {  	(tag) =	ssettag $0x0;
	lr =	simm.s32 $0x1  }
0x2: {  	[smem:$0x3F9F] =	sst lr;
	_ =	strace $0xD0000000  }
0x3: {  	_ = 	snop  }
0x4: {  	_ = 	snop  }
0x5: {  	_ = 	snop  }
0x6: {  	_ = 	snop  }
0x7: {  	_ = 	snop  }
__scs_overlays_trampoline_lowered:
0x8: {  	[smem:$0x3FAE] =	sst s0  }
0x9: {  	[smem:$0x3FAF] =	sst s1  }
0xa: {  	[smem:$0x3FB0] =	sst s2  }
0xb: {  	[smem:$0x3FB1] =	sst s3  }
0xc: {  	[smem:$0x3FB2] =	sst s4  }
0xd: {  	[smem:$0x3FB3] =	sst s5  }
0xe: {  	[smem:$0x3FB4] =	sst s6  }
0xf: {  	[smem:$0x3FB5] =	sst s7  }
0x10: {  	[smem:$0x3FB6] =	sst s8  }
0x11: {  	[smem:$0x3FB7] =	sst s9;
	s0 =	simm.s32 @!p0 $0x0  }
0x12: {  	s1 =	sld [smem:$0x3F9D];
	s0 =	simm.s32 @p0 $0x1  }
0x13: {  	[smem:$0x3FB8] =	sst s0;
	s0 =	simm.s32 @!p1 $0x0  }
0x14: {  	s2 =	sld [smem:$0x3F9C];
	s0 =	simm.s32 @p1 $0x1  }
0x15: {  	[smem:$0x3FB9] =	sst s0;
	s0 =	simm.s32 @!p2 $0x0  }
0x16: {  	s3 =	sld [smem:$0x3FDB];
	s0 =	simm.s32 @p2 $0x1  }
0x17: {  	s4 =	simm.s32 $0x1BF5;
	[smem:$0x3FBB] =	sst s0  }
0x18: {  	s0 =	sld [smem:$0x3F9E];
	_ =	swait.ge [sflag:s4], $0x0  }
0x19: {  	s7 =	sld [smem:$0x3F9F]  }
0x1a: {  	s8 =	sadd.s32 $0xFFFFE003, lr  }
0x1b: {  	s9 =	sadd.s32 $0xFFFFFEF7, lr;
	s5 =	simm.s32 $0xFFFFFFFF;
	p2 =	slt.u32 s8, $0xFFFFF086  }
0x1c: {  	p1 =	slt.u32 s9, $0xF7A;
	s5 =	simm.s32 @!p2 $0x0  }
0x1d: {  	s5 =	simm.s32 @p1 $0x1;
	p0 =	seq.s32 s7, s2  }
0x1e: {  	s7 =	smul.u32 @!p0 $0xF7A, s2;
	p2 =	seq.s32 @!p0 s5, $0x0  }
0x1f: {  	s9 =	smul.u32 $0xF7A, s1;
	s8 =	simm.s32 @!p0 $0x1BF5;
	p2 =	por !p2, p0  }
0x20: {  	[sflag:s8] =	ssyncset.s32 @!p0 $0xFFFFF086;
	s6 =	sadd.s32 @!p0 s3, s7;
	s7 =	simm.s32 @!p0 $0x108  }
0x21: {  	s3 =	sadd.s32 s3, s9;
	s6 =	sadd.s32 @!p0 $0x88, s6;
	s7 =	simm.s32 @p2 $0x1082  }
0x22: {  	[simem:s7], [sflag:s8] =	dma.local @!p0 [hbm:s6], $0xF7A  }
0x23: {  	s9 =	sor.u32 $0xD0000000, s2;
	s6 =	simm.s32 $0x108;
	_ =	swait.ge @!p0 [sflag:s8], $0x0  }
0x24: {  	s3 =	sadd.s32 $0x88, s3;
	s6 =	simm.s32 @!p1 $0x1082;
	[sflag:s4] =	ssyncset.s32 $0xFFFFF086  }
0x25: {  	[simem:s6], [sflag:s4] =	dma.local [hbm:s3], $0xF7A  }
0x26: {  	[smem:$0x3F9F] =	sst s1;
	(tag) =	ssettag s2;
	_ =	strace s9  }
0x27: {  	s1 =	sld [smem:$0x3FAF]  }
0x28: {  	s2 =	sld [smem:$0x3FB0]  }
0x29: {  	s4 =	sld [smem:$0x3FB2]  }
0x2a: {  	p0 =	seq.s32 s5, $0x0;
	s5 =	sld [smem:$0x3FB3]  }
0x2b: {  	s6 =	sld [smem:$0x3FB4]  }
0x2c: {  	s7 =	sld [smem:$0x3FB5]  }
0x2d: {  	s3 =	simm.s32 $0x108;
	s8 =	sld [smem:$0x3FB6]  }
0x2e: {  	s3 =	simm.s32 @!p0 $0x1082;
	s9 =	sld [smem:$0x3FB7]  }
0x2f: {  	lr =	sadd.s32 s0, s3;
	s0 =	sld [smem:$0x3FAE]  }
0x30: {  	s3 =	sld [smem:$0x3FB1]  }
0x31: {  	[smem:$0x3FBA] =	sst s10  }
0x32: {  	s10 =	sld [smem:$0x3FB8];
	_ =	sdelay $0x3  }
0x33: {  	p0 =	seq.s32 s10, $0x1;
	s10 =	sld [smem:$0x3FBA];
	_ =	sdelay $0x3  }
0x34: {  	[smem:$0x3FBA] =	sst s10  }
0x35: {  	s10 =	sld [smem:$0x3FB9];
	_ =	sdelay $0x3  }
0x36: {  	p1 =	seq.s32 s10, $0x1;
	s10 =	sld [smem:$0x3FBA];
	_ =	sdelay $0x3  }
0x37: {  	[smem:$0x3FBA] =	sst s10  }
0x38: {  	s10 =	sld [smem:$0x3FBB]  }
0x39: {  	_ = 	snop;
	(pc) =	sbr.ind lr, $3  }
0x3a: {  	_ = 	snop  }
0x3b: {  	_ = 	snop  }
0x3c: {  	p2 =	seq.s32 s10, $0x1;
	s10 =	sld [smem:$0x3FBA]  }
0x3d: {  	_ =	shalt  }
0x3e: {  	_ =	shalt  }
0x3f: {  	_ =	shalt  }
0x40: {  	_ =	shalt  }
0x41: {  	_ =	shalt  }
0x42: {  	_ =	shalt  }
0x43: {  	_ =	shalt  }
0x44: {  	_ =	shalt  }
0x45: {  	_ =	shalt  }
0x46: {  	_ =	shalt  }
0x47: {  	_ =	shalt  }
0x48: {  	_ =	shalt  }
0x49: {  	_ =	shalt  }
0x4a: {  	_ =	shalt  }
0x4b: {  	_ =	shalt  }
0x4c: {  	_ =	shalt  }
0x4d: {  	_ =	shalt  }
0x4e: {  	_ =	shalt  }
0x4f: {  	_ =	shalt  }
0x50: {  	_ =	shalt  }
0x51: {  	_ =	shalt  }
0x52: {  	_ =	shalt  }
0x53: {  	_ =	shalt  }
0x54: {  	_ =	shalt  }
0x55: {  	_ =	shalt  }
0x56: {  	_ =	shalt  }
0x57: {  	_ =	shalt  }
0x58: {  	_ =	shalt  }
0x59: {  	_ =	shalt  }
0x5a: {  	_ =	shalt  }
0x5b: {  	_ =	shalt  }
0x5c: {  	_ =	shalt  }
0x5d: {  	_ =	shalt  }
0x5e: {  	_ =	shalt  }
0x5f: {  	_ =	shalt  }
0x60: {  	_ =	shalt  }
0x61: {  	_ =	shalt  }
0x62: {  	_ =	shalt  }
0x63: {  	_ =	shalt  }
0x64: {  	_ =	shalt  }
0x65: {  	_ =	shalt  }
0x66: {  	_ =	shalt  }
0x67: {  	_ =	shalt  }
0x68: {  	_ =	shalt  }
0x69: {  	_ =	shalt  }
0x6a: {  	_ =	shalt  }
0x6b: {  	_ =	shalt  }
0x6c: {  	_ =	shalt  }
0x6d: {  	_ =	shalt  }
0x6e: {  	_ =	shalt  }
0x6f: {  	_ =	shalt  }
0x70: {  	_ =	shalt  }
0x71: {  	_ =	shalt  }
0x72: {  	_ =	shalt  }
0x73: {  	_ =	shalt  }
0x74: {  	_ =	shalt  }
0x75: {  	_ =	shalt  }
0x76: {  	_ =	shalt  }
0x77: {  	_ =	shalt  }
0x78: {  	_ =	shalt  }
0x79: {  	_ =	shalt  }
0x7a: {  	_ =	shalt  }
0x7b: {  	_ =	shalt  }
0x7c: {  	_ =	shalt  }
0x7d: {  	_ =	shalt  }
0x7e: {  	_ =	shalt  }
0x7f: {  	_ =	shalt  }
0x80: {  	_ =	shalt  }
0x81: {  	_ =	shalt  }
0x82: {  	_ =	shalt  }
0x83: {  	_ =	shalt  }
0x84: {  	_ =	shalt  }
0x85: {  	_ =	shalt  }
0x86: {  	_ =	shalt  }
0x87: {  	_ =	shalt  }
.Lfunc_end0:
.L_simem_size_0:
called_computation_lowered:
.L_overlay_start_0:
0x88: {  	s2 =	sld [smem:$0x3FD9]  }
0x89: {  	s3 =	sld [smem:$0x3FFE];
	_ =	sdelay $0x1  }
0x8a: {  	s1 =	srdreg.scid  }
0x8b: {  	s0 =	sand.u32 $0x1, s1  }
0x8c: {  	s17 =	sshll.u32 s0, $0xA;
	s2 =	sadd.s32 s3, s2  }
0x8d: {  	s2 =	sadd.s32 s2, s17  }
0x8e: {  	[smem:$0x3FC6] =	sst s2  }
0x8f: {  	_ = 	snop  }
0x90: {  	s2 =	sld [smem:$0x3FD0];
	(tm) =	ssettm $0x1  }
0x91: {  	s18 =	sld [smem:$0x3FFB];
	_ =	sdelay $0x3  }
0x92: {  	_ =	strace s18  }
0x93: {  	s3 =	sld [smem:$0x3FFC];
	_ =	sdelay $0x3  }
0x94: {  	_ =	strace s3  }
0x95: {  	s3 =	sld [smem:$0x3FFD];
	_ =	sdelay $0x3  }
0x96: {  	_ =	strace s3  }
0x97: {  	_ =	strace $0x8FFFFFFF  }
0x98: {  	s19 =	sld [smem:$0x3FDB];
	_ =	sdelay $0x1  }
0x99: {  	s4 =	simm.s32 $_scs_section_size  }
0x9a: {  	s5 =	simm.s32 $_size__tile_overlayer_lowered;
	s6 =	simm.s32 $_tile_overlayer_lowered  }
0x9b: {  	s22 =	simm.s32 $0x1BFF;
	s21 =	sshll.u32 s6, $0x1;
	s3 =	sadd.s32 s4, s19  }
0x9c: {  	s7 =	simm.s32 $0x0;
	s20 =	sshll.u32 s5, $0x1;
	s5 =	sadd.s32 s21, s3  }
0x9d: {  	[timem:s7], [sflag:s22] =	dma.local [hbm:s5], s20  }
0x9e: {  	_ =	swait.ge [sflag:s22], s20  }
0x9f: {  	s4 =	ssub.s32 $0x0, s20;
	[sflag:s22] =	ssyncset.done $0x0  }
0xa0: {  	[sflag:s22] =	ssyncadd.s32 s4;
	_ =	sdelay $0x1  }
0xa1: {  	s23 =	simm.s32 $0x1B8B  }
0xa2: {  	_ =	swait.ge [sflag:s23], $0x1  }
0xa3: {  	[sflag:s23] =	ssyncset.done $0x0  }
0xa4: {  	s25 =	simm.s32 $0x1B8E;
	s24 =	sld [smem:$0x3FFE];
	[sflag:s23] =	ssyncadd.s32 $0xFFFFFFFF  }
0xa5: {  	s26 =	simm.s32 $execute0_lowered;
	[smem:$0x3FD2] =	sst s25  }
0xa6: {  	s5 =	sshll.u32 s26, $0x1;
	_ =	strace $0x80000046;
	[dreg:$0x1] =	wrdreg $0xFFFFFFFF  }
0xa7: {  	s28 =	simm.s32 $_size_execute0_lowered;
	s3 =	sadd.s32 s3, s5;
	[dreg:$0x0] =	wrdreg $0x0  }
0xa8: {  	s5 =	sshll.u32 s28, $0x1;
	[dreg:$0x2] =	wrdreg s3  }
0xa9: {  	[dreg:$0x3] =	wrdreg s5  }
0xaa: {  	[dreg:$0x4] =	wrdreg $0xC0  }
0xab: {  	_ =	task [dreg:s7], $0x5FFFF  }
0xac: {  	[dreg:$0x1] =	wrdreg $0xFFFFFFFF  }
0xad: {  	[dreg:$0x0] =	wrdreg $0x60  }
0xae: {  	[dreg:$0x2] =	wrdreg s24  }
0xaf: {  	[dreg:$0x3] =	wrdreg s2  }
0xb0: {  	[dreg:$0x4] =	wrdreg $0x35000  }
0xb1: {  	[dreg:$0x5] =	wrdreg $0x9  }
0xb2: {  	_ =	task.clear_ibuf [dreg:s7], $0x6FFFF;
	_ =	strace $0x90000046  }
0xb3: {  	s29 =	simm.s32 $0x9;
	_ =	strace $0x80000048  }
0xb4: {  	_ =	swait.ge [sflag:s29], $0x1  }
0xb5: {  	[sflag:s29] =	ssyncadd.s32 $0xFFFFFFFF  }
0xb6: {  	_ =	strace $0x90000048  }
0xb7: {  	_ =	sfence  }
0xb8: {  	s30 =	sld [smem:$0x0];
	_ =	sdelay $0x2  }
0xb9: {  	s31 =	sshll.u32 s1, $0xD;
	s1 =	sshrl.u32 s1, $0x2  }
0xba: {  	s3 =	sand.u32 $0x4000, s31;
	s1 =	sadd.s32 s1, s30  }
0xbb: {  	s0 =	sor.u32 s3, s0;
	s1 =	sshll.u32 s1, $0x11  }
0xbc: {  	s0 =	sor.u32 s1, s0  }
0xbd: {  	s0 =	sadd.s32 $0x8F2B, s0  }
0xbe: {  	[sflag:s0] =	ssyncadd.remote.s32 $0x1  }
0xbf: {  	_ =	sfence.sel $0xFFFF  }
0xc0: {  	[dreg:$0x0] =	wrdreg $0xFFFFFFFF;
	(pc) =	sbr.abs _section_cstart, $3  }
0xc1: {  	[dreg:$0x1] =	wrdreg $0xFFFFFFFF  }
0xc2: {  	_ =	task.clear_ibuf [dreg:s7], $0x2FFFF;
	_ =	strace $0x9FFFFFFF  }
0xc3: {  	(tm) =	ssettm $0x7FFFFFFF  }
tec
execute0_lowered:
.L_overlay_start_1:
0x0: {  	(tag) =	ssettag $0x1  }
0x1: {  	s0 =	srdreg.scid;
	s20 =	stileid.u32;
	v1 =	vimm.s32 $0xFEDCBA9  }
0x2: {  	v2 =	vimm.s32 $0x87654321;
	v8 =	vimm.s32 $0x98765432;
	v9 =	vimm.s32 $0xFEDCBA98;
	s0 =	sand.u32 $0x1, s0;
	s1 =	sshll.u32 s20, $0x1;
	s4 =	sshrl.u32 s20, $0x3  }
0x3: {  	v11 =	vimm.s32 $0xEDCBA987;
	v12 =	vimm.s32 $0x65432100;
	s2 =	sxor.u32 $0x1, s0;
	s3 =	sand.u32 $0xE, s1;
	s6 =	sor.u32 s0, s1  }
0x4: {  	v14 =	vimm.s32 $0xE40000;
	v15 =	vimm.s32 $0x32100000;
	v5 =	vunpack.c.l.s4.s8 v1;
	s21 =	sshll.u32 s4, $0x4;
	s5 =	sor.u32 s0, s3;
	s3 =	sor.u32 s2, s3  }
0x5: {  	vm3 =	vmmov $0x3;
	v7 =	vunpack.c.l.s4.s8 v2;
	v4 =	vmov s3;
	s3 =	ssub.s32 s6, s21  }
0x6: {  	v1 =	vlaneseq.u32;
	v5 =	vunpack.c.0.s8.s32 v5;
	v6 =	vmov s3  }
0x7: {  	vm0 =	veq.s32 v6, v1;
	v6 =	vunpack.c.0.s8.s32 v7;
	v7 =	vimm.s32 $0x10FEDCBA  }
0x8: {  	vm5 =	vcmask $0x3F30;
	v8 =	vunpack.c.l.s4.s8 v8;
	v7 =	vunpack.c.l.s4.s8 v7  }
0x9: {  	vm4 =	vmmov $0xf;
	vm1 =	veq.s32 v4, v1;
	v4 =	vcombine.low v6, v5  }
0xa: {  	v6 =	vunpack.c.0.s8.s32 v7;
	v7 =	vunpack.c.0.s8.s32 v8;
	v8 =	vimm.s32 $0x3210FEDC  }
0xb: {  	v9 =	vunpack.c.l.s4.s8 v9;
	v11 =	vunpack.c.l.s4.s8 v11;
	v8 =	vunpack.c.l.s4.s8 v8  }
0xc: {  	s22 =	rddreg [dreg:$0x0];
	v14 =	vunpack.c.l.s2.s4 v14;
	v6 =	vcombine.low v7, v6;
	v7 =	vimm.s32 $0x76543210  }
0xd: {  	s18 =	rddreg [dreg:$0x2];
	v10 =	vunpack.c.0.s8.s32 v8;
	v8 =	vimm.s32 $0xBA987654;
	v7 =	vunpack.c.l.s4.s8 v7  }
0xe: {  	s29 =	simm.s32 $0x1180;
	s30 =	simm.s32 $0x2400;
	s31 =	simm.s32 $0x2480;
	v0 =	vmov s4;
	v9 =	vunpack.c.0.s8.s32 v9;
	v8 =	vunpack.c.l.s4.s8 v8  }
0xf: {  	s13 =	sadd.s32 $0x1600, s22;
	s7 =	sadd.s32 $0x5A00, s22;
	s8 =	sadd.s32 $0x5E00, s22;
	v15 =	vunpack.c.l.s4.s8 v15;
	v2 =	vxor.u32 $0x1, v0;
	v7 =	vunpack.c.0.s8.s32 v7  }
0x10: {  	s9 =	sadd.s32 $0x6200, s22;
	s10 =	sadd.s32 $0x6600, s22;
	s11 =	sadd.s32 $0x6A00, s22;
	v14 =	vunpack.c.l.s4.s8 v14;
	v13 =	vunpack.c.0.s8.s32 v8;
	v8 =	vand.u32 $0xF, v9  }
0x11: {  	s25 =	sshll.u32 s20, $0x7;
	s26 =	smul.u32 $0x580, s20;
	s4 =	simm.s32 $0x0;
	v7 =	vcombine.low v8, v7;
	v8 =	vunpack.c.0.s8.s32 v11;
	v11 =	vimm.s32 $0xDCBA9876  }
0x12: {  	s14 =	ssub.s32 $0x2, s0;
	s18 =	sadd.s32 s25, s18;
	s28 =	smul.u32 $0x2C0, s0;
	v9 =	vunpack.c.l.s4.s8 v12;
	v12 =	vimm.s32 $0x54321000;
	v11 =	vunpack.c.l.s4.s8 v11  }
0x13: {  	s23 =	smul.u32 $0x2C0, s6;
	[smem:$0x7FF] =	sst s4;
	s1 =	sor.u32 s2, s1;
	v3 =	vmov s5;
	v14 =	vunpack.c.0.s8.s32 v14;
	v12 =	vunpack.c.l.s4.s8 v12  }
0x14: {  	s24 =	sshrl.u32 s14, $0x1;
	s19 =	sadd.s32 $0x800, s18;
	s0 =	sor.u32 s20, s0;
	vm2 =	veq.s32 v3, v1;
	v3 =	vimm.s32 $0x0;
	v11 =	vunpack.c.0.s8.s32 v11  }
0x15: {  	_ =	strace $0x80000047;
	s5 =	sadd.s32 $0x5200, s22;
	s6 =	sadd.s32 $0x5600, s22;
	v14 =	vand.u32 $0x3, v14;
	v5 =	vand.u32 $0xF, v4;
	v12 =	vunpack.c.0.s8.s32 v12  }
0x16: {  	s1 =	smul.u32 $0x58, s1;
	s2 =	ssub.s32 s14, s24;
	p0 =	sne.s32 s0, $0x0;
	v9 =	vunpack.c.0.s8.s32 v9;
	v10 =	vcombine.low v13, v10;
	v11 =	vand.u32 $0xF, v11  }
0x17: {  	s12 =	sshrl.u32 s23, $0x3;
	s20 =	smax.u32 s2, $0x1;
	s2 =	simm.s32 $0x0;
	v11 =	vcombine.low v12, v11;
	v12 =	vunpack.c.0.s8.s32 v15;
	v15 =	vimm.s32 $0x7060504  }
0x18: {  	s17 =	sadd.s32 s12, s22;
	s12 =	sadd.s32 s13, s12;
	s13 =	sadd.s32 s13, s1;
	v13 =	vand.u32 $0xF, v13;
	v8 =	vand.u32 $0xF, v8;
	v15 =	vunpack.c.0.s8.s32 v15  }
0x19: {  	s1 =	sadd.s32 s28, s26;
	s22 =	simm.s32 $0x1;
	s14 =	sadd.s32 $0x2200, s17;
	v8 =	vcombine.low v9, v8;
	v9 =	vand.u32 $0xF, v6;
	v12 =	vcombine.low v12, v13  }
0x1a: {  	s15 =	sadd.s32 $0x2E00, s17;
	s16 =	sadd.s32 $0x3A00, s17;
	s17 =	sadd.s32 $0x4600, s17;
	v13 =	vand.u32 $0xF, v10;
	v14 =	vsel vm5, v15, v14;
	vm5 =	vmmov $0xff  }
.LBB2_1:
0x1b: {  	[tilespmem:s4], [sflag:$0x1] =	stream.linear.gather [hbm4b:s12+s4], $0x2C0, $0x38;
	[tilespmem:$0x39A0] =	vst v63  }
0x1c: {  	_ =	swait.ge [sflag:s22], $0x2C0  }
0x1d: {  	[sflag:s22] =	ssyncset.done $0x0  }
0x1e: {  	s0 =	simm.s32 $0x2C0;
	[sflag:s22] =	ssyncadd.s32 $0xFFFFFD40  }
0x1f: {  	[tilespmem:s0], [sflag:$0x1] =	stream.linear.gather [hbm4b:s13+s4], $0x2C0, $0x38;
	[tilespmem:$0x39A0] =	vst v63  }
0x20: {  	_ =	swait.ge [sflag:s22], $0x2C0  }
0x21: {  	[sflag:s22] =	ssyncset.done $0x0  }
0x22: {  	s3 =	simm.s32 $0x580;
	[sflag:s22] =	ssyncadd.s32 $0xFFFFFD40  }
0x23: {  	[tilespmem:s3], [sflag:$0x1] =	stream.linear.gather [hbm4b:s14+s4], $0x2C0, $0x38;
	[tilespmem:$0x39A0] =	vst v63  }
0x24: {  	_ =	swait.ge [sflag:s22], $0x2C0  }
0x25: {  	[sflag:s22] =	ssyncset.done $0x0  }
0x26: {  	s21 =	simm.s32 $0x880;
	[sflag:s22] =	ssyncadd.s32 $0xFFFFFD40  }
0x27: {  	[tilespmem:s21], [sflag:$0x1] =	stream.linear.gather [hbm4b:s15+s4], $0x2C0, $0x38;
	[tilespmem:$0x39A0] =	vst v63  }
0x28: {  	_ =	swait.ge [sflag:s22], $0x2C0  }
0x29: {  	[sflag:s22] =	ssyncset.done $0x0  }
0x2a: {  	s23 =	simm.s32 $0xB80;
	[sflag:s22] =	ssyncadd.s32 $0xFFFFFD40  }
0x2b: {  	[tilespmem:s23], [sflag:$0x1] =	stream.linear.gather [hbm4b:s16+s4], $0x2C0, $0x38;
	[tilespmem:$0x39A0] =	vst v63  }
0x2c: {  	_ =	swait.ge [sflag:s22], $0x2C0  }
0x2d: {  	[sflag:s22] =	ssyncset.done $0x0  }
0x2e: {  	s24 =	simm.s32 $0xE80;
	[sflag:s22] =	ssyncadd.s32 $0xFFFFFD40  }
0x2f: {  	[tilespmem:s24], [sflag:$0x1] =	stream.linear.gather [hbm4b:s17+s4], $0x2C0, $0x38;
	[tilespmem:$0x39A0] =	vst v63  }
0x30: {  	_ =	swait.ge [sflag:s22], $0x2C0  }
0x31: {  	[sflag:s22] =	ssyncset.done $0x0  }
0x32: {  	[sflag:s22] =	ssyncadd.s32 $0xFFFFFD40  }
0x33: {  	s25 =	rddreg [dreg:$0x1]  }
0x34: {  	[tilespmem:s29], [sflag:$0x1] =	stream.linear.gather [hbm4b:s25+s4], $0x10, $0x38;
	[tilespmem:$0x39A0] =	vst v63  }
0x35: {  	_ =	swait.ge [sflag:s22], $0x10  }
0x36: {  	[sflag:s22] =	ssyncset.done $0x0  }
0x37: {  	[sflag:s22] =	ssyncadd.s32 $0xFFFFFFF0  }
0x38: {  	v15 =	vld [tilespmem:$0x1180]  }
0x39: {  	v16 =	vld [tilespmem:$0x0]  }
0x3a: {  	v17 =	vld [tilespmem:$0x10]  }
0x3b: {  	v18 =	vld [tilespmem:$0x20];
	_ =	sdelay $0x1  }
0x3c: {  	v21 =	vld [tilespmem:$0x40]  }
0x3d: {  	v19 =	vld [tilespmem:$0x30];
	vm6 =	vgt.f32 v16, v15  }
0x3e: {  	vm7 =	vgt.f32 v17, v15;
	v20 =	vsel vm6, $0x1, v3;
	vm6 =	veq.f32 v16, v15  }
0x3f: {  	v16 =	vsel vm7, $0x1, v3;
	vm7 =	veq.f32 v18, v15;
	v22 =	vsel vm6, $0x1, v3  }
0x40: {  	v16 =	vadd.s32 v20, v16;
	vm6 =	veq.f32 v17, v15;
	v20 =	vsel vm7, $0x1, v3  }
0x41: {  	vm7 =	vgt.f32 v21, v15;
	v17 =	vsel vm6, $0x1, v3;
	vm6 =	vgt.f32 v18, v15  }
0x42: {  	v17 =	vadd.s32 v22, v17;
	v18 =	vsel vm6, $0x1, v3;
	v22 =	vld [tilespmem:$0x50];
	vm6 =	vgt.f32 v19, v15  }
0x43: {  	v16 =	vadd.s32 v18, v16;
	v18 =	vsel vm6, $0x1, v3;
	vm6 =	veq.f32 v19, v15;
	v19 =	vld [tilespmem:$0x60]  }
0x44: {  	v23 =	vld [tilespmem:$0x70];
	v17 =	vadd.s32 v20, v17;
	v20 =	vsel vm7, $0x1, v3  }
0x45: {  	v16 =	vadd.s32 v18, v16;
	v18 =	vsel vm6, $0x1, v3;
	vm6 =	veq.f32 v21, v15  }
0x46: {  	v21 =	vld [tilespmem:$0x80];
	v17 =	vadd.s32 v18, v17;
	v16 =	vadd.s32 v20, v16;
	v18 =	vsel vm6, $0x1, v3  }
0x47: {  	v17 =	vadd.s32 v18, v17;
	vm6 =	vgt.f32 v22, v15;
	vm7 =	veq.f32 v22, v15  }
0x48: {  	v18 =	vsel vm6, $0x1, v3;
	v20 =	vsel vm7, $0x1, v3;
	vm6 =	vgt.f32 v19, v15  }
0x49: {  	v22 =	vld [tilespmem:$0xA0];
	vm7 =	vgt.f32 v23, v15;
	v16 =	vadd.s32 v18, v16;
	v17 =	vadd.s32 v20, v17  }
0x4a: {  	v18 =	vsel vm6, $0x1, v3;
	vm6 =	veq.f32 v19, v15;
	v19 =	vld [tilespmem:$0x90];
	v20 =	vsel vm7, $0x1, v3  }
0x4b: {  	vm7 =	veq.f32 v21, v15;
	v16 =	vadd.s32 v18, v16;
	v18 =	vsel vm6, $0x1, v3  }
0x4c: {  	vm6 =	veq.f32 v23, v15;
	v17 =	vadd.s32 v18, v17;
	v16 =	vadd.s32 v20, v16  }
0x4d: {  	v18 =	vsel vm6, $0x1, v3;
	vm6 =	vgt.f32 v21, v15;
	v20 =	vsel vm7, $0x1, v3;
	v21 =	vld [tilespmem:$0xB0]  }
0x4e: {  	v17 =	vadd.s32 v18, v17;
	v18 =	vsel vm6, $0x1, v3;
	vm7 =	vgt.f32 v22, v15  }
0x4f: {  	v23 =	vld [tilespmem:$0xD0];
	v16 =	vadd.s32 v18, v16;
	v17 =	vadd.s32 v20, v17;
	vm6 =	vgt.f32 v19, v15  }
0x50: {  	v20 =	vsel vm7, $0x1, v3;
	v18 =	vsel vm6, $0x1, v3;
	vm6 =	veq.f32 v19, v15;
	v19 =	vld [tilespmem:$0xC0]  }
0x51: {  	v16 =	vadd.s32 v18, v16;
	v18 =	vsel vm6, $0x1, v3;
	vm6 =	veq.f32 v22, v15  }
0x52: {  	vm7 =	veq.f32 v21, v15;
	v17 =	vadd.s32 v18, v17;
	v16 =	vadd.s32 v20, v16  }
0x53: {  	v18 =	vsel vm6, $0x1, v3;
	vm6 =	vgt.f32 v21, v15;
	v20 =	vsel vm7, $0x1, v3;
	v21 =	vld [tilespmem:$0xE0]  }
0x54: {  	vm7 =	vgt.f32 v23, v15;
	v17 =	vadd.s32 v18, v17;
	v18 =	vsel vm6, $0x1, v3  }
0x55: {  	v22 =	vld [tilespmem:$0x100];
	v16 =	vadd.s32 v18, v16;
	v17 =	vadd.s32 v20, v17;
	vm6 =	vgt.f32 v19, v15  }
0x56: {  	v20 =	vsel vm7, $0x1, v3;
	v18 =	vsel vm6, $0x1, v3;
	vm6 =	veq.f32 v19, v15;
	v19 =	vld [tilespmem:$0xF0]  }
0x57: {  	v16 =	vadd.s32 v18, v16;
	v18 =	vsel vm6, $0x1, v3;
	vm6 =	veq.f32 v23, v15  }
0x58: {  	vm7 =	veq.f32 v21, v15;
	v17 =	vadd.s32 v18, v17;
	v16 =	vadd.s32 v20, v16  }
0x59: {  	v18 =	vsel vm6, $0x1, v3;
	vm6 =	vgt.f32 v21, v15;
	v20 =	vsel vm7, $0x1, v3;
	v21 =	vld [tilespmem:$0x110]  }
0x5a: {  	vm7 =	vgt.f32 v22, v15;
	v17 =	vadd.s32 v18, v17;
	v18 =	vsel vm6, $0x1, v3  }
0x5b: {  	v23 =	vld [tilespmem:$0x130];
	v16 =	vadd.s32 v18, v16;
	v17 =	vadd.s32 v20, v17;
	vm6 =	vgt.f32 v19, v15  }
0x5c: {  	v20 =	vsel vm7, $0x1, v3;
	v18 =	vsel vm6, $0x1, v3;
	vm6 =	veq.f32 v19, v15;
	v19 =	vld [tilespmem:$0x120]  }
0x5d: {  	v16 =	vadd.s32 v18, v16;
	v18 =	vsel vm6, $0x1, v3;
	vm6 =	veq.f32 v22, v15  }
0x5e: {  	vm7 =	veq.f32 v21, v15;
	v17 =	vadd.s32 v18, v17;
	v16 =	vadd.s32 v20, v16  }
0x5f: {  	v18 =	vsel vm6, $0x1, v3;
	vm6 =	vgt.f32 v21, v15;
	v20 =	vsel vm7, $0x1, v3;
	v21 =	vld [tilespmem:$0x140]  }
0x60: {  	vm7 =	vgt.f32 v23, v15;
	v17 =	vadd.s32 v18, v17;
	v18 =	vsel vm6, $0x1, v3  }
0x61: {  	v22 =	vld [tilespmem:$0x160];
	v16 =	vadd.s32 v18, v16;
	v17 =	vadd.s32 v20, v17;
	vm6 =	vgt.f32 v19, v15  }
0x62: {  	v20 =	vsel vm7, $0x1, v3;
	v18 =	vsel vm6, $0x1, v3;
	vm6 =	veq.f32 v19, v15;
	v19 =	vld [tilespmem:$0x150]  }
0x63: {  	v16 =	vadd.s32 v18, v16;
	v18 =	vsel vm6, $0x1, v3;
	vm6 =	veq.f32 v23, v15  }
0x64: {  	vm7 =	veq.f32 v21, v15;
	v17 =	vadd.s32 v18, v17;
	v16 =	vadd.s32 v20, v16  }
0x65: {  	v18 =	vsel vm6, $0x1, v3;
	vm6 =	vgt.f32 v21, v15;
	v20 =	vsel vm7, $0x1, v3;
	v21 =	vld [tilespmem:$0x170]  }
0x66: {  	vm7 =	vgt.f32 v22, v15;
	v17 =	vadd.s32 v18, v17;
	v18 =	vsel vm6, $0x1, v3  }
0x67: {  	v23 =	vld [tilespmem:$0x190];
	v16 =	vadd.s32 v18, v16;
	v17 =	vadd.s32 v20, v17;
	vm6 =	vgt.f32 v19, v15  }
0x68: {  	v20 =	vsel vm7, $0x1, v3;
	v18 =	vsel vm6, $0x1, v3;
	vm6 =	veq.f32 v19, v15;
	v19 =	vld [tilespmem:$0x180]  }
0x69: {  	v16 =	vadd.s32 v18, v16;
	v18 =	vsel vm6, $0x1, v3;
	vm6 =	veq.f32 v22, v15  }
0x6a: {  	vm7 =	veq.f32 v21, v15;
	v17 =	vadd.s32 v18, v17;
	v16 =	vadd.s32 v20, v16  }
0x6b: {  	v18 =	vsel vm6, $0x1, v3;
	vm6 =	vgt.f32 v21, v15;
	v20 =	vsel vm7, $0x1, v3;
	v21 =	vld [tilespmem:$0x1A0]  }
0x6c: {  	vm7 =	vgt.f32 v23, v15;
	v17 =	vadd.s32 v18, v17;
	v18 =	vsel vm6, $0x1, v3  }
0x6d: {  	v22 =	vld [tilespmem:$0x1C0];
	v16 =	vadd.s32 v18, v16;
	v17 =	vadd.s32 v20, v17;
	vm6 =	vgt.f32 v19, v15  }
0x6e: {  	v20 =	vsel vm7, $0x1, v3;
	v18 =	vsel vm6, $0x1, v3;
	vm6 =	veq.f32 v19, v15;
	v19 =	vld [tilespmem:$0x1B0]  }
0x6f: {  	v16 =	vadd.s32 v18, v16;
	v18 =	vsel vm6, $0x1, v3;
	vm6 =	veq.f32 v23, v15  }
0x70: {  	vm7 =	veq.f32 v21, v15;
	v17 =	vadd.s32 v18, v17;
	v16 =	vadd.s32 v20, v16  }
0x71: {  	v18 =	vsel vm6, $0x1, v3;
	vm6 =	vgt.f32 v21, v15;
	v20 =	vsel vm7, $0x1, v3;
	v21 =	vld [tilespmem:$0x1D0]  }
0x72: {  	vm7 =	vgt.f32 v22, v15;
	v17 =	vadd.s32 v18, v17;
	v18 =	vsel vm6, $0x1, v3  }
0x73: {  	v23 =	vld [tilespmem:$0x1F0];
	v16 =	vadd.s32 v18, v16;
	v17 =	vadd.s32 v20, v17;
	vm6 =	vgt.f32 v19, v15  }
0x74: {  	v20 =	vsel vm7, $0x1, v3;
	v18 =	vsel vm6, $0x1, v3;
	vm6 =	veq.f32 v19, v15;
	v19 =	vld [tilespmem:$0x1E0]  }
0x75: {  	v16 =	vadd.s32 v18, v16;
	v18 =	vsel vm6, $0x1, v3;
	vm6 =	veq.f32 v22, v15  }
0x76: {  	vm7 =	veq.f32 v21, v15;
	v17 =	vadd.s32 v18, v17;
	v16 =	vadd.s32 v20, v16  }
0x77: {  	v18 =	vsel vm6, $0x1, v3;
	vm6 =	vgt.f32 v21, v15;
	v20 =	vsel vm7, $0x1, v3;
	v21 =	vld [tilespmem:$0x200]  }
0x78: {  	vm7 =	vgt.f32 v23, v15;
	v17 =	vadd.s32 v18, v17;
	v18 =	vsel vm6, $0x1, v3  }
0x79: {  	v22 =	vld [tilespmem:$0x220];
	v16 =	vadd.s32 v18, v16;
	v17 =	vadd.s32 v20, v17;
	vm6 =	vgt.f32 v19, v15  }
0x7a: {  	v20 =	vsel vm7, $0x1, v3;
	v18 =	vsel vm6, $0x1, v3;
	vm6 =	veq.f32 v19, v15;
	v19 =	vld [tilespmem:$0x210]  }
0x7b: {  	v16 =	vadd.s32 v18, v16;
	v18 =	vsel vm6, $0x1, v3;
	vm6 =	veq.f32 v23, v15  }
0x7c: {  	vm7 =	veq.f32 v21, v15;
	v17 =	vadd.s32 v18, v17;
	v16 =	vadd.s32 v20, v16  }
0x7d: {  	v18 =	vsel vm6, $0x1, v3;
	vm6 =	vgt.f32 v21, v15;
	v20 =	vsel vm7, $0x1, v3;
	v21 =	vld [tilespmem:$0x230]  }
0x7e: {  	vm7 =	vgt.f32 v22, v15;
	v17 =	vadd.s32 v18, v17;
	v18 =	vsel vm6, $0x1, v3  }
0x7f: {  	v23 =	vld [tilespmem:$0x250];
	v16 =	vadd.s32 v18, v16;
	v17 =	vadd.s32 v20, v17;
	vm6 =	vgt.f32 v19, v15  }
0x80: {  	v20 =	vsel vm7, $0x1, v3;
	v18 =	vsel vm6, $0x1, v3;
	vm6 =	veq.f32 v19, v15;
	v19 =	vld [tilespmem:$0x240]  }
0x81: {  	v16 =	vadd.s32 v18, v16;
	v18 =	vsel vm6, $0x1, v3;
	vm6 =	veq.f32 v22, v15  }
0x82: {  	vm7 =	veq.f32 v21, v15;
	v17 =	vadd.s32 v18, v17;
	v16 =	vadd.s32 v20, v16  }
0x83: {  	v18 =	vsel vm6, $0x1, v3;
	vm6 =	vgt.f32 v21, v15;
	v20 =	vsel vm7, $0x1, v3;
	v21 =	vld [tilespmem:$0x260]  }
0x84: {  	vm7 =	vgt.f32 v23, v15;
	v17 =	vadd.s32 v18, v17;
	v18 =	vsel vm6, $0x1, v3  }
0x85: {  	v22 =	vld [tilespmem:$0x280];
	v16 =	vadd.s32 v18, v16;
	v17 =	vadd.s32 v20, v17;
	vm6 =	vgt.f32 v19, v15  }
0x86: {  	v20 =	vsel vm7, $0x1, v3;
	v18 =	vsel vm6, $0x1, v3;
	vm6 =	veq.f32 v19, v15;
	v19 =	vld [tilespmem:$0x270]  }
0x87: {  	v16 =	vadd.s32 v18, v16;
	v18 =	vsel vm6, $0x1, v3;
	vm6 =	veq.f32 v23, v15  }
0x88: {  	vm7 =	veq.f32 v21, v15;
	v17 =	vadd.s32 v18, v17;
	v16 =	vadd.s32 v20, v16  }
0x89: {  	v18 =	vsel vm6, $0x1, v3;
	vm6 =	vgt.f32 v21, v15;
	v20 =	vsel vm7, $0x1, v3;
	v21 =	vld [tilespmem:$0x290]  }
0x8a: {  	vm7 =	vgt.f32 v22, v15;
	v17 =	vadd.s32 v18, v17;
	v18 =	vsel vm6, $0x1, v3  }
0x8b: {  	v23 =	vld [tilespmem:$0x2B0];
	v16 =	vadd.s32 v18, v16;
	v17 =	vadd.s32 v20, v17;
	vm6 =	vgt.f32 v19, v15  }
0x8c: {  	v20 =	vsel vm7, $0x1, v3;
	v18 =	vsel vm6, $0x1, v3;
	vm6 =	veq.f32 v19, v15;
	v19 =	vld [tilespmem:$0x2A0]  }
0x8d: {  	v16 =	vadd.s32 v18, v16;
	v18 =	vsel vm6, $0x1, v3;
	vm6 =	veq.f32 v22, v15  }
0x8e: {  	vm7 =	veq.f32 v21, v15;
	v22 =	vld [tilespmem:$0x2D0];
	v17 =	vadd.s32 v18, v17;
	v16 =	vadd.s32 v20, v16  }
0x8f: {  	v18 =	vsel vm6, $0x1, v3;
	vm6 =	vgt.f32 v21, v15;
	v20 =	vld [tilespmem:$0x2C0];
	v21 =	vsel vm7, $0x1, v3  }
0x90: {  	vm7 =	vgt.f32 v23, v15;
	v17 =	vadd.s32 v18, v17;
	v18 =	vsel vm6, $0x1, v3  }
0x91: {  	v16 =	vadd.s32 v18, v16;
	v17 =	vadd.s32 v21, v17;
	vm6 =	vgt.f32 v19, v15  }
0x92: {  	v21 =	vld [tilespmem:$0x2E0];
	v18 =	vsel vm6, $0x1, v3;
	vm6 =	veq.f32 v19, v15;
	v19 =	vsel vm7, $0x1, v3  }
0x93: {  	vm8 =	vgt.f32 v22, v15;
	v18 =	vadd.s32 v18, v16;
	v16 =	vsel vm6, $0x1, v3  }
0x94: {  	vm7 =	vgt.f32 v20, v15;
	v16 =	vadd.s32 v16, v17;
	v17 =	vadd.s32 v19, v18;
	v18 =	vld [tilespmem:$0x2F0]  }
0x95: {  	vm6 =	veq.f32 v23, v15;
	v19 =	vsel vm7, $0x1, v3;
	vm7 =	veq.f32 v20, v15  }
0x96: {  	v23 =	vld [tilespmem:$0x300];
	v20 =	vsel vm8, $0x1, v3;
	v24 =	vsel vm7, $0x1, v3;
	vm7 =	veq.f32 v22, v15  }
0x97: {  	v19 =	vadd.s32 v19, v20;
	v20 =	vsel vm7, $0x1, v3;
	vm7 =	vgt.f32 v21, v15  }
0x98: {  	vm8 =	veq.f32 v21, v15;
	v20 =	vadd.s32 v24, v20;
	v21 =	vsel vm7, $0x1, v3;
	v24 =	vld [tilespmem:$0x310]  }
0x99: {  	v25 =	vld [tilespmem:$0x330];
	v22 =	vsel vm8, $0x1, v3;
	v19 =	vadd.s32 v21, v19;
	vm7 =	vgt.f32 v18, v15  }
0x9a: {  	v20 =	vadd.s32 v22, v20;
	v21 =	vsel vm7, $0x1, v3;
	vm7 =	veq.f32 v18, v15;
	v18 =	vld [tilespmem:$0x320]  }
0x9b: {  	vm8 =	vgt.f32 v23, v15;
	v19 =	vadd.s32 v21, v19;
	v21 =	vsel vm7, $0x1, v3  }
0x9c: {  	v22 =	vsel vm8, $0x1, v3;
	vm7 =	veq.f32 v23, v15;
	v23 =	vld [tilespmem:$0x340];
	v20 =	vadd.s32 v21, v20  }
0x9d: {  	v19 =	vadd.s32 v22, v19;
	v21 =	vsel vm7, $0x1, v3;
	vm7 =	vgt.f32 v24, v15  }
0x9e: {  	vm8 =	veq.f32 v24, v15;
	v20 =	vadd.s32 v21, v20;
	v21 =	vsel vm7, $0x1, v3  }
0x9f: {  	v24 =	vld [tilespmem:$0x360];
	v22 =	vsel vm8, $0x1, v3;
	vm8 =	vgt.f32 v25, v15;
	vm7 =	vgt.f32 v18, v15  }
0xa0: {  	v19 =	vadd.s32 v21, v19;
	v21 =	vsel vm7, $0x1, v3;
	vm7 =	veq.f32 v18, v15;
	v18 =	vld [tilespmem:$0x350]  }
0xa1: {  	v20 =	vadd.s32 v22, v20;
	v22 =	vsel vm8, $0x1, v3;
	vm8 =	veq.f32 v23, v15  }
0xa2: {  	v19 =	vadd.s32 v21, v19;
	v21 =	vsel vm7, $0x1, v3;
	vm7 =	veq.f32 v25, v15  }
0xa3: {  	v20 =	vadd.s32 v21, v20;
	v21 =	vsel vm7, $0x1, v3;
	vm7 =	vgt.f32 v23, v15;
	v23 =	vld [tilespmem:$0x370]  }
0xa4: {  	v19 =	vadd.s32 v22, v19;
	v22 =	vsel vm8, $0x1, v3;
	vm8 =	vgt.f32 v24, v15  }
0xa5: {  	v25 =	vld [tilespmem:$0x390];
	v20 =	vadd.s32 v21, v20;
	v21 =	vsel vm7, $0x1, v3;
	vm7 =	vgt.f32 v18, v15  }
0xa6: {  	v19 =	vadd.s32 v21, v19;
	v21 =	vsel vm7, $0x1, v3;
	vm7 =	veq.f32 v18, v15;
	v18 =	vld [tilespmem:$0x380]  }
0xa7: {  	v20 =	vadd.s32 v22, v20;
	v22 =	vsel vm8, $0x1, v3;
	v19 =	vadd.s32 v21, v19  }
0xa8: {  	v21 =	vsel vm7, $0x1, v3;
	vm7 =	veq.f32 v24, v15;
	vm8 =	veq.f32 v23, v15  }
0xa9: {  	v20 =	vadd.s32 v21, v20;
	v21 =	vsel vm7, $0x1, v3;
	vm7 =	vgt.f32 v23, v15;
	v23 =	vld [tilespmem:$0x3A0]  }
0xaa: {  	v19 =	vadd.s32 v22, v19;
	v22 =	vsel vm8, $0x1, v3;
	vm8 =	vgt.f32 v25, v15  }
0xab: {  	v24 =	vld [tilespmem:$0x3C0];
	v20 =	vadd.s32 v21, v20;
	v21 =	vsel vm7, $0x1, v3;
	vm7 =	vgt.f32 v18, v15  }
0xac: {  	v19 =	vadd.s32 v21, v19;
	v21 =	vsel vm7, $0x1, v3;
	vm7 =	veq.f32 v18, v15;
	v18 =	vld [tilespmem:$0x3B0]  }
0xad: {  	v20 =	vadd.s32 v22, v20;
	v22 =	vsel vm8, $0x1, v3;
	v19 =	vadd.s32 v21, v19  }
0xae: {  	v21 =	vsel vm7, $0x1, v3;
	vm7 =	veq.f32 v25, v15;
	vm8 =	veq.f32 v23, v15  }
0xaf: {  	v20 =	vadd.s32 v21, v20;
	v21 =	vsel vm7, $0x1, v3;
	vm7 =	vgt.f32 v23, v15;
	v23 =	vld [tilespmem:$0x3D0]  }
0xb0: {  	v19 =	vadd.s32 v22, v19;
	v22 =	vsel vm8, $0x1, v3;
	vm8 =	vgt.f32 v24, v15  }
0xb1: {  	v25 =	vld [tilespmem:$0x3F0];
	v20 =	vadd.s32 v21, v20;
	v21 =	vsel vm7, $0x1, v3;
	vm7 =	vgt.f32 v18, v15  }
0xb2: {  	v19 =	vadd.s32 v21, v19;
	v21 =	vsel vm7, $0x1, v3;
	vm7 =	veq.f32 v18, v15;
	v18 =	vld [tilespmem:$0x3E0]  }
0xb3: {  	v20 =	vadd.s32 v22, v20;
	v22 =	vsel vm8, $0x1, v3;
	v19 =	vadd.s32 v21, v19  }
0xb4: {  	v21 =	vsel vm7, $0x1, v3;
	vm7 =	veq.f32 v24, v15;
	vm8 =	veq.f32 v23, v15  }
0xb5: {  	v20 =	vadd.s32 v21, v20;
	v21 =	vsel vm7, $0x1, v3;
	vm7 =	vgt.f32 v23, v15;
	v23 =	vld [tilespmem:$0x400]  }
0xb6: {  	v19 =	vadd.s32 v22, v19;
	v22 =	vsel vm8, $0x1, v3;
	vm8 =	vgt.f32 v25, v15  }
0xb7: {  	v24 =	vld [tilespmem:$0x420];
	v20 =	vadd.s32 v21, v20;
	v21 =	vsel vm7, $0x1, v3;
	vm7 =	vgt.f32 v18, v15  }
0xb8: {  	v19 =	vadd.s32 v21, v19;
	v21 =	vsel vm7, $0x1, v3;
	vm7 =	veq.f32 v18, v15;
	v18 =	vld [tilespmem:$0x410]  }
0xb9: {  	v20 =	vadd.s32 v22, v20;
	v22 =	vsel vm8, $0x1, v3;
	v19 =	vadd.s32 v21, v19  }
0xba: {  	v21 =	vsel vm7, $0x1, v3;
	vm7 =	veq.f32 v25, v15;
	vm8 =	veq.f32 v23, v15  }
0xbb: {  	v20 =	vadd.s32 v21, v20;
	v21 =	vsel vm7, $0x1, v3;
	vm7 =	vgt.f32 v23, v15;
	v23 =	vld [tilespmem:$0x430]  }
0xbc: {  	v19 =	vadd.s32 v22, v19;
	v22 =	vsel vm8, $0x1, v3;
	vm8 =	vgt.f32 v24, v15  }
0xbd: {  	v25 =	vld [tilespmem:$0x450];
	v20 =	vadd.s32 v21, v20;
	v21 =	vsel vm7, $0x1, v3;
	vm7 =	vgt.f32 v18, v15  }
0xbe: {  	v19 =	vadd.s32 v21, v19;
	v21 =	vsel vm7, $0x1, v3;
	vm7 =	veq.f32 v18, v15;
	v18 =	vld [tilespmem:$0x440]  }
0xbf: {  	v20 =	vadd.s32 v22, v20;
	v22 =	vsel vm8, $0x1, v3;
	v19 =	vadd.s32 v21, v19  }
0xc0: {  	v21 =	vsel vm7, $0x1, v3;
	vm7 =	veq.f32 v24, v15;
	vm8 =	veq.f32 v23, v15  }
0xc1: {  	v20 =	vadd.s32 v21, v20;
	v21 =	vsel vm7, $0x1, v3;
	vm7 =	vgt.f32 v23, v15;
	v23 =	vld [tilespmem:$0x460]  }
0xc2: {  	v19 =	vadd.s32 v22, v19;
	v22 =	vsel vm8, $0x1, v3;
	vm8 =	vgt.f32 v25, v15  }
0xc3: {  	v24 =	vld [tilespmem:$0x480];
	v20 =	vadd.s32 v21, v20;
	v21 =	vsel vm7, $0x1, v3;
	vm7 =	vgt.f32 v18, v15  }
0xc4: {  	v19 =	vadd.s32 v21, v19;
	v21 =	vsel vm7, $0x1, v3;
	vm7 =	veq.f32 v18, v15;
	v18 =	vld [tilespmem:$0x470]  }
0xc5: {  	v20 =	vadd.s32 v22, v20;
	v22 =	vsel vm8, $0x1, v3;
	v19 =	vadd.s32 v21, v19  }
0xc6: {  	v21 =	vsel vm7, $0x1, v3;
	vm7 =	veq.f32 v25, v15;
	vm8 =	veq.f32 v23, v15  }
0xc7: {  	v20 =	vadd.s32 v21, v20;
	v21 =	vsel vm7, $0x1, v3;
	vm7 =	vgt.f32 v23, v15;
	v23 =	vld [tilespmem:$0x490]  }
0xc8: {  	v19 =	vadd.s32 v22, v19;
	v22 =	vsel vm8, $0x1, v3;
	vm8 =	vgt.f32 v24, v15  }
0xc9: {  	v25 =	vld [tilespmem:$0x4B0];
	v20 =	vadd.s32 v21, v20;
	v21 =	vsel vm7, $0x1, v3;
	vm7 =	vgt.f32 v18, v15  }
0xca: {  	v19 =	vadd.s32 v21, v19;
	v21 =	vsel vm7, $0x1, v3;
	vm7 =	veq.f32 v18, v15;
	v18 =	vld [tilespmem:$0x4A0]  }
0xcb: {  	v20 =	vadd.s32 v22, v20;
	v22 =	vsel vm8, $0x1, v3;
	v19 =	vadd.s32 v21, v19  }
0xcc: {  	v21 =	vsel vm7, $0x1, v3;
	vm7 =	veq.f32 v24, v15;
	vm8 =	veq.f32 v23, v15  }
0xcd: {  	v20 =	vadd.s32 v21, v20;
	v21 =	vsel vm7, $0x1, v3;
	vm7 =	vgt.f32 v23, v15;
	v23 =	vld [tilespmem:$0x4C0]  }
0xce: {  	v19 =	vadd.s32 v22, v19;
	v22 =	vsel vm8, $0x1, v3;
	vm8 =	vgt.f32 v25, v15  }
0xcf: {  	v24 =	vld [tilespmem:$0x4E0];
	v20 =	vadd.s32 v21, v20;
	v21 =	vsel vm7, $0x1, v3;
	vm7 =	vgt.f32 v18, v15  }
0xd0: {  	v19 =	vadd.s32 v21, v19;
	v21 =	vsel vm7, $0x1, v3;
	vm7 =	veq.f32 v18, v15;
	v18 =	vld [tilespmem:$0x4D0]  }
0xd1: {  	v20 =	vadd.s32 v22, v20;
	v22 =	vsel vm8, $0x1, v3;
	v19 =	vadd.s32 v21, v19  }
0xd2: {  	v21 =	vsel vm7, $0x1, v3;
	vm7 =	veq.f32 v25, v15;
	vm8 =	veq.f32 v23, v15  }
0xd3: {  	v20 =	vadd.s32 v21, v20;
	v21 =	vsel vm7, $0x1, v3;
	vm7 =	vgt.f32 v23, v15;
	v23 =	vld [tilespmem:$0x4F0]  }
0xd4: {  	v19 =	vadd.s32 v22, v19;
	v22 =	vsel vm8, $0x1, v3;
	vm8 =	vgt.f32 v24, v15  }
0xd5: {  	v25 =	vld [tilespmem:$0x510];
	v20 =	vadd.s32 v21, v20;
	v21 =	vsel vm7, $0x1, v3;
	vm7 =	vgt.f32 v18, v15  }
0xd6: {  	v19 =	vadd.s32 v21, v19;
	v21 =	vsel vm7, $0x1, v3;
	vm7 =	veq.f32 v18, v15;
	v18 =	vld [tilespmem:$0x500]  }
0xd7: {  	v20 =	vadd.s32 v22, v20;
	v22 =	vsel vm8, $0x1, v3;
	v19 =	vadd.s32 v21, v19  }
0xd8: {  	v21 =	vsel vm7, $0x1, v3;
	vm7 =	veq.f32 v24, v15;
	vm8 =	veq.f32 v23, v15  }
0xd9: {  	v20 =	vadd.s32 v21, v20;
	v19 =	vadd.s32 v22, v19;
	v21 =	vsel vm7, $0x1, v3  }
0xda: {  	vm7 =	vgt.f32 v23, v15;
	v22 =	vsel vm8, $0x1, v3;
	v23 =	vld [tilespmem:$0x520];
	vm8 =	vgt.f32 v25, v15  }
0xdb: {  	v20 =	vadd.s32 v21, v20;
	v21 =	vsel vm7, $0x1, v3;
	vm7 =	vgt.f32 v18, v15  }
0xdc: {  	v19 =	vadd.s32 v21, v19;
	v21 =	vsel vm7, $0x1, v3;
	vm7 =	veq.f32 v18, v15;
	v18 =	vld [tilespmem:$0x530]  }
0xdd: {  	v20 =	vadd.s32 v22, v20;
	v22 =	vsel vm8, $0x1, v3  }
0xde: {  	v24 =	vld [tilespmem:$0x540];
	v19 =	vadd.s32 v21, v19;
	v21 =	vsel vm7, $0x1, v3;
	vm7 =	veq.f32 v25, v15  }
0xdf: {  	vm8 =	veq.f32 v23, v15;
	v20 =	vadd.s32 v21, v20;
	v19 =	vadd.s32 v22, v19;
	v22 =	vld [tilespmem:$0x550]  }
0xe0: {  	v21 =	vsel vm7, $0x1, v3;
	vm7 =	vgt.f32 v23, v15;
	v23 =	vsel vm8, $0x1, v3  }
0xe1: {  	v25 =	vld [tilespmem:$0x560];
	v20 =	vadd.s32 v21, v20;
	v21 =	vsel vm7, $0x1, v3;
	vm7 =	vgt.f32 v18, v15  }
0xe2: {  	v19 =	vadd.s32 v21, v19;
	v20 =	vadd.s32 v23, v20;
	v21 =	vld [tilespmem:$0x570];
	v23 =	vsel vm7, $0x1, v3  }
0xe3: {  	vm8 =	vgt.f32 v24, v15;
	vm7 =	veq.f32 v18, v15;
	v18 =	vadd.s32 v23, v19  }
0xe4: {  	v19 =	vsel vm7, $0x1, v3;
	v23 =	vsel vm8, $0x1, v3;
	vm7 =	vgt.f32 v22, v15  }
0xe5: {  	vm8 =	veq.f32 v24, v15;
	v19 =	vadd.s32 v19, v20;
	v18 =	vadd.s32 v23, v18  }
0xe6: {  	v20 =	vsel vm7, $0x1, v3;
	vm7 =	vgt.f32 v25, v15;
	v23 =	vsel vm8, $0x1, v3  }
0xe7: {  	v18 =	vadd.s32 v20, v18;
	v20 =	vsel vm7, $0x1, v3;
	vm7 =	vgt.f32 v21, v15  }
0xe8: {  	v19 =	vadd.s32 v23, v19;
	v18 =	vadd.s32 v20, v18;
	v20 =	vsel vm7, $0x1, v3  }
0xe9: {  	v23 =	vperm.xlane v17, v5;
	vm7 =	veq.f32 v22, v15;
	v18 =	vadd.s32 v20, v18  }
0xea: {  	v20 =	vsel vm7, $0x1, v3;
	v22 =	vperm.xlane v18, v5  }
0xeb: {  	vm7 =	veq.f32 v25, v15;
	v17 =	vadd.s32 v17, v23;
	v19 =	vadd.s32 v20, v19  }
0xec: {  	v20 =	vsel vm7, $0x1, v3;
	vm7 =	veq.f32 v21, v15;
	v18 =	vadd.s32 v18, v22  }
0xed: {  	v19 =	vadd.s32 v20, v19;
	v20 =	vsel vm7, $0x1, v3;
	v21 =	vperm.xlane v18, v9  }
0xee: {  	v22 =	vsel vm6, $0x1, v3;
	v19 =	vadd.s32 v20, v19;
	v20 =	vperm.xlane v17, v9  }
0xef: {  	v16 =	vadd.s32 v22, v16;
	v18 =	vadd.s32 v21, v18;
	v21 =	vperm.xlane v19, v5  }
0xf0: {  	v17 =	vadd.s32 v20, v17;
	v20 =	vperm.xlane v16, v5;
	v22 =	vperm.xlane v18, v13  }
0xf1: {  	v23 =	vperm.xlane v17, v13;
	v19 =	vadd.s32 v19, v21  }
0xf2: {  	v16 =	vadd.s32 v16, v20;
	v18 =	vadd.s32 v22, v18;
	v20 =	vperm.xlane v19, v9  }
0xf3: {  	v17 =	vadd.s32 v23, v17;
	v21 =	vperm.xlane v16, v9;
	v22 =	vperm.xlane v18, v7  }
0xf4: {  	v23 =	vperm.xlane v17, v7;
	v19 =	vadd.s32 v20, v19  }
0xf5: {  	v16 =	vadd.s32 v21, v16;
	v18 =	vadd.s32 v22, v18;
	v20 =	vperm.xlane v19, v13  }
0xf6: {  	v17 =	vadd.s32 v23, v17;
	v21 =	vperm.xlane v16, v13;
	v18 =	vnsel vm1, $0x0, v18  }
0xf7: {  	v19 =	vadd.s32 v20, v19;
	v17 =	vsel vm2, v17, v18  }
0xf8: {  	v16 =	vadd.s32 v21, v16;
	v18 =	vperm.xlane v19, v7;
	[tilespmem:$0x2400] =	vst v17  }
0xf9: {  	v17 =	vperm.xlane v16, v7;
	[spmem:s18] =	stream.linear.scatter [tilespmem:s30], [sflag:$0x1], $0x80, $0x38;
	[tilespmem:$0x39A0] =	vst v63  }
0xfa: {  	v18 =	vadd.s32 v18, v19;
	_ =	swait.ge [sflag:s22], $0x80  }
0xfb: {  	v16 =	vadd.s32 v17, v16;
	[sflag:s22] =	ssyncset.done $0x0;
	v17 =	vnsel vm1, $0x0, v18  }
0xfc: {  	[sflag:s22] =	ssyncadd.s32 $0xFFFFFF80;
	v16 =	vsel vm2, v16, v17  }
0xfd: {  	[tilespmem:$0x2400] =	vst v16  }
0xfe: {  	[spmem:s19] =	stream.linear.scatter [tilespmem:s30], [sflag:$0x1], $0x80, $0x38;
	[tilespmem:$0x39A0] =	vst v63  }
0xff: {  	_ =	swait.ge [sflag:s22], $0x80  }
0x100: {  	[sflag:s22] =	ssyncset.done $0x0  }
0x101: {  	[sflag:s22] =	ssyncadd.s32 $0xFFFFFF80  }
0x102: {  	[bflag:$0x0] =	sbarrier.arrive $0xFFFF  }
0x103: {  	s26 =	rddreg [dreg:$0x2]  }
0x104: {  	[tilespmem:s31], [sflag:$0x1] =	stream.linear.gather [spmem:s26], $0x1000, $0x38;
	[tilespmem:$0x39A0] =	vst v63  }
0x105: {  	_ =	swait.ge [sflag:s22], $0x1000  }
0x106: {  	[sflag:s22] =	ssyncset.done $0x0  }
0x107: {  	[sflag:s22] =	ssyncadd.s32 $0xFFFFF000  }
0x108: {  	v16 =	vld [tilespmem:$0x2480]  }
0x109: {  	v17 =	vld [tilespmem:$0x2880]  }
0x10a: {  	v18 =	vld [tilespmem:$0x2C80]  }
0x10b: {  	v19 =	vld [tilespmem:$0x3080]  }
0x10c: {  	v20 =	vld [tilespmem:$0x2500]  }
0x10d: {  	v21 =	vld [tilespmem:$0x2900]  }
0x10e: {  	v22 =	vld [tilespmem:$0x2D00]  }
0x10f: {  	v23 =	vld [tilespmem:$0x3100]  }
0x110: {  	v24 =	vld [tilespmem:$0x2580]  }
0x111: {  	v25 =	vld [tilespmem:$0x2980]  }
0x112: {  	v26 =	vld [tilespmem:$0x2D80]  }
0x113: {  	v27 =	vld [tilespmem:$0x3180]  }
0x114: {  	v28 =	vld [tilespmem:$0x2600]  }
0x115: {  	v29 =	vld [tilespmem:$0x2A00]  }
0x116: {  	v30 =	vld [tilespmem:$0x2E00]  }
0x117: {  	v31 =	vld [tilespmem:$0x3200]  }
0x118: {  	v32 =	vld [tilespmem:$0x2680]  }
0x119: {  	v33 =	vld [tilespmem:$0x2A80]  }
0x11a: {  	v34 =	vld [tilespmem:$0x2E80]  }
0x11b: {  	v35 =	vld [tilespmem:$0x3280]  }
0x11c: {  	v36 =	vld [tilespmem:$0x2700]  }
0x11d: {  	v37 =	vld [tilespmem:$0x2B00]  }
0x11e: {  	v38 =	vld [tilespmem:$0x2F00]  }
0x11f: {  	v39 =	vld [tilespmem:$0x3300]  }
0x120: {  	v40 =	vld [tilespmem:$0x2780]  }
0x121: {  	v41 =	vld [tilespmem:$0x2B80]  }
0x122: {  	v16 =	vadd.s32 v16, v20;
	v20 =	vld [tilespmem:$0x2F80];
	v17 =	vadd.s32 v17, v21  }
0x123: {  	v18 =	vadd.s32 v18, v22;
	v19 =	vadd.s32 v19, v23;
	v21 =	vld [tilespmem:$0x3380];
	v16 =	vadd.s32 v24, v16  }
0x124: {  	v22 =	vld [tilespmem:$0x2800];
	v17 =	vadd.s32 v25, v17;
	v18 =	vadd.s32 v26, v18;
	v19 =	vadd.s32 v27, v19  }
0x125: {  	v23 =	vld [tilespmem:$0x3400];
	v16 =	vadd.s32 v28, v16;
	v17 =	vadd.s32 v29, v17;
	v18 =	vadd.s32 v30, v18  }
0x126: {  	v24 =	vld [tilespmem:$0x2C00];
	v19 =	vadd.s32 v31, v19;
	v16 =	vadd.s32 v32, v16;
	v17 =	vadd.s32 v33, v17  }
0x127: {  	v25 =	vld [tilespmem:$0x3000];
	v19 =	vadd.s32 v35, v19;
	v18 =	vadd.s32 v34, v18;
	v16 =	vadd.s32 v36, v16  }
0x128: {  	v19 =	vadd.s32 v39, v19;
	v17 =	vadd.s32 v37, v17;
	v18 =	vadd.s32 v38, v18  }
0x129: {  	v16 =	vadd.s32 v40, v16;
	v19 =	vadd.s32 v21, v19;
	v17 =	vadd.s32 v41, v17  }
0x12a: {  	v18 =	vadd.s32 v20, v18;
	v16 =	vadd.s32 v22, v16;
	v21 =	vadd.s32 v23, v19  }
0x12b: {  	v17 =	vadd.s32 v24, v17;
	v19 =	vperm.xlane v16, v5;
	v20 =	vperm.xlane v21, v8  }
0x12c: {  	vm6 =	veq.s32 v1, $0x0;
	v18 =	vadd.s32 v25, v18;
	v22 =	vperm.xlane v17, v5  }
0x12d: {  	v23 =	vperm.xlane v18, v8;
	v19 =	vadd.s32 v16, v19;
	v20 =	vsel vm6, $0x0, v20  }
0x12e: {  	v24 =	vperm.xlane v19, v9;
	v20 =	vadd.s32 v21, v20  }
0x12f: {  	v22 =	vadd.s32 v17, v22;
	v23 =	vsel vm6, $0x0, v23;
	v25 =	vperm.xlane v20, v11  }
0x130: {  	v23 =	vadd.s32 v18, v23;
	v19 =	vadd.s32 v24, v19;
	v24 =	vperm.xlane v22, v9  }
0x131: {  	v27 =	vperm.xlane v18, v5;
	v26 =	vperm.xlane v23, v11;
	v25 =	vsel vm3, $0x0, v25  }
0x132: {  	v28 =	vperm.xlane v19, v13;
	v22 =	vadd.s32 v24, v22;
	v20 =	vadd.s32 v25, v20  }
0x133: {  	v24 =	vsel vm3, $0x0, v26;
	v26 =	vadd.s32 v18, v27;
	v25 =	vperm.xlane v20, v12  }
0x134: {  	v27 =	vperm.xlane v22, v13;
	v23 =	vadd.s32 v24, v23;
	v24 =	vperm.xlane v26, v9  }
0x135: {  	v19 =	vadd.s32 v28, v19;
	v28 =	vperm.xlane v23, v12;
	v25 =	vsel vm4, $0x0, v25  }
0x136: {  	v22 =	vadd.s32 v27, v22;
	v24 =	vadd.s32 v24, v26;
	v20 =	vadd.s32 v25, v20  }
0x137: {  	[tilespmem:$0x3820] =	vst v3;
	v25 =	vsel vm4, $0x0, v28;
	v27 =	vperm.xlane v24, v13;
	v26 =	vperm.xlane v20, v14  }
0x138: {  	[tilespmem:$0x38A0] =	vst v3;
	v28 =	vperm.xlane v19, v7;
	v29 =	vperm.xlane v22, v7;
	v23 =	vadd.s32 v25, v23  }
0x139: {  	s28 =	simm.s32 $0x0;
	[tilespmem:$0x3920] =	vst v3;
	v25 =	vperm.xlane v23, v14;
	v24 =	vadd.s32 v27, v24;
	v26 =	vsel vm5, $0x0, v26  }
0x13a: {  	v19 =	vadd.s32 v19, v28;
	v27 =	vld [tilespmem:s28+$0x0];
	v28 =	vperm.xlane v24, v7;
	v26 =	vsub.s32 v26, v21  }
0x13b: {  	v19 =	vadd.s32 v29, v19;
	v25 =	vsel vm5, $0x0, v25;
	v20 =	vadd.s32 v20, v26  }
0x13c: {  	v19 =	vadd.s32 v22, v19;
	v22 =	vsub.s32 v25, v18;
	v20 =	vadd.s32 v28, v20  }
0x13d: {  	v19 =	vsub.s32 $0x1770, v19;
	v22 =	vadd.s32 v23, v22;
	v20 =	vadd.s32 v24, v20  }
0x13e: {  	v23 =	vsub.s32 v19, v22;
	v22 =	vmul.u32 v2, v22;
	v24 =	vmul.u32 v0, v20  }
0x13f: {  	vm7 =	veq.f32 v27, v15;
	vm8 =	vgt.s32 v23, $0x0  }
0x140: {  	v23 =	vnsel vm8, $0x0, v23;
	v24 =	vadd.s32 v22, v24;
	v22 =	vsel vm7, $0x1, v3  }
0x141: {  	vm8 =	vlt.s32 v18, v23;
	v24 =	vnsel vm0, $0x0, v24;
	v25 =	vperm.xlane v22, v8  }
0x142: {  	v18 =	vsel vm8, v18, v23;
	v23 =	vperm.xlane v24, v5  }
0x143: {  	v16 =	vadd.s32 v18, v16;
	v18 =	vsel vm6, $0x0, v25  }
0x144: {  	v16 =	vadd.s32 $0x7, v16;
	v23 =	vadd.s32 v24, v23;
	v18 =	vadd.s32 v22, v18  }
0x145: {  	v16 =	vand.u32 $0xFFFFFFF8, v16;
	v24 =	vperm.xlane v23, v9;
	v25 =	vperm.xlane v18, v11  }
0x146: {  	v20 =	vsub.s32 v19, v20;
	v26 =	vperm.xlane v16, v8  }
0x147: {  	vm8 =	vgt.s32 v20, $0x0;
	v23 =	vadd.s32 v24, v23;
	v24 =	vsel vm3, $0x0, v25  }
0x148: {  	v25 =	vsel vm6, $0x0, v26;
	v26 =	vperm.xlane v23, v13;
	v18 =	vadd.s32 v24, v18  }
0x149: {  	v20 =	vnsel vm8, $0x0, v20;
	v24 =	vadd.s32 v16, v25;
	v25 =	vperm.xlane v18, v12  }
0x14a: {  	vm8 =	vlt.s32 v21, v20;
	v23 =	vadd.s32 v26, v23  }
0x14b: {  	v20 =	vsel vm8, v21, v20;
	v21 =	vperm.xlane v23, v7;
	v25 =	vsel vm4, $0x0, v25  }
0x14c: {  	v17 =	vadd.s32 v20, v17;
	v28 =	vperm.xlane v24, v11;
	v18 =	vadd.s32 v25, v18  }
0x14d: {  	v20 =	vadd.s32 v21, v23;
	v21 =	vsel vm7, $0xFFFFFFFF, v3;
	v23 =	vperm.xlane v18, v14  }
0x14e: {  	v26 =	vsel vm3, $0x0, v28;
	v21 =	vadd.s32 v21, v20  }
0x14f: {  	v24 =	vadd.s32 v26, v24;
	v23 =	vsel vm5, $0x0, v23;
	v21 =	vadd.s32 v3, v21  }
0x150: {  	v17 =	vadd.s32 $0x7, v17;
	v25 =	vperm.xlane v24, v12;
	v21 =	vadd.s32 v23, v21  }
0x151: {  	v17 =	vand.u32 $0xFFFFFFF8, v17;
	v18 =	vadd.s32 v18, v21  }
0x152: {  	v23 =	vsel vm4, $0x0, v25;
	v25 =	vperm.xlane v17, v8;
	vm8 =	vlt.s32 v18, v19  }
0x153: {  	vm9 =	vgt.f32 v27, v15;
	v21 =	vadd.s32 v23, v24;
	vm7 =	vmand vm7, vm8  }
0x154: {  	v18 =	vsel vm6, $0x0, v25;
	v23 =	vperm.xlane v21, v14;
	vm7 =	vmor vm9, vm7  }
0x155: {  	v26 =	vperm.xlane v16, v5;
	v18 =	vadd.s32 v18, v17;
	v25 =	vsel vm7, $0x1, v3  }
0x156: {  	v24 =	vperm.xlane v18, v11;
	v23 =	vsel vm5, $0x0, v23;
	v28 =	vperm.xlane v25, v8  }
0x157: {  	v23 =	vsub.s32 v23, v16;
	v29 =	vperm.xlane v25, v5  }
0x158: {  	v16 =	vadd.s32 v16, v26;
	v24 =	vsel vm3, $0x0, v24;
	v26 =	vsel vm6, $0x0, v28  }
0x159: {  	v28 =	vperm.xlane v16, v9;
	v30 =	vadd.s32 v25, v29;
	v26 =	vadd.s32 v25, v26  }
0x15a: {  	v18 =	vadd.s32 v24, v18;
	v24 =	vperm.xlane v30, v9;
	v31 =	vperm.xlane v26, v11  }
0x15b: {  	v23 =	vadd.s32 v21, v23;
	v21 =	vperm.xlane v18, v12;
	v16 =	vadd.s32 v28, v16  }
0x15c: {  	v28 =	vperm.xlane v16, v13;
	v24 =	vadd.s32 v24, v30;
	v30 =	vsel vm3, $0x0, v31  }
0x15d: {  	v21 =	vsel vm4, $0x0, v21;
	v31 =	vperm.xlane v24, v13;
	v26 =	vadd.s32 v30, v26  }
0x15e: {  	v46 =	vld [tilespmem:$0x3820];
	v18 =	vadd.s32 v21, v18;
	v16 =	vadd.s32 v28, v16;
	v21 =	vperm.xlane v26, v12  }
0x15f: {  	v28 =	vperm.xlane v18, v14;
	v30 =	vperm.xlane v16, v7;
	v24 =	vadd.s32 v31, v24  }
0x160: {  	v31 =	vperm.xlane v17, v5;
	v47 =	vperm.xlane v24, v7;
	v21 =	vsel vm4, $0x0, v21  }
0x161: {  	v28 =	vsel vm5, $0x0, v28;
	v16 =	vadd.s32 v30, v16;
	v30 =	vadd.s32 v21, v26  }
0x162: {  	v31 =	vadd.s32 v17, v31;
	v21 =	vadd.s32 v47, v24;
	v24 =	vperm.xlane v30, v14  }
0x163: {  	v17 =	vsub.s32 v28, v17;
	v28 =	vperm.xlane v31, v9;
	v26 =	vadd.s32 v46, v21  }
0x164: {  	v21 =	vadd.s32 $0x1, v1;
	(v2sf) =	vpush v26, $0x0;
	v24 =	vsel vm5, $0x0, v24  }
0x165: {  	v17 =	vadd.s32 v18, v17;
	v18 =	vsel vm7, v21, v1;
	v24 =	vadd.s32 v30, v24  }
0x166: {  	v23 =	vmul.u32 v2, v23;
	v17 =	vadd.s32 v16, v17;
	v18 =	vsub.s32 v18, v24  }
0x167: {  	v28 =	vadd.s32 v28, v31;
	v17 =	vmul.u32 v0, v17;
	v24 =	vperm.xlane v18, v5  }
0x168: {  	v30 =	vperm.xlane v28, v13;
	v31 =	vand.u32 $0x1, v18  }
0x169: {  	v17 =	vadd.s32 v23, v17;
	vm8 =	veq.s32 v31, $0x1;
	v23 =	vand.u32 $0x1, v24  }
0x16a: {  	vm7 =	vmand vm7, vm8;
	vm8 =	veq.s32 v29, $0x1;
	vm9 =	veq.s32 v23, $0x1  }
0x16b: {  	v23 =	vnsel vm0, $0x0, v17;
	v17 =	vadd.s32 $0xFFFFFFFF, v24;
	vm8 =	vmand vm8, vm9  }
0x16c: {  	v25 =	vsel vm7, $0x0, v25;
	v24 =	vperm.xlane v23, v5;
	v29 =	vsel vm8, v17, v18  }
0x16d: {  	v17 =	vadd.s32 v30, v28;
	v25 =	vsel vm8, $0x1, v25;
	v30 =	vperm.xlane v29, v9  }
0x16e: {  	v48 =	vperm.xlane v22, v4;
	v23 =	vadd.s32 v23, v24;
	v24 =	vperm.xlane v25, v9  }
0x16f: {  	v18 =	vperm.xlane v17, v7;
	v49 =	vand.u32 $0x2, v29;
	v28 =	vand.u32 $0x2, v30  }
0x170: {  	vm7 =	veq.s32 v24, $0x1;
	v24 =	vadd.s32 $0xFFFFFFFE, v30;
	vm9 =	vne.s32 v28, $0x0;
	v28 =	vld [tilespmem:$0x38A0]  }
0x171: {  	v30 =	vadd.s32 v22, v48;
	vm7 =	vmand vm7, vm9;
	vm9 =	veq.s32 v49, $0x0  }
0x172: {  	v22 =	vperm.xlane v1, v5;
	v25 =	vnsel vm9, $0x0, v25;
	v24 =	vsel vm7, v24, v29  }
0x173: {  	v31 =	vperm.xlane v23, v9;
	s3 =	spop (v2sf);
	v25 =	vsel vm7, $0x1, v25;
	v29 =	vperm.xlane v24, v13  }
0x174: {  	v33 =	vperm.xlane v30, v6;
	v52 =	vsel vm8, v22, v1;
	p2 =	slt.s32 s3, $0x10;
	v50 =	vperm.xlane v25, v13  }
0x175: {  	v54 =	vperm.xlane v52, v9;
	v53 =	vand.u32 $0x4, v29;
	(v2sf) =	vpush @!p2 v28, $0x0  }
0x176: {  	v51 =	vand.u32 $0x4, v24;
	vm8 =	veq.s32 v50, $0x1;
	vm9 =	vne.s32 v53, $0x0  }
0x177: {  	v29 =	vadd.s32 $0xFFFFFFFC, v29;
	vm8 =	vmand vm8, vm9;
	vm9 =	veq.s32 v51, $0x0  }
0x178: {  	v55 =	vsel vm7, v54, v52;
	v25 =	vnsel vm9, $0x0, v25;
	v24 =	vsel vm8, v29, v24  }
0x179: {  	v56 =	vld [tilespmem:$0x3620];
	v29 =	vperm.xlane v55, v13;
	v25 =	vsel vm8, $0x1, v25;
	v24 =	vperm.xlane v24, v7  }
0x17a: {  	v57 =	vld [tilespmem:$0x37A0];
	v23 =	vadd.s32 v31, v23;
	v30 =	vadd.s32 v33, v30;
	v25 =	vperm.xlane v25, v7  }
0x17b: {  	v58 =	vld [tilespmem:s28+$0xB80];
	v33 =	vperm.xlane v30, v10;
	v29 =	vsel vm8, v29, v55;
	v24 =	vand.u32 $0x8, v24  }
0x17c: {  	v59 =	vld [tilespmem:s28+$0x880];
	vm7 =	veq.s32 v25, $0x1;
	vm8 =	vne.s32 v24, $0x0;
	v24 =	vperm.xlane v29, v7  }
0x17d: {  	v60 =	vld [tilespmem:s28+$0xE80];
	v30 =	vadd.s32 v33, v30;
	v25 =	vperm.xlane v23, v13;
	vm7 =	vmand vm7, vm8  }
0x17e: {  	v62 =	vld [tilespmem:s28+$0x580];
	v33 =	vperm.xlane v30, v7;
	v24 =	vsel vm7, v24, v29;
	v29 =	vsub.s32 v1, v46  }
0x17f: {  	v31 =	vld [tilespmem:$0x3520];
	v23 =	vadd.s32 v25, v23;
	v25 =	vor.u32 s1, v1;
	v61 =	vperm.xlane v24, v29  }
0x180: {  	v38 =	vld [tilespmem:$0x36A0];
	vm8 =	vlt.s32 v1, v46;
	vm7 =	vgt.s32 v26, $0xF;
	v63 =	vcvt.s32.f32 v25  }
0x181: {  	v37 =	vld [tilespmem:$0x35A0];
	v24 =	vperm.xlane v23, v7;
	v29 =	vadd.s32 v3, v33;
	v42 =	vand.u32 $0xF, v61  }
0x182: {  	v25 =	vadd.s32 v30, v29;
	v30 =	vld [tilespmem:$0x3720];
	v33 =	vperm.xlane v27, v42;
	v43 =	vperm.xlane v63, v42  }
0x183: {  	v29 =	vadd.s32 $0xFFFFFFF0, v26;
	v34 =	vperm.xlane v59, v42;
	v27 =	vperm.xlane v58, v42  }
0x184: {  	v32 =	vperm.xlane v60, v42;
	v36 =	vsel vm8, v31, v33;
	v31 =	vsel vm8, v57, v43;
	s3 =	spop @!p2 (v2sf)  }
0x185: {  	s0 =	simm.s32 $0x40;
	s21 =	smov.u32 s1;
	v35 =	vperm.xlane v62, v42;
	v39 =	vsel vm8, v56, v34;
	[tilespmem:s3+$0x2100] =	vst @!p2 v31;
	v31 =	vsel vm7, v43, v31  }
.LBB2_2:
0x186: {  	v40 =	vsel vm8, v38, v27;
	[tilespmem:s3+$0x1800] =	vst @!p2 v39;
	v33 =	vsel vm7, v33, v36;
	v34 =	vsel vm7, v34, v39;
	s21 =	sadd.s32 $0x10, s21;
	s23 =	smov.u32 s0;
	s0 =	sadd.s32 $0x40, s0  }
0x187: {  	v30 =	vsel vm8, v30, v32;
	p1 =	sne.s32 s0, $0xB00;
	v37 =	vsel vm8, v37, v35;
	[tilespmem:s3+$0x1B00] =	vst @!p2 v40;
	v27 =	vsel vm7, v27, v40  }
0x188: {  	v38 =	vmovc v25;
	v32 =	vsel vm7, v32, v30;
	[tilespmem:s3+$0x1200] =	vst @!p2 v36;
	v35 =	vsel vm7, v35, v37;
	v36 =	vsel vm7, $0x10, v3  }
0x189: {  	v26 =	vsel vm7, v29, v26;
	[tilespmem:s3+$0x1E00] =	vst @!p2 v30  }
0x18a: {  	[tilespmem:s3+$0x1500] =	vst @!p2 v37  }
0x18b: {  	[tilespmem:$0x3520] =	vst v33  }
0x18c: {  	v28 =	vadd.s32 v28, v36;
	[tilespmem:$0x3920] =	vst v25  }
0x18d: {  	[tilespmem:$0x38A0] =	vst v28  }
0x18e: {  	[tilespmem:$0x3620] =	vst v34  }
0x18f: {  	[tilespmem:$0x3820] =	vst v26  }
0x190: {  	[tilespmem:$0x37A0] =	vst v31  }
0x191: {  	[tilespmem:$0x3720] =	vst v32  }
0x192: {  	[tilespmem:$0x35A0] =	vst v35  }
0x193: {  	s3 =	sshra.s32 s23, $0x2;
	[tilespmem:$0x36A0] =	vst v27  }
0x194: {  	v27 =	vld [tilespmem:s3+$0x0];
	_ =	sdelay $0x4  }
0x195: {  	vm7 =	veq.f32 v27, v15  }
0x196: {  	v26 =	vsel vm7, $0xFFFFFFFF, v3;
	v28 =	vsel vm7, $0x1, v3  }
0x197: {  	v29 =	vperm.xlane v28, v8;
	v26 =	vadd.s32 v26, v20;
	v30 =	vperm.xlane v28, v4;
	_ =	sdelay $0x1  }
0x198: {  	v29 =	vsel vm6, $0x0, v29;
	v30 =	vadd.s32 v28, v30  }
0x199: {  	v28 =	vadd.s32 v28, v29;
	v29 =	vperm.xlane v30, v6  }
0x19a: {  	v31 =	vperm.xlane v28, v11  }
0x19b: {  	v29 =	vadd.s32 v29, v30  }
0x19c: {  	v30 =	vsel vm3, $0x0, v31;
	v31 =	vperm.xlane v29, v10  }
0x19d: {  	v28 =	vadd.s32 v30, v28  }
0x19e: {  	v30 =	vperm.xlane v28, v12;
	v29 =	vadd.s32 v31, v29  }
0x19f: {  	v31 =	vperm.xlane v29, v7  }
0x1a0: {  	v30 =	vsel vm4, $0x0, v30  }
0x1a1: {  	v28 =	vadd.s32 v30, v28;
	v25 =	vadd.s32 v25, v31  }
0x1a2: {  	v30 =	vperm.xlane v28, v14;
	v25 =	vadd.s32 v29, v25;
	_ =	sdelay $0x1  }
0x1a3: {  	v26 =	vadd.s32 v38, v26;
	v29 =	vsel vm5, $0x0, v30  }
0x1a4: {  	v26 =	vadd.s32 v29, v26  }
0x1a5: {  	v26 =	vadd.s32 v28, v26  }
0x1a6: {  	vm8 =	vlt.s32 v26, v19  }
0x1a7: {  	vm9 =	vgt.f32 v27, v15;
	vm7 =	vmand vm7, vm8  }
0x1a8: {  	vm7 =	vmor vm9, vm7  }
0x1a9: {  	v28 =	vsel vm7, $0x1, v3  }
0x1aa: {  	v30 =	vperm.xlane v28, v5;
	v26 =	vperm.xlane v28, v8;
	_ =	sdelay $0x1  }
0x1ab: {  	v29 =	vadd.s32 v28, v30;
	v26 =	vsel vm6, $0x0, v26  }
0x1ac: {  	v31 =	vperm.xlane v29, v9;
	v26 =	vadd.s32 v28, v26  }
0x1ad: {  	v32 =	vperm.xlane v26, v11  }
0x1ae: {  	v29 =	vadd.s32 v31, v29  }
0x1af: {  	v31 =	vperm.xlane v29, v13;
	v32 =	vsel vm3, $0x0, v32  }
0x1b0: {  	v26 =	vadd.s32 v32, v26;
	v32 =	vld [tilespmem:$0x3820]  }
0x1b1: {  	v29 =	vadd.s32 v31, v29;
	v31 =	vperm.xlane v26, v12  }
0x1b2: {  	v33 =	vperm.xlane v29, v7  }
0x1b3: {  	v31 =	vsel vm4, $0x0, v31  }
0x1b4: {  	v29 =	vadd.s32 v33, v29;
	v31 =	vadd.s32 v31, v26  }
0x1b5: {  	v33 =	vperm.xlane v31, v14;
	v26 =	vadd.s32 v32, v29  }
0x1b6: {  	v29 =	vadd.s32 $0xFFFFFFF0, v26;
	(v2sf) =	vpush v26, $0x0  }
0x1b7: {  	v33 =	vsel vm5, $0x0, v33  }
0x1b8: {  	v34 =	vsel vm7, v21, v1;
	v31 =	vadd.s32 v31, v33  }
0x1b9: {  	v31 =	vsub.s32 v34, v31  }
0x1ba: {  	v33 =	vperm.xlane v31, v5;
	v34 =	vand.u32 $0x1, v31  }
0x1bb: {  	vm8 =	veq.s32 v34, $0x1  }
0x1bc: {  	v34 =	vand.u32 $0x1, v33;
	vm7 =	vmand vm7, vm8  }
0x1bd: {  	vm8 =	veq.s32 v30, $0x1;
	vm9 =	veq.s32 v34, $0x1  }
0x1be: {  	v30 =	vadd.s32 $0xFFFFFFFF, v33;
	v28 =	vsel vm7, $0x0, v28;
	vm8 =	vmand vm8, vm9  }
0x1bf: {  	v30 =	vsel vm8, v30, v31;
	v28 =	vsel vm8, $0x1, v28  }
0x1c0: {  	v31 =	vperm.xlane v30, v9;
	v33 =	vperm.xlane v28, v9;
	v34 =	vand.u32 $0x2, v30  }
0x1c1: {  	vm7 =	veq.s32 v34, $0x0  }
0x1c2: {  	v34 =	vand.u32 $0x2, v31;
	v35 =	vnsel vm7, $0x0, v28  }
0x1c3: {  	vm7 =	veq.s32 v33, $0x1;
	vm9 =	vne.s32 v34, $0x0;
	v28 =	vld [tilespmem:$0x38A0]  }
0x1c4: {  	v31 =	vadd.s32 $0xFFFFFFFE, v31;
	vm7 =	vmand vm7, vm9  }
0x1c5: {  	v30 =	vsel vm7, v31, v30;
	v31 =	vsel vm7, $0x1, v35;
	s23 =	spop (v2sf)  }
0x1c6: {  	v33 =	vperm.xlane v30, v13;
	v34 =	vperm.xlane v31, v13;
	v35 =	vand.u32 $0x4, v30  }
0x1c7: {  	v36 =	vsel vm8, v22, v1;
	p2 =	slt.s32 s23, $0x10;
	vm8 =	veq.s32 v35, $0x0  }
0x1c8: {  	v35 =	vand.u32 $0x4, v33;
	v31 =	vnsel vm8, $0x0, v31;
	(v2sf) =	vpush @!p2 v28, $0x0  }
0x1c9: {  	v37 =	vperm.xlane v36, v9;
	vm8 =	veq.s32 v34, $0x1;
	vm9 =	vne.s32 v35, $0x0  }
0x1ca: {  	v33 =	vadd.s32 $0xFFFFFFFC, v33;
	vm8 =	vmand vm8, vm9  }
0x1cb: {  	v34 =	vsel vm7, v37, v36;
	v30 =	vsel vm8, v33, v30;
	v31 =	vsel vm8, $0x1, v31  }
0x1cc: {  	v33 =	vperm.xlane v34, v13;
	v30 =	vperm.xlane v30, v7;
	v35 =	vld [tilespmem:$0x3520]  }
0x1cd: {  	v31 =	vperm.xlane v31, v7;
	v39 =	vld [tilespmem:$0x3620]  }
0x1ce: {  	v33 =	vsel vm8, v33, v34;
	v34 =	vand.u32 $0x8, v30;
	v30 =	vld [tilespmem:$0x3720]  }
0x1cf: {  	vm7 =	veq.s32 v31, $0x1;
	v31 =	vperm.xlane v33, v7;
	vm8 =	vne.s32 v34, $0x0;
	v40 =	vld [tilespmem:$0x37A0]  }
0x1d0: {  	v36 =	vld [tilespmem:s3+$0xB80];
	vm7 =	vmand vm7, vm8  }
0x1d1: {  	v34 =	vld [tilespmem:s3+$0x880];
	v31 =	vsel vm7, v31, v33;
	v33 =	vsub.s32 v1, v32  }
0x1d2: {  	v37 =	vor.u32 s21, v1;
	v41 =	vld [tilespmem:s3+$0xE80];
	v31 =	vperm.xlane v31, v33  }
0x1d3: {  	v43 =	vcvt.s32.f32 v37;
	v42 =	vld [tilespmem:s3+$0x580]  }
.Ltmp0:
0x1d4: {  	v38 =	vld [tilespmem:$0x36A0];
	v31 =	vand.u32 $0xF, v31;
	(pc) =	sbr.rel @p1 .LBB2_2-.Ltmp0, $4  }
0x1d5: {  	vm8 =	vlt.s32 v1, v32;
	v37 =	vld [tilespmem:$0x35A0];
	v33 =	vperm.xlane v27, v31;
	v43 =	vperm.xlane v43, v31  }
0x1d6: {  	vm7 =	vgt.s32 v26, $0xF;
	v27 =	vperm.xlane v36, v31;
	v34 =	vperm.xlane v34, v31  }
0x1d7: {  	v36 =	vsel vm8, v35, v33;
	v32 =	vperm.xlane v41, v31;
	v40 =	vsel vm8, v40, v43;
	s3 =	spop @!p2 (v2sf)  }
0x1d8: {  	v35 =	vperm.xlane v42, v31;
	v39 =	vsel vm8, v39, v34;
	[tilespmem:s3+$0x2100] =	vst @!p2 v40;
	v31 =	vsel vm7, v43, v40  }
0x1d9: {  	[tilespmem:s3+$0x1800] =	vst @!p2 v39  }
0x1da: {  	v15 =	vsel vm8, v38, v27;
	[tilespmem:s3+$0x1200] =	vst @!p2 v36  }
0x1db: {  	v19 =	vsel vm8, v30, v32;
	[tilespmem:s3+$0x1B00] =	vst @!p2 v15  }
0x1dc: {  	v21 =	vsel vm7, $0x10, v3;
	v20 =	vsel vm8, v37, v35;
	[tilespmem:s3+$0x1E00] =	vst @!p2 v19  }
0x1dd: {  	v21 =	vadd.s32 v28, v21;
	[tilespmem:s3+$0x1500] =	vst @!p2 v20  }
0x1de: {  	[tilespmem:$0x38A0] =	vst v21  }
0x1df: {  	v21 =	vld [tilespmem:$0x38A0];
	_ =	sdelay $0x4  }
0x1e0: {  	(v2sf) =	vpush v21, $0x0;
	_ =	sdelay $0x6  }
0x1e1: {  	v22 =	vsel vm7, v29, v26  }
0x1e2: {  	v59 =	vsel vm7, v33, v36;
	[tilespmem:$0x3820] =	vst v22  }
0x1e3: {  	[tilespmem:$0x3520] =	vst v59;
	v22 =	vld [tilespmem:$0x3820]  }
0x1e4: {  	v60 =	vsel vm7, v34, v39;
	[tilespmem:$0x3920] =	vst v25;
	v61 =	vld [tilespmem:$0x3520]  }
0x1e5: {  	[tilespmem:$0x3620] =	vst v60  }
0x1e6: {  	v19 =	vsel vm7, v32, v19;
	[tilespmem:$0x37A0] =	vst v31  }
0x1e7: {  	v20 =	vsel vm7, v35, v20;
	[tilespmem:$0x3720] =	vst v19  }
0x1e8: {  	v15 =	vsel vm7, v27, v15;
	[tilespmem:$0x35A0] =	vst v20;
	vm6 =	vgt.s32 v22, v1  }
0x1e9: {  	[tilespmem:$0x36A0] =	vst v15;
	v15 =	vnsel vm6, $0xFF61B1E6, v61;
	s23 =	spop (v2sf)  }
0x1ea: {  	[tilespmem:s23+$0x1200] =	vst v15  }
0x1eb: {  	v15 =	vld [tilespmem:$0x35A0];
	_ =	sdelay $0x4  }
0x1ec: {  	[tilespmem:s23+$0x1500] =	vst v15  }
0x1ed: {  	v15 =	vld [tilespmem:$0x3620];
	_ =	sdelay $0x1  }
0x1ee: {  	v62 =	vadd.s32 v22, v21  }
0x1ef: {  	(v2sf) =	vpush v62, $0x0;
	_ =	sdelay $0x1  }
0x1f0: {  	v63 =	vadd.s32 v24, v23;
	[tilespmem:s23+$0x1800] =	vst v15  }
0x1f1: {  	(v2sf) =	vpush v63, $0x0;
	v15 =	vld [tilespmem:$0x36A0];
	_ =	sdelay $0x4  }
0x1f2: {  	[tilespmem:s23+$0x1B00] =	vst v15  }
0x1f3: {  	v15 =	vld [tilespmem:$0x3720];
	_ =	sdelay $0x4  }
0x1f4: {  	[tilespmem:s23+$0x1E00] =	vst v15  }
0x1f5: {  	s0 =	spop (v2sf);
	v15 =	vld [tilespmem:$0x37A0]  }
0x1f6: {  	s0 =	sadd.s32 $0x7, s0  }
0x1f7: {  	s3 =	sand.u32 $0x200, s0  }
0x1f8: {  	s21 =	spop (v2sf);
	p1 =	seq.s32 s3, $0x0  }
0x1f9: {  	s24 =	sshrl.u32 @!p1 s21, $0x3  }
0x1fa: {  	s25 =	simm.s32 @!p1 $0x0;
	s26 =	simm.s32 @!p1 $0x1200;
	[tilespmem:s23+$0x2100] =	vst v15;
	s23 =	sadd.s32 @!p1 s5, s24  }
0x1fb: {  	[hbm4b:s23+s25] =	stream.linear.scatter @!p1 [tilespmem:s26], [sflag:$0x1], $0x200, $0x38;
	[tilespmem:$0x39A0] =	vst v63  }
0x1fc: {  	s23 =	simm.s32 @!p1 $0x1  }
0x1fd: {  	_ =	swait.ge @!p1 [sflag:s23], $0x200  }
0x1fe: {  	[sflag:s23] =	ssyncset.done @!p1 $0x0  }
0x1ff: {  	s28 =	simm.s32 @!p1 $0x1500;
	s26 =	sadd.s32 @!p1 s6, s24;
	[sflag:s23] =	ssyncadd.s32 @!p1 $0xFFFFFE00  }
0x200: {  	[hbm4b:s26+s25] =	stream.linear.scatter @!p1 [tilespmem:s28], [sflag:$0x1], $0x200, $0x38;
	[tilespmem:$0x39A0] =	vst v63  }
0x201: {  	_ =	swait.ge @!p1 [sflag:s23], $0x200  }
0x202: {  	[sflag:s23] =	ssyncset.done @!p1 $0x0  }
0x203: {  	s26 =	sadd.s32 @!p1 s7, s24;
	s28 =	simm.s32 @!p1 $0x1800;
	[sflag:s23] =	ssyncadd.s32 @!p1 $0xFFFFFE00  }
0x204: {  	[hbm4b:s26+s25] =	stream.linear.scatter @!p1 [tilespmem:s28], [sflag:$0x1], $0x200, $0x38;
	[tilespmem:$0x39A0] =	vst v63  }
0x205: {  	_ =	swait.ge @!p1 [sflag:s23], $0x200  }
0x206: {  	[sflag:s23] =	ssyncset.done @!p1 $0x0  }
0x207: {  	s26 =	sadd.s32 @!p1 s8, s24;
	s28 =	simm.s32 @!p1 $0x1B00;
	[sflag:s23] =	ssyncadd.s32 @!p1 $0xFFFFFE00  }
0x208: {  	[hbm4b:s26+s25] =	stream.linear.scatter @!p1 [tilespmem:s28], [sflag:$0x1], $0x200, $0x38;
	[tilespmem:$0x39A0] =	vst v63  }
0x209: {  	_ =	swait.ge @!p1 [sflag:s23], $0x200  }
0x20a: {  	[sflag:s23] =	ssyncset.done @!p1 $0x0  }
0x20b: {  	s26 =	sadd.s32 @!p1 s9, s24;
	s28 =	simm.s32 @!p1 $0x1E00;
	[sflag:s23] =	ssyncadd.s32 @!p1 $0xFFFFFE00  }
0x20c: {  	[hbm4b:s26+s25] =	stream.linear.scatter @!p1 [tilespmem:s28], [sflag:$0x1], $0x200, $0x38;
	[tilespmem:$0x39A0] =	vst v63  }
0x20d: {  	_ =	swait.ge @!p1 [sflag:s23], $0x200  }
0x20e: {  	[sflag:s23] =	ssyncset.done @!p1 $0x0  }
0x20f: {  	s24 =	sadd.s32 @!p1 s10, s24;
	s26 =	simm.s32 @!p1 $0x2100;
	[sflag:s23] =	ssyncadd.s32 @!p1 $0xFFFFFE00  }
0x210: {  	[hbm4b:s24+s25] =	stream.linear.scatter @!p1 [tilespmem:s26], [sflag:$0x1], $0x200, $0x38;
	[tilespmem:$0x39A0] =	vst v63  }
0x211: {  	s26 =	sand.u32 $0x100, s0  }
0x212: {  	_ =	swait.ge @!p1 [sflag:s23], $0x200;
	p2 =	seq.s32 s26, $0x0  }
0x213: {  	[sflag:s23] =	ssyncset.done @!p1 $0x0;
	s24 =	sadd.s32 @!p2 s21, s3  }
0x214: {  	[sflag:s23] =	ssyncadd.s32 @!p1 $0xFFFFFE00;
	s23 =	sshrl.u32 @!p2 s24, $0x3  }
0x215: {  	s25 =	sadd.s32 @!p2 $0x1200, s3;
	s26 =	simm.s32 @!p2 $0x0;
	s24 =	sadd.s32 @!p2 s5, s23  }
0x216: {  	[hbm4b:s24+s26] =	stream.linear.scatter @!p2 [tilespmem:s25], [sflag:$0x1], $0x100, $0x38;
	[tilespmem:$0x39A0] =	vst v63  }
0x217: {  	s24 =	simm.s32 @!p2 $0x1  }
0x218: {  	_ =	swait.ge @!p2 [sflag:s24], $0x100  }
0x219: {  	[sflag:s24] =	ssyncset.done @!p2 $0x0  }
0x21a: {  	s28 =	sadd.s32 @!p2 $0x1500, s3;
	s25 =	sadd.s32 @!p2 s6, s23;
	[sflag:s24] =	ssyncadd.s32 @!p2 $0xFFFFFF00  }
0x21b: {  	[hbm4b:s25+s26] =	stream.linear.scatter @!p2 [tilespmem:s28], [sflag:$0x1], $0x100, $0x38;
	[tilespmem:$0x39A0] =	vst v63  }
0x21c: {  	_ =	swait.ge @!p2 [sflag:s24], $0x100  }
0x21d: {  	[sflag:s24] =	ssyncset.done @!p2 $0x0  }
0x21e: {  	s25 =	sadd.s32 @!p2 s7, s23;
	s28 =	sor.u32 @!p2 $0x1800, s3;
	[sflag:s24] =	ssyncadd.s32 @!p2 $0xFFFFFF00  }
0x21f: {  	[hbm4b:s25+s26] =	stream.linear.scatter @!p2 [tilespmem:s28], [sflag:$0x1], $0x100, $0x38;
	[tilespmem:$0x39A0] =	vst v63  }
0x220: {  	_ =	swait.ge @!p2 [sflag:s24], $0x100  }
0x221: {  	[sflag:s24] =	ssyncset.done @!p2 $0x0  }
0x222: {  	s25 =	sadd.s32 @!p2 s8, s23;
	s28 =	sadd.s32 @!p2 $0x1B00, s3;
	[sflag:s24] =	ssyncadd.s32 @!p2 $0xFFFFFF00  }
0x223: {  	[hbm4b:s25+s26] =	stream.linear.scatter @!p2 [tilespmem:s28], [sflag:$0x1], $0x100, $0x38;
	[tilespmem:$0x39A0] =	vst v63  }
0x224: {  	_ =	swait.ge @!p2 [sflag:s24], $0x100  }
0x225: {  	[sflag:s24] =	ssyncset.done @!p2 $0x0  }
0x226: {  	s25 =	sadd.s32 @!p2 s9, s23;
	s28 =	sadd.s32 @!p2 $0x1E00, s3;
	[sflag:s24] =	ssyncadd.s32 @!p2 $0xFFFFFF00  }
0x227: {  	[hbm4b:s25+s26] =	stream.linear.scatter @!p2 [tilespmem:s28], [sflag:$0x1], $0x100, $0x38;
	[tilespmem:$0x39A0] =	vst v63  }
0x228: {  	_ =	swait.ge @!p2 [sflag:s24], $0x100  }
0x229: {  	s23 =	sadd.s32 @!p2 s10, s23;
	s28 =	sand.u32 $0x80, s0;
	[sflag:s24] =	ssyncset.done @!p2 $0x0  }
0x22a: {  	s3 =	sadd.s32 @!p2 $0x2100, s3;
	p1 =	seq.s32 s28, $0x0;
	[sflag:s24] =	ssyncadd.s32 @!p2 $0xFFFFFF00  }
0x22b: {  	[hbm4b:s23+s26] =	stream.linear.scatter @!p2 [tilespmem:s3], [sflag:$0x1], $0x100, $0x38;
	[tilespmem:$0x39A0] =	vst v63  }
0x22c: {  	s3 =	sand.u32 @!p1 $0x300, s0  }
0x22d: {  	_ =	swait.ge @!p2 [sflag:s24], $0x100;
	s23 =	sadd.s32 @!p1 s21, s3  }
0x22e: {  	s26 =	simm.s32 @!p1 $0x0;
	[sflag:s24] =	ssyncset.done @!p2 $0x0;
	s23 =	sshrl.u32 @!p1 s23, $0x3  }
0x22f: {  	s25 =	sadd.s32 @!p1 $0x1200, s3;
	[sflag:s24] =	ssyncadd.s32 @!p2 $0xFFFFFF00;
	s24 =	sadd.s32 @!p1 s5, s23  }
0x230: {  	[hbm4b:s24+s26] =	stream.linear.scatter @!p1 [tilespmem:s25], [sflag:$0x1], $0x80, $0x38;
	[tilespmem:$0x39A0] =	vst v63  }
0x231: {  	s24 =	simm.s32 @!p1 $0x1  }
0x232: {  	_ =	swait.ge @!p1 [sflag:s24], $0x80  }
0x233: {  	[sflag:s24] =	ssyncset.done @!p1 $0x0  }
0x234: {  	s28 =	sadd.s32 @!p1 $0x1500, s3;
	s25 =	sadd.s32 @!p1 s6, s23;
	[sflag:s24] =	ssyncadd.s32 @!p1 $0xFFFFFF80  }
0x235: {  	[hbm4b:s25+s26] =	stream.linear.scatter @!p1 [tilespmem:s28], [sflag:$0x1], $0x80, $0x38;
	[tilespmem:$0x39A0] =	vst v63  }
0x236: {  	_ =	swait.ge @!p1 [sflag:s24], $0x80  }
0x237: {  	[sflag:s24] =	ssyncset.done @!p1 $0x0  }
0x238: {  	s25 =	sadd.s32 @!p1 s7, s23;
	s28 =	sor.u32 @!p1 $0x1800, s3;
	[sflag:s24] =	ssyncadd.s32 @!p1 $0xFFFFFF80  }
0x239: {  	[hbm4b:s25+s26] =	stream.linear.scatter @!p1 [tilespmem:s28], [sflag:$0x1], $0x80, $0x38;
	[tilespmem:$0x39A0] =	vst v63  }
0x23a: {  	_ =	swait.ge @!p1 [sflag:s24], $0x80  }
0x23b: {  	[sflag:s24] =	ssyncset.done @!p1 $0x0  }
0x23c: {  	s25 =	sadd.s32 @!p1 s8, s23;
	s28 =	sadd.s32 @!p1 $0x1B00, s3;
	[sflag:s24] =	ssyncadd.s32 @!p1 $0xFFFFFF80  }
0x23d: {  	[hbm4b:s25+s26] =	stream.linear.scatter @!p1 [tilespmem:s28], [sflag:$0x1], $0x80, $0x38;
	[tilespmem:$0x39A0] =	vst v63  }
0x23e: {  	_ =	swait.ge @!p1 [sflag:s24], $0x80  }
0x23f: {  	[sflag:s24] =	ssyncset.done @!p1 $0x0  }
0x240: {  	s25 =	sadd.s32 @!p1 s9, s23;
	s28 =	sadd.s32 @!p1 $0x1E00, s3;
	[sflag:s24] =	ssyncadd.s32 @!p1 $0xFFFFFF80  }
0x241: {  	[hbm4b:s25+s26] =	stream.linear.scatter @!p1 [tilespmem:s28], [sflag:$0x1], $0x80, $0x38;
	[tilespmem:$0x39A0] =	vst v63  }
0x242: {  	_ =	swait.ge @!p1 [sflag:s24], $0x80  }
0x243: {  	[sflag:s24] =	ssyncset.done @!p1 $0x0  }
0x244: {  	s23 =	sadd.s32 @!p1 s10, s23;
	s3 =	sadd.s32 @!p1 $0x2100, s3;
	[sflag:s24] =	ssyncadd.s32 @!p1 $0xFFFFFF80  }
0x245: {  	[hbm4b:s23+s26] =	stream.linear.scatter @!p1 [tilespmem:s3], [sflag:$0x1], $0x80, $0x38;
	[tilespmem:$0x39A0] =	vst v63  }
0x246: {  	s23 =	sand.u32 $0x40, s0  }
0x247: {  	p2 =	seq.s32 s23, $0x0  }
0x248: {  	s3 =	sand.u32 @!p2 $0x380, s0  }
0x249: {  	_ =	swait.ge @!p1 [sflag:s24], $0x80;
	s23 =	sadd.s32 @!p2 s21, s3  }
0x24a: {  	[sflag:s24] =	ssyncset.done @!p1 $0x0;
	s26 =	simm.s32 @!p2 $0x0;
	s23 =	sshrl.u32 @!p2 s23, $0x3  }
0x24b: {  	[sflag:s24] =	ssyncadd.s32 @!p1 $0xFFFFFF80;
	s25 =	sadd.s32 @!p2 $0x1200, s3;
	s24 =	sadd.s32 @!p2 s5, s23  }
0x24c: {  	[hbm4b:s24+s26] =	stream.linear.scatter @!p2 [tilespmem:s25], [sflag:$0x1], $0x40, $0x38;
	[tilespmem:$0x39A0] =	vst v63  }
0x24d: {  	s24 =	simm.s32 @!p2 $0x1  }
0x24e: {  	_ =	swait.ge @!p2 [sflag:s24], $0x40  }
0x24f: {  	[sflag:s24] =	ssyncset.done @!p2 $0x0  }
0x250: {  	s28 =	sadd.s32 @!p2 $0x1500, s3;
	s25 =	sadd.s32 @!p2 s6, s23;
	[sflag:s24] =	ssyncadd.s32 @!p2 $0xFFFFFFC0  }
0x251: {  	[hbm4b:s25+s26] =	stream.linear.scatter @!p2 [tilespmem:s28], [sflag:$0x1], $0x40, $0x38;
	[tilespmem:$0x39A0] =	vst v63  }
0x252: {  	_ =	swait.ge @!p2 [sflag:s24], $0x40  }
0x253: {  	[sflag:s24] =	ssyncset.done @!p2 $0x0  }
0x254: {  	s25 =	sadd.s32 @!p2 s7, s23;
	s28 =	sor.u32 @!p2 $0x1800, s3;
	[sflag:s24] =	ssyncadd.s32 @!p2 $0xFFFFFFC0  }
0x255: {  	[hbm4b:s25+s26] =	stream.linear.scatter @!p2 [tilespmem:s28], [sflag:$0x1], $0x40, $0x38;
	[tilespmem:$0x39A0] =	vst v63  }
0x256: {  	_ =	swait.ge @!p2 [sflag:s24], $0x40  }
0x257: {  	[sflag:s24] =	ssyncset.done @!p2 $0x0  }
0x258: {  	s25 =	sadd.s32 @!p2 s8, s23;
	s28 =	sadd.s32 @!p2 $0x1B00, s3;
	[sflag:s24] =	ssyncadd.s32 @!p2 $0xFFFFFFC0  }
0x259: {  	[hbm4b:s25+s26] =	stream.linear.scatter @!p2 [tilespmem:s28], [sflag:$0x1], $0x40, $0x38;
	[tilespmem:$0x39A0] =	vst v63  }
0x25a: {  	_ =	swait.ge @!p2 [sflag:s24], $0x40  }
0x25b: {  	[sflag:s24] =	ssyncset.done @!p2 $0x0  }
0x25c: {  	s25 =	sadd.s32 @!p2 s9, s23;
	s28 =	sadd.s32 @!p2 $0x1E00, s3;
	[sflag:s24] =	ssyncadd.s32 @!p2 $0xFFFFFFC0  }
0x25d: {  	[hbm4b:s25+s26] =	stream.linear.scatter @!p2 [tilespmem:s28], [sflag:$0x1], $0x40, $0x38;
	[tilespmem:$0x39A0] =	vst v63  }
0x25e: {  	_ =	swait.ge @!p2 [sflag:s24], $0x40  }
0x25f: {  	s23 =	sadd.s32 @!p2 s10, s23;
	s25 =	sand.u32 $0x20, s0;
	[sflag:s24] =	ssyncset.done @!p2 $0x0  }
0x260: {  	s3 =	sadd.s32 @!p2 $0x2100, s3;
	p1 =	seq.s32 s25, $0x0;
	[sflag:s24] =	ssyncadd.s32 @!p2 $0xFFFFFFC0  }
0x261: {  	[hbm4b:s23+s26] =	stream.linear.scatter @!p2 [tilespmem:s3], [sflag:$0x1], $0x40, $0x38;
	[tilespmem:$0x39A0] =	vst v63  }
0x262: {  	s3 =	sand.u32 @!p1 $0x3C0, s0  }
0x263: {  	_ =	swait.ge @!p2 [sflag:s24], $0x40;
	s23 =	sadd.s32 @!p1 s21, s3  }
0x264: {  	s26 =	simm.s32 @!p1 $0x0;
	[sflag:s24] =	ssyncset.done @!p2 $0x0;
	s23 =	sshrl.u32 @!p1 s23, $0x3  }
0x265: {  	s25 =	sadd.s32 @!p1 $0x1200, s3;
	[sflag:s24] =	ssyncadd.s32 @!p2 $0xFFFFFFC0;
	s24 =	sadd.s32 @!p1 s5, s23  }
0x266: {  	[hbm4b:s24+s26] =	stream.linear.scatter @!p1 [tilespmem:s25], [sflag:$0x1], $0x20, $0x38;
	[tilespmem:$0x39A0] =	vst v63  }
0x267: {  	s24 =	simm.s32 @!p1 $0x1  }
0x268: {  	_ =	swait.ge @!p1 [sflag:s24], $0x20  }
0x269: {  	[sflag:s24] =	ssyncset.done @!p1 $0x0  }
0x26a: {  	s28 =	sadd.s32 @!p1 $0x1500, s3;
	s25 =	sadd.s32 @!p1 s6, s23;
	[sflag:s24] =	ssyncadd.s32 @!p1 $0xFFFFFFE0  }
0x26b: {  	[hbm4b:s25+s26] =	stream.linear.scatter @!p1 [tilespmem:s28], [sflag:$0x1], $0x20, $0x38;
	[tilespmem:$0x39A0] =	vst v63  }
0x26c: {  	_ =	swait.ge @!p1 [sflag:s24], $0x20  }
0x26d: {  	[sflag:s24] =	ssyncset.done @!p1 $0x0  }
0x26e: {  	s25 =	sadd.s32 @!p1 s7, s23;
	s28 =	sor.u32 @!p1 $0x1800, s3;
	[sflag:s24] =	ssyncadd.s32 @!p1 $0xFFFFFFE0  }
0x26f: {  	[hbm4b:s25+s26] =	stream.linear.scatter @!p1 [tilespmem:s28], [sflag:$0x1], $0x20, $0x38;
	[tilespmem:$0x39A0] =	vst v63  }
0x270: {  	_ =	swait.ge @!p1 [sflag:s24], $0x20  }
0x271: {  	[sflag:s24] =	ssyncset.done @!p1 $0x0  }
0x272: {  	s25 =	sadd.s32 @!p1 s8, s23;
	s28 =	sadd.s32 @!p1 $0x1B00, s3;
	[sflag:s24] =	ssyncadd.s32 @!p1 $0xFFFFFFE0  }
0x273: {  	[hbm4b:s25+s26] =	stream.linear.scatter @!p1 [tilespmem:s28], [sflag:$0x1], $0x20, $0x38;
	[tilespmem:$0x39A0] =	vst v63  }
0x274: {  	_ =	swait.ge @!p1 [sflag:s24], $0x20  }
0x275: {  	[sflag:s24] =	ssyncset.done @!p1 $0x0  }
0x276: {  	s25 =	sadd.s32 @!p1 s9, s23;
	s28 =	sadd.s32 @!p1 $0x1E00, s3;
	[sflag:s24] =	ssyncadd.s32 @!p1 $0xFFFFFFE0  }
0x277: {  	[hbm4b:s25+s26] =	stream.linear.scatter @!p1 [tilespmem:s28], [sflag:$0x1], $0x20, $0x38;
	[tilespmem:$0x39A0] =	vst v63  }
0x278: {  	_ =	swait.ge @!p1 [sflag:s24], $0x20  }
0x279: {  	[sflag:s24] =	ssyncset.done @!p1 $0x0  }
0x27a: {  	s23 =	sadd.s32 @!p1 s10, s23;
	s3 =	sadd.s32 @!p1 $0x2100, s3;
	[sflag:s24] =	ssyncadd.s32 @!p1 $0xFFFFFFE0  }
0x27b: {  	[hbm4b:s23+s26] =	stream.linear.scatter @!p1 [tilespmem:s3], [sflag:$0x1], $0x20, $0x38;
	[tilespmem:$0x39A0] =	vst v63  }
0x27c: {  	s26 =	sand.u32 $0x10, s0  }
0x27d: {  	p2 =	seq.s32 s26, $0x0  }
0x27e: {  	s3 =	sand.u32 @!p2 $0x3E0, s0  }
0x27f: {  	_ =	swait.ge @!p1 [sflag:s24], $0x20;
	s23 =	sadd.s32 @!p2 s21, s3  }
0x280: {  	[sflag:s24] =	ssyncset.done @!p1 $0x0;
	s26 =	simm.s32 @!p2 $0x0;
	s23 =	sshrl.u32 @!p2 s23, $0x3  }
0x281: {  	[sflag:s24] =	ssyncadd.s32 @!p1 $0xFFFFFFE0;
	s25 =	sadd.s32 @!p2 $0x1200, s3;
	s24 =	sadd.s32 @!p2 s5, s23  }
0x282: {  	[hbm4b:s24+s26] =	stream.linear.scatter @!p2 [tilespmem:s25], [sflag:$0x1], $0x10, $0x38;
	[tilespmem:$0x39A0] =	vst v63  }
0x283: {  	s24 =	simm.s32 @!p2 $0x1  }
0x284: {  	_ =	swait.ge @!p2 [sflag:s24], $0x10  }
0x285: {  	[sflag:s24] =	ssyncset.done @!p2 $0x0  }
0x286: {  	s28 =	sadd.s32 @!p2 $0x1500, s3;
	s25 =	sadd.s32 @!p2 s6, s23;
	[sflag:s24] =	ssyncadd.s32 @!p2 $0xFFFFFFF0  }
0x287: {  	[hbm4b:s25+s26] =	stream.linear.scatter @!p2 [tilespmem:s28], [sflag:$0x1], $0x10, $0x38;
	[tilespmem:$0x39A0] =	vst v63  }
0x288: {  	_ =	swait.ge @!p2 [sflag:s24], $0x10  }
0x289: {  	[sflag:s24] =	ssyncset.done @!p2 $0x0  }
0x28a: {  	s25 =	sadd.s32 @!p2 s7, s23;
	s28 =	sor.u32 @!p2 $0x1800, s3;
	[sflag:s24] =	ssyncadd.s32 @!p2 $0xFFFFFFF0  }
0x28b: {  	[hbm4b:s25+s26] =	stream.linear.scatter @!p2 [tilespmem:s28], [sflag:$0x1], $0x10, $0x38;
	[tilespmem:$0x39A0] =	vst v63  }
0x28c: {  	_ =	swait.ge @!p2 [sflag:s24], $0x10  }
0x28d: {  	[sflag:s24] =	ssyncset.done @!p2 $0x0  }
0x28e: {  	s25 =	sadd.s32 @!p2 s8, s23;
	s28 =	sadd.s32 @!p2 $0x1B00, s3;
	[sflag:s24] =	ssyncadd.s32 @!p2 $0xFFFFFFF0  }
0x28f: {  	[hbm4b:s25+s26] =	stream.linear.scatter @!p2 [tilespmem:s28], [sflag:$0x1], $0x10, $0x38;
	[tilespmem:$0x39A0] =	vst v63  }
0x290: {  	_ =	swait.ge @!p2 [sflag:s24], $0x10  }
0x291: {  	[sflag:s24] =	ssyncset.done @!p2 $0x0  }
0x292: {  	s25 =	sadd.s32 @!p2 s9, s23;
	s28 =	sadd.s32 @!p2 $0x1E00, s3;
	[sflag:s24] =	ssyncadd.s32 @!p2 $0xFFFFFFF0  }
0x293: {  	[hbm4b:s25+s26] =	stream.linear.scatter @!p2 [tilespmem:s28], [sflag:$0x1], $0x10, $0x38;
	[tilespmem:$0x39A0] =	vst v63  }
0x294: {  	s28 =	sand.u32 $0x8, s0;
	_ =	swait.ge @!p2 [sflag:s24], $0x10  }
0x295: {  	s23 =	sadd.s32 @!p2 s10, s23;
	p1 =	seq.s32 s28, $0x0;
	[sflag:s24] =	ssyncset.done @!p2 $0x0  }
0x296: {  	s3 =	sadd.s32 @!p2 $0x2100, s3;
	s0 =	sand.u32 @!p1 $0x3F0, s0;
	[sflag:s24] =	ssyncadd.s32 @!p2 $0xFFFFFFF0  }
0x297: {  	[hbm4b:s23+s26] =	stream.linear.scatter @!p2 [tilespmem:s3], [sflag:$0x1], $0x10, $0x38;
	[tilespmem:$0x39A0] =	vst v63  }
0x298: {  	s3 =	sadd.s32 @!p1 s21, s0;
	_ =	swait.ge @!p2 [sflag:s24], $0x10  }
0x299: {  	s23 =	sadd.s32 @!p1 $0x1200, s0;
	s3 =	sshrl.u32 @!p1 s3, $0x3;
	[sflag:s24] =	ssyncset.done @!p2 $0x0  }
0x29a: {  	s21 =	sadd.s32 @!p1 s5, s3;
	[sflag:s24] =	ssyncadd.s32 @!p2 $0xFFFFFFF0;
	s24 =	simm.s32 @!p1 $0x0  }
0x29b: {  	[hbm4b:s21+s24] =	stream.linear.scatter @!p1 [tilespmem:s23], [sflag:$0x1], $0x8, $0x38;
	[tilespmem:$0x39A0] =	vst v63  }
0x29c: {  	s21 =	simm.s32 @!p1 $0x1  }
0x29d: {  	_ =	swait.ge @!p1 [sflag:s21], $0x8  }
0x29e: {  	[sflag:s21] =	ssyncset.done @!p1 $0x0  }
0x29f: {  	s25 =	sadd.s32 @!p1 $0x1500, s0;
	s23 =	sadd.s32 @!p1 s6, s3;
	[sflag:s21] =	ssyncadd.s32 @!p1 $0xFFFFFFF8  }
0x2a0: {  	[hbm4b:s23+s24] =	stream.linear.scatter @!p1 [tilespmem:s25], [sflag:$0x1], $0x8, $0x38;
	[tilespmem:$0x39A0] =	vst v63  }
0x2a1: {  	_ =	swait.ge @!p1 [sflag:s21], $0x8  }
0x2a2: {  	[sflag:s21] =	ssyncset.done @!p1 $0x0  }
0x2a3: {  	s23 =	sadd.s32 @!p1 s7, s3;
	s25 =	sor.u32 @!p1 $0x1800, s0;
	[sflag:s21] =	ssyncadd.s32 @!p1 $0xFFFFFFF8  }
0x2a4: {  	[hbm4b:s23+s24] =	stream.linear.scatter @!p1 [tilespmem:s25], [sflag:$0x1], $0x8, $0x38;
	[tilespmem:$0x39A0] =	vst v63  }
0x2a5: {  	_ =	swait.ge @!p1 [sflag:s21], $0x8  }
0x2a6: {  	[sflag:s21] =	ssyncset.done @!p1 $0x0  }
0x2a7: {  	s23 =	sadd.s32 @!p1 s8, s3;
	s25 =	sadd.s32 @!p1 $0x1B00, s0;
	[sflag:s21] =	ssyncadd.s32 @!p1 $0xFFFFFFF8  }
0x2a8: {  	[hbm4b:s23+s24] =	stream.linear.scatter @!p1 [tilespmem:s25], [sflag:$0x1], $0x8, $0x38;
	[tilespmem:$0x39A0] =	vst v63  }
0x2a9: {  	_ =	swait.ge @!p1 [sflag:s21], $0x8  }
0x2aa: {  	[sflag:s21] =	ssyncset.done @!p1 $0x0  }
0x2ab: {  	s23 =	sadd.s32 @!p1 s9, s3;
	s25 =	sadd.s32 @!p1 $0x1E00, s0;
	[sflag:s21] =	ssyncadd.s32 @!p1 $0xFFFFFFF8  }
0x2ac: {  	[hbm4b:s23+s24] =	stream.linear.scatter @!p1 [tilespmem:s25], [sflag:$0x1], $0x8, $0x38;
	[tilespmem:$0x39A0] =	vst v63  }
0x2ad: {  	_ =	swait.ge @!p1 [sflag:s21], $0x8  }
0x2ae: {  	[sflag:s21] =	ssyncset.done @!p1 $0x0  }
0x2af: {  	s3 =	sadd.s32 @!p1 s10, s3;
	s0 =	sadd.s32 @!p1 $0x2100, s0;
	[sflag:s21] =	ssyncadd.s32 @!p1 $0xFFFFFFF8  }
0x2b0: {  	v15 =	vadd.s32 v16, v18;
	[hbm4b:s3+s24] =	stream.linear.scatter @!p1 [tilespmem:s0], [sflag:$0x1], $0x8, $0x38;
	[tilespmem:$0x39A0] =	vst v63  }
0x2b1: {  	v15 =	vadd.s32 v17, v15;
	_ =	swait.ge @!p1 [sflag:s21], $0x8  }
0x2b2: {  	v15 =	vcvt.s32.f32 @!p0 v15;
	[sflag:s21] =	ssyncset.done @!p1 $0x0  }
0x2b3: {  	s2 =	sadd.s32 $0x1, s2;
	[sflag:s21] =	ssyncadd.s32 @!p1 $0xFFFFFFF8  }
0x2b4: {  	s0 =	simm.s32 @!p0 $0x0;
	s3 =	simm.s32 @!p0 $0x3480;
	p1 =	sne.s32 s2, s20;
	[tilespmem:$0x3480] =	vst @!p0 v15  }
0x2b5: {  	[hbm4b:s11+s0] =	stream.linear.scatter @!p0 [tilespmem:s3], [sflag:$0x1], $0x10, $0x38;
	[tilespmem:$0x39A0] =	vst v63  }
.Ltmp1:
0x2b6: {  	_ = 	snop;
	(pc) =	sbr.rel @p1 .LBB2_1-.Ltmp1, $4  }
0x2b7: {  	s0 =	simm.s32 @!p0 $0x1  }
0x2b8: {  	_ =	swait.ge @!p0 [sflag:s0], $0x10  }
0x2b9: {  	[sflag:s0] =	ssyncset.done @!p0 $0x0  }
0x2ba: {  	[sflag:s0] =	ssyncadd.s32 @!p0 $0xFFFFFFF0  }
0x2bb: {  	_ =	sfence.sel $0x180000  }
0x2bc: {  	[bflag:$0x0] =	sbarrier.arrive $0xFFFF  }
0x2bd: {  	_ =	strace $0x90000047  }
0x2be: {  	s0 =	stileid.u32;
	[bflag:$0x2] =	sbarrier.arrive $0xFFFF  }
0x2bf: {  	p0 =	sne.s32 s0, $0x0;
	s0 =	rddreg [dreg:$0x3]  }
0x2c0: {  	s0 =	sadd.s32 @!p0 $0x100000, s0  }
0x2c1: {  	[sflag:s0] =	ssyncadd.tile.s32 @!p0 $0x1;
	_ =	shalt  }
.Lfunc_end2:
_tile_overlayer_lowered:
.L_overlay_start_2:
0x2c2: {  	(tag) =	ssettag $0x2  }
0x2c3: {  	s0 =	rddreg [dreg:$0x0];
	s2 =	stileid.u32  }
0x2c4: {  	s1 =	rddreg [dreg:$0x1];
	p0 =	sne.s32 s2, $0x0  }
0x2c5: {  	s3 =	rddreg [dreg:$0x2];
	[bflag:$0x3] =	sbarrier.arrive $0xFFFF;
	s2 =	simm.s32 @!p0 $0x1C01  }
0x2c6: {  	[timem:s3], [sflag:s2] =	dma.local @!p0 [hbm:s0], s1  }
0x2c7: {  	s0 =	simm.s32 @!p0 $0x1  }
0x2c8: {  	_ =	swait.ge @!p0 [sflag:s0], s1  }
0x2c9: {  	s1 =	ssub.s32 @!p0 $0x0, s1;
	[sflag:s0] =	ssyncset.done @!p0 $0x0  }
0x2ca: {  	[sflag:s0] =	ssyncadd.s32 @!p0 s1  }
0x2cb: {  	[bflag:$0x3] =	sbarrier.arrive $0xFFFF  }
0x2cc: {  	_ =	shalt  }

</sc_bundles>
